<compile_context>
chip_gen: v7x
topology: tpu7x:2x2x1
jax: 0.10.2.dev20260603
libtpu: 0.0.44.dev20260713+nightly
codegen_flags: <defaults>
</compile_context>

<pallas_src>
import jax
import jax.numpy as jnp
from jax import lax
from jax.experimental import pallas as pl
from jax.experimental.pallas import tpu as pltpu
from jax.experimental.pallas import tpu_sc as plsc

L_TOK = 2048
NBITS = 4096
NC = 2
NS = 16
NW = NC * NS
ROWS_PER_W = L_TOK // NW
R = 4
NGROUPS = ROWS_PER_W // R
LANES = 16
NCHUNK = NBITS // LANES


def _decoder_body(src_hbm, perm_hbm, out_hbm, perm_v,
                  rows0, rows1, rows2, rows3, outb0, outb1, outb2,
                  sin0, sin1, sin2, sin3, sout0, sout1, sout2, sperm):
    wid = lax.axis_index("s") * NC + lax.axis_index("c")
    rows = (rows0, rows1, rows2, rows3)
    outb = (outb0, outb1, outb2)
    sin = (sin0, sin1, sin2, sin3)
    sout = (sout0, sout1, sout2)
    out_base = wid * ROWS_PER_W
    src_base = L_TOK - out_base - ROWS_PER_W

    def in_copy(g, p):
        s0 = src_base + g * R
        return pltpu.make_async_copy(
            src_hbm.at[pl.ds(s0, R)], rows[p], sin[p])

    def out_copy(g, p):
        o0 = L_TOK - (src_base + g * R) - R
        return pltpu.make_async_copy(
            outb[p], out_hbm.at[pl.ds(o0, R)], sout[p])

    def gather_group(pi, po):
        rbuf, obuf = rows[pi], outb[po]

        @plsc.parallel_loop(0, NCHUNK, unroll=8)
        def _(k):
            col0 = k * LANES
            idx = perm_v[pl.ds(col0, LANES)]
            for r in range(R):
                row_sel = jnp.full((LANES,), r, jnp.int32)
                v = plsc.load_gather(rbuf, [row_sel, idx])
                obuf[R - 1 - r, pl.ds(col0, LANES)] = v

    perm_dma = pltpu.make_async_copy(perm_hbm, perm_v, sperm)
    perm_dma.start()
    in_copy(0, 0).start()
    in_copy(1, 1).start()
    in_copy(2, 2).start()
    in_copy(3, 3).start()
    perm_dma.wait()
    for g in range(NGROUPS):
        pi = g % 4
        po = g % 3
        in_copy(g, pi).wait()
        if g >= 3:
            out_copy(g - 3, po).wait()
        gather_group(pi, po)
        out_copy(g, po).start()
        if g + 4 < NGROUPS:
            in_copy(g + 4, pi).start()
    for g in range(NGROUPS - 3, NGROUPS):
        out_copy(g, g % 3).wait()


def kernel(source, perm):
    mesh = plsc.VectorSubcoreMesh(core_axis_name="c", subcore_axis_name="s")
    f = pl.kernel(
        _decoder_body,
        mesh=mesh,
        compiler_params=pltpu.CompilerParams(needs_layout_passes=False),
        out_type=jax.ShapeDtypeStruct((L_TOK, NBITS), jnp.float32),
        scratch_types=[
            pltpu.VMEM((NBITS,), jnp.int32),
            pltpu.VMEM((R, NBITS), jnp.float32),
            pltpu.VMEM((R, NBITS), jnp.float32),
            pltpu.VMEM((R, NBITS), jnp.float32),
            pltpu.VMEM((R, NBITS), jnp.float32),
            pltpu.VMEM((R, NBITS), jnp.float32),
            pltpu.VMEM((R, NBITS), jnp.float32),
            pltpu.VMEM((R, NBITS), jnp.float32),
            pltpu.SemaphoreType.DMA,
            pltpu.SemaphoreType.DMA,
            pltpu.SemaphoreType.DMA,
            pltpu.SemaphoreType.DMA,
            pltpu.SemaphoreType.DMA,
            pltpu.SemaphoreType.DMA,
            pltpu.SemaphoreType.DMA,
            pltpu.SemaphoreType.DMA,
        ],
    )
    return f(source, perm)

# --- scband reference (transcript-rebuilt; emitter-appended) ---
"""Pipeline reference for scband-position-aware-parallel-decoder-83013127897517 (READ-ONLY COPY).

The authoritative reference and input builder live on the scoring server;
editing this copy changes nothing except your own understanding.
"""

import jax, jax.numpy as jnp
import numpy as np

# PositionAwareParallelDecoder.forward:
#   for i in range(L): out[i] = char_transform(source[L-1-i])
# char_transform is a GeneralizingProjection with BIT_LEVEL strategy: each output
# bit is produced from one input bit via a learned per-bit source index (a
# bit-level mapping table 'perm' of size input_bits). We model the token list as
# a stacked array source[L, input_bits]; forward = reverse along the token axis
# then gather bits through the learned mapping. This is the faithful dataflow of
# the module's inference path (reverse + per-bit RAM remap), expressed with jax
# gather primitives.

def setup_inputs(seed: int = 0) -> dict:
    key = jax.random.key(seed)
    k1, k2 = jax.random.split(key)
    # L=2048 tokens, 4096 bits per token (stored as float32 for differentiability)
    source = jax.random.normal(k1, (2048, 4096), dtype=jnp.float32)
    # learned bit-level mapping: output bit j reads input bit perm[j]
    perm = jax.random.randint(k2, (4096,), 0, 4096, dtype=jnp.int32)
    return {"source": source, "perm": perm}


def reference(source, perm):
    L = source.shape[0]
    # output position i reads input position L-1-i  -> flip along token axis
    rev = source[::-1]
    # char_transform (BIT_LEVEL projection): gather input bits by mapping table
    out = jnp.take(rev, perm, axis=1)
    return out

if __name__ == "__main__":
    import jax
    _d = setup_inputs()
    print(jax.jit(kernel)(*tuple(_d.values())))

</pallas_src>

<mosaic_0001>
#map = affine_map<(d0, d1) -> (0, 0)>
#map1 = affine_map<(d0, d1) -> (0)>
module attributes {stable_mosaic.version = 14 : i64} {
  func.func @_decoder_body(%arg0: i32, %arg1: i32, %arg2: memref<2048x4096xf32, #tpu.memory_space<hbm>>, %arg3: memref<4096xi32, #tpu.memory_space<hbm>>, %arg4: memref<2048x4096xf32, #tpu.memory_space<hbm>>, %arg5: memref<4096xi32, #tpu.memory_space<vmem>>, %arg6: memref<4x4096xf32, #tpu.memory_space<vmem>>, %arg7: memref<4x4096xf32, #tpu.memory_space<vmem>>, %arg8: memref<4x4096xf32, #tpu.memory_space<vmem>>, %arg9: memref<4x4096xf32, #tpu.memory_space<vmem>>, %arg10: memref<4x4096xf32, #tpu.memory_space<vmem>>, %arg11: memref<4x4096xf32, #tpu.memory_space<vmem>>, %arg12: memref<4x4096xf32, #tpu.memory_space<vmem>>, %arg13: memref<!tpu.dma_semaphore, #tpu.memory_space<semaphore_mem>>, %arg14: memref<!tpu.dma_semaphore, #tpu.memory_space<semaphore_mem>>, %arg15: memref<!tpu.dma_semaphore, #tpu.memory_space<semaphore_mem>>, %arg16: memref<!tpu.dma_semaphore, #tpu.memory_space<semaphore_mem>>, %arg17: memref<!tpu.dma_semaphore, #tpu.memory_space<semaphore_mem>>, %arg18: memref<!tpu.dma_semaphore, #tpu.memory_space<semaphore_mem>>, %arg19: memref<!tpu.dma_semaphore, #tpu.memory_space<semaphore_mem>>, %arg20: memref<!tpu.dma_semaphore, #tpu.memory_space<semaphore_mem>>) attributes {dimension_semantics = [#tpu.dimension_semantics<core_parallel>, #tpu.dimension_semantics<subcore_parallel>], iteration_bounds = array<i64: 2, 16>, scalar_prefetch = 0 : i64, scratch_operands = 16 : i64, tpu.core_type = #tpu.core_type<sc_vector_subcore>, window_params = [{transform_indices = #map}, {transform_indices = #map1}, {transform_indices = #map}]} {
    %mul3A = arith.constant 2 : i32
    %mul3A_0 = arith.muli %arg1, %mul3A : i32
    %add3A = arith.addi %mul3A_0, %arg0 : i32
    %mul3A_1 = arith.constant 64 : i32
    %mul3A_2 = arith.muli %add3A, %mul3A_1 : i32
    %sub3A = arith.constant 2048 : i32
    %sub3A_3 = arith.subi %sub3A, %mul3A_2 : i32
    %sub3A_4 = arith.constant 64 : i32
    %sub3A_5 = arith.subi %sub3A_3, %sub3A_4 : i32
    tpu.enqueue_dma source(%arg3 : memref<4096xi32, #tpu.memory_space<hbm>>) target(%arg5 : memref<4096xi32, #tpu.memory_space<vmem>>) target_semaphore(%arg20 : memref<!tpu.dma_semaphore, #tpu.memory_space<semaphore_mem>>)
    %add3A_6 = arith.constant 0 : i32
    %add3A_7 = arith.addi %sub3A_5, %add3A_6 : i32
    %dma_start3A = arith.constant 0 : i32
    %dma_start3A_8 = tpu.memref_slice %arg2[%add3A_7, %dma_start3A] : memref<2048x4096xf32, #tpu.memory_space<hbm>> -> memref<4x4096xf32, #tpu.memory_space<hbm>>
    %dma_start3A_9 = arith.constant 0 : i32
    %dma_start3A_10 = tpu.memref_slice %arg2[%add3A_7, %dma_start3A_9] : memref<2048x4096xf32, #tpu.memory_space<hbm>> -> memref<4x4096xf32, #tpu.memory_space<hbm>>
    tpu.enqueue_dma source(%dma_start3A_10 : memref<4x4096xf32, #tpu.memory_space<hbm>>) target(%arg6 : memref<4x4096xf32, #tpu.memory_space<vmem>>) target_semaphore(%arg13 : memref<!tpu.dma_semaphore, #tpu.memory_space<semaphore_mem>>)
    %add3A_11 = arith.constant 4 : i32
    %add3A_12 = arith.addi %sub3A_5, %add3A_11 : i32
    %dma_start3A_13 = arith.constant 0 : i32
    %dma_start3A_14 = tpu.memref_slice %arg2[%add3A_12, %dma_start3A_13] : memref<2048x4096xf32, #tpu.memory_space<hbm>> -> memref<4x4096xf32, #tpu.memory_space<hbm>>
    %dma_start3A_15 = arith.constant 0 : i32
    %dma_start3A_16 = tpu.memref_slice %arg2[%add3A_12, %dma_start3A_15] : memref<2048x4096xf32, #tpu.memory_space<hbm>> -> memref<4x4096xf32, #tpu.memory_space<hbm>>
    tpu.enqueue_dma source(%dma_start3A_16 : memref<4x4096xf32, #tpu.memory_space<hbm>>) target(%arg7 : memref<4x4096xf32, #tpu.memory_space<vmem>>) target_semaphore(%arg14 : memref<!tpu.dma_semaphore, #tpu.memory_space<semaphore_mem>>)
    %add3A_17 = arith.constant 8 : i32
    %add3A_18 = arith.addi %sub3A_5, %add3A_17 : i32
    %dma_start3A_19 = arith.constant 0 : i32
    %dma_start3A_20 = tpu.memref_slice %arg2[%add3A_18, %dma_start3A_19] : memref<2048x4096xf32, #tpu.memory_space<hbm>> -> memref<4x4096xf32, #tpu.memory_space<hbm>>
    %dma_start3A_21 = arith.constant 0 : i32
    %dma_start3A_22 = tpu.memref_slice %arg2[%add3A_18, %dma_start3A_21] : memref<2048x4096xf32, #tpu.memory_space<hbm>> -> memref<4x4096xf32, #tpu.memory_space<hbm>>
    tpu.enqueue_dma source(%dma_start3A_22 : memref<4x4096xf32, #tpu.memory_space<hbm>>) target(%arg8 : memref<4x4096xf32, #tpu.memory_space<vmem>>) target_semaphore(%arg15 : memref<!tpu.dma_semaphore, #tpu.memory_space<semaphore_mem>>)
    %add3A_23 = arith.constant 12 : i32
    %add3A_24 = arith.addi %sub3A_5, %add3A_23 : i32
    %dma_start3A_25 = arith.constant 0 : i32
    %dma_start3A_26 = tpu.memref_slice %arg2[%add3A_24, %dma_start3A_25] : memref<2048x4096xf32, #tpu.memory_space<hbm>> -> memref<4x4096xf32, #tpu.memory_space<hbm>>
    %dma_start3A_27 = arith.constant 0 : i32
    %dma_start3A_28 = tpu.memref_slice %arg2[%add3A_24, %dma_start3A_27] : memref<2048x4096xf32, #tpu.memory_space<hbm>> -> memref<4x4096xf32, #tpu.memory_space<hbm>>
    tpu.enqueue_dma source(%dma_start3A_28 : memref<4x4096xf32, #tpu.memory_space<hbm>>) target(%arg9 : memref<4x4096xf32, #tpu.memory_space<vmem>>) target_semaphore(%arg16 : memref<!tpu.dma_semaphore, #tpu.memory_space<semaphore_mem>>)
    tpu.wait_dma2 semaphore(%arg20 : memref<!tpu.dma_semaphore, #tpu.memory_space<semaphore_mem>>) src(%arg3 : memref<4096xi32, #tpu.memory_space<hbm>>) dst(%arg5 : memref<4096xi32, #tpu.memory_space<vmem>>)
    %add3A_29 = arith.constant 0 : i32
    %add3A_30 = arith.addi %sub3A_5, %add3A_29 : i32
    %dma_wait3A = arith.constant 0 : i32
    %dma_wait3A_31 = tpu.memref_slice %arg2[%add3A_30, %dma_wait3A] : memref<2048x4096xf32, #tpu.memory_space<hbm>> -> memref<4x4096xf32, #tpu.memory_space<hbm>>
    %dma_wait3A_32 = arith.constant 0 : i32
    %dma_wait3A_33 = tpu.memref_slice %arg2[%add3A_30, %dma_wait3A_32] : memref<2048x4096xf32, #tpu.memory_space<hbm>> -> memref<4x4096xf32, #tpu.memory_space<hbm>>
    tpu.wait_dma2 semaphore(%arg13 : memref<!tpu.dma_semaphore, #tpu.memory_space<semaphore_mem>>) src(%dma_wait3A_33 : memref<4x4096xf32, #tpu.memory_space<hbm>>) dst(%arg6 : memref<4x4096xf32, #tpu.memory_space<vmem>>)
    %parallel_loop3A = arith.constant 0 : i32
    %parallel_loop3A_34 = arith.constant 256 : i32
    %parallel_loop3A_35 = arith.constant 1 : i32
    scf.for %parallel_loop3A_563 = %parallel_loop3A to %parallel_loop3A_34 step %parallel_loop3A_35  : i32 {
      %parallel_loop3A_564 = arith.constant 16 : i32
      %parallel_loop3A_565 = arith.muli %parallel_loop3A_563, %parallel_loop3A_564 : i32
      %parallel_loop3A_566 = arith.index_cast %parallel_loop3A_565 : i32 to index
      %parallel_loop3A_567 = tpu.vector_load %arg5[%parallel_loop3A_566] {strides = array<i32>} : memref<4096xi32, #tpu.memory_space<vmem>>, vector<16xi32>,
      %parallel_loop3A_568 = arith.constant 0 : i32
      %parallel_loop3A_569 = vector.broadcast %parallel_loop3A_568 : i32 to vector<16xi32>
      %parallel_loop3A_570 = tpu.vector_load_idx %arg6[%parallel_loop3A_569, %parallel_loop3A_567] : memref<4x4096xf32, #tpu.memory_space<vmem>>[vector<16xi32>, vector<16xi32>], vector<16xf32>,
      %parallel_loop3A_571 = arith.constant 3 : i32
      %parallel_loop3A_572 = arith.index_cast %parallel_loop3A_571 : i32 to index
      %parallel_loop3A_573 = arith.index_cast %parallel_loop3A_565 : i32 to index
      %parallel_loop3A_574 = tpu.vector_load %arg10[%parallel_loop3A_572, %parallel_loop3A_573] {strides = array<i32>} : memref<4x4096xf32, #tpu.memory_space<vmem>>, vector<16xf32>,
      tpu.vector_store %arg10[%parallel_loop3A_572, %parallel_loop3A_573], %parallel_loop3A_570 {strides = array<i32>} : memref<4x4096xf32, #tpu.memory_space<vmem>>, vector<16xf32>,
      %parallel_loop3A_575 = arith.constant 1 : i32
      %parallel_loop3A_576 = vector.broadcast %parallel_loop3A_575 : i32 to vector<16xi32>
      %parallel_loop3A_577 = tpu.vector_load_idx %arg6[%parallel_loop3A_576, %parallel_loop3A_567] : memref<4x4096xf32, #tpu.memory_space<vmem>>[vector<16xi32>, vector<16xi32>], vector<16xf32>,
      %parallel_loop3A_578 = arith.constant 2 : i32
      %parallel_loop3A_579 = arith.index_cast %parallel_loop3A_578 : i32 to index
      %parallel_loop3A_580 = arith.index_cast %parallel_loop3A_565 : i32 to index
      %parallel_loop3A_581 = tpu.vector_load %arg10[%parallel_loop3A_579, %parallel_loop3A_580] {strides = array<i32>} : memref<4x4096xf32, #tpu.memory_space<vmem>>, vector<16xf32>,
      tpu.vector_store %arg10[%parallel_loop3A_579, %parallel_loop3A_580], %parallel_loop3A_577 {strides = array<i32>} : memref<4x4096xf32, #tpu.memory_space<vmem>>, vector<16xf32>,
      %parallel_loop3A_582 = arith.constant 2 : i32
      %parallel_loop3A_583 = vector.broadcast %parallel_loop3A_582 : i32 to vector<16xi32>
      %parallel_loop3A_584 = tpu.vector_load_idx %arg6[%parallel_loop3A_583, %parallel_loop3A_567] : memref<4x4096xf32, #tpu.memory_space<vmem>>[vector<16xi32>, vector<16xi32>], vector<16xf32>,
      %parallel_loop3A_585 = arith.constant 1 : i32
      %parallel_loop3A_586 = arith.index_cast %parallel_loop3A_585 : i32 to index
      %parallel_loop3A_587 = arith.index_cast %parallel_loop3A_565 : i32 to index
      %parallel_loop3A_588 = tpu.vector_load %arg10[%parallel_loop3A_586, %parallel_loop3A_587] {strides = array<i32>} : memref<4x4096xf32, #tpu.memory_space<vmem>>, vector<16xf32>,
      tpu.vector_store %arg10[%parallel_loop3A_586, %parallel_loop3A_587], %parallel_loop3A_584 {strides = array<i32>} : memref<4x4096xf32, #tpu.memory_space<vmem>>, vector<16xf32>,
      %parallel_loop3A_589 = arith.constant 3 : i32
      %parallel_loop3A_590 = vector.broadcast %parallel_loop3A_589 : i32 to vector<16xi32>
      %parallel_loop3A_591 = tpu.vector_load_idx %arg6[%parallel_loop3A_590, %parallel_loop3A_567] : memref<4x4096xf32, #tpu.memory_space<vmem>>[vector<16xi32>, vector<16xi32>], vector<16xf32>,
      %parallel_loop3A_592 = arith.constant 0 : i32
      %parallel_loop3A_593 = arith.index_cast %parallel_loop3A_592 : i32 to index
      %parallel_loop3A_594 = arith.index_cast %parallel_loop3A_565 : i32 to index
      %parallel_loop3A_595 = tpu.vector_load %arg10[%parallel_loop3A_593, %parallel_loop3A_594] {strides = array<i32>} : memref<4x4096xf32, #tpu.memory_space<vmem>>, vector<16xf32>,
      tpu.vector_store %arg10[%parallel_loop3A_593, %parallel_loop3A_594], %parallel_loop3A_591 {strides = array<i32>} : memref<4x4096xf32, #tpu.memory_space<vmem>>, vector<16xf32>,
    } {sc.loop_unroll_factor = 8 : i64, sc.parallel_access}
    %add3A_36 = arith.constant 0 : i32
    %add3A_37 = arith.addi %sub3A_5, %add3A_36 : i32
    %sub3A_38 = arith.constant 2048 : i32
    %sub3A_39 = arith.subi %sub3A_38, %add3A_37 : i32
    %sub3A_40 = arith.constant 4 : i32
    %sub3A_41 = arith.subi %sub3A_39, %sub3A_40 : i32
    %dma_start3A_42 = arith.constant 0 : i32
    %dma_start3A_43 = tpu.memref_slice %arg4[%sub3A_41, %dma_start3A_42] : memref<2048x4096xf32, #tpu.memory_space<hbm>> -> memref<4x4096xf32, #tpu.memory_space<hbm>>
    %dma_start3A_44 = arith.constant 0 : i32
    %dma_start3A_45 = tpu.memref_slice %arg4[%sub3A_41, %dma_start3A_44] : memref<2048x4096xf32, #tpu.memory_space<hbm>> -> memref<4x4096xf32, #tpu.memory_space<hbm>>
    tpu.enqueue_dma source(%arg10 : memref<4x4096xf32, #tpu.memory_space<vmem>>) target(%dma_start3A_45 : memref<4x4096xf32, #tpu.memory_space<hbm>>) target_semaphore(%arg17 : memref<!tpu.dma_semaphore, #tpu.memory_space<semaphore_mem>>)
    %add3A_46 = arith.constant 16 : i32
    %add3A_47 = arith.addi %sub3A_5, %add3A_46 : i32
    %dma_start3A_48 = arith.constant 0 : i32
    %dma_start3A_49 = tpu.memref_slice %arg2[%add3A_47, %dma_start3A_48] : memref<2048x4096xf32, #tpu.memory_space<hbm>> -> memref<4x4096xf32, #tpu.memory_space<hbm>>
    %dma_start3A_50 = arith.constant 0 : i32
    %dma_start3A_51 = tpu.memref_slice %arg2[%add3A_47, %dma_start3A_50] : memref<2048x4096xf32, #tpu.memory_space<hbm>> -> memref<4x4096xf32, #tpu.memory_space<hbm>>
    tpu.enqueue_dma source(%dma_start3A_51 : memref<4x4096xf32, #tpu.memory_space<hbm>>) target(%arg6 : memref<4x4096xf32, #tpu.memory_space<vmem>>) target_semaphore(%arg13 : memref<!tpu.dma_semaphore, #tpu.memory_space<semaphore_mem>>)
    %add3A_52 = arith.constant 4 : i32
    %add3A_53 = arith.addi %sub3A_5, %add3A_52 : i32
    %dma_wait3A_54 = arith.constant 0 : i32
    %dma_wait3A_55 = tpu.memref_slice %arg2[%add3A_53, %dma_wait3A_54] : memref<2048x4096xf32, #tpu.memory_space<hbm>> -> memref<4x4096xf32, #tpu.memory_space<hbm>>
    %dma_wait3A_56 = arith.constant 0 : i32
    %dma_wait3A_57 = tpu.memref_slice %arg2[%add3A_53, %dma_wait3A_56] : memref<2048x4096xf32, #tpu.memory_space<hbm>> -> memref<4x4096xf32, #tpu.memory_space<hbm>>
    tpu.wait_dma2 semaphore(%arg14 : memref<!tpu.dma_semaphore, #tpu.memory_space<semaphore_mem>>) src(%dma_wait3A_57 : memref<4x4096xf32, #tpu.memory_space<hbm>>) dst(%arg7 : memref<4x4096xf32, #tpu.memory_space<vmem>>)
    %parallel_loop3A_58 = arith.constant 0 : i32
    %parallel_loop3A_59 = arith.constant 256 : i32
    %parallel_loop3A_60 = arith.constant 1 : i32
    scf.for %parallel_loop3A_563 = %parallel_loop3A_58 to %parallel_loop3A_59 step %parallel_loop3A_60  : i32 {
      %parallel_loop3A_564 = arith.constant 16 : i32
      %parallel_loop3A_565 = arith.muli %parallel_loop3A_563, %parallel_loop3A_564 : i32
      %parallel_loop3A_566 = arith.index_cast %parallel_loop3A_565 : i32 to index
      %parallel_loop3A_567 = tpu.vector_load %arg5[%parallel_loop3A_566] {strides = array<i32>} : memref<4096xi32, #tpu.memory_space<vmem>>, vector<16xi32>,
      %parallel_loop3A_568 = arith.constant 0 : i32
      %parallel_loop3A_569 = vector.broadcast %parallel_loop3A_568 : i32 to vector<16xi32>
      %parallel_loop3A_570 = tpu.vector_load_idx %arg7[%parallel_loop3A_569, %parallel_loop3A_567] : memref<4x4096xf32, #tpu.memory_space<vmem>>[vector<16xi32>, vector<16xi32>], vector<16xf32>,
      %parallel_loop3A_571 = arith.constant 3 : i32
      %parallel_loop3A_572 = arith.index_cast %parallel_loop3A_571 : i32 to index
      %parallel_loop3A_573 = arith.index_cast %parallel_loop3A_565 : i32 to index
      %parallel_loop3A_574 = tpu.vector_load %arg11[%parallel_loop3A_572, %parallel_loop3A_573] {strides = array<i32>} : memref<4x4096xf32, #tpu.memory_space<vmem>>, vector<16xf32>,
      tpu.vector_store %arg11[%parallel_loop3A_572, %parallel_loop3A_573], %parallel_loop3A_570 {strides = array<i32>} : memref<4x4096xf32, #tpu.memory_space<vmem>>, vector<16xf32>,
      %parallel_loop3A_575 = arith.constant 1 : i32
      %parallel_loop3A_576 = vector.broadcast %parallel_loop3A_575 : i32 to vector<16xi32>
      %parallel_loop3A_577 = tpu.vector_load_idx %arg7[%parallel_loop3A_576, %parallel_loop3A_567] : memref<4x4096xf32, #tpu.memory_space<vmem>>[vector<16xi32>, vector<16xi32>], vector<16xf32>,
      %parallel_loop3A_578 = arith.constant 2 : i32
      %parallel_loop3A_579 = arith.index_cast %parallel_loop3A_578 : i32 to index
      %parallel_loop3A_580 = arith.index_cast %parallel_loop3A_565 : i32 to index
      %parallel_loop3A_581 = tpu.vector_load %arg11[%parallel_loop3A_579, %parallel_loop3A_580] {strides = array<i32>} : memref<4x4096xf32, #tpu.memory_space<vmem>>, vector<16xf32>,
      tpu.vector_store %arg11[%parallel_loop3A_579, %parallel_loop3A_580], %parallel_loop3A_577 {strides = array<i32>} : memref<4x4096xf32, #tpu.memory_space<vmem>>, vector<16xf32>,
      %parallel_loop3A_582 = arith.constant 2 : i32
      %parallel_loop3A_583 = vector.broadcast %parallel_loop3A_582 : i32 to vector<16xi32>
      %parallel_loop3A_584 = tpu.vector_load_idx %arg7[%parallel_loop3A_583, %parallel_loop3A_567] : memref<4x4096xf32, #tpu.memory_space<vmem>>[vector<16xi32>, vector<16xi32>], vector<16xf32>,
      %parallel_loop3A_585 = arith.constant 1 : i32
      %parallel_loop3A_586 = arith.index_cast %parallel_loop3A_585 : i32 to index
      %parallel_loop3A_587 = arith.index_cast %parallel_loop3A_565 : i32 to index
      %parallel_loop3A_588 = tpu.vector_load %arg11[%parallel_loop3A_586, %parallel_loop3A_587] {strides = array<i32>} : memref<4x4096xf32, #tpu.memory_space<vmem>>, vector<16xf32>,
      tpu.vector_store %arg11[%parallel_loop3A_586, %parallel_loop3A_587], %parallel_loop3A_584 {strides = array<i32>} : memref<4x4096xf32, #tpu.memory_space<vmem>>, vector<16xf32>,
      %parallel_loop3A_589 = arith.constant 3 : i32
      %parallel_loop3A_590 = vector.broadcast %parallel_loop3A_589 : i32 to vector<16xi32>
      %parallel_loop3A_591 = tpu.vector_load_idx %arg7[%parallel_loop3A_590, %parallel_loop3A_567] : memref<4x4096xf32, #tpu.memory_space<vmem>>[vector<16xi32>, vector<16xi32>], vector<16xf32>,
      %parallel_loop3A_592 = arith.constant 0 : i32
      %parallel_loop3A_593 = arith.index_cast %parallel_loop3A_592 : i32 to index
      %parallel_loop3A_594 = arith.index_cast %parallel_loop3A_565 : i32 to index
      %parallel_loop3A_595 = tpu.vector_load %arg11[%parallel_loop3A_593, %parallel_loop3A_594] {strides = array<i32>} : memref<4x4096xf32, #tpu.memory_space<vmem>>, vector<16xf32>,
      tpu.vector_store %arg11[%parallel_loop3A_593, %parallel_loop3A_594], %parallel_loop3A_591 {strides = array<i32>} : memref<4x4096xf32, #tpu.memory_space<vmem>>, vector<16xf32>,
    } {sc.loop_unroll_factor = 8 : i64, sc.parallel_access}
    %add3A_61 = arith.constant 4 : i32
    %add3A_62 = arith.addi %sub3A_5, %add3A_61 : i32
    %sub3A_63 = arith.constant 2048 : i32
    %sub3A_64 = arith.subi %sub3A_63, %add3A_62 : i32
    %sub3A_65 = arith.constant 4 : i32
    %sub3A_66 = arith.subi %sub3A_64, %sub3A_65 : i32
    %dma_start3A_67 = arith.constant 0 : i32
    %dma_start3A_68 = tpu.memref_slice %arg4[%sub3A_66, %dma_start3A_67] : memref<2048x4096xf32, #tpu.memory_space<hbm>> -> memref<4x4096xf32, #tpu.memory_space<hbm>>
    %dma_start3A_69 = arith.constant 0 : i32
    %dma_start3A_70 = tpu.memref_slice %arg4[%sub3A_66, %dma_start3A_69] : memref<2048x4096xf32, #tpu.memory_space<hbm>> -> memref<4x4096xf32, #tpu.memory_space<hbm>>
    tpu.enqueue_dma source(%arg11 : memref<4x4096xf32, #tpu.memory_space<vmem>>) target(%dma_start3A_70 : memref<4x4096xf32, #tpu.memory_space<hbm>>) target_semaphore(%arg18 : memref<!tpu.dma_semaphore, #tpu.memory_space<semaphore_mem>>)
    %add3A_71 = arith.constant 20 : i32
    %add3A_72 = arith.addi %sub3A_5, %add3A_71 : i32
    %dma_start3A_73 = arith.constant 0 : i32
    %dma_start3A_74 = tpu.memref_slice %arg2[%add3A_72, %dma_start3A_73] : memref<2048x4096xf32, #tpu.memory_space<hbm>> -> memref<4x4096xf32, #tpu.memory_space<hbm>>
    %dma_start3A_75 = arith.constant 0 : i32
    %dma_start3A_76 = tpu.memref_slice %arg2[%add3A_72, %dma_start3A_75] : memref<2048x4096xf32, #tpu.memory_space<hbm>> -> memref<4x4096xf32, #tpu.memory_space<hbm>>
    tpu.enqueue_dma source(%dma_start3A_76 : memref<4x4096xf32, #tpu.memory_space<hbm>>) target(%arg7 : memref<4x4096xf32, #tpu.memory_space<vmem>>) target_semaphore(%arg14 : memref<!tpu.dma_semaphore, #tpu.memory_space<semaphore_mem>>)
    %add3A_77 = arith.constant 8 : i32
    %add3A_78 = arith.addi %sub3A_5, %add3A_77 : i32
    %dma_wait3A_79 = arith.constant 0 : i32
    %dma_wait3A_80 = tpu.memref_slice %arg2[%add3A_78, %dma_wait3A_79] : memref<2048x4096xf32, #tpu.memory_space<hbm>> -> memref<4x4096xf32, #tpu.memory_space<hbm>>
    %dma_wait3A_81 = arith.constant 0 : i32
    %dma_wait3A_82 = tpu.memref_slice %arg2[%add3A_78, %dma_wait3A_81] : memref<2048x4096xf32, #tpu.memory_space<hbm>> -> memref<4x4096xf32, #tpu.memory_space<hbm>>
    tpu.wait_dma2 semaphore(%arg15 : memref<!tpu.dma_semaphore, #tpu.memory_space<semaphore_mem>>) src(%dma_wait3A_82 : memref<4x4096xf32, #tpu.memory_space<hbm>>) dst(%arg8 : memref<4x4096xf32, #tpu.memory_space<vmem>>)
    %parallel_loop3A_83 = arith.constant 0 : i32
    %parallel_loop3A_84 = arith.constant 256 : i32
    %parallel_loop3A_85 = arith.constant 1 : i32
    scf.for %parallel_loop3A_563 = %parallel_loop3A_83 to %parallel_loop3A_84 step %parallel_loop3A_85  : i32 {
      %parallel_loop3A_564 = arith.constant 16 : i32
      %parallel_loop3A_565 = arith.muli %parallel_loop3A_563, %parallel_loop3A_564 : i32
      %parallel_loop3A_566 = arith.index_cast %parallel_loop3A_565 : i32 to index
      %parallel_loop3A_567 = tpu.vector_load %arg5[%parallel_loop3A_566] {strides = array<i32>} : memref<4096xi32, #tpu.memory_space<vmem>>, vector<16xi32>,
      %parallel_loop3A_568 = arith.constant 0 : i32
      %parallel_loop3A_569 = vector.broadcast %parallel_loop3A_568 : i32 to vector<16xi32>
      %parallel_loop3A_570 = tpu.vector_load_idx %arg8[%parallel_loop3A_569, %parallel_loop3A_567] : memref<4x4096xf32, #tpu.memory_space<vmem>>[vector<16xi32>, vector<16xi32>], vector<16xf32>,
      %parallel_loop3A_571 = arith.constant 3 : i32
      %parallel_loop3A_572 = arith.index_cast %parallel_loop3A_571 : i32 to index
      %parallel_loop3A_573 = arith.index_cast %parallel_loop3A_565 : i32 to index
      %parallel_loop3A_574 = tpu.vector_load %arg12[%parallel_loop3A_572, %parallel_loop3A_573] {strides = array<i32>} : memref<4x4096xf32, #tpu.memory_space<vmem>>, vector<16xf32>,
      tpu.vector_store %arg12[%parallel_loop3A_572, %parallel_loop3A_573], %parallel_loop3A_570 {strides = array<i32>} : memref<4x4096xf32, #tpu.memory_space<vmem>>, vector<16xf32>,
      %parallel_loop3A_575 = arith.constant 1 : i32
      %parallel_loop3A_576 = vector.broadcast %parallel_loop3A_575 : i32 to vector<16xi32>
      %parallel_loop3A_577 = tpu.vector_load_idx %arg8[%parallel_loop3A_576, %parallel_loop3A_567] : memref<4x4096xf32, #tpu.memory_space<vmem>>[vector<16xi32>, vector<16xi32>], vector<16xf32>,
      %parallel_loop3A_578 = arith.constant 2 : i32
      %parallel_loop3A_579 = arith.index_cast %parallel_loop3A_578 : i32 to index
      %parallel_loop3A_580 = arith.index_cast %parallel_loop3A_565 : i32 to index
      %parallel_loop3A_581 = tpu.vector_load %arg12[%parallel_loop3A_579, %parallel_loop3A_580] {strides = array<i32>} : memref<4x4096xf32, #tpu.memory_space<vmem>>, vector<16xf32>,
      tpu.vector_store %arg12[%parallel_loop3A_579, %parallel_loop3A_580], %parallel_loop3A_577 {strides = array<i32>} : memref<4x4096xf32, #tpu.memory_space<vmem>>, vector<16xf32>,
      %parallel_loop3A_582 = arith.constant 2 : i32
      %parallel_loop3A_583 = vector.broadcast %parallel_loop3A_582 : i32 to vector<16xi32>
      %parallel_loop3A_584 = tpu.vector_load_idx %arg8[%parallel_loop3A_583, %parallel_loop3A_567] : memref<4x4096xf32, #tpu.memory_space<vmem>>[vector<16xi32>, vector<16xi32>], vector<16xf32>,
      %parallel_loop3A_585 = arith.constant 1 : i32
      %parallel_loop3A_586 = arith.index_cast %parallel_loop3A_585 : i32 to index
      %parallel_loop3A_587 = arith.index_cast %parallel_loop3A_565 : i32 to index
      %parallel_loop3A_588 = tpu.vector_load %arg12[%parallel_loop3A_586, %parallel_loop3A_587] {strides = array<i32>} : memref<4x4096xf32, #tpu.memory_space<vmem>>, vector<16xf32>,
      tpu.vector_store %arg12[%parallel_loop3A_586, %parallel_loop3A_587], %parallel_loop3A_584 {strides = array<i32>} : memref<4x4096xf32, #tpu.memory_space<vmem>>, vector<16xf32>,
      %parallel_loop3A_589 = arith.constant 3 : i32
      %parallel_loop3A_590 = vector.broadcast %parallel_loop3A_589 : i32 to vector<16xi32>
      %parallel_loop3A_591 = tpu.vector_load_idx %arg8[%parallel_loop3A_590, %parallel_loop3A_567] : memref<4x4096xf32, #tpu.memory_space<vmem>>[vector<16xi32>, vector<16xi32>], vector<16xf32>,
      %parallel_loop3A_592 = arith.constant 0 : i32
      %parallel_loop3A_593 = arith.index_cast %parallel_loop3A_592 : i32 to index
      %parallel_loop3A_594 = arith.index_cast %parallel_loop3A_565 : i32 to index
      %parallel_loop3A_595 = tpu.vector_load %arg12[%parallel_loop3A_593, %parallel_loop3A_594] {strides = array<i32>} : memref<4x4096xf32, #tpu.memory_space<vmem>>, vector<16xf32>,
      tpu.vector_store %arg12[%parallel_loop3A_593, %parallel_loop3A_594], %parallel_loop3A_591 {strides = array<i32>} : memref<4x4096xf32, #tpu.memory_space<vmem>>, vector<16xf32>,
    } {sc.loop_unroll_factor = 8 : i64, sc.parallel_access}
    %add3A_86 = arith.constant 8 : i32
    %add3A_87 = arith.addi %sub3A_5, %add3A_86 : i32
    %sub3A_88 = arith.constant 2048 : i32
    %sub3A_89 = arith.subi %sub3A_88, %add3A_87 : i32
    %sub3A_90 = arith.constant 4 : i32
    %sub3A_91 = arith.subi %sub3A_89, %sub3A_90 : i32
    %dma_start3A_92 = arith.constant 0 : i32
    %dma_start3A_93 = tpu.memref_slice %arg4[%sub3A_91, %dma_start3A_92] : memref<2048x4096xf32, #tpu.memory_space<hbm>> -> memref<4x4096xf32, #tpu.memory_space<hbm>>
    %dma_start3A_94 = arith.constant 0 : i32
    %dma_start3A_95 = tpu.memref_slice %arg4[%sub3A_91, %dma_start3A_94] : memref<2048x4096xf32, #tpu.memory_space<hbm>> -> memref<4x4096xf32, #tpu.memory_space<hbm>>
    tpu.enqueue_dma source(%arg12 : memref<4x4096xf32, #tpu.memory_space<vmem>>) target(%dma_start3A_95 : memref<4x4096xf32, #tpu.memory_space<hbm>>) target_semaphore(%arg19 : memref<!tpu.dma_semaphore, #tpu.memory_space<semaphore_mem>>)
    %add3A_96 = arith.constant 24 : i32
    %add3A_97 = arith.addi %sub3A_5, %add3A_96 : i32
    %dma_start3A_98 = arith.constant 0 : i32
    %dma_start3A_99 = tpu.memref_slice %arg2[%add3A_97, %dma_start3A_98] : memref<2048x4096xf32, #tpu.memory_space<hbm>> -> memref<4x4096xf32, #tpu.memory_space<hbm>>
    %dma_start3A_100 = arith.constant 0 : i32
    %dma_start3A_101 = tpu.memref_slice %arg2[%add3A_97, %dma_start3A_100] : memref<2048x4096xf32, #tpu.memory_space<hbm>> -> memref<4x4096xf32, #tpu.memory_space<hbm>>
    tpu.enqueue_dma source(%dma_start3A_101 : memref<4x4096xf32, #tpu.memory_space<hbm>>) target(%arg8 : memref<4x4096xf32, #tpu.memory_space<vmem>>) target_semaphore(%arg15 : memref<!tpu.dma_semaphore, #tpu.memory_space<semaphore_mem>>)
    %add3A_102 = arith.constant 12 : i32
    %add3A_103 = arith.addi %sub3A_5, %add3A_102 : i32
    %dma_wait3A_104 = arith.constant 0 : i32
    %dma_wait3A_105 = tpu.memref_slice %arg2[%add3A_103, %dma_wait3A_104] : memref<2048x4096xf32, #tpu.memory_space<hbm>> -> memref<4x4096xf32, #tpu.memory_space<hbm>>
    %dma_wait3A_106 = arith.constant 0 : i32
    %dma_wait3A_107 = tpu.memref_slice %arg2[%add3A_103, %dma_wait3A_106] : memref<2048x4096xf32, #tpu.memory_space<hbm>> -> memref<4x4096xf32, #tpu.memory_space<hbm>>
    tpu.wait_dma2 semaphore(%arg16 : memref<!tpu.dma_semaphore, #tpu.memory_space<semaphore_mem>>) src(%dma_wait3A_107 : memref<4x4096xf32, #tpu.memory_space<hbm>>) dst(%arg9 : memref<4x4096xf32, #tpu.memory_space<vmem>>)
    %add3A_108 = arith.constant 0 : i32
    %add3A_109 = arith.addi %sub3A_5, %add3A_108 : i32
    %sub3A_110 = arith.constant 2048 : i32
    %sub3A_111 = arith.subi %sub3A_110, %add3A_109 : i32
    %sub3A_112 = arith.constant 4 : i32
    %sub3A_113 = arith.subi %sub3A_111, %sub3A_112 : i32
    %dma_wait3A_114 = arith.constant 0 : i32
    %dma_wait3A_115 = tpu.memref_slice %arg4[%sub3A_113, %dma_wait3A_114] : memref<2048x4096xf32, #tpu.memory_space<hbm>> -> memref<4x4096xf32, #tpu.memory_space<hbm>>
    %dma_wait3A_116 = arith.constant 0 : i32
    %dma_wait3A_117 = tpu.memref_slice %arg4[%sub3A_113, %dma_wait3A_116] : memref<2048x4096xf32, #tpu.memory_space<hbm>> -> memref<4x4096xf32, #tpu.memory_space<hbm>>
    tpu.wait_dma2 semaphore(%arg17 : memref<!tpu.dma_semaphore, #tpu.memory_space<semaphore_mem>>) src(%arg10 : memref<4x4096xf32, #tpu.memory_space<vmem>>) dst(%dma_wait3A_117 : memref<4x4096xf32, #tpu.memory_space<hbm>>)
    %parallel_loop3A_118 = arith.constant 0 : i32
    %parallel_loop3A_119 = arith.constant 256 : i32
    %parallel_loop3A_120 = arith.constant 1 : i32
    scf.for %parallel_loop3A_563 = %parallel_loop3A_118 to %parallel_loop3A_119 step %parallel_loop3A_120  : i32 {
      %parallel_loop3A_564 = arith.constant 16 : i32
      %parallel_loop3A_565 = arith.muli %parallel_loop3A_563, %parallel_loop3A_564 : i32
      %parallel_loop3A_566 = arith.index_cast %parallel_loop3A_565 : i32 to index
      %parallel_loop3A_567 = tpu.vector_load %arg5[%parallel_loop3A_566] {strides = array<i32>} : memref<4096xi32, #tpu.memory_space<vmem>>, vector<16xi32>,
      %parallel_loop3A_568 = arith.constant 0 : i32
      %parallel_loop3A_569 = vector.broadcast %parallel_loop3A_568 : i32 to vector<16xi32>
      %parallel_loop3A_570 = tpu.vector_load_idx %arg9[%parallel_loop3A_569, %parallel_loop3A_567] : memref<4x4096xf32, #tpu.memory_space<vmem>>[vector<16xi32>, vector<16xi32>], vector<16xf32>,
      %parallel_loop3A_571 = arith.constant 3 : i32
      %parallel_loop3A_572 = arith.index_cast %parallel_loop3A_571 : i32 to index
      %parallel_loop3A_573 = arith.index_cast %parallel_loop3A_565 : i32 to index
      %parallel_loop3A_574 = tpu.vector_load %arg10[%parallel_loop3A_572, %parallel_loop3A_573] {strides = array<i32>} : memref<4x4096xf32, #tpu.memory_space<vmem>>, vector<16xf32>,
      tpu.vector_store %arg10[%parallel_loop3A_572, %parallel_loop3A_573], %parallel_loop3A_570 {strides = array<i32>} : memref<4x4096xf32, #tpu.memory_space<vmem>>, vector<16xf32>,
      %parallel_loop3A_575 = arith.constant 1 : i32
      %parallel_loop3A_576 = vector.broadcast %parallel_loop3A_575 : i32 to vector<16xi32>
      %parallel_loop3A_577 = tpu.vector_load_idx %arg9[%parallel_loop3A_576, %parallel_loop3A_567] : memref<4x4096xf32, #tpu.memory_space<vmem>>[vector<16xi32>, vector<16xi32>], vector<16xf32>,
      %parallel_loop3A_578 = arith.constant 2 : i32
      %parallel_loop3A_579 = arith.index_cast %parallel_loop3A_578 : i32 to index
      %parallel_loop3A_580 = arith.index_cast %parallel_loop3A_565 : i32 to index
      %parallel_loop3A_581 = tpu.vector_load %arg10[%parallel_loop3A_579, %parallel_loop3A_580] {strides = array<i32>} : memref<4x4096xf32, #tpu.memory_space<vmem>>, vector<16xf32>,
      tpu.vector_store %arg10[%parallel_loop3A_579, %parallel_loop3A_580], %parallel_loop3A_577 {strides = array<i32>} : memref<4x4096xf32, #tpu.memory_space<vmem>>, vector<16xf32>,
      %parallel_loop3A_582 = arith.constant 2 : i32
      %parallel_loop3A_583 = vector.broadcast %parallel_loop3A_582 : i32 to vector<16xi32>
      %parallel_loop3A_584 = tpu.vector_load_idx %arg9[%parallel_loop3A_583, %parallel_loop3A_567] : memref<4x4096xf32, #tpu.memory_space<vmem>>[vector<16xi32>, vector<16xi32>], vector<16xf32>,
      %parallel_loop3A_585 = arith.constant 1 : i32
      %parallel_loop3A_586 = arith.index_cast %parallel_loop3A_585 : i32 to index
      %parallel_loop3A_587 = arith.index_cast %parallel_loop3A_565 : i32 to index
      %parallel_loop3A_588 = tpu.vector_load %arg10[%parallel_loop3A_586, %parallel_loop3A_587] {strides = array<i32>} : memref<4x4096xf32, #tpu.memory_space<vmem>>, vector<16xf32>,
      tpu.vector_store %arg10[%parallel_loop3A_586, %parallel_loop3A_587], %parallel_loop3A_584 {strides = array<i32>} : memref<4x4096xf32, #tpu.memory_space<vmem>>, vector<16xf32>,
      %parallel_loop3A_589 = arith.constant 3 : i32
      %parallel_loop3A_590 = vector.broadcast %parallel_loop3A_589 : i32 to vector<16xi32>
      %parallel_loop3A_591 = tpu.vector_load_idx %arg9[%parallel_loop3A_590, %parallel_loop3A_567] : memref<4x4096xf32, #tpu.memory_space<vmem>>[vector<16xi32>, vector<16xi32>], vector<16xf32>,
      %parallel_loop3A_592 = arith.constant 0 : i32
      %parallel_loop3A_593 = arith.index_cast %parallel_loop3A_592 : i32 to index
      %parallel_loop3A_594 = arith.index_cast %parallel_loop3A_565 : i32 to index
      %parallel_loop3A_595 = tpu.vector_load %arg10[%parallel_loop3A_593, %parallel_loop3A_594] {strides = array<i32>} : memref<4x4096xf32, #tpu.memory_space<vmem>>, vector<16xf32>,
      tpu.vector_store %arg10[%parallel_loop3A_593, %parallel_loop3A_594], %parallel_loop3A_591 {strides = array<i32>} : memref<4x4096xf32, #tpu.memory_space<vmem>>, vector<16xf32>,
    } {sc.loop_unroll_factor = 8 : i64, sc.parallel_access}
    %add3A_121 = arith.constant 12 : i32
    %add3A_122 = arith.addi %sub3A_5, %add3A_121 : i32
    %sub3A_123 = arith.constant 2048 : i32
    %sub3A_124 = arith.subi %sub3A_123, %add3A_122 : i32
    %sub3A_125 = arith.constant 4 : i32
    %sub3A_126 = arith.subi %sub3A_124, %sub3A_125 : i32
    %dma_start3A_127 = arith.constant 0 : i32
    %dma_start3A_128 = tpu.memref_slice %arg4[%sub3A_126, %dma_start3A_127] : memref<2048x4096xf32, #tpu.memory_space<hbm>> -> memref<4x4096xf32, #tpu.memory_space<hbm>>
    %dma_start3A_129 = arith.constant 0 : i32
    %dma_start3A_130 = tpu.memref_slice %arg4[%sub3A_126, %dma_start3A_129] : memref<2048x4096xf32, #tpu.memory_space<hbm>> -> memref<4x4096xf32, #tpu.memory_space<hbm>>
    tpu.enqueue_dma source(%arg10 : memref<4x4096xf32, #tpu.memory_space<vmem>>) target(%dma_start3A_130 : memref<4x4096xf32, #tpu.memory_space<hbm>>) target_semaphore(%arg17 : memref<!tpu.dma_semaphore, #tpu.memory_space<semaphore_mem>>)
    %add3A_131 = arith.constant 28 : i32
    %add3A_132 = arith.addi %sub3A_5, %add3A_131 : i32
    %dma_start3A_133 = arith.constant 0 : i32
    %dma_start3A_134 = tpu.memref_slice %arg2[%add3A_132, %dma_start3A_133] : memref<2048x4096xf32, #tpu.memory_space<hbm>> -> memref<4x4096xf32, #tpu.memory_space<hbm>>
    %dma_start3A_135 = arith.constant 0 : i32
    %dma_start3A_136 = tpu.memref_slice %arg2[%add3A_132, %dma_start3A_135] : memref<2048x4096xf32, #tpu.memory_space<hbm>> -> memref<4x4096xf32, #tpu.memory_space<hbm>>
    tpu.enqueue_dma source(%dma_start3A_136 : memref<4x4096xf32, #tpu.memory_space<hbm>>) target(%arg9 : memref<4x4096xf32, #tpu.memory_space<vmem>>) target_semaphore(%arg16 : memref<!tpu.dma_semaphore, #tpu.memory_space<semaphore_mem>>)
    %add3A_137 = arith.constant 16 : i32
    %add3A_138 = arith.addi %sub3A_5, %add3A_137 : i32
    %dma_wait3A_139 = arith.constant 0 : i32
    %dma_wait3A_140 = tpu.memref_slice %arg2[%add3A_138, %dma_wait3A_139] : memref<2048x4096xf32, #tpu.memory_space<hbm>> -> memref<4x4096xf32, #tpu.memory_space<hbm>>
    %dma_wait3A_141 = arith.constant 0 : i32
    %dma_wait3A_142 = tpu.memref_slice %arg2[%add3A_138, %dma_wait3A_141] : memref<2048x4096xf32, #tpu.memory_space<hbm>> -> memref<4x4096xf32, #tpu.memory_space<hbm>>
    tpu.wait_dma2 semaphore(%arg13 : memref<!tpu.dma_semaphore, #tpu.memory_space<semaphore_mem>>) src(%dma_wait3A_142 : memref<4x4096xf32, #tpu.memory_space<hbm>>) dst(%arg6 : memref<4x4096xf32, #tpu.memory_space<vmem>>)
    %add3A_143 = arith.constant 4 : i32
    %add3A_144 = arith.addi %sub3A_5, %add3A_143 : i32
    %sub3A_145 = arith.constant 2048 : i32
    %sub3A_146 = arith.subi %sub3A_145, %add3A_144 : i32
    %sub3A_147 = arith.constant 4 : i32
    %sub3A_148 = arith.subi %sub3A_146, %sub3A_147 : i32
    %dma_wait3A_149 = arith.constant 0 : i32
    %dma_wait3A_150 = tpu.memref_slice %arg4[%sub3A_148, %dma_wait3A_149] : memref<2048x4096xf32, #tpu.memory_space<hbm>> -> memref<4x4096xf32, #tpu.memory_space<hbm>>
    %dma_wait3A_151 = arith.constant 0 : i32
    %dma_wait3A_152 = tpu.memref_slice %arg4[%sub3A_148, %dma_wait3A_151] : memref<2048x4096xf32, #tpu.memory_space<hbm>> -> memref<4x4096xf32, #tpu.memory_space<hbm>>
    tpu.wait_dma2 semaphore(%arg18 : memref<!tpu.dma_semaphore, #tpu.memory_space<semaphore_mem>>) src(%arg11 : memref<4x4096xf32, #tpu.memory_space<vmem>>) dst(%dma_wait3A_152 : memref<4x4096xf32, #tpu.memory_space<hbm>>)
    %parallel_loop3A_153 = arith.constant 0 : i32
    %parallel_loop3A_154 = arith.constant 256 : i32
    %parallel_loop3A_155 = arith.constant 1 : i32
    scf.for %parallel_loop3A_563 = %parallel_loop3A_153 to %parallel_loop3A_154 step %parallel_loop3A_155  : i32 {
      %parallel_loop3A_564 = arith.constant 16 : i32
      %parallel_loop3A_565 = arith.muli %parallel_loop3A_563, %parallel_loop3A_564 : i32
      %parallel_loop3A_566 = arith.index_cast %parallel_loop3A_565 : i32 to index
      %parallel_loop3A_567 = tpu.vector_load %arg5[%parallel_loop3A_566] {strides = array<i32>} : memref<4096xi32, #tpu.memory_space<vmem>>, vector<16xi32>,
      %parallel_loop3A_568 = arith.constant 0 : i32
      %parallel_loop3A_569 = vector.broadcast %parallel_loop3A_568 : i32 to vector<16xi32>
      %parallel_loop3A_570 = tpu.vector_load_idx %arg6[%parallel_loop3A_569, %parallel_loop3A_567] : memref<4x4096xf32, #tpu.memory_space<vmem>>[vector<16xi32>, vector<16xi32>], vector<16xf32>,
      %parallel_loop3A_571 = arith.constant 3 : i32
      %parallel_loop3A_572 = arith.index_cast %parallel_loop3A_571 : i32 to index
      %parallel_loop3A_573 = arith.index_cast %parallel_loop3A_565 : i32 to index
      %parallel_loop3A_574 = tpu.vector_load %arg11[%parallel_loop3A_572, %parallel_loop3A_573] {strides = array<i32>} : memref<4x4096xf32, #tpu.memory_space<vmem>>, vector<16xf32>,
      tpu.vector_store %arg11[%parallel_loop3A_572, %parallel_loop3A_573], %parallel_loop3A_570 {strides = array<i32>} : memref<4x4096xf32, #tpu.memory_space<vmem>>, vector<16xf32>,
      %parallel_loop3A_575 = arith.constant 1 : i32
      %parallel_loop3A_576 = vector.broadcast %parallel_loop3A_575 : i32 to vector<16xi32>
      %parallel_loop3A_577 = tpu.vector_load_idx %arg6[%parallel_loop3A_576, %parallel_loop3A_567] : memref<4x4096xf32, #tpu.memory_space<vmem>>[vector<16xi32>, vector<16xi32>], vector<16xf32>,
      %parallel_loop3A_578 = arith.constant 2 : i32
      %parallel_loop3A_579 = arith.index_cast %parallel_loop3A_578 : i32 to index
      %parallel_loop3A_580 = arith.index_cast %parallel_loop3A_565 : i32 to index
      %parallel_loop3A_581 = tpu.vector_load %arg11[%parallel_loop3A_579, %parallel_loop3A_580] {strides = array<i32>} : memref<4x4096xf32, #tpu.memory_space<vmem>>, vector<16xf32>,
      tpu.vector_store %arg11[%parallel_loop3A_579, %parallel_loop3A_580], %parallel_loop3A_577 {strides = array<i32>} : memref<4x4096xf32, #tpu.memory_space<vmem>>, vector<16xf32>,
      %parallel_loop3A_582 = arith.constant 2 : i32
      %parallel_loop3A_583 = vector.broadcast %parallel_loop3A_582 : i32 to vector<16xi32>
      %parallel_loop3A_584 = tpu.vector_load_idx %arg6[%parallel_loop3A_583, %parallel_loop3A_567] : memref<4x4096xf32, #tpu.memory_space<vmem>>[vector<16xi32>, vector<16xi32>], vector<16xf32>,
      %parallel_loop3A_585 = arith.constant 1 : i32
      %parallel_loop3A_586 = arith.index_cast %parallel_loop3A_585 : i32 to index
      %parallel_loop3A_587 = arith.index_cast %parallel_loop3A_565 : i32 to index
      %parallel_loop3A_588 = tpu.vector_load %arg11[%parallel_loop3A_586, %parallel_loop3A_587] {strides = array<i32>} : memref<4x4096xf32, #tpu.memory_space<vmem>>, vector<16xf32>,
      tpu.vector_store %arg11[%parallel_loop3A_586, %parallel_loop3A_587], %parallel_loop3A_584 {strides = array<i32>} : memref<4x4096xf32, #tpu.memory_space<vmem>>, vector<16xf32>,
      %parallel_loop3A_589 = arith.constant 3 : i32
      %parallel_loop3A_590 = vector.broadcast %parallel_loop3A_589 : i32 to vector<16xi32>
      %parallel_loop3A_591 = tpu.vector_load_idx %arg6[%parallel_loop3A_590, %parallel_loop3A_567] : memref<4x4096xf32, #tpu.memory_space<vmem>>[vector<16xi32>, vector<16xi32>], vector<16xf32>,
      %parallel_loop3A_592 = arith.constant 0 : i32
      %parallel_loop3A_593 = arith.index_cast %parallel_loop3A_592 : i32 to index
      %parallel_loop3A_594 = arith.index_cast %parallel_loop3A_565 : i32 to index
      %parallel_loop3A_595 = tpu.vector_load %arg11[%parallel_loop3A_593, %parallel_loop3A_594] {strides = array<i32>} : memref<4x4096xf32, #tpu.memory_space<vmem>>, vector<16xf32>,
      tpu.vector_store %arg11[%parallel_loop3A_593, %parallel_loop3A_594], %parallel_loop3A_591 {strides = array<i32>} : memref<4x4096xf32, #tpu.memory_space<vmem>>, vector<16xf32>,
    } {sc.loop_unroll_factor = 8 : i64, sc.parallel_access}
    %add3A_156 = arith.constant 16 : i32
    %add3A_157 = arith.addi %sub3A_5, %add3A_156 : i32
    %sub3A_158 = arith.constant 2048 : i32
    %sub3A_159 = arith.subi %sub3A_158, %add3A_157 : i32
    %sub3A_160 = arith.constant 4 : i32
    %sub3A_161 = arith.subi %sub3A_159, %sub3A_160 : i32
    %dma_start3A_162 = arith.constant 0 : i32
    %dma_start3A_163 = tpu.memref_slice %arg4[%sub3A_161, %dma_start3A_162] : memref<2048x4096xf32, #tpu.memory_space<hbm>> -> memref<4x4096xf32, #tpu.memory_space<hbm>>
    %dma_start3A_164 = arith.constant 0 : i32
    %dma_start3A_165 = tpu.memref_slice %arg4[%sub3A_161, %dma_start3A_164] : memref<2048x4096xf32, #tpu.memory_space<hbm>> -> memref<4x4096xf32, #tpu.memory_space<hbm>>
    tpu.enqueue_dma source(%arg11 : memref<4x4096xf32, #tpu.memory_space<vmem>>) target(%dma_start3A_165 : memref<4x4096xf32, #tpu.memory_space<hbm>>) target_semaphore(%arg18 : memref<!tpu.dma_semaphore, #tpu.memory_space<semaphore_mem>>)
    %add3A_166 = arith.constant 32 : i32
    %add3A_167 = arith.addi %sub3A_5, %add3A_166 : i32
    %dma_start3A_168 = arith.constant 0 : i32
    %dma_start3A_169 = tpu.memref_slice %arg2[%add3A_167, %dma_start3A_168] : memref<2048x4096xf32, #tpu.memory_space<hbm>> -> memref<4x4096xf32, #tpu.memory_space<hbm>>
    %dma_start3A_170 = arith.constant 0 : i32
    %dma_start3A_171 = tpu.memref_slice %arg2[%add3A_167, %dma_start3A_170] : memref<2048x4096xf32, #tpu.memory_space<hbm>> -> memref<4x4096xf32, #tpu.memory_space<hbm>>
    tpu.enqueue_dma source(%dma_start3A_171 : memref<4x4096xf32, #tpu.memory_space<hbm>>) target(%arg6 : memref<4x4096xf32, #tpu.memory_space<vmem>>) target_semaphore(%arg13 : memref<!tpu.dma_semaphore, #tpu.memory_space<semaphore_mem>>)
    %add3A_172 = arith.constant 20 : i32
    %add3A_173 = arith.addi %sub3A_5, %add3A_172 : i32
    %dma_wait3A_174 = arith.constant 0 : i32
    %dma_wait3A_175 = tpu.memref_slice %arg2[%add3A_173, %dma_wait3A_174] : memref<2048x4096xf32, #tpu.memory_space<hbm>> -> memref<4x4096xf32, #tpu.memory_space<hbm>>
    %dma_wait3A_176 = arith.constant 0 : i32
    %dma_wait3A_177 = tpu.memref_slice %arg2[%add3A_173, %dma_wait3A_176] : memref<2048x4096xf32, #tpu.memory_space<hbm>> -> memref<4x4096xf32, #tpu.memory_space<hbm>>
    tpu.wait_dma2 semaphore(%arg14 : memref<!tpu.dma_semaphore, #tpu.memory_space<semaphore_mem>>) src(%dma_wait3A_177 : memref<4x4096xf32, #tpu.memory_space<hbm>>) dst(%arg7 : memref<4x4096xf32, #tpu.memory_space<vmem>>)
    %add3A_178 = arith.constant 8 : i32
    %add3A_179 = arith.addi %sub3A_5, %add3A_178 : i32
    %sub3A_180 = arith.constant 2048 : i32
    %sub3A_181 = arith.subi %sub3A_180, %add3A_179 : i32
    %sub3A_182 = arith.constant 4 : i32
    %sub3A_183 = arith.subi %sub3A_181, %sub3A_182 : i32
    %dma_wait3A_184 = arith.constant 0 : i32
    %dma_wait3A_185 = tpu.memref_slice %arg4[%sub3A_183, %dma_wait3A_184] : memref<2048x4096xf32, #tpu.memory_space<hbm>> -> memref<4x4096xf32, #tpu.memory_space<hbm>>
    %dma_wait3A_186 = arith.constant 0 : i32
    %dma_wait3A_187 = tpu.memref_slice %arg4[%sub3A_183, %dma_wait3A_186] : memref<2048x4096xf32, #tpu.memory_space<hbm>> -> memref<4x4096xf32, #tpu.memory_space<hbm>>
    tpu.wait_dma2 semaphore(%arg19 : memref<!tpu.dma_semaphore, #tpu.memory_space<semaphore_mem>>) src(%arg12 : memref<4x4096xf32, #tpu.memory_space<vmem>>) dst(%dma_wait3A_187 : memref<4x4096xf32, #tpu.memory_space<hbm>>)
    %parallel_loop3A_188 = arith.constant 0 : i32
    %parallel_loop3A_189 = arith.constant 256 : i32
    %parallel_loop3A_190 = arith.constant 1 : i32
    scf.for %parallel_loop3A_563 = %parallel_loop3A_188 to %parallel_loop3A_189 step %parallel_loop3A_190  : i32 {
      %parallel_loop3A_564 = arith.constant 16 : i32
      %parallel_loop3A_565 = arith.muli %parallel_loop3A_563, %parallel_loop3A_564 : i32
      %parallel_loop3A_566 = arith.index_cast %parallel_loop3A_565 : i32 to index
      %parallel_loop3A_567 = tpu.vector_load %arg5[%parallel_loop3A_566] {strides = array<i32>} : memref<4096xi32, #tpu.memory_space<vmem>>, vector<16xi32>,
      %parallel_loop3A_568 = arith.constant 0 : i32
      %parallel_loop3A_569 = vector.broadcast %parallel_loop3A_568 : i32 to vector<16xi32>
      %parallel_loop3A_570 = tpu.vector_load_idx %arg7[%parallel_loop3A_569, %parallel_loop3A_567] : memref<4x4096xf32, #tpu.memory_space<vmem>>[vector<16xi32>, vector<16xi32>], vector<16xf32>,
      %parallel_loop3A_571 = arith.constant 3 : i32
      %parallel_loop3A_572 = arith.index_cast %parallel_loop3A_571 : i32 to index
      %parallel_loop3A_573 = arith.index_cast %parallel_loop3A_565 : i32 to index
      %parallel_loop3A_574 = tpu.vector_load %arg12[%parallel_loop3A_572, %parallel_loop3A_573] {strides = array<i32>} : memref<4x4096xf32, #tpu.memory_space<vmem>>, vector<16xf32>,
      tpu.vector_store %arg12[%parallel_loop3A_572, %parallel_loop3A_573], %parallel_loop3A_570 {strides = array<i32>} : memref<4x4096xf32, #tpu.memory_space<vmem>>, vector<16xf32>,
      %parallel_loop3A_575 = arith.constant 1 : i32
      %parallel_loop3A_576 = vector.broadcast %parallel_loop3A_575 : i32 to vector<16xi32>
      %parallel_loop3A_577 = tpu.vector_load_idx %arg7[%parallel_loop3A_576, %parallel_loop3A_567] : memref<4x4096xf32, #tpu.memory_space<vmem>>[vector<16xi32>, vector<16xi32>], vector<16xf32>,
      %parallel_loop3A_578 = arith.constant 2 : i32
      %parallel_loop3A_579 = arith.index_cast %parallel_loop3A_578 : i32 to index
      %parallel_loop3A_580 = arith.index_cast %parallel_loop3A_565 : i32 to index
      %parallel_loop3A_581 = tpu.vector_load %arg12[%parallel_loop3A_579, %parallel_loop3A_580] {strides = array<i32>} : memref<4x4096xf32, #tpu.memory_space<vmem>>, vector<16xf32>,
      tpu.vector_store %arg12[%parallel_loop3A_579, %parallel_loop3A_580], %parallel_loop3A_577 {strides = array<i32>} : memref<4x4096xf32, #tpu.memory_space<vmem>>, vector<16xf32>,
      %parallel_loop3A_582 = arith.constant 2 : i32
      %parallel_loop3A_583 = vector.broadcast %parallel_loop3A_582 : i32 to vector<16xi32>
      %parallel_loop3A_584 = tpu.vector_load_idx %arg7[%parallel_loop3A_583, %parallel_loop3A_567] : memref<4x4096xf32, #tpu.memory_space<vmem>>[vector<16xi32>, vector<16xi32>], vector<16xf32>,
      %parallel_loop3A_585 = arith.constant 1 : i32
      %parallel_loop3A_586 = arith.index_cast %parallel_loop3A_585 : i32 to index
      %parallel_loop3A_587 = arith.index_cast %parallel_loop3A_565 : i32 to index
      %parallel_loop3A_588 = tpu.vector_load %arg12[%parallel_loop3A_586, %parallel_loop3A_587] {strides = array<i32>} : memref<4x4096xf32, #tpu.memory_space<vmem>>, vector<16xf32>,
      tpu.vector_store %arg12[%parallel_loop3A_586, %parallel_loop3A_587], %parallel_loop3A_584 {strides = array<i32>} : memref<4x4096xf32, #tpu.memory_space<vmem>>, vector<16xf32>,
      %parallel_loop3A_589 = arith.constant 3 : i32
      %parallel_loop3A_590 = vector.broadcast %parallel_loop3A_589 : i32 to vector<16xi32>
      %parallel_loop3A_591 = tpu.vector_load_idx %arg7[%parallel_loop3A_590, %parallel_loop3A_567] : memref<4x4096xf32, #tpu.memory_space<vmem>>[vector<16xi32>, vector<16xi32>], vector<16xf32>,
      %parallel_loop3A_592 = arith.constant 0 : i32
      %parallel_loop3A_593 = arith.index_cast %parallel_loop3A_592 : i32 to index
      %parallel_loop3A_594 = arith.index_cast %parallel_loop3A_565 : i32 to index
      %parallel_loop3A_595 = tpu.vector_load %arg12[%parallel_loop3A_593, %parallel_loop3A_594] {strides = array<i32>} : memref<4x4096xf32, #tpu.memory_space<vmem>>, vector<16xf32>,
      tpu.vector_store %arg12[%parallel_loop3A_593, %parallel_loop3A_594], %parallel_loop3A_591 {strides = array<i32>} : memref<4x4096xf32, #tpu.memory_space<vmem>>, vector<16xf32>,
    } {sc.loop_unroll_factor = 8 : i64, sc.parallel_access}
    %add3A_191 = arith.constant 20 : i32
    %add3A_192 = arith.addi %sub3A_5, %add3A_191 : i32
    %sub3A_193 = arith.constant 2048 : i32
    %sub3A_194 = arith.subi %sub3A_193, %add3A_192 : i32
    %sub3A_195 = arith.constant 4 : i32
    %sub3A_196 = arith.subi %sub3A_194, %sub3A_195 : i32
    %dma_start3A_197 = arith.constant 0 : i32
    %dma_start3A_198 = tpu.memref_slice %arg4[%sub3A_196, %dma_start3A_197] : memref<2048x4096xf32, #tpu.memory_space<hbm>> -> memref<4x4096xf32, #tpu.memory_space<hbm>>
    %dma_start3A_199 = arith.constant 0 : i32
    %dma_start3A_200 = tpu.memref_slice %arg4[%sub3A_196, %dma_start3A_199] : memref<2048x4096xf32, #tpu.memory_space<hbm>> -> memref<4x4096xf32, #tpu.memory_space<hbm>>
    tpu.enqueue_dma source(%arg12 : memref<4x4096xf32, #tpu.memory_space<vmem>>) target(%dma_start3A_200 : memref<4x4096xf32, #tpu.memory_space<hbm>>) target_semaphore(%arg19 : memref<!tpu.dma_semaphore, #tpu.memory_space<semaphore_mem>>)
    %add3A_201 = arith.constant 36 : i32
    %add3A_202 = arith.addi %sub3A_5, %add3A_201 : i32
    %dma_start3A_203 = arith.constant 0 : i32
    %dma_start3A_204 = tpu.memref_slice %arg2[%add3A_202, %dma_start3A_203] : memref<2048x4096xf32, #tpu.memory_space<hbm>> -> memref<4x4096xf32, #tpu.memory_space<hbm>>
    %dma_start3A_205 = arith.constant 0 : i32
    %dma_start3A_206 = tpu.memref_slice %arg2[%add3A_202, %dma_start3A_205] : memref<2048x4096xf32, #tpu.memory_space<hbm>> -> memref<4x4096xf32, #tpu.memory_space<hbm>>
    tpu.enqueue_dma source(%dma_start3A_206 : memref<4x4096xf32, #tpu.memory_space<hbm>>) target(%arg7 : memref<4x4096xf32, #tpu.memory_space<vmem>>) target_semaphore(%arg14 : memref<!tpu.dma_semaphore, #tpu.memory_space<semaphore_mem>>)
    %add3A_207 = arith.constant 24 : i32
    %add3A_208 = arith.addi %sub3A_5, %add3A_207 : i32
    %dma_wait3A_209 = arith.constant 0 : i32
    %dma_wait3A_210 = tpu.memref_slice %arg2[%add3A_208, %dma_wait3A_209] : memref<2048x4096xf32, #tpu.memory_space<hbm>> -> memref<4x4096xf32, #tpu.memory_space<hbm>>
    %dma_wait3A_211 = arith.constant 0 : i32
    %dma_wait3A_212 = tpu.memref_slice %arg2[%add3A_208, %dma_wait3A_211] : memref<2048x4096xf32, #tpu.memory_space<hbm>> -> memref<4x4096xf32, #tpu.memory_space<hbm>>
    tpu.wait_dma2 semaphore(%arg15 : memref<!tpu.dma_semaphore, #tpu.memory_space<semaphore_mem>>) src(%dma_wait3A_212 : memref<4x4096xf32, #tpu.memory_space<hbm>>) dst(%arg8 : memref<4x4096xf32, #tpu.memory_space<vmem>>)
    %add3A_213 = arith.constant 12 : i32
    %add3A_214 = arith.addi %sub3A_5, %add3A_213 : i32
    %sub3A_215 = arith.constant 2048 : i32
    %sub3A_216 = arith.subi %sub3A_215, %add3A_214 : i32
    %sub3A_217 = arith.constant 4 : i32
    %sub3A_218 = arith.subi %sub3A_216, %sub3A_217 : i32
    %dma_wait3A_219 = arith.constant 0 : i32
    %dma_wait3A_220 = tpu.memref_slice %arg4[%sub3A_218, %dma_wait3A_219] : memref<2048x4096xf32, #tpu.memory_space<hbm>> -> memref<4x4096xf32, #tpu.memory_space<hbm>>
    %dma_wait3A_221 = arith.constant 0 : i32
    %dma_wait3A_222 = tpu.memref_slice %arg4[%sub3A_218, %dma_wait3A_221] : memref<2048x4096xf32, #tpu.memory_space<hbm>> -> memref<4x4096xf32, #tpu.memory_space<hbm>>
    tpu.wait_dma2 semaphore(%arg17 : memref<!tpu.dma_semaphore, #tpu.memory_space<semaphore_mem>>) src(%arg10 : memref<4x4096xf32, #tpu.memory_space<vmem>>) dst(%dma_wait3A_222 : memref<4x4096xf32, #tpu.memory_space<hbm>>)
    %parallel_loop3A_223 = arith.constant 0 : i32
    %parallel_loop3A_224 = arith.constant 256 : i32
    %parallel_loop3A_225 = arith.constant 1 : i32
    scf.for %parallel_loop3A_563 = %parallel_loop3A_223 to %parallel_loop3A_224 step %parallel_loop3A_225  : i32 {
      %parallel_loop3A_564 = arith.constant 16 : i32
      %parallel_loop3A_565 = arith.muli %parallel_loop3A_563, %parallel_loop3A_564 : i32
      %parallel_loop3A_566 = arith.index_cast %parallel_loop3A_565 : i32 to index
      %parallel_loop3A_567 = tpu.vector_load %arg5[%parallel_loop3A_566] {strides = array<i32>} : memref<4096xi32, #tpu.memory_space<vmem>>, vector<16xi32>,
      %parallel_loop3A_568 = arith.constant 0 : i32
      %parallel_loop3A_569 = vector.broadcast %parallel_loop3A_568 : i32 to vector<16xi32>
      %parallel_loop3A_570 = tpu.vector_load_idx %arg8[%parallel_loop3A_569, %parallel_loop3A_567] : memref<4x4096xf32, #tpu.memory_space<vmem>>[vector<16xi32>, vector<16xi32>], vector<16xf32>,
      %parallel_loop3A_571 = arith.constant 3 : i32
      %parallel_loop3A_572 = arith.index_cast %parallel_loop3A_571 : i32 to index
      %parallel_loop3A_573 = arith.index_cast %parallel_loop3A_565 : i32 to index
      %parallel_loop3A_574 = tpu.vector_load %arg10[%parallel_loop3A_572, %parallel_loop3A_573] {strides = array<i32>} : memref<4x4096xf32, #tpu.memory_space<vmem>>, vector<16xf32>,
      tpu.vector_store %arg10[%parallel_loop3A_572, %parallel_loop3A_573], %parallel_loop3A_570 {strides = array<i32>} : memref<4x4096xf32, #tpu.memory_space<vmem>>, vector<16xf32>,
      %parallel_loop3A_575 = arith.constant 1 : i32
      %parallel_loop3A_576 = vector.broadcast %parallel_loop3A_575 : i32 to vector<16xi32>
      %parallel_loop3A_577 = tpu.vector_load_idx %arg8[%parallel_loop3A_576, %parallel_loop3A_567] : memref<4x4096xf32, #tpu.memory_space<vmem>>[vector<16xi32>, vector<16xi32>], vector<16xf32>,
      %parallel_loop3A_578 = arith.constant 2 : i32
      %parallel_loop3A_579 = arith.index_cast %parallel_loop3A_578 : i32 to index
      %parallel_loop3A_580 = arith.index_cast %parallel_loop3A_565 : i32 to index
      %parallel_loop3A_581 = tpu.vector_load %arg10[%parallel_loop3A_579, %parallel_loop3A_580] {strides = array<i32>} : memref<4x4096xf32, #tpu.memory_space<vmem>>, vector<16xf32>,
      tpu.vector_store %arg10[%parallel_loop3A_579, %parallel_loop3A_580], %parallel_loop3A_577 {strides = array<i32>} : memref<4x4096xf32, #tpu.memory_space<vmem>>, vector<16xf32>,
      %parallel_loop3A_582 = arith.constant 2 : i32
      %parallel_loop3A_583 = vector.broadcast %parallel_loop3A_582 : i32 to vector<16xi32>
      %parallel_loop3A_584 = tpu.vector_load_idx %arg8[%parallel_loop3A_583, %parallel_loop3A_567] : memref<4x4096xf32, #tpu.memory_space<vmem>>[vector<16xi32>, vector<16xi32>], vector<16xf32>,
      %parallel_loop3A_585 = arith.constant 1 : i32
      %parallel_loop3A_586 = arith.index_cast %parallel_loop3A_585 : i32 to index
      %parallel_loop3A_587 = arith.index_cast %parallel_loop3A_565 : i32 to index
      %parallel_loop3A_588 = tpu.vector_load %arg10[%parallel_loop3A_586, %parallel_loop3A_587] {strides = array<i32>} : memref<4x4096xf32, #tpu.memory_space<vmem>>, vector<16xf32>,
      tpu.vector_store %arg10[%parallel_loop3A_586, %parallel_loop3A_587], %parallel_loop3A_584 {strides = array<i32>} : memref<4x4096xf32, #tpu.memory_space<vmem>>, vector<16xf32>,
      %parallel_loop3A_589 = arith.constant 3 : i32
      %parallel_loop3A_590 = vector.broadcast %parallel_loop3A_589 : i32 to vector<16xi32>
      %parallel_loop3A_591 = tpu.vector_load_idx %arg8[%parallel_loop3A_590, %parallel_loop3A_567] : memref<4x4096xf32, #tpu.memory_space<vmem>>[vector<16xi32>, vector<16xi32>], vector<16xf32>,
      %parallel_loop3A_592 = arith.constant 0 : i32
      %parallel_loop3A_593 = arith.index_cast %parallel_loop3A_592 : i32 to index
      %parallel_loop3A_594 = arith.index_cast %parallel_loop3A_565 : i32 to index
      %parallel_loop3A_595 = tpu.vector_load %arg10[%parallel_loop3A_593, %parallel_loop3A_594] {strides = array<i32>} : memref<4x4096xf32, #tpu.memory_space<vmem>>, vector<16xf32>,
      tpu.vector_store %arg10[%parallel_loop3A_593, %parallel_loop3A_594], %parallel_loop3A_591 {strides = array<i32>} : memref<4x4096xf32, #tpu.memory_space<vmem>>, vector<16xf32>,
    } {sc.loop_unroll_factor = 8 : i64, sc.parallel_access}
    %add3A_226 = arith.constant 24 : i32
    %add3A_227 = arith.addi %sub3A_5, %add3A_226 : i32
    %sub3A_228 = arith.constant 2048 : i32
    %sub3A_229 = arith.subi %sub3A_228, %add3A_227 : i32
    %sub3A_230 = arith.constant 4 : i32
    %sub3A_231 = arith.subi %sub3A_229, %sub3A_230 : i32
    %dma_start3A_232 = arith.constant 0 : i32
    %dma_start3A_233 = tpu.memref_slice %arg4[%sub3A_231, %dma_start3A_232] : memref<2048x4096xf32, #tpu.memory_space<hbm>> -> memref<4x4096xf32, #tpu.memory_space<hbm>>
    %dma_start3A_234 = arith.constant 0 : i32
    %dma_start3A_235 = tpu.memref_slice %arg4[%sub3A_231, %dma_start3A_234] : memref<2048x4096xf32, #tpu.memory_space<hbm>> -> memref<4x4096xf32, #tpu.memory_space<hbm>>
    tpu.enqueue_dma source(%arg10 : memref<4x4096xf32, #tpu.memory_space<vmem>>) target(%dma_start3A_235 : memref<4x4096xf32, #tpu.memory_space<hbm>>) target_semaphore(%arg17 : memref<!tpu.dma_semaphore, #tpu.memory_space<semaphore_mem>>)
    %add3A_236 = arith.constant 40 : i32
    %add3A_237 = arith.addi %sub3A_5, %add3A_236 : i32
    %dma_start3A_238 = arith.constant 0 : i32
    %dma_start3A_239 = tpu.memref_slice %arg2[%add3A_237, %dma_start3A_238] : memref<2048x4096xf32, #tpu.memory_space<hbm>> -> memref<4x4096xf32, #tpu.memory_space<hbm>>
    %dma_start3A_240 = arith.constant 0 : i32
    %dma_start3A_241 = tpu.memref_slice %arg2[%add3A_237, %dma_start3A_240] : memref<2048x4096xf32, #tpu.memory_space<hbm>> -> memref<4x4096xf32, #tpu.memory_space<hbm>>
    tpu.enqueue_dma source(%dma_start3A_241 : memref<4x4096xf32, #tpu.memory_space<hbm>>) target(%arg8 : memref<4x4096xf32, #tpu.memory_space<vmem>>) target_semaphore(%arg15 : memref<!tpu.dma_semaphore, #tpu.memory_space<semaphore_mem>>)
    %add3A_242 = arith.constant 28 : i32
    %add3A_243 = arith.addi %sub3A_5, %add3A_242 : i32
    %dma_wait3A_244 = arith.constant 0 : i32
    %dma_wait3A_245 = tpu.memref_slice %arg2[%add3A_243, %dma_wait3A_244] : memref<2048x4096xf32, #tpu.memory_space<hbm>> -> memref<4x4096xf32, #tpu.memory_space<hbm>>
    %dma_wait3A_246 = arith.constant 0 : i32
    %dma_wait3A_247 = tpu.memref_slice %arg2[%add3A_243, %dma_wait3A_246] : memref<2048x4096xf32, #tpu.memory_space<hbm>> -> memref<4x4096xf32, #tpu.memory_space<hbm>>
    tpu.wait_dma2 semaphore(%arg16 : memref<!tpu.dma_semaphore, #tpu.memory_space<semaphore_mem>>) src(%dma_wait3A_247 : memref<4x4096xf32, #tpu.memory_space<hbm>>) dst(%arg9 : memref<4x4096xf32, #tpu.memory_space<vmem>>)
    %add3A_248 = arith.constant 16 : i32
    %add3A_249 = arith.addi %sub3A_5, %add3A_248 : i32
    %sub3A_250 = arith.constant 2048 : i32
    %sub3A_251 = arith.subi %sub3A_250, %add3A_249 : i32
    %sub3A_252 = arith.constant 4 : i32
    %sub3A_253 = arith.subi %sub3A_251, %sub3A_252 : i32
    %dma_wait3A_254 = arith.constant 0 : i32
    %dma_wait3A_255 = tpu.memref_slice %arg4[%sub3A_253, %dma_wait3A_254] : memref<2048x4096xf32, #tpu.memory_space<hbm>> -> memref<4x4096xf32, #tpu.memory_space<hbm>>
    %dma_wait3A_256 = arith.constant 0 : i32
    %dma_wait3A_257 = tpu.memref_slice %arg4[%sub3A_253, %dma_wait3A_256] : memref<2048x4096xf32, #tpu.memory_space<hbm>> -> memref<4x4096xf32, #tpu.memory_space<hbm>>
    tpu.wait_dma2 semaphore(%arg18 : memref<!tpu.dma_semaphore, #tpu.memory_space<semaphore_mem>>) src(%arg11 : memref<4x4096xf32, #tpu.memory_space<vmem>>) dst(%dma_wait3A_257 : memref<4x4096xf32, #tpu.memory_space<hbm>>)
    %parallel_loop3A_258 = arith.constant 0 : i32
    %parallel_loop3A_259 = arith.constant 256 : i32
    %parallel_loop3A_260 = arith.constant 1 : i32
    scf.for %parallel_loop3A_563 = %parallel_loop3A_258 to %parallel_loop3A_259 step %parallel_loop3A_260  : i32 {
      %parallel_loop3A_564 = arith.constant 16 : i32
      %parallel_loop3A_565 = arith.muli %parallel_loop3A_563, %parallel_loop3A_564 : i32
      %parallel_loop3A_566 = arith.index_cast %parallel_loop3A_565 : i32 to index
      %parallel_loop3A_567 = tpu.vector_load %arg5[%parallel_loop3A_566] {strides = array<i32>} : memref<4096xi32, #tpu.memory_space<vmem>>, vector<16xi32>,
      %parallel_loop3A_568 = arith.constant 0 : i32
      %parallel_loop3A_569 = vector.broadcast %parallel_loop3A_568 : i32 to vector<16xi32>
      %parallel_loop3A_570 = tpu.vector_load_idx %arg9[%parallel_loop3A_569, %parallel_loop3A_567] : memref<4x4096xf32, #tpu.memory_space<vmem>>[vector<16xi32>, vector<16xi32>], vector<16xf32>,
      %parallel_loop3A_571 = arith.constant 3 : i32
      %parallel_loop3A_572 = arith.index_cast %parallel_loop3A_571 : i32 to index
      %parallel_loop3A_573 = arith.index_cast %parallel_loop3A_565 : i32 to index
      %parallel_loop3A_574 = tpu.vector_load %arg11[%parallel_loop3A_572, %parallel_loop3A_573] {strides = array<i32>} : memref<4x4096xf32, #tpu.memory_space<vmem>>, vector<16xf32>,
      tpu.vector_store %arg11[%parallel_loop3A_572, %parallel_loop3A_573], %parallel_loop3A_570 {strides = array<i32>} : memref<4x4096xf32, #tpu.memory_space<vmem>>, vector<16xf32>,
      %parallel_loop3A_575 = arith.constant 1 : i32
      %parallel_loop3A_576 = vector.broadcast %parallel_loop3A_575 : i32 to vector<16xi32>
      %parallel_loop3A_577 = tpu.vector_load_idx %arg9[%parallel_loop3A_576, %parallel_loop3A_567] : memref<4x4096xf32, #tpu.memory_space<vmem>>[vector<16xi32>, vector<16xi32>], vector<16xf32>,
      %parallel_loop3A_578 = arith.constant 2 : i32
      %parallel_loop3A_579 = arith.index_cast %parallel_loop3A_578 : i32 to index
      %parallel_loop3A_580 = arith.index_cast %parallel_loop3A_565 : i32 to index
      %parallel_loop3A_581 = tpu.vector_load %arg11[%parallel_loop3A_579, %parallel_loop3A_580] {strides = array<i32>} : memref<4x4096xf32, #tpu.memory_space<vmem>>, vector<16xf32>,
      tpu.vector_store %arg11[%parallel_loop3A_579, %parallel_loop3A_580], %parallel_loop3A_577 {strides = array<i32>} : memref<4x4096xf32, #tpu.memory_space<vmem>>, vector<16xf32>,
      %parallel_loop3A_582 = arith.constant 2 : i32
      %parallel_loop3A_583 = vector.broadcast %parallel_loop3A_582 : i32 to vector<16xi32>
      %parallel_loop3A_584 = tpu.vector_load_idx %arg9[%parallel_loop3A_583, %parallel_loop3A_567] : memref<4x4096xf32, #tpu.memory_space<vmem>>[vector<16xi32>, vector<16xi32>], vector<16xf32>,
      %parallel_loop3A_585 = arith.constant 1 : i32
      %parallel_loop3A_586 = arith.index_cast %parallel_loop3A_585 : i32 to index
      %parallel_loop3A_587 = arith.index_cast %parallel_loop3A_565 : i32 to index
      %parallel_loop3A_588 = tpu.vector_load %arg11[%parallel_loop3A_586, %parallel_loop3A_587] {strides = array<i32>} : memref<4x4096xf32, #tpu.memory_space<vmem>>, vector<16xf32>,
      tpu.vector_store %arg11[%parallel_loop3A_586, %parallel_loop3A_587], %parallel_loop3A_584 {strides = array<i32>} : memref<4x4096xf32, #tpu.memory_space<vmem>>, vector<16xf32>,
      %parallel_loop3A_589 = arith.constant 3 : i32
      %parallel_loop3A_590 = vector.broadcast %parallel_loop3A_589 : i32 to vector<16xi32>
      %parallel_loop3A_591 = tpu.vector_load_idx %arg9[%parallel_loop3A_590, %parallel_loop3A_567] : memref<4x4096xf32, #tpu.memory_space<vmem>>[vector<16xi32>, vector<16xi32>], vector<16xf32>,
      %parallel_loop3A_592 = arith.constant 0 : i32
      %parallel_loop3A_593 = arith.index_cast %parallel_loop3A_592 : i32 to index
      %parallel_loop3A_594 = arith.index_cast %parallel_loop3A_565 : i32 to index
      %parallel_loop3A_595 = tpu.vector_load %arg11[%parallel_loop3A_593, %parallel_loop3A_594] {strides = array<i32>} : memref<4x4096xf32, #tpu.memory_space<vmem>>, vector<16xf32>,
      tpu.vector_store %arg11[%parallel_loop3A_593, %parallel_loop3A_594], %parallel_loop3A_591 {strides = array<i32>} : memref<4x4096xf32, #tpu.memory_space<vmem>>, vector<16xf32>,
    } {sc.loop_unroll_factor = 8 : i64, sc.parallel_access}
    %add3A_261 = arith.constant 28 : i32
    %add3A_262 = arith.addi %sub3A_5, %add3A_261 : i32
    %sub3A_263 = arith.constant 2048 : i32
    %sub3A_264 = arith.subi %sub3A_263, %add3A_262 : i32
    %sub3A_265 = arith.constant 4 : i32
    %sub3A_266 = arith.subi %sub3A_264, %sub3A_265 : i32
    %dma_start3A_267 = arith.constant 0 : i32
    %dma_start3A_268 = tpu.memref_slice %arg4[%sub3A_266, %dma_start3A_267] : memref<2048x4096xf32, #tpu.memory_space<hbm>> -> memref<4x4096xf32, #tpu.memory_space<hbm>>
    %dma_start3A_269 = arith.constant 0 : i32
    %dma_start3A_270 = tpu.memref_slice %arg4[%sub3A_266, %dma_start3A_269] : memref<2048x4096xf32, #tpu.memory_space<hbm>> -> memref<4x4096xf32, #tpu.memory_space<hbm>>
    tpu.enqueue_dma source(%arg11 : memref<4x4096xf32, #tpu.memory_space<vmem>>) target(%dma_start3A_270 : memref<4x4096xf32, #tpu.memory_space<hbm>>) target_semaphore(%arg18 : memref<!tpu.dma_semaphore, #tpu.memory_space<semaphore_mem>>)
    %add3A_271 = arith.constant 44 : i32
    %add3A_272 = arith.addi %sub3A_5, %add3A_271 : i32
    %dma_start3A_273 = arith.constant 0 : i32
    %dma_start3A_274 = tpu.memref_slice %arg2[%add3A_272, %dma_start3A_273] : memref<2048x4096xf32, #tpu.memory_space<hbm>> -> memref<4x4096xf32, #tpu.memory_space<hbm>>
    %dma_start3A_275 = arith.constant 0 : i32
    %dma_start3A_276 = tpu.memref_slice %arg2[%add3A_272, %dma_start3A_275] : memref<2048x4096xf32, #tpu.memory_space<hbm>> -> memref<4x4096xf32, #tpu.memory_space<hbm>>
    tpu.enqueue_dma source(%dma_start3A_276 : memref<4x4096xf32, #tpu.memory_space<hbm>>) target(%arg9 : memref<4x4096xf32, #tpu.memory_space<vmem>>) target_semaphore(%arg16 : memref<!tpu.dma_semaphore, #tpu.memory_space<semaphore_mem>>)
    %add3A_277 = arith.constant 32 : i32
    %add3A_278 = arith.addi %sub3A_5, %add3A_277 : i32
    %dma_wait3A_279 = arith.constant 0 : i32
    %dma_wait3A_280 = tpu.memref_slice %arg2[%add3A_278, %dma_wait3A_279] : memref<2048x4096xf32, #tpu.memory_space<hbm>> -> memref<4x4096xf32, #tpu.memory_space<hbm>>
    %dma_wait3A_281 = arith.constant 0 : i32
    %dma_wait3A_282 = tpu.memref_slice %arg2[%add3A_278, %dma_wait3A_281] : memref<2048x4096xf32, #tpu.memory_space<hbm>> -> memref<4x4096xf32, #tpu.memory_space<hbm>>
    tpu.wait_dma2 semaphore(%arg13 : memref<!tpu.dma_semaphore, #tpu.memory_space<semaphore_mem>>) src(%dma_wait3A_282 : memref<4x4096xf32, #tpu.memory_space<hbm>>) dst(%arg6 : memref<4x4096xf32, #tpu.memory_space<vmem>>)
    %add3A_283 = arith.constant 20 : i32
    %add3A_284 = arith.addi %sub3A_5, %add3A_283 : i32
    %sub3A_285 = arith.constant 2048 : i32
    %sub3A_286 = arith.subi %sub3A_285, %add3A_284 : i32
    %sub3A_287 = arith.constant 4 : i32
    %sub3A_288 = arith.subi %sub3A_286, %sub3A_287 : i32
    %dma_wait3A_289 = arith.constant 0 : i32
    %dma_wait3A_290 = tpu.memref_slice %arg4[%sub3A_288, %dma_wait3A_289] : memref<2048x4096xf32, #tpu.memory_space<hbm>> -> memref<4x4096xf32, #tpu.memory_space<hbm>>
    %dma_wait3A_291 = arith.constant 0 : i32
    %dma_wait3A_292 = tpu.memref_slice %arg4[%sub3A_288, %dma_wait3A_291] : memref<2048x4096xf32, #tpu.memory_space<hbm>> -> memref<4x4096xf32, #tpu.memory_space<hbm>>
    tpu.wait_dma2 semaphore(%arg19 : memref<!tpu.dma_semaphore, #tpu.memory_space<semaphore_mem>>) src(%arg12 : memref<4x4096xf32, #tpu.memory_space<vmem>>) dst(%dma_wait3A_292 : memref<4x4096xf32, #tpu.memory_space<hbm>>)
    %parallel_loop3A_293 = arith.constant 0 : i32
    %parallel_loop3A_294 = arith.constant 256 : i32
    %parallel_loop3A_295 = arith.constant 1 : i32
    scf.for %parallel_loop3A_563 = %parallel_loop3A_293 to %parallel_loop3A_294 step %parallel_loop3A_295  : i32 {
      %parallel_loop3A_564 = arith.constant 16 : i32
      %parallel_loop3A_565 = arith.muli %parallel_loop3A_563, %parallel_loop3A_564 : i32
      %parallel_loop3A_566 = arith.index_cast %parallel_loop3A_565 : i32 to index
      %parallel_loop3A_567 = tpu.vector_load %arg5[%parallel_loop3A_566] {strides = array<i32>} : memref<4096xi32, #tpu.memory_space<vmem>>, vector<16xi32>,
      %parallel_loop3A_568 = arith.constant 0 : i32
      %parallel_loop3A_569 = vector.broadcast %parallel_loop3A_568 : i32 to vector<16xi32>
      %parallel_loop3A_570 = tpu.vector_load_idx %arg6[%parallel_loop3A_569, %parallel_loop3A_567] : memref<4x4096xf32, #tpu.memory_space<vmem>>[vector<16xi32>, vector<16xi32>], vector<16xf32>,
      %parallel_loop3A_571 = arith.constant 3 : i32
      %parallel_loop3A_572 = arith.index_cast %parallel_loop3A_571 : i32 to index
      %parallel_loop3A_573 = arith.index_cast %parallel_loop3A_565 : i32 to index
      %parallel_loop3A_574 = tpu.vector_load %arg12[%parallel_loop3A_572, %parallel_loop3A_573] {strides = array<i32>} : memref<4x4096xf32, #tpu.memory_space<vmem>>, vector<16xf32>,
      tpu.vector_store %arg12[%parallel_loop3A_572, %parallel_loop3A_573], %parallel_loop3A_570 {strides = array<i32>} : memref<4x4096xf32, #tpu.memory_space<vmem>>, vector<16xf32>,
      %parallel_loop3A_575 = arith.constant 1 : i32
      %parallel_loop3A_576 = vector.broadcast %parallel_loop3A_575 : i32 to vector<16xi32>
      %parallel_loop3A_577 = tpu.vector_load_idx %arg6[%parallel_loop3A_576, %parallel_loop3A_567] : memref<4x4096xf32, #tpu.memory_space<vmem>>[vector<16xi32>, vector<16xi32>], vector<16xf32>,
      %parallel_loop3A_578 = arith.constant 2 : i32
      %parallel_loop3A_579 = arith.index_cast %parallel_loop3A_578 : i32 to index
      %parallel_loop3A_580 = arith.index_cast %parallel_loop3A_565 : i32 to index
      %parallel_loop3A_581 = tpu.vector_load %arg12[%parallel_loop3A_579, %parallel_loop3A_580] {strides = array<i32>} : memref<4x4096xf32, #tpu.memory_space<vmem>>, vector<16xf32>,
      tpu.vector_store %arg12[%parallel_loop3A_579, %parallel_loop3A_580], %parallel_loop3A_577 {strides = array<i32>} : memref<4x4096xf32, #tpu.memory_space<vmem>>, vector<16xf32>,
      %parallel_loop3A_582 = arith.constant 2 : i32
      %parallel_loop3A_583 = vector.broadcast %parallel_loop3A_582 : i32 to vector<16xi32>
      %parallel_loop3A_584 = tpu.vector_load_idx %arg6[%parallel_loop3A_583, %parallel_loop3A_567] : memref<4x4096xf32, #tpu.memory_space<vmem>>[vector<16xi32>, vector<16xi32>], vector<16xf32>,
      %parallel_loop3A_585 = arith.constant 1 : i32
      %parallel_loop3A_586 = arith.index_cast %parallel_loop3A_585 : i32 to index
      %parallel_loop3A_587 = arith.index_cast %parallel_loop3A_565 : i32 to index
      %parallel_loop3A_588 = tpu.vector_load %arg12[%parallel_loop3A_586, %parallel_loop3A_587] {strides = array<i32>} : memref<4x4096xf32, #tpu.memory_space<vmem>>, vector<16xf32>,
      tpu.vector_store %arg12[%parallel_loop3A_586, %parallel_loop3A_587], %parallel_loop3A_584 {strides = array<i32>} : memref<4x4096xf32, #tpu.memory_space<vmem>>, vector<16xf32>,
      %parallel_loop3A_589 = arith.constant 3 : i32
      %parallel_loop3A_590 = vector.broadcast %parallel_loop3A_589 : i32 to vector<16xi32>
      %parallel_loop3A_591 = tpu.vector_load_idx %arg6[%parallel_loop3A_590, %parallel_loop3A_567] : memref<4x4096xf32, #tpu.memory_space<vmem>>[vector<16xi32>, vector<16xi32>], vector<16xf32>,
      %parallel_loop3A_592 = arith.constant 0 : i32
      %parallel_loop3A_593 = arith.index_cast %parallel_loop3A_592 : i32 to index
      %parallel_loop3A_594 = arith.index_cast %parallel_loop3A_565 : i32 to index
      %parallel_loop3A_595 = tpu.vector_load %arg12[%parallel_loop3A_593, %parallel_loop3A_594] {strides = array<i32>} : memref<4x4096xf32, #tpu.memory_space<vmem>>, vector<16xf32>,
      tpu.vector_store %arg12[%parallel_loop3A_593, %parallel_loop3A_594], %parallel_loop3A_591 {strides = array<i32>} : memref<4x4096xf32, #tpu.memory_space<vmem>>, vector<16xf32>,
    } {sc.loop_unroll_factor = 8 : i64, sc.parallel_access}
    %add3A_296 = arith.constant 32 : i32
    %add3A_297 = arith.addi %sub3A_5, %add3A_296 : i32
    %sub3A_298 = arith.constant 2048 : i32
    %sub3A_299 = arith.subi %sub3A_298, %add3A_297 : i32
    %sub3A_300 = arith.constant 4 : i32
    %sub3A_301 = arith.subi %sub3A_299, %sub3A_300 : i32
    %dma_start3A_302 = arith.constant 0 : i32
    %dma_start3A_303 = tpu.memref_slice %arg4[%sub3A_301, %dma_start3A_302] : memref<2048x4096xf32, #tpu.memory_space<hbm>> -> memref<4x4096xf32, #tpu.memory_space<hbm>>
    %dma_start3A_304 = arith.constant 0 : i32
    %dma_start3A_305 = tpu.memref_slice %arg4[%sub3A_301, %dma_start3A_304] : memref<2048x4096xf32, #tpu.memory_space<hbm>> -> memref<4x4096xf32, #tpu.memory_space<hbm>>
    tpu.enqueue_dma source(%arg12 : memref<4x4096xf32, #tpu.memory_space<vmem>>) target(%dma_start3A_305 : memref<4x4096xf32, #tpu.memory_space<hbm>>) target_semaphore(%arg19 : memref<!tpu.dma_semaphore, #tpu.memory_space<semaphore_mem>>)
    %add3A_306 = arith.constant 48 : i32
    %add3A_307 = arith.addi %sub3A_5, %add3A_306 : i32
    %dma_start3A_308 = arith.constant 0 : i32
    %dma_start3A_309 = tpu.memref_slice %arg2[%add3A_307, %dma_start3A_308] : memref<2048x4096xf32, #tpu.memory_space<hbm>> -> memref<4x4096xf32, #tpu.memory_space<hbm>>
    %dma_start3A_310 = arith.constant 0 : i32
    %dma_start3A_311 = tpu.memref_slice %arg2[%add3A_307, %dma_start3A_310] : memref<2048x4096xf32, #tpu.memory_space<hbm>> -> memref<4x4096xf32, #tpu.memory_space<hbm>>
    tpu.enqueue_dma source(%dma_start3A_311 : memref<4x4096xf32, #tpu.memory_space<hbm>>) target(%arg6 : memref<4x4096xf32, #tpu.memory_space<vmem>>) target_semaphore(%arg13 : memref<!tpu.dma_semaphore, #tpu.memory_space<semaphore_mem>>)
    %add3A_312 = arith.constant 36 : i32
    %add3A_313 = arith.addi %sub3A_5, %add3A_312 : i32
    %dma_wait3A_314 = arith.constant 0 : i32
    %dma_wait3A_315 = tpu.memref_slice %arg2[%add3A_313, %dma_wait3A_314] : memref<2048x4096xf32, #tpu.memory_space<hbm>> -> memref<4x4096xf32, #tpu.memory_space<hbm>>
    %dma_wait3A_316 = arith.constant 0 : i32
    %dma_wait3A_317 = tpu.memref_slice %arg2[%add3A_313, %dma_wait3A_316] : memref<2048x4096xf32, #tpu.memory_space<hbm>> -> memref<4x4096xf32, #tpu.memory_space<hbm>>
    tpu.wait_dma2 semaphore(%arg14 : memref<!tpu.dma_semaphore, #tpu.memory_space<semaphore_mem>>) src(%dma_wait3A_317 : memref<4x4096xf32, #tpu.memory_space<hbm>>) dst(%arg7 : memref<4x4096xf32, #tpu.memory_space<vmem>>)
    %add3A_318 = arith.constant 24 : i32
    %add3A_319 = arith.addi %sub3A_5, %add3A_318 : i32
    %sub3A_320 = arith.constant 2048 : i32
    %sub3A_321 = arith.subi %sub3A_320, %add3A_319 : i32
    %sub3A_322 = arith.constant 4 : i32
    %sub3A_323 = arith.subi %sub3A_321, %sub3A_322 : i32
    %dma_wait3A_324 = arith.constant 0 : i32
    %dma_wait3A_325 = tpu.memref_slice %arg4[%sub3A_323, %dma_wait3A_324] : memref<2048x4096xf32, #tpu.memory_space<hbm>> -> memref<4x4096xf32, #tpu.memory_space<hbm>>
    %dma_wait3A_326 = arith.constant 0 : i32
    %dma_wait3A_327 = tpu.memref_slice %arg4[%sub3A_323, %dma_wait3A_326] : memref<2048x4096xf32, #tpu.memory_space<hbm>> -> memref<4x4096xf32, #tpu.memory_space<hbm>>
    tpu.wait_dma2 semaphore(%arg17 : memref<!tpu.dma_semaphore, #tpu.memory_space<semaphore_mem>>) src(%arg10 : memref<4x4096xf32, #tpu.memory_space<vmem>>) dst(%dma_wait3A_327 : memref<4x4096xf32, #tpu.memory_space<hbm>>)
    %parallel_loop3A_328 = arith.constant 0 : i32
    %parallel_loop3A_329 = arith.constant 256 : i32
    %parallel_loop3A_330 = arith.constant 1 : i32
    scf.for %parallel_loop3A_563 = %parallel_loop3A_328 to %parallel_loop3A_329 step %parallel_loop3A_330  : i32 {
      %parallel_loop3A_564 = arith.constant 16 : i32
      %parallel_loop3A_565 = arith.muli %parallel_loop3A_563, %parallel_loop3A_564 : i32
      %parallel_loop3A_566 = arith.index_cast %parallel_loop3A_565 : i32 to index
      %parallel_loop3A_567 = tpu.vector_load %arg5[%parallel_loop3A_566] {strides = array<i32>} : memref<4096xi32, #tpu.memory_space<vmem>>, vector<16xi32>,
      %parallel_loop3A_568 = arith.constant 0 : i32
      %parallel_loop3A_569 = vector.broadcast %parallel_loop3A_568 : i32 to vector<16xi32>
      %parallel_loop3A_570 = tpu.vector_load_idx %arg7[%parallel_loop3A_569, %parallel_loop3A_567] : memref<4x4096xf32, #tpu.memory_space<vmem>>[vector<16xi32>, vector<16xi32>], vector<16xf32>,
      %parallel_loop3A_571 = arith.constant 3 : i32
      %parallel_loop3A_572 = arith.index_cast %parallel_loop3A_571 : i32 to index
      %parallel_loop3A_573 = arith.index_cast %parallel_loop3A_565 : i32 to index
      %parallel_loop3A_574 = tpu.vector_load %arg10[%parallel_loop3A_572, %parallel_loop3A_573] {strides = array<i32>} : memref<4x4096xf32, #tpu.memory_space<vmem>>, vector<16xf32>,
      tpu.vector_store %arg10[%parallel_loop3A_572, %parallel_loop3A_573], %parallel_loop3A_570 {strides = array<i32>} : memref<4x4096xf32, #tpu.memory_space<vmem>>, vector<16xf32>,
      %parallel_loop3A_575 = arith.constant 1 : i32
      %parallel_loop3A_576 = vector.broadcast %parallel_loop3A_575 : i32 to vector<16xi32>
      %parallel_loop3A_577 = tpu.vector_load_idx %arg7[%parallel_loop3A_576, %parallel_loop3A_567] : memref<4x4096xf32, #tpu.memory_space<vmem>>[vector<16xi32>, vector<16xi32>], vector<16xf32>,
      %parallel_loop3A_578 = arith.constant 2 : i32
      %parallel_loop3A_579 = arith.index_cast %parallel_loop3A_578 : i32 to index
      %parallel_loop3A_580 = arith.index_cast %parallel_loop3A_565 : i32 to index
      %parallel_loop3A_581 = tpu.vector_load %arg10[%parallel_loop3A_579, %parallel_loop3A_580] {strides = array<i32>} : memref<4x4096xf32, #tpu.memory_space<vmem>>, vector<16xf32>,
      tpu.vector_store %arg10[%parallel_loop3A_579, %parallel_loop3A_580], %parallel_loop3A_577 {strides = array<i32>} : memref<4x4096xf32, #tpu.memory_space<vmem>>, vector<16xf32>,
      %parallel_loop3A_582 = arith.constant 2 : i32
      %parallel_loop3A_583 = vector.broadcast %parallel_loop3A_582 : i32 to vector<16xi32>
      %parallel_loop3A_584 = tpu.vector_load_idx %arg7[%parallel_loop3A_583, %parallel_loop3A_567] : memref<4x4096xf32, #tpu.memory_space<vmem>>[vector<16xi32>, vector<16xi32>], vector<16xf32>,
      %parallel_loop3A_585 = arith.constant 1 : i32
      %parallel_loop3A_586 = arith.index_cast %parallel_loop3A_585 : i32 to index
      %parallel_loop3A_587 = arith.index_cast %parallel_loop3A_565 : i32 to index
      %parallel_loop3A_588 = tpu.vector_load %arg10[%parallel_loop3A_586, %parallel_loop3A_587] {strides = array<i32>} : memref<4x4096xf32, #tpu.memory_space<vmem>>, vector<16xf32>,
      tpu.vector_store %arg10[%parallel_loop3A_586, %parallel_loop3A_587], %parallel_loop3A_584 {strides = array<i32>} : memref<4x4096xf32, #tpu.memory_space<vmem>>, vector<16xf32>,
      %parallel_loop3A_589 = arith.constant 3 : i32
      %parallel_loop3A_590 = vector.broadcast %parallel_loop3A_589 : i32 to vector<16xi32>
      %parallel_loop3A_591 = tpu.vector_load_idx %arg7[%parallel_loop3A_590, %parallel_loop3A_567] : memref<4x4096xf32, #tpu.memory_space<vmem>>[vector<16xi32>, vector<16xi32>], vector<16xf32>,
      %parallel_loop3A_592 = arith.constant 0 : i32
      %parallel_loop3A_593 = arith.index_cast %parallel_loop3A_592 : i32 to index
      %parallel_loop3A_594 = arith.index_cast %parallel_loop3A_565 : i32 to index
      %parallel_loop3A_595 = tpu.vector_load %arg10[%parallel_loop3A_593, %parallel_loop3A_594] {strides = array<i32>} : memref<4x4096xf32, #tpu.memory_space<vmem>>, vector<16xf32>,
      tpu.vector_store %arg10[%parallel_loop3A_593, %parallel_loop3A_594], %parallel_loop3A_591 {strides = array<i32>} : memref<4x4096xf32, #tpu.memory_space<vmem>>, vector<16xf32>,
    } {sc.loop_unroll_factor = 8 : i64, sc.parallel_access}
    %add3A_331 = arith.constant 36 : i32
    %add3A_332 = arith.addi %sub3A_5, %add3A_331 : i32
    %sub3A_333 = arith.constant 2048 : i32
    %sub3A_334 = arith.subi %sub3A_333, %add3A_332 : i32
    %sub3A_335 = arith.constant 4 : i32
    %sub3A_336 = arith.subi %sub3A_334, %sub3A_335 : i32
    %dma_start3A_337 = arith.constant 0 : i32
    %dma_start3A_338 = tpu.memref_slice %arg4[%sub3A_336, %dma_start3A_337] : memref<2048x4096xf32, #tpu.memory_space<hbm>> -> memref<4x4096xf32, #tpu.memory_space<hbm>>
    %dma_start3A_339 = arith.constant 0 : i32
    %dma_start3A_340 = tpu.memref_slice %arg4[%sub3A_336, %dma_start3A_339] : memref<2048x4096xf32, #tpu.memory_space<hbm>> -> memref<4x4096xf32, #tpu.memory_space<hbm>>
    tpu.enqueue_dma source(%arg10 : memref<4x4096xf32, #tpu.memory_space<vmem>>) target(%dma_start3A_340 : memref<4x4096xf32, #tpu.memory_space<hbm>>) target_semaphore(%arg17 : memref<!tpu.dma_semaphore, #tpu.memory_space<semaphore_mem>>)
    %add3A_341 = arith.constant 52 : i32
    %add3A_342 = arith.addi %sub3A_5, %add3A_341 : i32
    %dma_start3A_343 = arith.constant 0 : i32
    %dma_start3A_344 = tpu.memref_slice %arg2[%add3A_342, %dma_start3A_343] : memref<2048x4096xf32, #tpu.memory_space<hbm>> -> memref<4x4096xf32, #tpu.memory_space<hbm>>
    %dma_start3A_345 = arith.constant 0 : i32
    %dma_start3A_346 = tpu.memref_slice %arg2[%add3A_342, %dma_start3A_345] : memref<2048x4096xf32, #tpu.memory_space<hbm>> -> memref<4x4096xf32, #tpu.memory_space<hbm>>
    tpu.enqueue_dma source(%dma_start3A_346 : memref<4x4096xf32, #tpu.memory_space<hbm>>) target(%arg7 : memref<4x4096xf32, #tpu.memory_space<vmem>>) target_semaphore(%arg14 : memref<!tpu.dma_semaphore, #tpu.memory_space<semaphore_mem>>)
    %add3A_347 = arith.constant 40 : i32
    %add3A_348 = arith.addi %sub3A_5, %add3A_347 : i32
    %dma_wait3A_349 = arith.constant 0 : i32
    %dma_wait3A_350 = tpu.memref_slice %arg2[%add3A_348, %dma_wait3A_349] : memref<2048x4096xf32, #tpu.memory_space<hbm>> -> memref<4x4096xf32, #tpu.memory_space<hbm>>
    %dma_wait3A_351 = arith.constant 0 : i32
    %dma_wait3A_352 = tpu.memref_slice %arg2[%add3A_348, %dma_wait3A_351] : memref<2048x4096xf32, #tpu.memory_space<hbm>> -> memref<4x4096xf32, #tpu.memory_space<hbm>>
    tpu.wait_dma2 semaphore(%arg15 : memref<!tpu.dma_semaphore, #tpu.memory_space<semaphore_mem>>) src(%dma_wait3A_352 : memref<4x4096xf32, #tpu.memory_space<hbm>>) dst(%arg8 : memref<4x4096xf32, #tpu.memory_space<vmem>>)
    %add3A_353 = arith.constant 28 : i32
    %add3A_354 = arith.addi %sub3A_5, %add3A_353 : i32
    %sub3A_355 = arith.constant 2048 : i32
    %sub3A_356 = arith.subi %sub3A_355, %add3A_354 : i32
    %sub3A_357 = arith.constant 4 : i32
    %sub3A_358 = arith.subi %sub3A_356, %sub3A_357 : i32
    %dma_wait3A_359 = arith.constant 0 : i32
    %dma_wait3A_360 = tpu.memref_slice %arg4[%sub3A_358, %dma_wait3A_359] : memref<2048x4096xf32, #tpu.memory_space<hbm>> -> memref<4x4096xf32, #tpu.memory_space<hbm>>
    %dma_wait3A_361 = arith.constant 0 : i32
    %dma_wait3A_362 = tpu.memref_slice %arg4[%sub3A_358, %dma_wait3A_361] : memref<2048x4096xf32, #tpu.memory_space<hbm>> -> memref<4x4096xf32, #tpu.memory_space<hbm>>
    tpu.wait_dma2 semaphore(%arg18 : memref<!tpu.dma_semaphore, #tpu.memory_space<semaphore_mem>>) src(%arg11 : memref<4x4096xf32, #tpu.memory_space<vmem>>) dst(%dma_wait3A_362 : memref<4x4096xf32, #tpu.memory_space<hbm>>)
    %parallel_loop3A_363 = arith.constant 0 : i32
    %parallel_loop3A_364 = arith.constant 256 : i32
    %parallel_loop3A_365 = arith.constant 1 : i32
    scf.for %parallel_loop3A_563 = %parallel_loop3A_363 to %parallel_loop3A_364 step %parallel_loop3A_365  : i32 {
      %parallel_loop3A_564 = arith.constant 16 : i32
      %parallel_loop3A_565 = arith.muli %parallel_loop3A_563, %parallel_loop3A_564 : i32
      %parallel_loop3A_566 = arith.index_cast %parallel_loop3A_565 : i32 to index
      %parallel_loop3A_567 = tpu.vector_load %arg5[%parallel_loop3A_566] {strides = array<i32>} : memref<4096xi32, #tpu.memory_space<vmem>>, vector<16xi32>,
      %parallel_loop3A_568 = arith.constant 0 : i32
      %parallel_loop3A_569 = vector.broadcast %parallel_loop3A_568 : i32 to vector<16xi32>
      %parallel_loop3A_570 = tpu.vector_load_idx %arg8[%parallel_loop3A_569, %parallel_loop3A_567] : memref<4x4096xf32, #tpu.memory_space<vmem>>[vector<16xi32>, vector<16xi32>], vector<16xf32>,
      %parallel_loop3A_571 = arith.constant 3 : i32
      %parallel_loop3A_572 = arith.index_cast %parallel_loop3A_571 : i32 to index
      %parallel_loop3A_573 = arith.index_cast %parallel_loop3A_565 : i32 to index
      %parallel_loop3A_574 = tpu.vector_load %arg11[%parallel_loop3A_572, %parallel_loop3A_573] {strides = array<i32>} : memref<4x4096xf32, #tpu.memory_space<vmem>>, vector<16xf32>,
      tpu.vector_store %arg11[%parallel_loop3A_572, %parallel_loop3A_573], %parallel_loop3A_570 {strides = array<i32>} : memref<4x4096xf32, #tpu.memory_space<vmem>>, vector<16xf32>,
      %parallel_loop3A_575 = arith.constant 1 : i32
      %parallel_loop3A_576 = vector.broadcast %parallel_loop3A_575 : i32 to vector<16xi32>
      %parallel_loop3A_577 = tpu.vector_load_idx %arg8[%parallel_loop3A_576, %parallel_loop3A_567] : memref<4x4096xf32, #tpu.memory_space<vmem>>[vector<16xi32>, vector<16xi32>], vector<16xf32>,
      %parallel_loop3A_578 = arith.constant 2 : i32
      %parallel_loop3A_579 = arith.index_cast %parallel_loop3A_578 : i32 to index
      %parallel_loop3A_580 = arith.index_cast %parallel_loop3A_565 : i32 to index
      %parallel_loop3A_581 = tpu.vector_load %arg11[%parallel_loop3A_579, %parallel_loop3A_580] {strides = array<i32>} : memref<4x4096xf32, #tpu.memory_space<vmem>>, vector<16xf32>,
      tpu.vector_store %arg11[%parallel_loop3A_579, %parallel_loop3A_580], %parallel_loop3A_577 {strides = array<i32>} : memref<4x4096xf32, #tpu.memory_space<vmem>>, vector<16xf32>,
      %parallel_loop3A_582 = arith.constant 2 : i32
      %parallel_loop3A_583 = vector.broadcast %parallel_loop3A_582 : i32 to vector<16xi32>
      %parallel_loop3A_584 = tpu.vector_load_idx %arg8[%parallel_loop3A_583, %parallel_loop3A_567] : memref<4x4096xf32, #tpu.memory_space<vmem>>[vector<16xi32>, vector<16xi32>], vector<16xf32>,
      %parallel_loop3A_585 = arith.constant 1 : i32
      %parallel_loop3A_586 = arith.index_cast %parallel_loop3A_585 : i32 to index
      %parallel_loop3A_587 = arith.index_cast %parallel_loop3A_565 : i32 to index
      %parallel_loop3A_588 = tpu.vector_load %arg11[%parallel_loop3A_586, %parallel_loop3A_587] {strides = array<i32>} : memref<4x4096xf32, #tpu.memory_space<vmem>>, vector<16xf32>,
      tpu.vector_store %arg11[%parallel_loop3A_586, %parallel_loop3A_587], %parallel_loop3A_584 {strides = array<i32>} : memref<4x4096xf32, #tpu.memory_space<vmem>>, vector<16xf32>,
      %parallel_loop3A_589 = arith.constant 3 : i32
      %parallel_loop3A_590 = vector.broadcast %parallel_loop3A_589 : i32 to vector<16xi32>
      %parallel_loop3A_591 = tpu.vector_load_idx %arg8[%parallel_loop3A_590, %parallel_loop3A_567] : memref<4x4096xf32, #tpu.memory_space<vmem>>[vector<16xi32>, vector<16xi32>], vector<16xf32>,
      %parallel_loop3A_592 = arith.constant 0 : i32
      %parallel_loop3A_593 = arith.index_cast %parallel_loop3A_592 : i32 to index
      %parallel_loop3A_594 = arith.index_cast %parallel_loop3A_565 : i32 to index
      %parallel_loop3A_595 = tpu.vector_load %arg11[%parallel_loop3A_593, %parallel_loop3A_594] {strides = array<i32>} : memref<4x4096xf32, #tpu.memory_space<vmem>>, vector<16xf32>,
      tpu.vector_store %arg11[%parallel_loop3A_593, %parallel_loop3A_594], %parallel_loop3A_591 {strides = array<i32>} : memref<4x4096xf32, #tpu.memory_space<vmem>>, vector<16xf32>,
    } {sc.loop_unroll_factor = 8 : i64, sc.parallel_access}
    %add3A_366 = arith.constant 40 : i32
    %add3A_367 = arith.addi %sub3A_5, %add3A_366 : i32
    %sub3A_368 = arith.constant 2048 : i32
    %sub3A_369 = arith.subi %sub3A_368, %add3A_367 : i32
    %sub3A_370 = arith.constant 4 : i32
    %sub3A_371 = arith.subi %sub3A_369, %sub3A_370 : i32
    %dma_start3A_372 = arith.constant 0 : i32
    %dma_start3A_373 = tpu.memref_slice %arg4[%sub3A_371, %dma_start3A_372] : memref<2048x4096xf32, #tpu.memory_space<hbm>> -> memref<4x4096xf32, #tpu.memory_space<hbm>>
    %dma_start3A_374 = arith.constant 0 : i32
    %dma_start3A_375 = tpu.memref_slice %arg4[%sub3A_371, %dma_start3A_374] : memref<2048x4096xf32, #tpu.memory_space<hbm>> -> memref<4x4096xf32, #tpu.memory_space<hbm>>
    tpu.enqueue_dma source(%arg11 : memref<4x4096xf32, #tpu.memory_space<vmem>>) target(%dma_start3A_375 : memref<4x4096xf32, #tpu.memory_space<hbm>>) target_semaphore(%arg18 : memref<!tpu.dma_semaphore, #tpu.memory_space<semaphore_mem>>)
    %add3A_376 = arith.constant 56 : i32
    %add3A_377 = arith.addi %sub3A_5, %add3A_376 : i32
    %dma_start3A_378 = arith.constant 0 : i32
    %dma_start3A_379 = tpu.memref_slice %arg2[%add3A_377, %dma_start3A_378] : memref<2048x4096xf32, #tpu.memory_space<hbm>> -> memref<4x4096xf32, #tpu.memory_space<hbm>>
    %dma_start3A_380 = arith.constant 0 : i32
    %dma_start3A_381 = tpu.memref_slice %arg2[%add3A_377, %dma_start3A_380] : memref<2048x4096xf32, #tpu.memory_space<hbm>> -> memref<4x4096xf32, #tpu.memory_space<hbm>>
    tpu.enqueue_dma source(%dma_start3A_381 : memref<4x4096xf32, #tpu.memory_space<hbm>>) target(%arg8 : memref<4x4096xf32, #tpu.memory_space<vmem>>) target_semaphore(%arg15 : memref<!tpu.dma_semaphore, #tpu.memory_space<semaphore_mem>>)
    %add3A_382 = arith.constant 44 : i32
    %add3A_383 = arith.addi %sub3A_5, %add3A_382 : i32
    %dma_wait3A_384 = arith.constant 0 : i32
    %dma_wait3A_385 = tpu.memref_slice %arg2[%add3A_383, %dma_wait3A_384] : memref<2048x4096xf32, #tpu.memory_space<hbm>> -> memref<4x4096xf32, #tpu.memory_space<hbm>>
    %dma_wait3A_386 = arith.constant 0 : i32
    %dma_wait3A_387 = tpu.memref_slice %arg2[%add3A_383, %dma_wait3A_386] : memref<2048x4096xf32, #tpu.memory_space<hbm>> -> memref<4x4096xf32, #tpu.memory_space<hbm>>
    tpu.wait_dma2 semaphore(%arg16 : memref<!tpu.dma_semaphore, #tpu.memory_space<semaphore_mem>>) src(%dma_wait3A_387 : memref<4x4096xf32, #tpu.memory_space<hbm>>) dst(%arg9 : memref<4x4096xf32, #tpu.memory_space<vmem>>)
    %add3A_388 = arith.constant 32 : i32
    %add3A_389 = arith.addi %sub3A_5, %add3A_388 : i32
    %sub3A_390 = arith.constant 2048 : i32
    %sub3A_391 = arith.subi %sub3A_390, %add3A_389 : i32
    %sub3A_392 = arith.constant 4 : i32
    %sub3A_393 = arith.subi %sub3A_391, %sub3A_392 : i32
    %dma_wait3A_394 = arith.constant 0 : i32
    %dma_wait3A_395 = tpu.memref_slice %arg4[%sub3A_393, %dma_wait3A_394] : memref<2048x4096xf32, #tpu.memory_space<hbm>> -> memref<4x4096xf32, #tpu.memory_space<hbm>>
    %dma_wait3A_396 = arith.constant 0 : i32
    %dma_wait3A_397 = tpu.memref_slice %arg4[%sub3A_393, %dma_wait3A_396] : memref<2048x4096xf32, #tpu.memory_space<hbm>> -> memref<4x4096xf32, #tpu.memory_space<hbm>>
    tpu.wait_dma2 semaphore(%arg19 : memref<!tpu.dma_semaphore, #tpu.memory_space<semaphore_mem>>) src(%arg12 : memref<4x4096xf32, #tpu.memory_space<vmem>>) dst(%dma_wait3A_397 : memref<4x4096xf32, #tpu.memory_space<hbm>>)
    %parallel_loop3A_398 = arith.constant 0 : i32
    %parallel_loop3A_399 = arith.constant 256 : i32
    %parallel_loop3A_400 = arith.constant 1 : i32
    scf.for %parallel_loop3A_563 = %parallel_loop3A_398 to %parallel_loop3A_399 step %parallel_loop3A_400  : i32 {
      %parallel_loop3A_564 = arith.constant 16 : i32
      %parallel_loop3A_565 = arith.muli %parallel_loop3A_563, %parallel_loop3A_564 : i32
      %parallel_loop3A_566 = arith.index_cast %parallel_loop3A_565 : i32 to index
      %parallel_loop3A_567 = tpu.vector_load %arg5[%parallel_loop3A_566] {strides = array<i32>} : memref<4096xi32, #tpu.memory_space<vmem>>, vector<16xi32>,
      %parallel_loop3A_568 = arith.constant 0 : i32
      %parallel_loop3A_569 = vector.broadcast %parallel_loop3A_568 : i32 to vector<16xi32>
      %parallel_loop3A_570 = tpu.vector_load_idx %arg9[%parallel_loop3A_569, %parallel_loop3A_567] : memref<4x4096xf32, #tpu.memory_space<vmem>>[vector<16xi32>, vector<16xi32>], vector<16xf32>,
      %parallel_loop3A_571 = arith.constant 3 : i32
      %parallel_loop3A_572 = arith.index_cast %parallel_loop3A_571 : i32 to index
      %parallel_loop3A_573 = arith.index_cast %parallel_loop3A_565 : i32 to index
      %parallel_loop3A_574 = tpu.vector_load %arg12[%parallel_loop3A_572, %parallel_loop3A_573] {strides = array<i32>} : memref<4x4096xf32, #tpu.memory_space<vmem>>, vector<16xf32>,
      tpu.vector_store %arg12[%parallel_loop3A_572, %parallel_loop3A_573], %parallel_loop3A_570 {strides = array<i32>} : memref<4x4096xf32, #tpu.memory_space<vmem>>, vector<16xf32>,
      %parallel_loop3A_575 = arith.constant 1 : i32
      %parallel_loop3A_576 = vector.broadcast %parallel_loop3A_575 : i32 to vector<16xi32>
      %parallel_loop3A_577 = tpu.vector_load_idx %arg9[%parallel_loop3A_576, %parallel_loop3A_567] : memref<4x4096xf32, #tpu.memory_space<vmem>>[vector<16xi32>, vector<16xi32>], vector<16xf32>,
      %parallel_loop3A_578 = arith.constant 2 : i32
      %parallel_loop3A_579 = arith.index_cast %parallel_loop3A_578 : i32 to index
      %parallel_loop3A_580 = arith.index_cast %parallel_loop3A_565 : i32 to index
      %parallel_loop3A_581 = tpu.vector_load %arg12[%parallel_loop3A_579, %parallel_loop3A_580] {strides = array<i32>} : memref<4x4096xf32, #tpu.memory_space<vmem>>, vector<16xf32>,
      tpu.vector_store %arg12[%parallel_loop3A_579, %parallel_loop3A_580], %parallel_loop3A_577 {strides = array<i32>} : memref<4x4096xf32, #tpu.memory_space<vmem>>, vector<16xf32>,
      %parallel_loop3A_582 = arith.constant 2 : i32
      %parallel_loop3A_583 = vector.broadcast %parallel_loop3A_582 : i32 to vector<16xi32>
      %parallel_loop3A_584 = tpu.vector_load_idx %arg9[%parallel_loop3A_583, %parallel_loop3A_567] : memref<4x4096xf32, #tpu.memory_space<vmem>>[vector<16xi32>, vector<16xi32>], vector<16xf32>,
      %parallel_loop3A_585 = arith.constant 1 : i32
      %parallel_loop3A_586 = arith.index_cast %parallel_loop3A_585 : i32 to index
      %parallel_loop3A_587 = arith.index_cast %parallel_loop3A_565 : i32 to index
      %parallel_loop3A_588 = tpu.vector_load %arg12[%parallel_loop3A_586, %parallel_loop3A_587] {strides = array<i32>} : memref<4x4096xf32, #tpu.memory_space<vmem>>, vector<16xf32>,
      tpu.vector_store %arg12[%parallel_loop3A_586, %parallel_loop3A_587], %parallel_loop3A_584 {strides = array<i32>} : memref<4x4096xf32, #tpu.memory_space<vmem>>, vector<16xf32>,
      %parallel_loop3A_589 = arith.constant 3 : i32
      %parallel_loop3A_590 = vector.broadcast %parallel_loop3A_589 : i32 to vector<16xi32>
      %parallel_loop3A_591 = tpu.vector_load_idx %arg9[%parallel_loop3A_590, %parallel_loop3A_567] : memref<4x4096xf32, #tpu.memory_space<vmem>>[vector<16xi32>, vector<16xi32>], vector<16xf32>,
      %parallel_loop3A_592 = arith.constant 0 : i32
      %parallel_loop3A_593 = arith.index_cast %parallel_loop3A_592 : i32 to index
      %parallel_loop3A_594 = arith.index_cast %parallel_loop3A_565 : i32 to index
      %parallel_loop3A_595 = tpu.vector_load %arg12[%parallel_loop3A_593, %parallel_loop3A_594] {strides = array<i32>} : memref<4x4096xf32, #tpu.memory_space<vmem>>, vector<16xf32>,
      tpu.vector_store %arg12[%parallel_loop3A_593, %parallel_loop3A_594], %parallel_loop3A_591 {strides = array<i32>} : memref<4x4096xf32, #tpu.memory_space<vmem>>, vector<16xf32>,
    } {sc.loop_unroll_factor = 8 : i64, sc.parallel_access}
    %add3A_401 = arith.constant 44 : i32
    %add3A_402 = arith.addi %sub3A_5, %add3A_401 : i32
    %sub3A_403 = arith.constant 2048 : i32
    %sub3A_404 = arith.subi %sub3A_403, %add3A_402 : i32
    %sub3A_405 = arith.constant 4 : i32
    %sub3A_406 = arith.subi %sub3A_404, %sub3A_405 : i32
    %dma_start3A_407 = arith.constant 0 : i32
    %dma_start3A_408 = tpu.memref_slice %arg4[%sub3A_406, %dma_start3A_407] : memref<2048x4096xf32, #tpu.memory_space<hbm>> -> memref<4x4096xf32, #tpu.memory_space<hbm>>
    %dma_start3A_409 = arith.constant 0 : i32
    %dma_start3A_410 = tpu.memref_slice %arg4[%sub3A_406, %dma_start3A_409] : memref<2048x4096xf32, #tpu.memory_space<hbm>> -> memref<4x4096xf32, #tpu.memory_space<hbm>>
    tpu.enqueue_dma source(%arg12 : memref<4x4096xf32, #tpu.memory_space<vmem>>) target(%dma_start3A_410 : memref<4x4096xf32, #tpu.memory_space<hbm>>) target_semaphore(%arg19 : memref<!tpu.dma_semaphore, #tpu.memory_space<semaphore_mem>>)
    %add3A_411 = arith.constant 60 : i32
    %add3A_412 = arith.addi %sub3A_5, %add3A_411 : i32
    %dma_start3A_413 = arith.constant 0 : i32
    %dma_start3A_414 = tpu.memref_slice %arg2[%add3A_412, %dma_start3A_413] : memref<2048x4096xf32, #tpu.memory_space<hbm>> -> memref<4x4096xf32, #tpu.memory_space<hbm>>
    %dma_start3A_415 = arith.constant 0 : i32
    %dma_start3A_416 = tpu.memref_slice %arg2[%add3A_412, %dma_start3A_415] : memref<2048x4096xf32, #tpu.memory_space<hbm>> -> memref<4x4096xf32, #tpu.memory_space<hbm>>
    tpu.enqueue_dma source(%dma_start3A_416 : memref<4x4096xf32, #tpu.memory_space<hbm>>) target(%arg9 : memref<4x4096xf32, #tpu.memory_space<vmem>>) target_semaphore(%arg16 : memref<!tpu.dma_semaphore, #tpu.memory_space<semaphore_mem>>)
    %add3A_417 = arith.constant 48 : i32
    %add3A_418 = arith.addi %sub3A_5, %add3A_417 : i32
    %dma_wait3A_419 = arith.constant 0 : i32
    %dma_wait3A_420 = tpu.memref_slice %arg2[%add3A_418, %dma_wait3A_419] : memref<2048x4096xf32, #tpu.memory_space<hbm>> -> memref<4x4096xf32, #tpu.memory_space<hbm>>
    %dma_wait3A_421 = arith.constant 0 : i32
    %dma_wait3A_422 = tpu.memref_slice %arg2[%add3A_418, %dma_wait3A_421] : memref<2048x4096xf32, #tpu.memory_space<hbm>> -> memref<4x4096xf32, #tpu.memory_space<hbm>>
    tpu.wait_dma2 semaphore(%arg13 : memref<!tpu.dma_semaphore, #tpu.memory_space<semaphore_mem>>) src(%dma_wait3A_422 : memref<4x4096xf32, #tpu.memory_space<hbm>>) dst(%arg6 : memref<4x4096xf32, #tpu.memory_space<vmem>>)
    %add3A_423 = arith.constant 36 : i32
    %add3A_424 = arith.addi %sub3A_5, %add3A_423 : i32
    %sub3A_425 = arith.constant 2048 : i32
    %sub3A_426 = arith.subi %sub3A_425, %add3A_424 : i32
    %sub3A_427 = arith.constant 4 : i32
    %sub3A_428 = arith.subi %sub3A_426, %sub3A_427 : i32
    %dma_wait3A_429 = arith.constant 0 : i32
    %dma_wait3A_430 = tpu.memref_slice %arg4[%sub3A_428, %dma_wait3A_429] : memref<2048x4096xf32, #tpu.memory_space<hbm>> -> memref<4x4096xf32, #tpu.memory_space<hbm>>
    %dma_wait3A_431 = arith.constant 0 : i32
    %dma_wait3A_432 = tpu.memref_slice %arg4[%sub3A_428, %dma_wait3A_431] : memref<2048x4096xf32, #tpu.memory_space<hbm>> -> memref<4x4096xf32, #tpu.memory_space<hbm>>
    tpu.wait_dma2 semaphore(%arg17 : memref<!tpu.dma_semaphore, #tpu.memory_space<semaphore_mem>>) src(%arg10 : memref<4x4096xf32, #tpu.memory_space<vmem>>) dst(%dma_wait3A_432 : memref<4x4096xf32, #tpu.memory_space<hbm>>)
    %parallel_loop3A_433 = arith.constant 0 : i32
    %parallel_loop3A_434 = arith.constant 256 : i32
    %parallel_loop3A_435 = arith.constant 1 : i32
    scf.for %parallel_loop3A_563 = %parallel_loop3A_433 to %parallel_loop3A_434 step %parallel_loop3A_435  : i32 {
      %parallel_loop3A_564 = arith.constant 16 : i32
      %parallel_loop3A_565 = arith.muli %parallel_loop3A_563, %parallel_loop3A_564 : i32
      %parallel_loop3A_566 = arith.index_cast %parallel_loop3A_565 : i32 to index
      %parallel_loop3A_567 = tpu.vector_load %arg5[%parallel_loop3A_566] {strides = array<i32>} : memref<4096xi32, #tpu.memory_space<vmem>>, vector<16xi32>,
      %parallel_loop3A_568 = arith.constant 0 : i32
      %parallel_loop3A_569 = vector.broadcast %parallel_loop3A_568 : i32 to vector<16xi32>
      %parallel_loop3A_570 = tpu.vector_load_idx %arg6[%parallel_loop3A_569, %parallel_loop3A_567] : memref<4x4096xf32, #tpu.memory_space<vmem>>[vector<16xi32>, vector<16xi32>], vector<16xf32>,
      %parallel_loop3A_571 = arith.constant 3 : i32
      %parallel_loop3A_572 = arith.index_cast %parallel_loop3A_571 : i32 to index
      %parallel_loop3A_573 = arith.index_cast %parallel_loop3A_565 : i32 to index
      %parallel_loop3A_574 = tpu.vector_load %arg10[%parallel_loop3A_572, %parallel_loop3A_573] {strides = array<i32>} : memref<4x4096xf32, #tpu.memory_space<vmem>>, vector<16xf32>,
      tpu.vector_store %arg10[%parallel_loop3A_572, %parallel_loop3A_573], %parallel_loop3A_570 {strides = array<i32>} : memref<4x4096xf32, #tpu.memory_space<vmem>>, vector<16xf32>,
      %parallel_loop3A_575 = arith.constant 1 : i32
      %parallel_loop3A_576 = vector.broadcast %parallel_loop3A_575 : i32 to vector<16xi32>
      %parallel_loop3A_577 = tpu.vector_load_idx %arg6[%parallel_loop3A_576, %parallel_loop3A_567] : memref<4x4096xf32, #tpu.memory_space<vmem>>[vector<16xi32>, vector<16xi32>], vector<16xf32>,
      %parallel_loop3A_578 = arith.constant 2 : i32
      %parallel_loop3A_579 = arith.index_cast %parallel_loop3A_578 : i32 to index
      %parallel_loop3A_580 = arith.index_cast %parallel_loop3A_565 : i32 to index
      %parallel_loop3A_581 = tpu.vector_load %arg10[%parallel_loop3A_579, %parallel_loop3A_580] {strides = array<i32>} : memref<4x4096xf32, #tpu.memory_space<vmem>>, vector<16xf32>,
      tpu.vector_store %arg10[%parallel_loop3A_579, %parallel_loop3A_580], %parallel_loop3A_577 {strides = array<i32>} : memref<4x4096xf32, #tpu.memory_space<vmem>>, vector<16xf32>,
      %parallel_loop3A_582 = arith.constant 2 : i32
      %parallel_loop3A_583 = vector.broadcast %parallel_loop3A_582 : i32 to vector<16xi32>
      %parallel_loop3A_584 = tpu.vector_load_idx %arg6[%parallel_loop3A_583, %parallel_loop3A_567] : memref<4x4096xf32, #tpu.memory_space<vmem>>[vector<16xi32>, vector<16xi32>], vector<16xf32>,
      %parallel_loop3A_585 = arith.constant 1 : i32
      %parallel_loop3A_586 = arith.index_cast %parallel_loop3A_585 : i32 to index
      %parallel_loop3A_587 = arith.index_cast %parallel_loop3A_565 : i32 to index
      %parallel_loop3A_588 = tpu.vector_load %arg10[%parallel_loop3A_586, %parallel_loop3A_587] {strides = array<i32>} : memref<4x4096xf32, #tpu.memory_space<vmem>>, vector<16xf32>,
      tpu.vector_store %arg10[%parallel_loop3A_586, %parallel_loop3A_587], %parallel_loop3A_584 {strides = array<i32>} : memref<4x4096xf32, #tpu.memory_space<vmem>>, vector<16xf32>,
      %parallel_loop3A_589 = arith.constant 3 : i32
      %parallel_loop3A_590 = vector.broadcast %parallel_loop3A_589 : i32 to vector<16xi32>
      %parallel_loop3A_591 = tpu.vector_load_idx %arg6[%parallel_loop3A_590, %parallel_loop3A_567] : memref<4x4096xf32, #tpu.memory_space<vmem>>[vector<16xi32>, vector<16xi32>], vector<16xf32>,
      %parallel_loop3A_592 = arith.constant 0 : i32
      %parallel_loop3A_593 = arith.index_cast %parallel_loop3A_592 : i32 to index
      %parallel_loop3A_594 = arith.index_cast %parallel_loop3A_565 : i32 to index
      %parallel_loop3A_595 = tpu.vector_load %arg10[%parallel_loop3A_593, %parallel_loop3A_594] {strides = array<i32>} : memref<4x4096xf32, #tpu.memory_space<vmem>>, vector<16xf32>,
      tpu.vector_store %arg10[%parallel_loop3A_593, %parallel_loop3A_594], %parallel_loop3A_591 {strides = array<i32>} : memref<4x4096xf32, #tpu.memory_space<vmem>>, vector<16xf32>,
    } {sc.loop_unroll_factor = 8 : i64, sc.parallel_access}
    %add3A_436 = arith.constant 48 : i32
    %add3A_437 = arith.addi %sub3A_5, %add3A_436 : i32
    %sub3A_438 = arith.constant 2048 : i32
    %sub3A_439 = arith.subi %sub3A_438, %add3A_437 : i32
    %sub3A_440 = arith.constant 4 : i32
    %sub3A_441 = arith.subi %sub3A_439, %sub3A_440 : i32
    %dma_start3A_442 = arith.constant 0 : i32
    %dma_start3A_443 = tpu.memref_slice %arg4[%sub3A_441, %dma_start3A_442] : memref<2048x4096xf32, #tpu.memory_space<hbm>> -> memref<4x4096xf32, #tpu.memory_space<hbm>>
    %dma_start3A_444 = arith.constant 0 : i32
    %dma_start3A_445 = tpu.memref_slice %arg4[%sub3A_441, %dma_start3A_444] : memref<2048x4096xf32, #tpu.memory_space<hbm>> -> memref<4x4096xf32, #tpu.memory_space<hbm>>
    tpu.enqueue_dma source(%arg10 : memref<4x4096xf32, #tpu.memory_space<vmem>>) target(%dma_start3A_445 : memref<4x4096xf32, #tpu.memory_space<hbm>>) target_semaphore(%arg17 : memref<!tpu.dma_semaphore, #tpu.memory_space<semaphore_mem>>)
    %add3A_446 = arith.constant 52 : i32
    %add3A_447 = arith.addi %sub3A_5, %add3A_446 : i32
    %dma_wait3A_448 = arith.constant 0 : i32
    %dma_wait3A_449 = tpu.memref_slice %arg2[%add3A_447, %dma_wait3A_448] : memref<2048x4096xf32, #tpu.memory_space<hbm>> -> memref<4x4096xf32, #tpu.memory_space<hbm>>
    %dma_wait3A_450 = arith.constant 0 : i32
    %dma_wait3A_451 = tpu.memref_slice %arg2[%add3A_447, %dma_wait3A_450] : memref<2048x4096xf32, #tpu.memory_space<hbm>> -> memref<4x4096xf32, #tpu.memory_space<hbm>>
    tpu.wait_dma2 semaphore(%arg14 : memref<!tpu.dma_semaphore, #tpu.memory_space<semaphore_mem>>) src(%dma_wait3A_451 : memref<4x4096xf32, #tpu.memory_space<hbm>>) dst(%arg7 : memref<4x4096xf32, #tpu.memory_space<vmem>>)
    %add3A_452 = arith.constant 40 : i32
    %add3A_453 = arith.addi %sub3A_5, %add3A_452 : i32
    %sub3A_454 = arith.constant 2048 : i32
    %sub3A_455 = arith.subi %sub3A_454, %add3A_453 : i32
    %sub3A_456 = arith.constant 4 : i32
    %sub3A_457 = arith.subi %sub3A_455, %sub3A_456 : i32
    %dma_wait3A_458 = arith.constant 0 : i32
    %dma_wait3A_459 = tpu.memref_slice %arg4[%sub3A_457, %dma_wait3A_458] : memref<2048x4096xf32, #tpu.memory_space<hbm>> -> memref<4x4096xf32, #tpu.memory_space<hbm>>
    %dma_wait3A_460 = arith.constant 0 : i32
    %dma_wait3A_461 = tpu.memref_slice %arg4[%sub3A_457, %dma_wait3A_460] : memref<2048x4096xf32, #tpu.memory_space<hbm>> -> memref<4x4096xf32, #tpu.memory_space<hbm>>
    tpu.wait_dma2 semaphore(%arg18 : memref<!tpu.dma_semaphore, #tpu.memory_space<semaphore_mem>>) src(%arg11 : memref<4x4096xf32, #tpu.memory_space<vmem>>) dst(%dma_wait3A_461 : memref<4x4096xf32, #tpu.memory_space<hbm>>)
    %parallel_loop3A_462 = arith.constant 0 : i32
    %parallel_loop3A_463 = arith.constant 256 : i32
    %parallel_loop3A_464 = arith.constant 1 : i32
    scf.for %parallel_loop3A_563 = %parallel_loop3A_462 to %parallel_loop3A_463 step %parallel_loop3A_464  : i32 {
      %parallel_loop3A_564 = arith.constant 16 : i32
      %parallel_loop3A_565 = arith.muli %parallel_loop3A_563, %parallel_loop3A_564 : i32
      %parallel_loop3A_566 = arith.index_cast %parallel_loop3A_565 : i32 to index
      %parallel_loop3A_567 = tpu.vector_load %arg5[%parallel_loop3A_566] {strides = array<i32>} : memref<4096xi32, #tpu.memory_space<vmem>>, vector<16xi32>,
      %parallel_loop3A_568 = arith.constant 0 : i32
      %parallel_loop3A_569 = vector.broadcast %parallel_loop3A_568 : i32 to vector<16xi32>
      %parallel_loop3A_570 = tpu.vector_load_idx %arg7[%parallel_loop3A_569, %parallel_loop3A_567] : memref<4x4096xf32, #tpu.memory_space<vmem>>[vector<16xi32>, vector<16xi32>], vector<16xf32>,
      %parallel_loop3A_571 = arith.constant 3 : i32
      %parallel_loop3A_572 = arith.index_cast %parallel_loop3A_571 : i32 to index
      %parallel_loop3A_573 = arith.index_cast %parallel_loop3A_565 : i32 to index
      %parallel_loop3A_574 = tpu.vector_load %arg11[%parallel_loop3A_572, %parallel_loop3A_573] {strides = array<i32>} : memref<4x4096xf32, #tpu.memory_space<vmem>>, vector<16xf32>,
      tpu.vector_store %arg11[%parallel_loop3A_572, %parallel_loop3A_573], %parallel_loop3A_570 {strides = array<i32>} : memref<4x4096xf32, #tpu.memory_space<vmem>>, vector<16xf32>,
      %parallel_loop3A_575 = arith.constant 1 : i32
      %parallel_loop3A_576 = vector.broadcast %parallel_loop3A_575 : i32 to vector<16xi32>
      %parallel_loop3A_577 = tpu.vector_load_idx %arg7[%parallel_loop3A_576, %parallel_loop3A_567] : memref<4x4096xf32, #tpu.memory_space<vmem>>[vector<16xi32>, vector<16xi32>], vector<16xf32>,
      %parallel_loop3A_578 = arith.constant 2 : i32
      %parallel_loop3A_579 = arith.index_cast %parallel_loop3A_578 : i32 to index
      %parallel_loop3A_580 = arith.index_cast %parallel_loop3A_565 : i32 to index
      %parallel_loop3A_581 = tpu.vector_load %arg11[%parallel_loop3A_579, %parallel_loop3A_580] {strides = array<i32>} : memref<4x4096xf32, #tpu.memory_space<vmem>>, vector<16xf32>,
      tpu.vector_store %arg11[%parallel_loop3A_579, %parallel_loop3A_580], %parallel_loop3A_577 {strides = array<i32>} : memref<4x4096xf32, #tpu.memory_space<vmem>>, vector<16xf32>,
      %parallel_loop3A_582 = arith.constant 2 : i32
      %parallel_loop3A_583 = vector.broadcast %parallel_loop3A_582 : i32 to vector<16xi32>
      %parallel_loop3A_584 = tpu.vector_load_idx %arg7[%parallel_loop3A_583, %parallel_loop3A_567] : memref<4x4096xf32, #tpu.memory_space<vmem>>[vector<16xi32>, vector<16xi32>], vector<16xf32>,
      %parallel_loop3A_585 = arith.constant 1 : i32
      %parallel_loop3A_586 = arith.index_cast %parallel_loop3A_585 : i32 to index
      %parallel_loop3A_587 = arith.index_cast %parallel_loop3A_565 : i32 to index
      %parallel_loop3A_588 = tpu.vector_load %arg11[%parallel_loop3A_586, %parallel_loop3A_587] {strides = array<i32>} : memref<4x4096xf32, #tpu.memory_space<vmem>>, vector<16xf32>,
      tpu.vector_store %arg11[%parallel_loop3A_586, %parallel_loop3A_587], %parallel_loop3A_584 {strides = array<i32>} : memref<4x4096xf32, #tpu.memory_space<vmem>>, vector<16xf32>,
      %parallel_loop3A_589 = arith.constant 3 : i32
      %parallel_loop3A_590 = vector.broadcast %parallel_loop3A_589 : i32 to vector<16xi32>
      %parallel_loop3A_591 = tpu.vector_load_idx %arg7[%parallel_loop3A_590, %parallel_loop3A_567] : memref<4x4096xf32, #tpu.memory_space<vmem>>[vector<16xi32>, vector<16xi32>], vector<16xf32>,
      %parallel_loop3A_592 = arith.constant 0 : i32
      %parallel_loop3A_593 = arith.index_cast %parallel_loop3A_592 : i32 to index
      %parallel_loop3A_594 = arith.index_cast %parallel_loop3A_565 : i32 to index
      %parallel_loop3A_595 = tpu.vector_load %arg11[%parallel_loop3A_593, %parallel_loop3A_594] {strides = array<i32>} : memref<4x4096xf32, #tpu.memory_space<vmem>>, vector<16xf32>,
      tpu.vector_store %arg11[%parallel_loop3A_593, %parallel_loop3A_594], %parallel_loop3A_591 {strides = array<i32>} : memref<4x4096xf32, #tpu.memory_space<vmem>>, vector<16xf32>,
    } {sc.loop_unroll_factor = 8 : i64, sc.parallel_access}
    %add3A_465 = arith.constant 52 : i32
    %add3A_466 = arith.addi %sub3A_5, %add3A_465 : i32
    %sub3A_467 = arith.constant 2048 : i32
    %sub3A_468 = arith.subi %sub3A_467, %add3A_466 : i32
    %sub3A_469 = arith.constant 4 : i32
    %sub3A_470 = arith.subi %sub3A_468, %sub3A_469 : i32
    %dma_start3A_471 = arith.constant 0 : i32
    %dma_start3A_472 = tpu.memref_slice %arg4[%sub3A_470, %dma_start3A_471] : memref<2048x4096xf32, #tpu.memory_space<hbm>> -> memref<4x4096xf32, #tpu.memory_space<hbm>>
    %dma_start3A_473 = arith.constant 0 : i32
    %dma_start3A_474 = tpu.memref_slice %arg4[%sub3A_470, %dma_start3A_473] : memref<2048x4096xf32, #tpu.memory_space<hbm>> -> memref<4x4096xf32, #tpu.memory_space<hbm>>
    tpu.enqueue_dma source(%arg11 : memref<4x4096xf32, #tpu.memory_space<vmem>>) target(%dma_start3A_474 : memref<4x4096xf32, #tpu.memory_space<hbm>>) target_semaphore(%arg18 : memref<!tpu.dma_semaphore, #tpu.memory_space<semaphore_mem>>)
    %add3A_475 = arith.constant 56 : i32
    %add3A_476 = arith.addi %sub3A_5, %add3A_475 : i32
    %dma_wait3A_477 = arith.constant 0 : i32
    %dma_wait3A_478 = tpu.memref_slice %arg2[%add3A_476, %dma_wait3A_477] : memref<2048x4096xf32, #tpu.memory_space<hbm>> -> memref<4x4096xf32, #tpu.memory_space<hbm>>
    %dma_wait3A_479 = arith.constant 0 : i32
    %dma_wait3A_480 = tpu.memref_slice %arg2[%add3A_476, %dma_wait3A_479] : memref<2048x4096xf32, #tpu.memory_space<hbm>> -> memref<4x4096xf32, #tpu.memory_space<hbm>>
    tpu.wait_dma2 semaphore(%arg15 : memref<!tpu.dma_semaphore, #tpu.memory_space<semaphore_mem>>) src(%dma_wait3A_480 : memref<4x4096xf32, #tpu.memory_space<hbm>>) dst(%arg8 : memref<4x4096xf32, #tpu.memory_space<vmem>>)
    %add3A_481 = arith.constant 44 : i32
    %add3A_482 = arith.addi %sub3A_5, %add3A_481 : i32
    %sub3A_483 = arith.constant 2048 : i32
    %sub3A_484 = arith.subi %sub3A_483, %add3A_482 : i32
    %sub3A_485 = arith.constant 4 : i32
    %sub3A_486 = arith.subi %sub3A_484, %sub3A_485 : i32
    %dma_wait3A_487 = arith.constant 0 : i32
    %dma_wait3A_488 = tpu.memref_slice %arg4[%sub3A_486, %dma_wait3A_487] : memref<2048x4096xf32, #tpu.memory_space<hbm>> -> memref<4x4096xf32, #tpu.memory_space<hbm>>
    %dma_wait3A_489 = arith.constant 0 : i32
    %dma_wait3A_490 = tpu.memref_slice %arg4[%sub3A_486, %dma_wait3A_489] : memref<2048x4096xf32, #tpu.memory_space<hbm>> -> memref<4x4096xf32, #tpu.memory_space<hbm>>
    tpu.wait_dma2 semaphore(%arg19 : memref<!tpu.dma_semaphore, #tpu.memory_space<semaphore_mem>>) src(%arg12 : memref<4x4096xf32, #tpu.memory_space<vmem>>) dst(%dma_wait3A_490 : memref<4x4096xf32, #tpu.memory_space<hbm>>)
    %parallel_loop3A_491 = arith.constant 0 : i32
    %parallel_loop3A_492 = arith.constant 256 : i32
    %parallel_loop3A_493 = arith.constant 1 : i32
    scf.for %parallel_loop3A_563 = %parallel_loop3A_491 to %parallel_loop3A_492 step %parallel_loop3A_493  : i32 {
      %parallel_loop3A_564 = arith.constant 16 : i32
      %parallel_loop3A_565 = arith.muli %parallel_loop3A_563, %parallel_loop3A_564 : i32
      %parallel_loop3A_566 = arith.index_cast %parallel_loop3A_565 : i32 to index
      %parallel_loop3A_567 = tpu.vector_load %arg5[%parallel_loop3A_566] {strides = array<i32>} : memref<4096xi32, #tpu.memory_space<vmem>>, vector<16xi32>,
      %parallel_loop3A_568 = arith.constant 0 : i32
      %parallel_loop3A_569 = vector.broadcast %parallel_loop3A_568 : i32 to vector<16xi32>
      %parallel_loop3A_570 = tpu.vector_load_idx %arg8[%parallel_loop3A_569, %parallel_loop3A_567] : memref<4x4096xf32, #tpu.memory_space<vmem>>[vector<16xi32>, vector<16xi32>], vector<16xf32>,
      %parallel_loop3A_571 = arith.constant 3 : i32
      %parallel_loop3A_572 = arith.index_cast %parallel_loop3A_571 : i32 to index
      %parallel_loop3A_573 = arith.index_cast %parallel_loop3A_565 : i32 to index
      %parallel_loop3A_574 = tpu.vector_load %arg12[%parallel_loop3A_572, %parallel_loop3A_573] {strides = array<i32>} : memref<4x4096xf32, #tpu.memory_space<vmem>>, vector<16xf32>,
      tpu.vector_store %arg12[%parallel_loop3A_572, %parallel_loop3A_573], %parallel_loop3A_570 {strides = array<i32>} : memref<4x4096xf32, #tpu.memory_space<vmem>>, vector<16xf32>,
      %parallel_loop3A_575 = arith.constant 1 : i32
      %parallel_loop3A_576 = vector.broadcast %parallel_loop3A_575 : i32 to vector<16xi32>
      %parallel_loop3A_577 = tpu.vector_load_idx %arg8[%parallel_loop3A_576, %parallel_loop3A_567] : memref<4x4096xf32, #tpu.memory_space<vmem>>[vector<16xi32>, vector<16xi32>], vector<16xf32>,
      %parallel_loop3A_578 = arith.constant 2 : i32
      %parallel_loop3A_579 = arith.index_cast %parallel_loop3A_578 : i32 to index
      %parallel_loop3A_580 = arith.index_cast %parallel_loop3A_565 : i32 to index
      %parallel_loop3A_581 = tpu.vector_load %arg12[%parallel_loop3A_579, %parallel_loop3A_580] {strides = array<i32>} : memref<4x4096xf32, #tpu.memory_space<vmem>>, vector<16xf32>,
      tpu.vector_store %arg12[%parallel_loop3A_579, %parallel_loop3A_580], %parallel_loop3A_577 {strides = array<i32>} : memref<4x4096xf32, #tpu.memory_space<vmem>>, vector<16xf32>,
      %parallel_loop3A_582 = arith.constant 2 : i32
      %parallel_loop3A_583 = vector.broadcast %parallel_loop3A_582 : i32 to vector<16xi32>
      %parallel_loop3A_584 = tpu.vector_load_idx %arg8[%parallel_loop3A_583, %parallel_loop3A_567] : memref<4x4096xf32, #tpu.memory_space<vmem>>[vector<16xi32>, vector<16xi32>], vector<16xf32>,
      %parallel_loop3A_585 = arith.constant 1 : i32
      %parallel_loop3A_586 = arith.index_cast %parallel_loop3A_585 : i32 to index
      %parallel_loop3A_587 = arith.index_cast %parallel_loop3A_565 : i32 to index
      %parallel_loop3A_588 = tpu.vector_load %arg12[%parallel_loop3A_586, %parallel_loop3A_587] {strides = array<i32>} : memref<4x4096xf32, #tpu.memory_space<vmem>>, vector<16xf32>,
      tpu.vector_store %arg12[%parallel_loop3A_586, %parallel_loop3A_587], %parallel_loop3A_584 {strides = array<i32>} : memref<4x4096xf32, #tpu.memory_space<vmem>>, vector<16xf32>,
      %parallel_loop3A_589 = arith.constant 3 : i32
      %parallel_loop3A_590 = vector.broadcast %parallel_loop3A_589 : i32 to vector<16xi32>
      %parallel_loop3A_591 = tpu.vector_load_idx %arg8[%parallel_loop3A_590, %parallel_loop3A_567] : memref<4x4096xf32, #tpu.memory_space<vmem>>[vector<16xi32>, vector<16xi32>], vector<16xf32>,
      %parallel_loop3A_592 = arith.constant 0 : i32
      %parallel_loop3A_593 = arith.index_cast %parallel_loop3A_592 : i32 to index
      %parallel_loop3A_594 = arith.index_cast %parallel_loop3A_565 : i32 to index
      %parallel_loop3A_595 = tpu.vector_load %arg12[%parallel_loop3A_593, %parallel_loop3A_594] {strides = array<i32>} : memref<4x4096xf32, #tpu.memory_space<vmem>>, vector<16xf32>,
      tpu.vector_store %arg12[%parallel_loop3A_593, %parallel_loop3A_594], %parallel_loop3A_591 {strides = array<i32>} : memref<4x4096xf32, #tpu.memory_space<vmem>>, vector<16xf32>,
    } {sc.loop_unroll_factor = 8 : i64, sc.parallel_access}
    %add3A_494 = arith.constant 56 : i32
    %add3A_495 = arith.addi %sub3A_5, %add3A_494 : i32
    %sub3A_496 = arith.constant 2048 : i32
    %sub3A_497 = arith.subi %sub3A_496, %add3A_495 : i32
    %sub3A_498 = arith.constant 4 : i32
    %sub3A_499 = arith.subi %sub3A_497, %sub3A_498 : i32
    %dma_start3A_500 = arith.constant 0 : i32
    %dma_start3A_501 = tpu.memref_slice %arg4[%sub3A_499, %dma_start3A_500] : memref<2048x4096xf32, #tpu.memory_space<hbm>> -> memref<4x4096xf32, #tpu.memory_space<hbm>>
    %dma_start3A_502 = arith.constant 0 : i32
    %dma_start3A_503 = tpu.memref_slice %arg4[%sub3A_499, %dma_start3A_502] : memref<2048x4096xf32, #tpu.memory_space<hbm>> -> memref<4x4096xf32, #tpu.memory_space<hbm>>
    tpu.enqueue_dma source(%arg12 : memref<4x4096xf32, #tpu.memory_space<vmem>>) target(%dma_start3A_503 : memref<4x4096xf32, #tpu.memory_space<hbm>>) target_semaphore(%arg19 : memref<!tpu.dma_semaphore, #tpu.memory_space<semaphore_mem>>)
    %add3A_504 = arith.constant 60 : i32
    %add3A_505 = arith.addi %sub3A_5, %add3A_504 : i32
    %dma_wait3A_506 = arith.constant 0 : i32
    %dma_wait3A_507 = tpu.memref_slice %arg2[%add3A_505, %dma_wait3A_506] : memref<2048x4096xf32, #tpu.memory_space<hbm>> -> memref<4x4096xf32, #tpu.memory_space<hbm>>
    %dma_wait3A_508 = arith.constant 0 : i32
    %dma_wait3A_509 = tpu.memref_slice %arg2[%add3A_505, %dma_wait3A_508] : memref<2048x4096xf32, #tpu.memory_space<hbm>> -> memref<4x4096xf32, #tpu.memory_space<hbm>>
    tpu.wait_dma2 semaphore(%arg16 : memref<!tpu.dma_semaphore, #tpu.memory_space<semaphore_mem>>) src(%dma_wait3A_509 : memref<4x4096xf32, #tpu.memory_space<hbm>>) dst(%arg9 : memref<4x4096xf32, #tpu.memory_space<vmem>>)
    %add3A_510 = arith.constant 48 : i32
    %add3A_511 = arith.addi %sub3A_5, %add3A_510 : i32
    %sub3A_512 = arith.constant 2048 : i32
    %sub3A_513 = arith.subi %sub3A_512, %add3A_511 : i32
    %sub3A_514 = arith.constant 4 : i32
    %sub3A_515 = arith.subi %sub3A_513, %sub3A_514 : i32
    %dma_wait3A_516 = arith.constant 0 : i32
    %dma_wait3A_517 = tpu.memref_slice %arg4[%sub3A_515, %dma_wait3A_516] : memref<2048x4096xf32, #tpu.memory_space<hbm>> -> memref<4x4096xf32, #tpu.memory_space<hbm>>
    %dma_wait3A_518 = arith.constant 0 : i32
    %dma_wait3A_519 = tpu.memref_slice %arg4[%sub3A_515, %dma_wait3A_518] : memref<2048x4096xf32, #tpu.memory_space<hbm>> -> memref<4x4096xf32, #tpu.memory_space<hbm>>
    tpu.wait_dma2 semaphore(%arg17 : memref<!tpu.dma_semaphore, #tpu.memory_space<semaphore_mem>>) src(%arg10 : memref<4x4096xf32, #tpu.memory_space<vmem>>) dst(%dma_wait3A_519 : memref<4x4096xf32, #tpu.memory_space<hbm>>)
    %parallel_loop3A_520 = arith.constant 0 : i32
    %parallel_loop3A_521 = arith.constant 256 : i32
    %parallel_loop3A_522 = arith.constant 1 : i32
    scf.for %parallel_loop3A_563 = %parallel_loop3A_520 to %parallel_loop3A_521 step %parallel_loop3A_522  : i32 {
      %parallel_loop3A_564 = arith.constant 16 : i32
      %parallel_loop3A_565 = arith.muli %parallel_loop3A_563, %parallel_loop3A_564 : i32
      %parallel_loop3A_566 = arith.index_cast %parallel_loop3A_565 : i32 to index
      %parallel_loop3A_567 = tpu.vector_load %arg5[%parallel_loop3A_566] {strides = array<i32>} : memref<4096xi32, #tpu.memory_space<vmem>>, vector<16xi32>,
      %parallel_loop3A_568 = arith.constant 0 : i32
      %parallel_loop3A_569 = vector.broadcast %parallel_loop3A_568 : i32 to vector<16xi32>
      %parallel_loop3A_570 = tpu.vector_load_idx %arg9[%parallel_loop3A_569, %parallel_loop3A_567] : memref<4x4096xf32, #tpu.memory_space<vmem>>[vector<16xi32>, vector<16xi32>], vector<16xf32>,
      %parallel_loop3A_571 = arith.constant 3 : i32
      %parallel_loop3A_572 = arith.index_cast %parallel_loop3A_571 : i32 to index
      %parallel_loop3A_573 = arith.index_cast %parallel_loop3A_565 : i32 to index
      %parallel_loop3A_574 = tpu.vector_load %arg10[%parallel_loop3A_572, %parallel_loop3A_573] {strides = array<i32>} : memref<4x4096xf32, #tpu.memory_space<vmem>>, vector<16xf32>,
      tpu.vector_store %arg10[%parallel_loop3A_572, %parallel_loop3A_573], %parallel_loop3A_570 {strides = array<i32>} : memref<4x4096xf32, #tpu.memory_space<vmem>>, vector<16xf32>,
      %parallel_loop3A_575 = arith.constant 1 : i32
      %parallel_loop3A_576 = vector.broadcast %parallel_loop3A_575 : i32 to vector<16xi32>
      %parallel_loop3A_577 = tpu.vector_load_idx %arg9[%parallel_loop3A_576, %parallel_loop3A_567] : memref<4x4096xf32, #tpu.memory_space<vmem>>[vector<16xi32>, vector<16xi32>], vector<16xf32>,
      %parallel_loop3A_578 = arith.constant 2 : i32
      %parallel_loop3A_579 = arith.index_cast %parallel_loop3A_578 : i32 to index
      %parallel_loop3A_580 = arith.index_cast %parallel_loop3A_565 : i32 to index
      %parallel_loop3A_581 = tpu.vector_load %arg10[%parallel_loop3A_579, %parallel_loop3A_580] {strides = array<i32>} : memref<4x4096xf32, #tpu.memory_space<vmem>>, vector<16xf32>,
      tpu.vector_store %arg10[%parallel_loop3A_579, %parallel_loop3A_580], %parallel_loop3A_577 {strides = array<i32>} : memref<4x4096xf32, #tpu.memory_space<vmem>>, vector<16xf32>,
      %parallel_loop3A_582 = arith.constant 2 : i32
      %parallel_loop3A_583 = vector.broadcast %parallel_loop3A_582 : i32 to vector<16xi32>
      %parallel_loop3A_584 = tpu.vector_load_idx %arg9[%parallel_loop3A_583, %parallel_loop3A_567] : memref<4x4096xf32, #tpu.memory_space<vmem>>[vector<16xi32>, vector<16xi32>], vector<16xf32>,
      %parallel_loop3A_585 = arith.constant 1 : i32
      %parallel_loop3A_586 = arith.index_cast %parallel_loop3A_585 : i32 to index
      %parallel_loop3A_587 = arith.index_cast %parallel_loop3A_565 : i32 to index
      %parallel_loop3A_588 = tpu.vector_load %arg10[%parallel_loop3A_586, %parallel_loop3A_587] {strides = array<i32>} : memref<4x4096xf32, #tpu.memory_space<vmem>>, vector<16xf32>,
      tpu.vector_store %arg10[%parallel_loop3A_586, %parallel_loop3A_587], %parallel_loop3A_584 {strides = array<i32>} : memref<4x4096xf32, #tpu.memory_space<vmem>>, vector<16xf32>,
      %parallel_loop3A_589 = arith.constant 3 : i32
      %parallel_loop3A_590 = vector.broadcast %parallel_loop3A_589 : i32 to vector<16xi32>
      %parallel_loop3A_591 = tpu.vector_load_idx %arg9[%parallel_loop3A_590, %parallel_loop3A_567] : memref<4x4096xf32, #tpu.memory_space<vmem>>[vector<16xi32>, vector<16xi32>], vector<16xf32>,
      %parallel_loop3A_592 = arith.constant 0 : i32
      %parallel_loop3A_593 = arith.index_cast %parallel_loop3A_592 : i32 to index
      %parallel_loop3A_594 = arith.index_cast %parallel_loop3A_565 : i32 to index
      %parallel_loop3A_595 = tpu.vector_load %arg10[%parallel_loop3A_593, %parallel_loop3A_594] {strides = array<i32>} : memref<4x4096xf32, #tpu.memory_space<vmem>>, vector<16xf32>,
      tpu.vector_store %arg10[%parallel_loop3A_593, %parallel_loop3A_594], %parallel_loop3A_591 {strides = array<i32>} : memref<4x4096xf32, #tpu.memory_space<vmem>>, vector<16xf32>,
    } {sc.loop_unroll_factor = 8 : i64, sc.parallel_access}
    %add3A_523 = arith.constant 60 : i32
    %add3A_524 = arith.addi %sub3A_5, %add3A_523 : i32
    %sub3A_525 = arith.constant 2048 : i32
    %sub3A_526 = arith.subi %sub3A_525, %add3A_524 : i32
    %sub3A_527 = arith.constant 4 : i32
    %sub3A_528 = arith.subi %sub3A_526, %sub3A_527 : i32
    %dma_start3A_529 = arith.constant 0 : i32
    %dma_start3A_530 = tpu.memref_slice %arg4[%sub3A_528, %dma_start3A_529] : memref<2048x4096xf32, #tpu.memory_space<hbm>> -> memref<4x4096xf32, #tpu.memory_space<hbm>>
    %dma_start3A_531 = arith.constant 0 : i32
    %dma_start3A_532 = tpu.memref_slice %arg4[%sub3A_528, %dma_start3A_531] : memref<2048x4096xf32, #tpu.memory_space<hbm>> -> memref<4x4096xf32, #tpu.memory_space<hbm>>
    tpu.enqueue_dma source(%arg10 : memref<4x4096xf32, #tpu.memory_space<vmem>>) target(%dma_start3A_532 : memref<4x4096xf32, #tpu.memory_space<hbm>>) target_semaphore(%arg17 : memref<!tpu.dma_semaphore, #tpu.memory_space<semaphore_mem>>)
    %add3A_533 = arith.constant 52 : i32
    %add3A_534 = arith.addi %sub3A_5, %add3A_533 : i32
    %sub3A_535 = arith.constant 2048 : i32
    %sub3A_536 = arith.subi %sub3A_535, %add3A_534 : i32
    %sub3A_537 = arith.constant 4 : i32
    %sub3A_538 = arith.subi %sub3A_536, %sub3A_537 : i32
    %dma_wait3A_539 = arith.constant 0 : i32
    %dma_wait3A_540 = tpu.memref_slice %arg4[%sub3A_538, %dma_wait3A_539] : memref<2048x4096xf32, #tpu.memory_space<hbm>> -> memref<4x4096xf32, #tpu.memory_space<hbm>>
    %dma_wait3A_541 = arith.constant 0 : i32
    %dma_wait3A_542 = tpu.memref_slice %arg4[%sub3A_538, %dma_wait3A_541] : memref<2048x4096xf32, #tpu.memory_space<hbm>> -> memref<4x4096xf32, #tpu.memory_space<hbm>>
    tpu.wait_dma2 semaphore(%arg18 : memref<!tpu.dma_semaphore, #tpu.memory_space<semaphore_mem>>) src(%arg11 : memref<4x4096xf32, #tpu.memory_space<vmem>>) dst(%dma_wait3A_542 : memref<4x4096xf32, #tpu.memory_space<hbm>>)
    %add3A_543 = arith.constant 56 : i32
    %add3A_544 = arith.addi %sub3A_5, %add3A_543 : i32
    %sub3A_545 = arith.constant 2048 : i32
    %sub3A_546 = arith.subi %sub3A_545, %add3A_544 : i32
    %sub3A_547 = arith.constant 4 : i32
    %sub3A_548 = arith.subi %sub3A_546, %sub3A_547 : i32
    %dma_wait3A_549 = arith.constant 0 : i32
    %dma_wait3A_550 = tpu.memref_slice %arg4[%sub3A_548, %dma_wait3A_549] : memref<2048x4096xf32, #tpu.memory_space<hbm>> -> memref<4x4096xf32, #tpu.memory_space<hbm>>
    %dma_wait3A_551 = arith.constant 0 : i32
    %dma_wait3A_552 = tpu.memref_slice %arg4[%sub3A_548, %dma_wait3A_551] : memref<2048x4096xf32, #tpu.memory_space<hbm>> -> memref<4x4096xf32, #tpu.memory_space<hbm>>
    tpu.wait_dma2 semaphore(%arg19 : memref<!tpu.dma_semaphore, #tpu.memory_space<semaphore_mem>>) src(%arg12 : memref<4x4096xf32, #tpu.memory_space<vmem>>) dst(%dma_wait3A_552 : memref<4x4096xf32, #tpu.memory_space<hbm>>)
    %add3A_553 = arith.constant 60 : i32
    %add3A_554 = arith.addi %sub3A_5, %add3A_553 : i32
    %sub3A_555 = arith.constant 2048 : i32
    %sub3A_556 = arith.subi %sub3A_555, %add3A_554 : i32
    %sub3A_557 = arith.constant 4 : i32
    %sub3A_558 = arith.subi %sub3A_556, %sub3A_557 : i32
    %dma_wait3A_559 = arith.constant 0 : i32
    %dma_wait3A_560 = tpu.memref_slice %arg4[%sub3A_558, %dma_wait3A_559] : memref<2048x4096xf32, #tpu.memory_space<hbm>> -> memref<4x4096xf32, #tpu.memory_space<hbm>>
    %dma_wait3A_561 = arith.constant 0 : i32
    %dma_wait3A_562 = tpu.memref_slice %arg4[%sub3A_558, %dma_wait3A_561] : memref<2048x4096xf32, #tpu.memory_space<hbm>> -> memref<4x4096xf32, #tpu.memory_space<hbm>>
    tpu.wait_dma2 semaphore(%arg17 : memref<!tpu.dma_semaphore, #tpu.memory_space<semaphore_mem>>) src(%arg10 : memref<4x4096xf32, #tpu.memory_space<vmem>>) dst(%dma_wait3A_562 : memref<4x4096xf32, #tpu.memory_space<hbm>>)
    return
  }
}

</mosaic_0001>

<sc_bundles>
// kernel: kernel.3.cloned.1.call-start
scs
__scs_entry_jumppad:
0x0: {  	(pc) =	sbr.rel $0x88, $3  }
0x1: {  	(tag) =	ssettag $0x0;
	lr =	simm.s32 $0x1  }
0x2: {  	[smem:$0x3F9F] =	sst lr;
	_ =	strace $0xD0000000  }
0x3: {  	_ = 	snop  }
0x4: {  	_ = 	snop  }
0x5: {  	_ = 	snop  }
0x6: {  	_ = 	snop  }
0x7: {  	_ = 	snop  }
__scs_overlays_trampoline_lowered:
0x8: {  	[smem:$0x3FAE] =	sst s0  }
0x9: {  	[smem:$0x3FAF] =	sst s1  }
0xa: {  	[smem:$0x3FB0] =	sst s2  }
0xb: {  	[smem:$0x3FB1] =	sst s3  }
0xc: {  	[smem:$0x3FB2] =	sst s4  }
0xd: {  	[smem:$0x3FB3] =	sst s5  }
0xe: {  	[smem:$0x3FB4] =	sst s6  }
0xf: {  	[smem:$0x3FB5] =	sst s7  }
0x10: {  	[smem:$0x3FB6] =	sst s8  }
0x11: {  	[smem:$0x3FB7] =	sst s9;
	s0 =	simm.s32 @!p0 $0x0  }
0x12: {  	s1 =	sld [smem:$0x3F9D];
	s0 =	simm.s32 @p0 $0x1  }
0x13: {  	[smem:$0x3FB8] =	sst s0;
	s0 =	simm.s32 @!p1 $0x0  }
0x14: {  	s2 =	sld [smem:$0x3F9C];
	s0 =	simm.s32 @p1 $0x1  }
0x15: {  	[smem:$0x3FB9] =	sst s0;
	s0 =	simm.s32 @!p2 $0x0  }
0x16: {  	s3 =	sld [smem:$0x3FDB];
	s0 =	simm.s32 @p2 $0x1  }
0x17: {  	s4 =	simm.s32 $0x1BF5;
	[smem:$0x3FBB] =	sst s0  }
0x18: {  	s0 =	sld [smem:$0x3F9E];
	_ =	swait.ge [sflag:s4], $0x0  }
0x19: {  	s7 =	sld [smem:$0x3F9F]  }
0x1a: {  	s8 =	sadd.s32 $0xFFFFE003, lr  }
0x1b: {  	s9 =	sadd.s32 $0xFFFFFEF7, lr;
	s5 =	simm.s32 $0xFFFFFFFF;
	p2 =	slt.u32 s8, $0xFFFFF086  }
0x1c: {  	p1 =	slt.u32 s9, $0xF7A;
	s5 =	simm.s32 @!p2 $0x0  }
0x1d: {  	s5 =	simm.s32 @p1 $0x1;
	p0 =	seq.s32 s7, s2  }
0x1e: {  	s7 =	smul.u32 @!p0 $0xF7A, s2;
	p2 =	seq.s32 @!p0 s5, $0x0  }
0x1f: {  	s9 =	smul.u32 $0xF7A, s1;
	s8 =	simm.s32 @!p0 $0x1BF5;
	p2 =	por !p2, p0  }
0x20: {  	[sflag:s8] =	ssyncset.s32 @!p0 $0xFFFFF086;
	s6 =	sadd.s32 @!p0 s3, s7;
	s7 =	simm.s32 @!p0 $0x108  }
0x21: {  	s3 =	sadd.s32 s3, s9;
	s6 =	sadd.s32 @!p0 $0x88, s6;
	s7 =	simm.s32 @p2 $0x1082  }
0x22: {  	[simem:s7], [sflag:s8] =	dma.local @!p0 [hbm:s6], $0xF7A  }
0x23: {  	s9 =	sor.u32 $0xD0000000, s2;
	s6 =	simm.s32 $0x108;
	_ =	swait.ge @!p0 [sflag:s8], $0x0  }
0x24: {  	s3 =	sadd.s32 $0x88, s3;
	s6 =	simm.s32 @!p1 $0x1082;
	[sflag:s4] =	ssyncset.s32 $0xFFFFF086  }
0x25: {  	[simem:s6], [sflag:s4] =	dma.local [hbm:s3], $0xF7A  }
0x26: {  	[smem:$0x3F9F] =	sst s1;
	(tag) =	ssettag s2;
	_ =	strace s9  }
0x27: {  	s1 =	sld [smem:$0x3FAF]  }
0x28: {  	s2 =	sld [smem:$0x3FB0]  }
0x29: {  	s4 =	sld [smem:$0x3FB2]  }
0x2a: {  	p0 =	seq.s32 s5, $0x0;
	s5 =	sld [smem:$0x3FB3]  }
0x2b: {  	s6 =	sld [smem:$0x3FB4]  }
0x2c: {  	s7 =	sld [smem:$0x3FB5]  }
0x2d: {  	s3 =	simm.s32 $0x108;
	s8 =	sld [smem:$0x3FB6]  }
0x2e: {  	s3 =	simm.s32 @!p0 $0x1082;
	s9 =	sld [smem:$0x3FB7]  }
0x2f: {  	lr =	sadd.s32 s0, s3;
	s0 =	sld [smem:$0x3FAE]  }
0x30: {  	s3 =	sld [smem:$0x3FB1]  }
0x31: {  	[smem:$0x3FBA] =	sst s10  }
0x32: {  	s10 =	sld [smem:$0x3FB8];
	_ =	sdelay $0x3  }
0x33: {  	p0 =	seq.s32 s10, $0x1;
	s10 =	sld [smem:$0x3FBA];
	_ =	sdelay $0x3  }
0x34: {  	[smem:$0x3FBA] =	sst s10  }
0x35: {  	s10 =	sld [smem:$0x3FB9];
	_ =	sdelay $0x3  }
0x36: {  	p1 =	seq.s32 s10, $0x1;
	s10 =	sld [smem:$0x3FBA];
	_ =	sdelay $0x3  }
0x37: {  	[smem:$0x3FBA] =	sst s10  }
0x38: {  	s10 =	sld [smem:$0x3FBB]  }
0x39: {  	_ = 	snop;
	(pc) =	sbr.ind lr, $3  }
0x3a: {  	_ = 	snop  }
0x3b: {  	_ = 	snop  }
0x3c: {  	p2 =	seq.s32 s10, $0x1;
	s10 =	sld [smem:$0x3FBA]  }
0x3d: {  	_ =	shalt  }
0x3e: {  	_ =	shalt  }
0x3f: {  	_ =	shalt  }
0x40: {  	_ =	shalt  }
0x41: {  	_ =	shalt  }
0x42: {  	_ =	shalt  }
0x43: {  	_ =	shalt  }
0x44: {  	_ =	shalt  }
0x45: {  	_ =	shalt  }
0x46: {  	_ =	shalt  }
0x47: {  	_ =	shalt  }
0x48: {  	_ =	shalt  }
0x49: {  	_ =	shalt  }
0x4a: {  	_ =	shalt  }
0x4b: {  	_ =	shalt  }
0x4c: {  	_ =	shalt  }
0x4d: {  	_ =	shalt  }
0x4e: {  	_ =	shalt  }
0x4f: {  	_ =	shalt  }
0x50: {  	_ =	shalt  }
0x51: {  	_ =	shalt  }
0x52: {  	_ =	shalt  }
0x53: {  	_ =	shalt  }
0x54: {  	_ =	shalt  }
0x55: {  	_ =	shalt  }
0x56: {  	_ =	shalt  }
0x57: {  	_ =	shalt  }
0x58: {  	_ =	shalt  }
0x59: {  	_ =	shalt  }
0x5a: {  	_ =	shalt  }
0x5b: {  	_ =	shalt  }
0x5c: {  	_ =	shalt  }
0x5d: {  	_ =	shalt  }
0x5e: {  	_ =	shalt  }
0x5f: {  	_ =	shalt  }
0x60: {  	_ =	shalt  }
0x61: {  	_ =	shalt  }
0x62: {  	_ =	shalt  }
0x63: {  	_ =	shalt  }
0x64: {  	_ =	shalt  }
0x65: {  	_ =	shalt  }
0x66: {  	_ =	shalt  }
0x67: {  	_ =	shalt  }
0x68: {  	_ =	shalt  }
0x69: {  	_ =	shalt  }
0x6a: {  	_ =	shalt  }
0x6b: {  	_ =	shalt  }
0x6c: {  	_ =	shalt  }
0x6d: {  	_ =	shalt  }
0x6e: {  	_ =	shalt  }
0x6f: {  	_ =	shalt  }
0x70: {  	_ =	shalt  }
0x71: {  	_ =	shalt  }
0x72: {  	_ =	shalt  }
0x73: {  	_ =	shalt  }
0x74: {  	_ =	shalt  }
0x75: {  	_ =	shalt  }
0x76: {  	_ =	shalt  }
0x77: {  	_ =	shalt  }
0x78: {  	_ =	shalt  }
0x79: {  	_ =	shalt  }
0x7a: {  	_ =	shalt  }
0x7b: {  	_ =	shalt  }
0x7c: {  	_ =	shalt  }
0x7d: {  	_ =	shalt  }
0x7e: {  	_ =	shalt  }
0x7f: {  	_ =	shalt  }
0x80: {  	_ =	shalt  }
0x81: {  	_ =	shalt  }
0x82: {  	_ =	shalt  }
0x83: {  	_ =	shalt  }
0x84: {  	_ =	shalt  }
0x85: {  	_ =	shalt  }
0x86: {  	_ =	shalt  }
0x87: {  	_ =	shalt  }
.Lfunc_end0:
.L_simem_size_0:
called_computation_lowered:
.L_overlay_start_0:
0x88: {  	s2 =	sld [smem:$0x3FD9]  }
0x89: {  	s3 =	sld [smem:$0x3FFE];
	_ =	sdelay $0x1  }
0x8a: {  	s1 =	srdreg.scid  }
0x8b: {  	s0 =	sand.u32 $0x1, s1  }
0x8c: {  	s18 =	sshll.u32 s0, $0xA;
	s2 =	sadd.s32 s3, s2  }
0x8d: {  	s2 =	sadd.s32 s2, s18  }
0x8e: {  	[smem:$0x3FC6] =	sst s2  }
0x8f: {  	_ = 	snop  }
0x90: {  	s2 =	sld [smem:$0x3FC9]  }
0x91: {  	s19 =	sld [smem:$0x3FC8]  }
0x92: {  	s4 =	sld [smem:$0x3FD0];
	(tm) =	ssettm $0x1  }
0x93: {  	s5 =	sld [smem:$0x3FFB];
	_ =	sdelay $0x3  }
0x94: {  	_ =	strace s5  }
0x95: {  	s5 =	sld [smem:$0x3FFC];
	_ =	sdelay $0x3  }
0x96: {  	_ =	strace s5  }
0x97: {  	s5 =	sld [smem:$0x3FFD];
	_ =	sdelay $0x3  }
0x98: {  	_ =	strace s5  }
0x99: {  	_ =	strace $0x8FFFFFFF  }
0x9a: {  	s20 =	sld [smem:$0x3FDB];
	_ =	sdelay $0x1  }
0x9b: {  	s6 =	simm.s32 $_scs_section_size  }
0x9c: {  	s7 =	simm.s32 $_size__tile_overlayer_lowered;
	s8 =	simm.s32 $_tile_overlayer_lowered  }
0x9d: {  	s23 =	simm.s32 $0x1BFF;
	s22 =	sshll.u32 s8, $0x1;
	s5 =	sadd.s32 s6, s20  }
0x9e: {  	s9 =	simm.s32 $0x0;
	s21 =	sshll.u32 s7, $0x1;
	s7 =	sadd.s32 s22, s5  }
0x9f: {  	[timem:s9], [sflag:s23] =	dma.local [hbm:s7], s21  }
0xa0: {  	_ =	swait.ge [sflag:s23], s21  }
0xa1: {  	s6 =	ssub.s32 $0x0, s21;
	[sflag:s23] =	ssyncset.done $0x0  }
0xa2: {  	[sflag:s23] =	ssyncadd.s32 s6;
	_ =	sdelay $0x1  }
0xa3: {  	s24 =	simm.s32 $0x1B8B  }
0xa4: {  	_ =	swait.ge [sflag:s24], $0x1  }
0xa5: {  	[sflag:s24] =	ssyncset.done $0x0  }
0xa6: {  	s25 =	simm.s32 $0x1B8E;
	[sflag:s24] =	ssyncadd.s32 $0xFFFFFFFF  }
0xa7: {  	s26 =	simm.s32 $execute0_lowered;
	[smem:$0x3FD2] =	sst s25  }
0xa8: {  	s6 =	sshll.u32 s26, $0x1;
	_ =	strace $0x80000046;
	[dreg:$0x1] =	wrdreg $0xFFFFFFFF  }
0xa9: {  	s28 =	simm.s32 $_size_execute0_lowered;
	s5 =	sadd.s32 s5, s6;
	[dreg:$0x0] =	wrdreg $0x0  }
0xaa: {  	s6 =	sshll.u32 s28, $0x1;
	[dreg:$0x2] =	wrdreg s5  }
0xab: {  	[dreg:$0x3] =	wrdreg s6  }
0xac: {  	[dreg:$0x4] =	wrdreg $0xC0  }
0xad: {  	_ =	task [dreg:s9], $0x5FFFF  }
0xae: {  	[dreg:$0x1] =	wrdreg $0xFFFFFFFF  }
0xaf: {  	[dreg:$0x0] =	wrdreg $0x60  }
0xb0: {  	[dreg:$0x2] =	wrdreg s2  }
0xb1: {  	[dreg:$0x3] =	wrdreg s19  }
0xb2: {  	[dreg:$0x4] =	wrdreg s4  }
0xb3: {  	[dreg:$0x5] =	wrdreg $0x9  }
0xb4: {  	_ =	task.clear_ibuf [dreg:s9], $0x6FFFF;
	_ =	strace $0x90000046  }
0xb5: {  	s29 =	simm.s32 $0x9;
	_ =	strace $0x80000048  }
0xb6: {  	_ =	swait.ge [sflag:s29], $0x1  }
0xb7: {  	[sflag:s29] =	ssyncadd.s32 $0xFFFFFFFF  }
0xb8: {  	_ =	strace $0x90000048  }
0xb9: {  	_ =	sfence  }
0xba: {  	s30 =	sld [smem:$0x0];
	_ =	sdelay $0x2  }
0xbb: {  	s31 =	sshll.u32 s1, $0xD;
	s1 =	sshrl.u32 s1, $0x2  }
0xbc: {  	s3 =	sand.u32 $0x4000, s31;
	s1 =	sadd.s32 s1, s30  }
0xbd: {  	s0 =	sor.u32 s3, s0;
	s1 =	sshll.u32 s1, $0x11  }
0xbe: {  	s0 =	sor.u32 s1, s0  }
0xbf: {  	s0 =	sadd.s32 $0x8F2B, s0  }
0xc0: {  	[sflag:s0] =	ssyncadd.remote.s32 $0x1  }
0xc1: {  	_ =	sfence.sel $0xFFFF  }
0xc2: {  	[dreg:$0x0] =	wrdreg $0xFFFFFFFF;
	(pc) =	sbr.abs _section_cstart, $3  }
0xc3: {  	[dreg:$0x1] =	wrdreg $0xFFFFFFFF  }
0xc4: {  	_ =	task.clear_ibuf [dreg:s9], $0x2FFFF;
	_ =	strace $0x9FFFFFFF  }
0xc5: {  	(tm) =	ssettm $0x7FFFFFFF  }
tec
execute0_lowered:
.L_overlay_start_1:
0x0: {  	(tag) =	ssettag $0x1  }
0x1: {  	s0 =	rddreg [dreg:$0x0]  }
0x2: {  	s1 =	rddreg [dreg:$0x2];
	s2 =	srdreg.scid  }
0x3: {  	s5 =	simm.s32 $0x0;
	s4 =	stileid.u32;
	s2 =	sand.u32 $0x1, s2  }
0x4: {  	s4 =	sshll.u32 s4, $0x10;
	s3 =	ssub.s32 $0x2, s2;
	s2 =	sshll.u32 s2, $0xF  }
0x5: {  	[smem:$0x7FF] =	sst s5;
	s26 =	sshrl.u32 s3, $0x1;
	s2 =	sor.u32 s2, s4  }
0x6: {  	_ =	strace $0x80000047;
	s3 =	ssub.s32 s3, s26;
	s4 =	sxor.u32 $0xF8000, s2  }
0x7: {  	s28 =	sxor.u32 $0xF8040, s2;
	s29 =	sxor.u32 $0xF9000, s2;
	s6 =	sxor.u32 $0xF9040, s2  }
0x8: {  	s8 =	sadd.s32 s1, s2;
	s7 =	sxor.u32 $0xFA000, s2;
	s10 =	sxor.u32 $0xFA040, s2  }
0x9: {  	s12 =	sxor.u32 $0xFB000, s2;
	s14 =	sxor.u32 $0xFB040, s2;
	s15 =	sxor.u32 $0xFC000, s2  }
0xa: {  	s16 =	sxor.u32 $0xFC040, s2;
	s18 =	sxor.u32 $0xFD000, s2;
	s19 =	sxor.u32 $0xFD040, s2  }
0xb: {  	s20 =	sxor.u32 $0xFE000, s2;
	s22 =	sxor.u32 $0xFE040, s2;
	s4 =	sadd.s32 s0, s4  }
0xc: {  	s23 =	sxor.u32 $0xFF000, s2;
	s5 =	sadd.s32 s0, s29;
	[dreg:$0x4] =	wrdreg s4  }
0xd: {  	s2 =	sxor.u32 $0xFF040, s2;
	s9 =	sadd.s32 $0x7040, s8;
	[dreg:$0x6] =	wrdreg s5  }
0xe: {  	s1 =	sadd.s32 s0, s7;
	s11 =	sadd.s32 $0x7000, s8;
	[dreg:$0x8] =	wrdreg s9  }
0xf: {  	s13 =	sadd.s32 $0x6040, s8;
	s17 =	sadd.s32 s0, s16;
	[dreg:$0x9] =	wrdreg s1  }
0x10: {  	s21 =	sadd.s32 s0, s20;
	s24 =	sadd.s32 $0x6000, s8;
	[dreg:$0xa] =	wrdreg s11  }
0x11: {  	s25 =	smax.u32 s3, $0x1;
	s26 =	sadd.s32 $0x5040, s8;
	[dreg:$0xc] =	wrdreg s13  }
0x12: {  	s29 =	sadd.s32 $0x4040, s8;
	s30 =	sadd.s32 $0x4000, s8;
	[dreg:$0x10] =	wrdreg s17  }
0x13: {  	s31 =	sadd.s32 $0x3040, s8;
	s3 =	sadd.s32 $0x1040, s8;
	[dreg:$0x13] =	wrdreg s21  }
0x14: {  	s7 =	simm.s32 $0x400;
	s16 =	simm.s32 $0x2;
	[dreg:$0x17] =	wrdreg s24  }
0x15: {  	s20 =	simm.s32 $0x4;
	s4 =	sadd.s32 s0, s28;
	[dreg:$0x18] =	wrdreg s25  }
0x16: {  	s1 =	sadd.s32 s0, s10;
	[dreg:$0x19] =	wrdreg s26;
	s28 =	sadd.s32 $0x5000, s8  }
0x17: {  	[dreg:$0x1b] =	wrdreg s29;
	s5 =	sadd.s32 $0x40, s8;
	s9 =	simm.s32 $0x1000  }
0x18: {  	s10 =	simm.s32 $0x5000;
	s11 =	simm.s32 $0x9000;
	[dreg:$0x5] =	wrdreg s4  }
0x19: {  	s13 =	simm.s32 $0x8;
	s17 =	simm.s32 $0x15000;
	[dreg:$0xb] =	wrdreg s1  }
0x1a: {  	s21 =	simm.s32 $0x5;
	s4 =	sadd.s32 s0, s6;
	[dreg:$0x1a] =	wrdreg s28  }
0x1b: {  	s24 =	simm.s32 $0x0;
	s1 =	sadd.s32 s0, s12;
	[dreg:$0x7] =	wrdreg s4  }
0x1c: {  	s6 =	simm.s32 $0x200;
	s12 =	simm.s32 $0xD000;
	[dreg:$0xd] =	wrdreg s1  }
0x1d: {  	s1 =	sadd.s32 s0, s14;
	s4 =	sadd.s32 $0x1000, s8;
	s14 =	simm.s32 $0x1  }
0x1e: {  	[dreg:$0xe] =	wrdreg s1;
	s1 =	sadd.s32 s0, s15;
	s15 =	simm.s32 $0x11000  }
0x1f: {  	[dreg:$0xf] =	wrdreg s1;
	s1 =	sadd.s32 s0, s18;
	s18 =	simm.s32 $0x3  }
0x20: {  	[dreg:$0x11] =	wrdreg s1;
	s1 =	sadd.s32 s0, s19;
	s19 =	simm.s32 $0x19000  }
0x21: {  	[dreg:$0x12] =	wrdreg s1;
	s1 =	sadd.s32 s0, s22;
	s22 =	simm.s32 $0x6  }
0x22: {  	[dreg:$0x14] =	wrdreg s1;
	s1 =	sadd.s32 s0, s23;
	s0 =	sadd.s32 s0, s2  }
0x23: {  	s2 =	sadd.s32 $0x2040, s8;
	s23 =	simm.s32 $0x7;
	[dreg:$0x15] =	wrdreg s1  }
0x24: {  	[dreg:$0x16] =	wrdreg s0;
	s0 =	sadd.s32 $0x3000, s8;
	s1 =	sadd.s32 $0x2000, s8  }
.LBB2_1:
0x25: {  	s25 =	rddreg [dreg:$0x1];
	s26 =	simm.s32 $0x0  }
0x26: {  	[tilespmem:s26], [sflag:$0x8] =	stream.linear.gather [hbm4b:s25+s26], $0x1000, $0x38;
	[tilespmem:$0x1D000] =	vst v63  }
0x27: {  	s26 =	rddreg [dreg:$0x4]  }
0x28: {  	[tilespmem:s9], [sflag:$0x1] =	stream.strided.gather [hbm4b:s26+s6], $0x4000, s7, s6, $0x38;
	[tilespmem:$0x1D000] =	vst v63  }
0x29: {  	s26 =	rddreg [dreg:$0x5]  }
0x2a: {  	[tilespmem:s10], [sflag:$0x2] =	stream.strided.gather [hbm4b:s26+s6], $0x4000, s7, s6, $0x38;
	[tilespmem:$0x1D000] =	vst v63  }
0x2b: {  	s26 =	rddreg [dreg:$0x6]  }
0x2c: {  	[tilespmem:s11], [sflag:$0x3] =	stream.strided.gather [hbm4b:s26+s6], $0x4000, s7, s6, $0x38;
	[tilespmem:$0x1D000] =	vst v63  }
0x2d: {  	s26 =	rddreg [dreg:$0x7]  }
0x2e: {  	[tilespmem:s12], [sflag:$0x4] =	stream.strided.gather [hbm4b:s26+s6], $0x4000, s7, s6, $0x38;
	[tilespmem:$0x1D000] =	vst v63  }
0x2f: {  	_ =	swait.ge [sflag:s13], $0x1000  }
0x30: {  	[sflag:s13] =	ssyncset.done $0x0  }
0x31: {  	[sflag:s13] =	ssyncadd.s32 $0xFFFFF000  }
0x32: {  	_ =	swait.ge [sflag:s14], $0x4000  }
0x33: {  	[sflag:s14] =	ssyncset.done $0x0  }
0x34: {  	s26 =	simm.s32 $0x40;
	[sflag:s14] =	ssyncadd.s32 $0xFFFFC000  }
0x35: {  	v0 =	vld [tilespmem:s26+$0xFFFFFFC0]  }
0x36: {  	v1 =	vld [tilespmem:s26+$0x10]  }
0x37: {  	v3 =	vld [tilespmem:s26+$0xFFFFFFE0]  }
0x38: {  	v2 =	vld [tilespmem:s26+$0x0];
	_ =	sdelay $0x1  }
0x39: {  	v6 =	vld [tilespmem:s26+$0x20]  }
0x3a: {  	v7 =	vld [tilespmem:s26+$0xFFFFFFF0];
	v4 =	vshll.u32 v0, $0x2;
	v0 =	vand.u32 $0x7F, v0;
	v5 =	vshll.u32 v1, $0x2  }
0x3b: {  	v1 =	vand.u32 $0x7F, v1;
	v9 =	vshll.u32 v3, $0x2;
	v4 =	vand.u32 $0xFFFFFE00, v4  }
0x3c: {  	v8 =	vld [tilespmem:s26+$0xFFFFFFD0];
	v3 =	vand.u32 $0x7F, v3;
	v4 =	vor.u32 v0, v4;
	v0 =	vshll.u32 v2, $0x2  }
0x3d: {  	v5 =	vand.u32 $0xFFFFFE00, v5;
	v2 =	vand.u32 $0x7F, v2;
	v0 =	vand.u32 $0xFFFFFE00, v0  }
0x3e: {  	v5 =	vor.u32 v1, v5;
	v0 =	vor.u32 v2, v0;
	v2 =	vand.u32 $0xFFFFFE00, v9;
	v9 =	vld [tilespmem:s26+$0x30]  }
0x3f: {  	v11 =	vand.u32 $0x7F, v7;
	v2 =	vor.u32 v3, v2;
	v3 =	vshll.u32 v6, $0x2  }
0x40: {  	v1 =	vand.u32 $0x7F, v6;
	v12 =	vor.u32 $0x80, v4;
	v3 =	vand.u32 $0xFFFFFE00, v3  }
0x41: {  	v6 =	vshll.u32 v7, $0x2;
	v10 =	vld.idx.msk [tilespmem:v4+s9+$0x0], $0xffff;
	v1 =	vor.u32 v1, v3;
	v3 =	vshll.u32 v8, $0x2  }
0x42: {  	v6 =	vand.u32 $0xFFFFFE00, v6;
	v8 =	vand.u32 $0x7F, v8;
	v3 =	vand.u32 $0xFFFFFE00, v3  }
0x43: {  	v6 =	vor.u32 v11, v6;
	v17 =	vld.idx.msk [tilespmem:v5+s9+$0x0], $0xffff;
	v7 =	vor.u32 v8, v3;
	v3 =	vshll.u32 v9, $0x2  }
0x44: {  	v13 =	vld.idx.msk [tilespmem:v0+s9+$0x0], $0xffff;
	v8 =	vand.u32 $0x7F, v9;
	v3 =	vand.u32 $0xFFFFFE00, v3  }
0x45: {  	s25 =	simm.s32 $0x11100;
	v11 =	vld.idx.msk [tilespmem:v2+s9+$0x0], $0xffff;
	v3 =	vor.u32 v8, v3  }
0x46: {  	v20 =	vor.u32 $0x80, v0;
	[tilespmem:s25+$0x80] =	vst v10;
	v10 =	vld.idx.msk [tilespmem:v1+s9+$0x0], $0xffff  }
0x47: {  	v18 =	vld.idx.msk [tilespmem:v12+s9+$0x0], $0xffff;
	v12 =	vor.u32 $0x80, v5  }
0x48: {  	v15 =	vor.u32 $0x80, v2;
	v16 =	vld.idx.msk [tilespmem:v6+s9+$0x0], $0xffff  }
0x49: {  	s28 =	simm.s32 $0xC0;
	s29 =	simm.s32 $0x11100;
	s26 =	simm.s32 $0x0;
	v9 =	vor.u32 $0x80, v1;
	v14 =	vor.u32 $0x80, v7;
	v8 =	vor.u32 $0x80, v3;
	v19 =	vld.idx.msk [tilespmem:v7+s9+$0x0], $0xffff  }
.LBB2_2:
0x4a: {  	s26 =	sadd.s32 $0x8, s26;
	[tilespmem:s25+$0xC0] =	vst v13;
	v13 =	vld.idx.msk [tilespmem:v3+s9+$0x0], $0xffff;
	s29 =	sadd.s32 $0x200, s29  }
0x4b: {  	p0 =	slt.u32 s26, $0xF8;
	v20 =	vld.idx.msk [tilespmem:v20+s9+$0x0], $0xffff;
	[tilespmem:s25+$0xD0] =	vst v17  }
0x4c: {  	v17 =	vor.u32 $0x100, v4;
	v12 =	vld.idx.msk [tilespmem:v12+s9+$0x0], $0xffff  }
0x4d: {  	v21 =	vld [tilespmem:s28+$0x10];
	[tilespmem:s25+$0x0] =	vst v18  }
0x4e: {  	v18 =	vld [tilespmem:s28+$0xFFFFFFE0];
	[tilespmem:s25+$0x90] =	vst v19;
	v19 =	vor.u32 $0x80, v6  }
0x4f: {  	v14 =	vld.idx.msk [tilespmem:v14+s9+$0x0], $0xffff;
	[tilespmem:s25+$0xA0] =	vst v11  }
0x50: {  	v11 =	vld.idx.msk [tilespmem:v15+s9+$0x0], $0xffff;
	[tilespmem:s25+$0xF0] =	vst v13  }
0x51: {  	v13 =	vld.idx.msk [tilespmem:v17+s9+$0x0], $0xffff;
	[tilespmem:s25+$0x40] =	vst v20  }
0x52: {  	v15 =	vld [tilespmem:s28+$0xFFFFFFF0];
	[tilespmem:s25+$0xB0] =	vst v16  }
0x53: {  	v16 =	vld.idx.msk [tilespmem:v19+s9+$0x0], $0xffff;
	[tilespmem:s25+$0x50] =	vst v12  }
0x54: {  	v12 =	vld [tilespmem:s28+$0xFFFFFFC0];
	[tilespmem:s25+$0xE0] =	vst v10  }
0x55: {  	[tilespmem:s25+$0x10] =	vst v14;
	v8 =	vld.idx.msk [tilespmem:v8+s9+$0x0], $0xffff  }
0x56: {  	v10 =	vld [tilespmem:s28+$0x20];
	[tilespmem:s25+$0x20] =	vst v11;
	v11 =	vor.u32 $0x100, v5  }
0x57: {  	v14 =	vld [tilespmem:s28+$0x30];
	[tilespmem:s25+$0xFFFFFF80] =	vst v13;
	v13 =	vor.u32 $0x100, v7  }
0x58: {  	v19 =	vor.u32 $0x100, v6;
	v17 =	vld [tilespmem:s28+$0xFFFFFFD0]  }
0x59: {  	v20 =	vor.u32 $0x180, v4;
	[tilespmem:s25+$0x30] =	vst v16;
	v9 =	vld.idx.msk [tilespmem:v9+s9+$0x0], $0xffff  }
0x5a: {  	v22 =	vor.u32 $0x100, v2;
	v23 =	vor.u32 $0x180, v5;
	v5 =	vor.u32 $0x100, v1;
	v16 =	vld [tilespmem:s28+$0x0]  }
0x5b: {  	v24 =	vor.u32 $0x100, v0;
	v4 =	vshll.u32 v12, $0x2;
	v11 =	vld.idx.msk [tilespmem:v11+s9+$0x0], $0xffff;
	[tilespmem:s25+$0x70] =	vst v8;
	v8 =	vor.u32 $0x100, v3  }
0x5c: {  	v4 =	vand.u32 $0xFFFFFE00, v4;
	v25 =	vand.u32 $0x7F, v14;
	v14 =	vshll.u32 v14, $0x2;
	v13 =	vld.idx.msk [tilespmem:v13+s9+$0x0], $0xffff  }
0x5d: {  	v6 =	vor.u32 $0x180, v6;
	v12 =	vand.u32 $0x7F, v12;
	v14 =	vand.u32 $0xFFFFFE00, v14;
	v19 =	vld.idx.msk [tilespmem:v19+s9+$0x0], $0xffff  }
0x5e: {  	v7 =	vor.u32 $0x180, v7;
	v4 =	vor.u32 v12, v4;
	v12 =	vshll.u32 v21, $0x2;
	v20 =	vld.idx.msk [tilespmem:v20+s9+$0x0], $0xffff  }
0x5f: {  	v26 =	vshll.u32 v15, $0x2;
	v14 =	vor.u32 v25, v14;
	v27 =	vshll.u32 v16, $0x2;
	v22 =	vld.idx.msk [tilespmem:v22+s9+$0x0], $0xffff;
	[tilespmem:s25+$0x60] =	vst v9  }
0x60: {  	v21 =	vand.u32 $0x7F, v21;
	v9 =	vand.u32 $0xFFFFFE00, v26;
	v16 =	vand.u32 $0x7F, v16;
	v25 =	vld.idx.msk [tilespmem:v5+s9+$0x0], $0xffff  }
0x61: {  	v12 =	vand.u32 $0xFFFFFE00, v12;
	v26 =	vor.u32 $0x180, v2;
	v5 =	vand.u32 $0xFFFFFE00, v27;
	[tilespmem:s25+$0xFFFFFFD0] =	vst v11;
	v8 =	vld.idx.msk [tilespmem:v8+s9+$0x0], $0xffff  }
0x62: {  	v2 =	vshll.u32 v18, $0x2;
	v11 =	vor.u32 v16, v5;
	v5 =	vor.u32 v21, v12;
	[tilespmem:s25+$0xFFFFFF90] =	vst v13;
	v12 =	vld.idx.msk [tilespmem:v24+s9+$0x0], $0xffff  }
0x63: {  	v2 =	vand.u32 $0xFFFFFE00, v2;
	v13 =	vor.u32 $0x180, v3;
	v3 =	vmov v14;
	v7 =	vld.idx.msk [tilespmem:v7+s9+$0x0], $0xffff;
	[tilespmem:s25+$0xFFFFFFB0] =	vst v19  }
0x64: {  	v14 =	vand.u32 $0x7F, v18;
	v18 =	vor.u32 $0x180, v0;
	v0 =	vmovc v11;
	v19 =	vor.u32 $0x180, v1;
	[tilespmem:s25+$0xFFFFFF00] =	vst v20;
	v16 =	vld.idx.msk [tilespmem:v6+s9+$0x0], $0xffff  }
0x65: {  	v21 =	vor.u32 $0x80, v4;
	v2 =	vor.u32 v14, v2;
	v1 =	vand.u32 $0x7F, v15;
	[tilespmem:s25+$0xFFFFFFA0] =	vst v22;
	v11 =	vld.idx.msk [tilespmem:v23+s9+$0x0], $0xffff  }
0x66: {  	v6 =	vor.u32 v1, v9;
	v1 =	vshll.u32 v10, $0x2;
	v9 =	vld.idx.msk [tilespmem:v26+s9+$0x0], $0xffff;
	[tilespmem:s25+$0xFFFFFFE0] =	vst v25  }
0x67: {  	v10 =	vand.u32 $0x7F, v10;
	v1 =	vand.u32 $0xFFFFFE00, v1;
	v15 =	vld.idx.msk [tilespmem:v4+s9+$0x0], $0xffff;
	[tilespmem:s25+$0xFFFFFFF0] =	vst v8  }
0x68: {  	v1 =	vor.u32 v10, v1;
	[tilespmem:s25+$0xFFFFFFC0] =	vst v12;
	v22 =	vld.idx.msk [tilespmem:v13+s9+$0x0], $0xffff  }
0x69: {  	v8 =	vshll.u32 v17, $0x2;
	v12 =	vor.u32 $0x80, v5;
	v13 =	vld.idx.msk [tilespmem:v0+s9+$0x0], $0xffff;
	[tilespmem:s25+$0xFFFFFF10] =	vst v7  }
0x6a: {  	v10 =	vand.u32 $0xFFFFFE00, v8;
	v8 =	vor.u32 $0x80, v3;
	v7 =	vand.u32 $0x7F, v17;
	[tilespmem:s25+$0xFFFFFF30] =	vst v16;
	v16 =	vld.idx.msk [tilespmem:v18+s9+$0x0], $0xffff  }
0x6b: {  	v7 =	vor.u32 v7, v10;
	[tilespmem:s25+$0xFFFFFF50] =	vst v11;
	v23 =	vld.idx.msk [tilespmem:v19+s9+$0x0], $0xffff  }
0x6c: {  	v14 =	vor.u32 $0x80, v7;
	v11 =	vld.idx.msk [tilespmem:v2+s9+$0x0], $0xffff  }
.Ltmp0:
0x6d: {  	[tilespmem:s29+$0x80] =	vst v15;
	v15 =	vor.u32 $0x80, v2;
	v17 =	vld.idx.msk [tilespmem:v5+s9+$0x0], $0xffff;
	(pc) =	sbr.rel @p0 .LBB2_2-.Ltmp0, $4  }
0x6e: {  	v20 =	vor.u32 $0x80, v0;
	v10 =	vld.idx.msk [tilespmem:v1+s9+$0x0], $0xffff;
	[tilespmem:s25+$0xFFFFFF70] =	vst v22  }
0x6f: {  	v18 =	vld.idx.msk [tilespmem:v21+s9+$0x0], $0xffff;
	[tilespmem:s25+$0xFFFFFF20] =	vst v9  }
0x70: {  	v19 =	vld.idx.msk [tilespmem:v7+s9+$0x0], $0xffff;
	[tilespmem:s25+$0xFFFFFF40] =	vst v16  }
0x71: {  	s28 =	sadd.s32 $0x80, s28;
	v9 =	vor.u32 $0x80, v1;
	v16 =	vld.idx.msk [tilespmem:v6+s9+$0x0], $0xffff;
	[tilespmem:s25+$0xFFFFFF60] =	vst v23;
	s25 =	smov.u32 s29  }
0x72: {  	_ =	sdelay $0x2  }
0x73: {  	[tilespmem:s25+$0xC0] =	vst v13  }
0x74: {  	v13 =	vld.idx.msk [tilespmem:v3+s9+$0x0], $0xffff;
	[tilespmem:s25+$0xD0] =	vst v17  }
0x75: {  	[tilespmem:s25+$0xA0] =	vst v11;
	v17 =	vld.idx.msk [tilespmem:v20+s9+$0x0], $0xffff;
	v20 =	vor.u32 $0x100, v4  }
0x76: {  	[tilespmem:s25+$0x0] =	vst v18  }
0x77: {  	v12 =	vld.idx.msk [tilespmem:v12+s9+$0x0], $0xffff;
	v18 =	vor.u32 $0x80, v6;
	[tilespmem:s25+$0x90] =	vst v19  }
0x78: {  	[tilespmem:s25+$0xE0] =	vst v10;
	v11 =	vld.idx.msk [tilespmem:v14+s9+$0x0], $0xffff  }
0x79: {  	[tilespmem:s25+$0xF0] =	vst v13;
	v13 =	vld.idx.msk [tilespmem:v15+s9+$0x0], $0xffff  }
0x7a: {  	v14 =	vor.u32 $0x100, v5;
	[tilespmem:s25+$0x40] =	vst v17;
	v17 =	vld.idx.msk [tilespmem:v20+s9+$0x0], $0xffff  }
0x7b: {  	v10 =	vor.u32 $0x100, v2;
	[tilespmem:s25+$0xB0] =	vst v16;
	v8 =	vld.idx.msk [tilespmem:v8+s9+$0x0], $0xffff  }
0x7c: {  	v16 =	vor.u32 $0x100, v7;
	[tilespmem:s25+$0x50] =	vst v12;
	v15 =	vld.idx.msk [tilespmem:v18+s9+$0x0], $0xffff  }
0x7d: {  	v4 =	vor.u32 $0x180, v4;
	[tilespmem:s25+$0x10] =	vst v11  }
0x7e: {  	v9 =	vld.idx.msk [tilespmem:v9+s9+$0x0], $0xffff;
	v12 =	vor.u32 $0x100, v6;
	[tilespmem:s25+$0x20] =	vst v13  }
0x7f: {  	v11 =	vld.idx.msk [tilespmem:v14+s9+$0x0], $0xffff;
	v14 =	vor.u32 $0x100, v1;
	[tilespmem:s25+$0xFFFFFF80] =	vst v17  }
0x80: {  	v13 =	vor.u32 $0x100, v3;
	[tilespmem:s25+$0x70] =	vst v8;
	v8 =	vld.idx.msk [tilespmem:v10+s9+$0x0], $0xffff  }
0x81: {  	v5 =	vor.u32 $0x180, v5;
	[tilespmem:s25+$0x30] =	vst v15;
	v15 =	vld.idx.msk [tilespmem:v16+s9+$0x0], $0xffff  }
0x82: {  	v16 =	vor.u32 $0x100, v0;
	v4 =	vld.idx.msk [tilespmem:v4+s9+$0x0], $0xffff  }
0x83: {  	v2 =	vor.u32 $0x180, v2;
	[tilespmem:s25+$0x60] =	vst v9;
	v12 =	vld.idx.msk [tilespmem:v12+s9+$0x0], $0xffff  }
0x84: {  	v7 =	vor.u32 $0x180, v7;
	[tilespmem:s25+$0xFFFFFFD0] =	vst v11;
	v10 =	vld.idx.msk [tilespmem:v14+s9+$0x0], $0xffff  }
0x85: {  	v6 =	vor.u32 $0x180, v6;
	v9 =	vld.idx.msk [tilespmem:v13+s9+$0x0], $0xffff;
	[tilespmem:s25+$0xFFFFFFA0] =	vst v8  }
0x86: {  	v1 =	vor.u32 $0x180, v1;
	v5 =	vld.idx.msk [tilespmem:v5+s9+$0x0], $0xffff;
	[tilespmem:s25+$0xFFFFFF90] =	vst v15  }
0x87: {  	v3 =	vor.u32 $0x180, v3;
	v11 =	vld.idx.msk [tilespmem:v16+s9+$0x0], $0xffff;
	[tilespmem:s25+$0xFFFFFF00] =	vst v4  }
0x88: {  	v0 =	vor.u32 $0x180, v0;
	v2 =	vld.idx.msk [tilespmem:v2+s9+$0x0], $0xffff;
	[tilespmem:s25+$0xFFFFFFB0] =	vst v12  }
0x89: {  	v7 =	vld.idx.msk [tilespmem:v7+s9+$0x0], $0xffff;
	[tilespmem:s25+$0xFFFFFFE0] =	vst v10  }
0x8a: {  	v4 =	vld.idx.msk [tilespmem:v6+s9+$0x0], $0xffff;
	[tilespmem:s25+$0xFFFFFFF0] =	vst v9  }
0x8b: {  	v1 =	vld.idx.msk [tilespmem:v1+s9+$0x0], $0xffff;
	[tilespmem:s25+$0xFFFFFF50] =	vst v5  }
0x8c: {  	v3 =	vld.idx.msk [tilespmem:v3+s9+$0x0], $0xffff;
	[tilespmem:s25+$0xFFFFFFC0] =	vst v11  }
0x8d: {  	[tilespmem:s25+$0xFFFFFF20] =	vst v2;
	v0 =	vld.idx.msk [tilespmem:v0+s9+$0x0], $0xffff  }
0x8e: {  	[tilespmem:s25+$0xFFFFFF10] =	vst v7  }
0x8f: {  	[tilespmem:s25+$0xFFFFFF30] =	vst v4  }
0x90: {  	[tilespmem:s25+$0xFFFFFF60] =	vst v1  }
0x91: {  	[tilespmem:s25+$0xFFFFFF70] =	vst v3  }
0x92: {  	[tilespmem:s25+$0xFFFFFF40] =	vst v0  }
0x93: {  	s25 =	rddreg [dreg:$0x8]  }
0x94: {  	[hbm4b:s25+s6] =	stream.strided.scatter [tilespmem:s15], [sflag:$0x5], $0x4000, s7, s6, $0x38;
	[tilespmem:$0x1D000] =	vst v63  }
0x95: {  	s26 =	rddreg [dreg:$0x9]  }
0x96: {  	[tilespmem:s9], [sflag:$0x1] =	stream.strided.gather [hbm4b:s26+s6], $0x4000, s7, s6, $0x38;
	[tilespmem:$0x1D000] =	vst v63  }
0x97: {  	_ =	swait.ge [sflag:s16], $0x4000  }
0x98: {  	[sflag:s16] =	ssyncset.done $0x0  }
0x99: {  	s26 =	simm.s32 $0x40;
	[sflag:s16] =	ssyncadd.s32 $0xFFFFC000  }
0x9a: {  	v0 =	vld [tilespmem:s26+$0xFFFFFFC0]  }
0x9b: {  	v1 =	vld [tilespmem:s26+$0x10]  }
0x9c: {  	v3 =	vld [tilespmem:s26+$0xFFFFFFE0]  }
0x9d: {  	v2 =	vld [tilespmem:s26+$0x0];
	_ =	sdelay $0x1  }
0x9e: {  	v6 =	vld [tilespmem:s26+$0x20]  }
0x9f: {  	v7 =	vld [tilespmem:s26+$0xFFFFFFF0];
	v4 =	vshll.u32 v0, $0x2;
	v0 =	vand.u32 $0x7F, v0;
	v5 =	vshll.u32 v1, $0x2  }
0xa0: {  	v1 =	vand.u32 $0x7F, v1;
	v9 =	vshll.u32 v3, $0x2;
	v4 =	vand.u32 $0xFFFFFE00, v4  }
0xa1: {  	v8 =	vld [tilespmem:s26+$0xFFFFFFD0];
	v3 =	vand.u32 $0x7F, v3;
	v4 =	vor.u32 v0, v4;
	v0 =	vshll.u32 v2, $0x2  }
0xa2: {  	v5 =	vand.u32 $0xFFFFFE00, v5;
	v2 =	vand.u32 $0x7F, v2;
	v0 =	vand.u32 $0xFFFFFE00, v0  }
0xa3: {  	v5 =	vor.u32 v1, v5;
	v0 =	vor.u32 v2, v0;
	v2 =	vand.u32 $0xFFFFFE00, v9;
	v9 =	vld [tilespmem:s26+$0x30]  }
0xa4: {  	v11 =	vand.u32 $0x7F, v7;
	v2 =	vor.u32 v3, v2;
	v3 =	vshll.u32 v6, $0x2  }
0xa5: {  	v1 =	vand.u32 $0x7F, v6;
	v12 =	vor.u32 $0x80, v4;
	v3 =	vand.u32 $0xFFFFFE00, v3  }
0xa6: {  	v6 =	vshll.u32 v7, $0x2;
	v10 =	vld.idx.msk [tilespmem:v4+s10+$0x0], $0xffff;
	v1 =	vor.u32 v1, v3;
	v3 =	vshll.u32 v8, $0x2  }
0xa7: {  	v6 =	vand.u32 $0xFFFFFE00, v6;
	v8 =	vand.u32 $0x7F, v8;
	v3 =	vand.u32 $0xFFFFFE00, v3  }
0xa8: {  	v6 =	vor.u32 v11, v6;
	v17 =	vld.idx.msk [tilespmem:v5+s10+$0x0], $0xffff;
	v7 =	vor.u32 v8, v3;
	v3 =	vshll.u32 v9, $0x2  }
0xa9: {  	v13 =	vld.idx.msk [tilespmem:v0+s10+$0x0], $0xffff;
	v8 =	vand.u32 $0x7F, v9;
	v3 =	vand.u32 $0xFFFFFE00, v3  }
0xaa: {  	s25 =	simm.s32 $0x15100;
	v11 =	vld.idx.msk [tilespmem:v2+s10+$0x0], $0xffff;
	v3 =	vor.u32 v8, v3  }
0xab: {  	v20 =	vor.u32 $0x80, v0;
	[tilespmem:s25+$0x80] =	vst v10;
	v10 =	vld.idx.msk [tilespmem:v1+s10+$0x0], $0xffff  }
0xac: {  	v18 =	vld.idx.msk [tilespmem:v12+s10+$0x0], $0xffff;
	v12 =	vor.u32 $0x80, v5  }
0xad: {  	v15 =	vor.u32 $0x80, v2;
	v16 =	vld.idx.msk [tilespmem:v6+s10+$0x0], $0xffff  }
0xae: {  	s28 =	simm.s32 $0xC0;
	s29 =	simm.s32 $0x15100;
	s26 =	simm.s32 $0x0;
	v9 =	vor.u32 $0x80, v1;
	v14 =	vor.u32 $0x80, v7;
	v8 =	vor.u32 $0x80, v3;
	v19 =	vld.idx.msk [tilespmem:v7+s10+$0x0], $0xffff  }
.LBB2_4:
0xaf: {  	s26 =	sadd.s32 $0x8, s26;
	[tilespmem:s25+$0xC0] =	vst v13;
	v13 =	vld.idx.msk [tilespmem:v3+s10+$0x0], $0xffff;
	s29 =	sadd.s32 $0x200, s29  }
0xb0: {  	p0 =	slt.u32 s26, $0xF8;
	v20 =	vld.idx.msk [tilespmem:v20+s10+$0x0], $0xffff;
	[tilespmem:s25+$0xD0] =	vst v17  }
0xb1: {  	v17 =	vor.u32 $0x100, v4;
	v12 =	vld.idx.msk [tilespmem:v12+s10+$0x0], $0xffff  }
0xb2: {  	v21 =	vld [tilespmem:s28+$0x10];
	[tilespmem:s25+$0x0] =	vst v18  }
0xb3: {  	v18 =	vld [tilespmem:s28+$0xFFFFFFE0];
	[tilespmem:s25+$0x90] =	vst v19;
	v19 =	vor.u32 $0x80, v6  }
0xb4: {  	v14 =	vld.idx.msk [tilespmem:v14+s10+$0x0], $0xffff;
	[tilespmem:s25+$0xA0] =	vst v11  }
0xb5: {  	v11 =	vld.idx.msk [tilespmem:v15+s10+$0x0], $0xffff;
	[tilespmem:s25+$0xF0] =	vst v13  }
0xb6: {  	v13 =	vld.idx.msk [tilespmem:v17+s10+$0x0], $0xffff;
	[tilespmem:s25+$0x40] =	vst v20  }
0xb7: {  	v15 =	vld [tilespmem:s28+$0xFFFFFFF0];
	[tilespmem:s25+$0xB0] =	vst v16  }
0xb8: {  	v16 =	vld.idx.msk [tilespmem:v19+s10+$0x0], $0xffff;
	[tilespmem:s25+$0x50] =	vst v12  }
0xb9: {  	v12 =	vld [tilespmem:s28+$0xFFFFFFC0];
	[tilespmem:s25+$0xE0] =	vst v10  }
0xba: {  	[tilespmem:s25+$0x10] =	vst v14;
	v8 =	vld.idx.msk [tilespmem:v8+s10+$0x0], $0xffff  }
0xbb: {  	v10 =	vld [tilespmem:s28+$0x20];
	[tilespmem:s25+$0x20] =	vst v11;
	v11 =	vor.u32 $0x100, v5  }
0xbc: {  	v14 =	vld [tilespmem:s28+$0x30];
	[tilespmem:s25+$0xFFFFFF80] =	vst v13;
	v13 =	vor.u32 $0x100, v7  }
0xbd: {  	v19 =	vor.u32 $0x100, v6;
	v17 =	vld [tilespmem:s28+$0xFFFFFFD0]  }
0xbe: {  	v20 =	vor.u32 $0x180, v4;
	[tilespmem:s25+$0x30] =	vst v16;
	v9 =	vld.idx.msk [tilespmem:v9+s10+$0x0], $0xffff  }
0xbf: {  	v22 =	vor.u32 $0x100, v2;
	v23 =	vor.u32 $0x180, v5;
	v5 =	vor.u32 $0x100, v1;
	v16 =	vld [tilespmem:s28+$0x0]  }
0xc0: {  	v24 =	vor.u32 $0x100, v0;
	v4 =	vshll.u32 v12, $0x2;
	v11 =	vld.idx.msk [tilespmem:v11+s10+$0x0], $0xffff;
	[tilespmem:s25+$0x70] =	vst v8;
	v8 =	vor.u32 $0x100, v3  }
0xc1: {  	v4 =	vand.u32 $0xFFFFFE00, v4;
	v25 =	vand.u32 $0x7F, v14;
	v14 =	vshll.u32 v14, $0x2;
	v13 =	vld.idx.msk [tilespmem:v13+s10+$0x0], $0xffff  }
0xc2: {  	v6 =	vor.u32 $0x180, v6;
	v12 =	vand.u32 $0x7F, v12;
	v14 =	vand.u32 $0xFFFFFE00, v14;
	v19 =	vld.idx.msk [tilespmem:v19+s10+$0x0], $0xffff  }
0xc3: {  	v7 =	vor.u32 $0x180, v7;
	v4 =	vor.u32 v12, v4;
	v12 =	vshll.u32 v21, $0x2;
	v20 =	vld.idx.msk [tilespmem:v20+s10+$0x0], $0xffff  }
0xc4: {  	v26 =	vshll.u32 v15, $0x2;
	v14 =	vor.u32 v25, v14;
	v27 =	vshll.u32 v16, $0x2;
	v22 =	vld.idx.msk [tilespmem:v22+s10+$0x0], $0xffff;
	[tilespmem:s25+$0x60] =	vst v9  }
0xc5: {  	v21 =	vand.u32 $0x7F, v21;
	v9 =	vand.u32 $0xFFFFFE00, v26;
	v16 =	vand.u32 $0x7F, v16;
	v25 =	vld.idx.msk [tilespmem:v5+s10+$0x0], $0xffff  }
0xc6: {  	v12 =	vand.u32 $0xFFFFFE00, v12;
	v26 =	vor.u32 $0x180, v2;
	v5 =	vand.u32 $0xFFFFFE00, v27;
	[tilespmem:s25+$0xFFFFFFD0] =	vst v11;
	v8 =	vld.idx.msk [tilespmem:v8+s10+$0x0], $0xffff  }
0xc7: {  	v2 =	vshll.u32 v18, $0x2;
	v11 =	vor.u32 v16, v5;
	v5 =	vor.u32 v21, v12;
	[tilespmem:s25+$0xFFFFFF90] =	vst v13;
	v12 =	vld.idx.msk [tilespmem:v24+s10+$0x0], $0xffff  }
0xc8: {  	v2 =	vand.u32 $0xFFFFFE00, v2;
	v13 =	vor.u32 $0x180, v3;
	v3 =	vmov v14;
	v7 =	vld.idx.msk [tilespmem:v7+s10+$0x0], $0xffff;
	[tilespmem:s25+$0xFFFFFFB0] =	vst v19  }
0xc9: {  	v14 =	vand.u32 $0x7F, v18;
	v18 =	vor.u32 $0x180, v0;
	v0 =	vmovc v11;
	v19 =	vor.u32 $0x180, v1;
	[tilespmem:s25+$0xFFFFFF00] =	vst v20;
	v16 =	vld.idx.msk [tilespmem:v6+s10+$0x0], $0xffff  }
0xca: {  	v21 =	vor.u32 $0x80, v4;
	v2 =	vor.u32 v14, v2;
	v1 =	vand.u32 $0x7F, v15;
	[tilespmem:s25+$0xFFFFFFA0] =	vst v22;
	v11 =	vld.idx.msk [tilespmem:v23+s10+$0x0], $0xffff  }
0xcb: {  	v6 =	vor.u32 v1, v9;
	v1 =	vshll.u32 v10, $0x2;
	v9 =	vld.idx.msk [tilespmem:v26+s10+$0x0], $0xffff;
	[tilespmem:s25+$0xFFFFFFE0] =	vst v25  }
0xcc: {  	v10 =	vand.u32 $0x7F, v10;
	v1 =	vand.u32 $0xFFFFFE00, v1;
	v15 =	vld.idx.msk [tilespmem:v4+s10+$0x0], $0xffff;
	[tilespmem:s25+$0xFFFFFFF0] =	vst v8  }
0xcd: {  	v1 =	vor.u32 v10, v1;
	[tilespmem:s25+$0xFFFFFFC0] =	vst v12;
	v22 =	vld.idx.msk [tilespmem:v13+s10+$0x0], $0xffff  }
0xce: {  	v8 =	vshll.u32 v17, $0x2;
	v12 =	vor.u32 $0x80, v5;
	v13 =	vld.idx.msk [tilespmem:v0+s10+$0x0], $0xffff;
	[tilespmem:s25+$0xFFFFFF10] =	vst v7  }
0xcf: {  	v10 =	vand.u32 $0xFFFFFE00, v8;
	v8 =	vor.u32 $0x80, v3;
	v7 =	vand.u32 $0x7F, v17;
	[tilespmem:s25+$0xFFFFFF30] =	vst v16;
	v16 =	vld.idx.msk [tilespmem:v18+s10+$0x0], $0xffff  }
0xd0: {  	v7 =	vor.u32 v7, v10;
	[tilespmem:s25+$0xFFFFFF50] =	vst v11;
	v23 =	vld.idx.msk [tilespmem:v19+s10+$0x0], $0xffff  }
0xd1: {  	v14 =	vor.u32 $0x80, v7;
	v11 =	vld.idx.msk [tilespmem:v2+s10+$0x0], $0xffff  }
.Ltmp1:
0xd2: {  	[tilespmem:s29+$0x80] =	vst v15;
	v15 =	vor.u32 $0x80, v2;
	v17 =	vld.idx.msk [tilespmem:v5+s10+$0x0], $0xffff;
	(pc) =	sbr.rel @p0 .LBB2_4-.Ltmp1, $4  }
0xd3: {  	v20 =	vor.u32 $0x80, v0;
	v10 =	vld.idx.msk [tilespmem:v1+s10+$0x0], $0xffff;
	[tilespmem:s25+$0xFFFFFF70] =	vst v22  }
0xd4: {  	v18 =	vld.idx.msk [tilespmem:v21+s10+$0x0], $0xffff;
	[tilespmem:s25+$0xFFFFFF20] =	vst v9  }
0xd5: {  	v19 =	vld.idx.msk [tilespmem:v7+s10+$0x0], $0xffff;
	[tilespmem:s25+$0xFFFFFF40] =	vst v16  }
0xd6: {  	s28 =	sadd.s32 $0x80, s28;
	v9 =	vor.u32 $0x80, v1;
	v16 =	vld.idx.msk [tilespmem:v6+s10+$0x0], $0xffff;
	[tilespmem:s25+$0xFFFFFF60] =	vst v23;
	s25 =	smov.u32 s29  }
0xd7: {  	_ =	sdelay $0x2  }
0xd8: {  	[tilespmem:s25+$0xC0] =	vst v13  }
0xd9: {  	v13 =	vld.idx.msk [tilespmem:v3+s10+$0x0], $0xffff;
	[tilespmem:s25+$0xD0] =	vst v17  }
0xda: {  	[tilespmem:s25+$0xA0] =	vst v11;
	v17 =	vld.idx.msk [tilespmem:v20+s10+$0x0], $0xffff;
	v20 =	vor.u32 $0x100, v4  }
0xdb: {  	[tilespmem:s25+$0x0] =	vst v18  }
0xdc: {  	v12 =	vld.idx.msk [tilespmem:v12+s10+$0x0], $0xffff;
	v18 =	vor.u32 $0x80, v6;
	[tilespmem:s25+$0x90] =	vst v19  }
0xdd: {  	[tilespmem:s25+$0xE0] =	vst v10;
	v11 =	vld.idx.msk [tilespmem:v14+s10+$0x0], $0xffff  }
0xde: {  	[tilespmem:s25+$0xF0] =	vst v13;
	v13 =	vld.idx.msk [tilespmem:v15+s10+$0x0], $0xffff  }
0xdf: {  	v14 =	vor.u32 $0x100, v5;
	[tilespmem:s25+$0x40] =	vst v17;
	v17 =	vld.idx.msk [tilespmem:v20+s10+$0x0], $0xffff  }
0xe0: {  	v10 =	vor.u32 $0x100, v2;
	[tilespmem:s25+$0xB0] =	vst v16;
	v8 =	vld.idx.msk [tilespmem:v8+s10+$0x0], $0xffff  }
0xe1: {  	v16 =	vor.u32 $0x100, v7;
	[tilespmem:s25+$0x50] =	vst v12;
	v15 =	vld.idx.msk [tilespmem:v18+s10+$0x0], $0xffff  }
0xe2: {  	v4 =	vor.u32 $0x180, v4;
	[tilespmem:s25+$0x10] =	vst v11  }
0xe3: {  	v9 =	vld.idx.msk [tilespmem:v9+s10+$0x0], $0xffff;
	v12 =	vor.u32 $0x100, v6;
	[tilespmem:s25+$0x20] =	vst v13  }
0xe4: {  	v11 =	vld.idx.msk [tilespmem:v14+s10+$0x0], $0xffff;
	v14 =	vor.u32 $0x100, v1;
	[tilespmem:s25+$0xFFFFFF80] =	vst v17  }
0xe5: {  	v13 =	vor.u32 $0x100, v3;
	[tilespmem:s25+$0x70] =	vst v8;
	v8 =	vld.idx.msk [tilespmem:v10+s10+$0x0], $0xffff  }
0xe6: {  	v5 =	vor.u32 $0x180, v5;
	[tilespmem:s25+$0x30] =	vst v15;
	v15 =	vld.idx.msk [tilespmem:v16+s10+$0x0], $0xffff  }
0xe7: {  	v16 =	vor.u32 $0x100, v0;
	v4 =	vld.idx.msk [tilespmem:v4+s10+$0x0], $0xffff  }
0xe8: {  	v2 =	vor.u32 $0x180, v2;
	[tilespmem:s25+$0x60] =	vst v9;
	v12 =	vld.idx.msk [tilespmem:v12+s10+$0x0], $0xffff  }
0xe9: {  	v7 =	vor.u32 $0x180, v7;
	[tilespmem:s25+$0xFFFFFFD0] =	vst v11;
	v10 =	vld.idx.msk [tilespmem:v14+s10+$0x0], $0xffff  }
0xea: {  	v6 =	vor.u32 $0x180, v6;
	v9 =	vld.idx.msk [tilespmem:v13+s10+$0x0], $0xffff;
	[tilespmem:s25+$0xFFFFFFA0] =	vst v8  }
0xeb: {  	v1 =	vor.u32 $0x180, v1;
	v5 =	vld.idx.msk [tilespmem:v5+s10+$0x0], $0xffff;
	[tilespmem:s25+$0xFFFFFF90] =	vst v15  }
0xec: {  	v3 =	vor.u32 $0x180, v3;
	v11 =	vld.idx.msk [tilespmem:v16+s10+$0x0], $0xffff;
	[tilespmem:s25+$0xFFFFFF00] =	vst v4  }
0xed: {  	v0 =	vor.u32 $0x180, v0;
	v2 =	vld.idx.msk [tilespmem:v2+s10+$0x0], $0xffff;
	[tilespmem:s25+$0xFFFFFFB0] =	vst v12  }
0xee: {  	v7 =	vld.idx.msk [tilespmem:v7+s10+$0x0], $0xffff;
	[tilespmem:s25+$0xFFFFFFE0] =	vst v10  }
0xef: {  	v4 =	vld.idx.msk [tilespmem:v6+s10+$0x0], $0xffff;
	[tilespmem:s25+$0xFFFFFFF0] =	vst v9  }
0xf0: {  	v1 =	vld.idx.msk [tilespmem:v1+s10+$0x0], $0xffff;
	[tilespmem:s25+$0xFFFFFF50] =	vst v5  }
0xf1: {  	v3 =	vld.idx.msk [tilespmem:v3+s10+$0x0], $0xffff;
	[tilespmem:s25+$0xFFFFFFC0] =	vst v11  }
0xf2: {  	[tilespmem:s25+$0xFFFFFF20] =	vst v2;
	v0 =	vld.idx.msk [tilespmem:v0+s10+$0x0], $0xffff  }
0xf3: {  	[tilespmem:s25+$0xFFFFFF10] =	vst v7  }
0xf4: {  	[tilespmem:s25+$0xFFFFFF30] =	vst v4  }
0xf5: {  	[tilespmem:s25+$0xFFFFFF60] =	vst v1  }
0xf6: {  	[tilespmem:s25+$0xFFFFFF70] =	vst v3  }
0xf7: {  	[tilespmem:s25+$0xFFFFFF40] =	vst v0  }
0xf8: {  	s25 =	rddreg [dreg:$0xa]  }
0xf9: {  	[hbm4b:s25+s6] =	stream.strided.scatter [tilespmem:s17], [sflag:$0x6], $0x4000, s7, s6, $0x38;
	[tilespmem:$0x1D000] =	vst v63  }
0xfa: {  	s26 =	rddreg [dreg:$0xb]  }
0xfb: {  	[tilespmem:s10], [sflag:$0x2] =	stream.strided.gather [hbm4b:s26+s6], $0x4000, s7, s6, $0x38;
	[tilespmem:$0x1D000] =	vst v63  }
0xfc: {  	_ =	swait.ge [sflag:s18], $0x4000  }
0xfd: {  	[sflag:s18] =	ssyncset.done $0x0  }
0xfe: {  	s26 =	simm.s32 $0x40;
	[sflag:s18] =	ssyncadd.s32 $0xFFFFC000  }
0xff: {  	v0 =	vld [tilespmem:s26+$0xFFFFFFC0]  }
0x100: {  	v1 =	vld [tilespmem:s26+$0x10]  }
0x101: {  	v3 =	vld [tilespmem:s26+$0xFFFFFFE0]  }
0x102: {  	v2 =	vld [tilespmem:s26+$0x0];
	_ =	sdelay $0x1  }
0x103: {  	v6 =	vld [tilespmem:s26+$0x20]  }
0x104: {  	v7 =	vld [tilespmem:s26+$0xFFFFFFF0];
	v4 =	vshll.u32 v0, $0x2;
	v0 =	vand.u32 $0x7F, v0;
	v5 =	vshll.u32 v1, $0x2  }
0x105: {  	v1 =	vand.u32 $0x7F, v1;
	v9 =	vshll.u32 v3, $0x2;
	v4 =	vand.u32 $0xFFFFFE00, v4  }
0x106: {  	v8 =	vld [tilespmem:s26+$0xFFFFFFD0];
	v3 =	vand.u32 $0x7F, v3;
	v4 =	vor.u32 v0, v4;
	v0 =	vshll.u32 v2, $0x2  }
0x107: {  	v5 =	vand.u32 $0xFFFFFE00, v5;
	v2 =	vand.u32 $0x7F, v2;
	v0 =	vand.u32 $0xFFFFFE00, v0  }
0x108: {  	v5 =	vor.u32 v1, v5;
	v0 =	vor.u32 v2, v0;
	v2 =	vand.u32 $0xFFFFFE00, v9;
	v9 =	vld [tilespmem:s26+$0x30]  }
0x109: {  	v11 =	vand.u32 $0x7F, v7;
	v2 =	vor.u32 v3, v2;
	v3 =	vshll.u32 v6, $0x2  }
0x10a: {  	v1 =	vand.u32 $0x7F, v6;
	v12 =	vor.u32 $0x80, v4;
	v3 =	vand.u32 $0xFFFFFE00, v3  }
0x10b: {  	v6 =	vshll.u32 v7, $0x2;
	v10 =	vld.idx.msk [tilespmem:v4+s11+$0x0], $0xffff;
	v1 =	vor.u32 v1, v3;
	v3 =	vshll.u32 v8, $0x2  }
0x10c: {  	v6 =	vand.u32 $0xFFFFFE00, v6;
	v8 =	vand.u32 $0x7F, v8;
	v3 =	vand.u32 $0xFFFFFE00, v3  }
0x10d: {  	v6 =	vor.u32 v11, v6;
	v17 =	vld.idx.msk [tilespmem:v5+s11+$0x0], $0xffff;
	v7 =	vor.u32 v8, v3;
	v3 =	vshll.u32 v9, $0x2  }
0x10e: {  	v13 =	vld.idx.msk [tilespmem:v0+s11+$0x0], $0xffff;
	v8 =	vand.u32 $0x7F, v9;
	v3 =	vand.u32 $0xFFFFFE00, v3  }
0x10f: {  	s25 =	simm.s32 $0x19100;
	v11 =	vld.idx.msk [tilespmem:v2+s11+$0x0], $0xffff;
	v3 =	vor.u32 v8, v3  }
0x110: {  	v20 =	vor.u32 $0x80, v0;
	[tilespmem:s25+$0x80] =	vst v10;
	v10 =	vld.idx.msk [tilespmem:v1+s11+$0x0], $0xffff  }
0x111: {  	v18 =	vld.idx.msk [tilespmem:v12+s11+$0x0], $0xffff;
	v12 =	vor.u32 $0x80, v5  }
0x112: {  	v15 =	vor.u32 $0x80, v2;
	v16 =	vld.idx.msk [tilespmem:v6+s11+$0x0], $0xffff  }
0x113: {  	s28 =	simm.s32 $0xC0;
	s29 =	simm.s32 $0x19100;
	s26 =	simm.s32 $0x0;
	v9 =	vor.u32 $0x80, v1;
	v14 =	vor.u32 $0x80, v7;
	v8 =	vor.u32 $0x80, v3;
	v19 =	vld.idx.msk [tilespmem:v7+s11+$0x0], $0xffff  }
.LBB2_6:
0x114: {  	s26 =	sadd.s32 $0x8, s26;
	[tilespmem:s25+$0xC0] =	vst v13;
	v13 =	vld.idx.msk [tilespmem:v3+s11+$0x0], $0xffff;
	s29 =	sadd.s32 $0x200, s29  }
0x115: {  	p0 =	slt.u32 s26, $0xF8;
	v20 =	vld.idx.msk [tilespmem:v20+s11+$0x0], $0xffff;
	[tilespmem:s25+$0xD0] =	vst v17  }
0x116: {  	v17 =	vor.u32 $0x100, v4;
	v12 =	vld.idx.msk [tilespmem:v12+s11+$0x0], $0xffff  }
0x117: {  	v21 =	vld [tilespmem:s28+$0x10];
	[tilespmem:s25+$0x0] =	vst v18  }
0x118: {  	v18 =	vld [tilespmem:s28+$0xFFFFFFE0];
	[tilespmem:s25+$0x90] =	vst v19;
	v19 =	vor.u32 $0x80, v6  }
0x119: {  	v14 =	vld.idx.msk [tilespmem:v14+s11+$0x0], $0xffff;
	[tilespmem:s25+$0xA0] =	vst v11  }
0x11a: {  	v11 =	vld.idx.msk [tilespmem:v15+s11+$0x0], $0xffff;
	[tilespmem:s25+$0xF0] =	vst v13  }
0x11b: {  	v13 =	vld.idx.msk [tilespmem:v17+s11+$0x0], $0xffff;
	[tilespmem:s25+$0x40] =	vst v20  }
0x11c: {  	v15 =	vld [tilespmem:s28+$0xFFFFFFF0];
	[tilespmem:s25+$0xB0] =	vst v16  }
0x11d: {  	v16 =	vld.idx.msk [tilespmem:v19+s11+$0x0], $0xffff;
	[tilespmem:s25+$0x50] =	vst v12  }
0x11e: {  	v12 =	vld [tilespmem:s28+$0xFFFFFFC0];
	[tilespmem:s25+$0xE0] =	vst v10  }
0x11f: {  	[tilespmem:s25+$0x10] =	vst v14;
	v8 =	vld.idx.msk [tilespmem:v8+s11+$0x0], $0xffff  }
0x120: {  	v10 =	vld [tilespmem:s28+$0x20];
	[tilespmem:s25+$0x20] =	vst v11;
	v11 =	vor.u32 $0x100, v5  }
0x121: {  	v14 =	vld [tilespmem:s28+$0x30];
	[tilespmem:s25+$0xFFFFFF80] =	vst v13;
	v13 =	vor.u32 $0x100, v7  }
0x122: {  	v19 =	vor.u32 $0x100, v6;
	v17 =	vld [tilespmem:s28+$0xFFFFFFD0]  }
0x123: {  	v20 =	vor.u32 $0x180, v4;
	[tilespmem:s25+$0x30] =	vst v16;
	v9 =	vld.idx.msk [tilespmem:v9+s11+$0x0], $0xffff  }
0x124: {  	v22 =	vor.u32 $0x100, v2;
	v23 =	vor.u32 $0x180, v5;
	v5 =	vor.u32 $0x100, v1;
	v16 =	vld [tilespmem:s28+$0x0]  }
0x125: {  	v24 =	vor.u32 $0x100, v0;
	v4 =	vshll.u32 v12, $0x2;
	v11 =	vld.idx.msk [tilespmem:v11+s11+$0x0], $0xffff;
	[tilespmem:s25+$0x70] =	vst v8;
	v8 =	vor.u32 $0x100, v3  }
0x126: {  	v4 =	vand.u32 $0xFFFFFE00, v4;
	v25 =	vand.u32 $0x7F, v14;
	v14 =	vshll.u32 v14, $0x2;
	v13 =	vld.idx.msk [tilespmem:v13+s11+$0x0], $0xffff  }
0x127: {  	v6 =	vor.u32 $0x180, v6;
	v12 =	vand.u32 $0x7F, v12;
	v14 =	vand.u32 $0xFFFFFE00, v14;
	v19 =	vld.idx.msk [tilespmem:v19+s11+$0x0], $0xffff  }
0x128: {  	v7 =	vor.u32 $0x180, v7;
	v4 =	vor.u32 v12, v4;
	v12 =	vshll.u32 v21, $0x2;
	v20 =	vld.idx.msk [tilespmem:v20+s11+$0x0], $0xffff  }
0x129: {  	v26 =	vshll.u32 v15, $0x2;
	v14 =	vor.u32 v25, v14;
	v27 =	vshll.u32 v16, $0x2;
	v22 =	vld.idx.msk [tilespmem:v22+s11+$0x0], $0xffff;
	[tilespmem:s25+$0x60] =	vst v9  }
0x12a: {  	v21 =	vand.u32 $0x7F, v21;
	v9 =	vand.u32 $0xFFFFFE00, v26;
	v16 =	vand.u32 $0x7F, v16;
	v25 =	vld.idx.msk [tilespmem:v5+s11+$0x0], $0xffff  }
0x12b: {  	v12 =	vand.u32 $0xFFFFFE00, v12;
	v26 =	vor.u32 $0x180, v2;
	v5 =	vand.u32 $0xFFFFFE00, v27;
	[tilespmem:s25+$0xFFFFFFD0] =	vst v11;
	v8 =	vld.idx.msk [tilespmem:v8+s11+$0x0], $0xffff  }
0x12c: {  	v2 =	vshll.u32 v18, $0x2;
	v11 =	vor.u32 v16, v5;
	v5 =	vor.u32 v21, v12;
	[tilespmem:s25+$0xFFFFFF90] =	vst v13;
	v12 =	vld.idx.msk [tilespmem:v24+s11+$0x0], $0xffff  }
0x12d: {  	v2 =	vand.u32 $0xFFFFFE00, v2;
	v13 =	vor.u32 $0x180, v3;
	v3 =	vmov v14;
	v7 =	vld.idx.msk [tilespmem:v7+s11+$0x0], $0xffff;
	[tilespmem:s25+$0xFFFFFFB0] =	vst v19  }
0x12e: {  	v14 =	vand.u32 $0x7F, v18;
	v18 =	vor.u32 $0x180, v0;
	v0 =	vmovc v11;
	v19 =	vor.u32 $0x180, v1;
	[tilespmem:s25+$0xFFFFFF00] =	vst v20;
	v16 =	vld.idx.msk [tilespmem:v6+s11+$0x0], $0xffff  }
0x12f: {  	v21 =	vor.u32 $0x80, v4;
	v2 =	vor.u32 v14, v2;
	v1 =	vand.u32 $0x7F, v15;
	[tilespmem:s25+$0xFFFFFFA0] =	vst v22;
	v11 =	vld.idx.msk [tilespmem:v23+s11+$0x0], $0xffff  }
0x130: {  	v6 =	vor.u32 v1, v9;
	v1 =	vshll.u32 v10, $0x2;
	v9 =	vld.idx.msk [tilespmem:v26+s11+$0x0], $0xffff;
	[tilespmem:s25+$0xFFFFFFE0] =	vst v25  }
0x131: {  	v10 =	vand.u32 $0x7F, v10;
	v1 =	vand.u32 $0xFFFFFE00, v1;
	v15 =	vld.idx.msk [tilespmem:v4+s11+$0x0], $0xffff;
	[tilespmem:s25+$0xFFFFFFF0] =	vst v8  }
0x132: {  	v1 =	vor.u32 v10, v1;
	[tilespmem:s25+$0xFFFFFFC0] =	vst v12;
	v22 =	vld.idx.msk [tilespmem:v13+s11+$0x0], $0xffff  }
0x133: {  	v8 =	vshll.u32 v17, $0x2;
	v12 =	vor.u32 $0x80, v5;
	v13 =	vld.idx.msk [tilespmem:v0+s11+$0x0], $0xffff;
	[tilespmem:s25+$0xFFFFFF10] =	vst v7  }
0x134: {  	v10 =	vand.u32 $0xFFFFFE00, v8;
	v8 =	vor.u32 $0x80, v3;
	v7 =	vand.u32 $0x7F, v17;
	[tilespmem:s25+$0xFFFFFF30] =	vst v16;
	v16 =	vld.idx.msk [tilespmem:v18+s11+$0x0], $0xffff  }
0x135: {  	v7 =	vor.u32 v7, v10;
	[tilespmem:s25+$0xFFFFFF50] =	vst v11;
	v23 =	vld.idx.msk [tilespmem:v19+s11+$0x0], $0xffff  }
0x136: {  	v14 =	vor.u32 $0x80, v7;
	v11 =	vld.idx.msk [tilespmem:v2+s11+$0x0], $0xffff  }
.Ltmp2:
0x137: {  	[tilespmem:s29+$0x80] =	vst v15;
	v15 =	vor.u32 $0x80, v2;
	v17 =	vld.idx.msk [tilespmem:v5+s11+$0x0], $0xffff;
	(pc) =	sbr.rel @p0 .LBB2_6-.Ltmp2, $4  }
0x138: {  	v20 =	vor.u32 $0x80, v0;
	v10 =	vld.idx.msk [tilespmem:v1+s11+$0x0], $0xffff;
	[tilespmem:s25+$0xFFFFFF70] =	vst v22  }
0x139: {  	v18 =	vld.idx.msk [tilespmem:v21+s11+$0x0], $0xffff;
	[tilespmem:s25+$0xFFFFFF20] =	vst v9  }
0x13a: {  	v19 =	vld.idx.msk [tilespmem:v7+s11+$0x0], $0xffff;
	[tilespmem:s25+$0xFFFFFF40] =	vst v16  }
0x13b: {  	s28 =	sadd.s32 $0x80, s28;
	v9 =	vor.u32 $0x80, v1;
	v16 =	vld.idx.msk [tilespmem:v6+s11+$0x0], $0xffff;
	[tilespmem:s25+$0xFFFFFF60] =	vst v23;
	s25 =	smov.u32 s29  }
0x13c: {  	_ =	sdelay $0x2  }
0x13d: {  	[tilespmem:s25+$0xC0] =	vst v13  }
0x13e: {  	v13 =	vld.idx.msk [tilespmem:v3+s11+$0x0], $0xffff;
	[tilespmem:s25+$0xD0] =	vst v17  }
0x13f: {  	[tilespmem:s25+$0xA0] =	vst v11;
	v17 =	vld.idx.msk [tilespmem:v20+s11+$0x0], $0xffff;
	v20 =	vor.u32 $0x100, v4  }
0x140: {  	[tilespmem:s25+$0x0] =	vst v18  }
0x141: {  	v12 =	vld.idx.msk [tilespmem:v12+s11+$0x0], $0xffff;
	v18 =	vor.u32 $0x80, v6;
	[tilespmem:s25+$0x90] =	vst v19  }
0x142: {  	[tilespmem:s25+$0xE0] =	vst v10;
	v11 =	vld.idx.msk [tilespmem:v14+s11+$0x0], $0xffff  }
0x143: {  	[tilespmem:s25+$0xF0] =	vst v13;
	v13 =	vld.idx.msk [tilespmem:v15+s11+$0x0], $0xffff  }
0x144: {  	v14 =	vor.u32 $0x100, v5;
	[tilespmem:s25+$0x40] =	vst v17;
	v17 =	vld.idx.msk [tilespmem:v20+s11+$0x0], $0xffff  }
0x145: {  	v10 =	vor.u32 $0x100, v2;
	[tilespmem:s25+$0xB0] =	vst v16;
	v8 =	vld.idx.msk [tilespmem:v8+s11+$0x0], $0xffff  }
0x146: {  	v16 =	vor.u32 $0x100, v7;
	[tilespmem:s25+$0x50] =	vst v12;
	v15 =	vld.idx.msk [tilespmem:v18+s11+$0x0], $0xffff  }
0x147: {  	v4 =	vor.u32 $0x180, v4;
	[tilespmem:s25+$0x10] =	vst v11  }
0x148: {  	v9 =	vld.idx.msk [tilespmem:v9+s11+$0x0], $0xffff;
	v12 =	vor.u32 $0x100, v6;
	[tilespmem:s25+$0x20] =	vst v13  }
0x149: {  	v11 =	vld.idx.msk [tilespmem:v14+s11+$0x0], $0xffff;
	v14 =	vor.u32 $0x100, v1;
	[tilespmem:s25+$0xFFFFFF80] =	vst v17  }
0x14a: {  	v13 =	vor.u32 $0x100, v3;
	[tilespmem:s25+$0x70] =	vst v8;
	v8 =	vld.idx.msk [tilespmem:v10+s11+$0x0], $0xffff  }
0x14b: {  	v5 =	vor.u32 $0x180, v5;
	[tilespmem:s25+$0x30] =	vst v15;
	v15 =	vld.idx.msk [tilespmem:v16+s11+$0x0], $0xffff  }
0x14c: {  	v16 =	vor.u32 $0x100, v0;
	v4 =	vld.idx.msk [tilespmem:v4+s11+$0x0], $0xffff  }
0x14d: {  	v2 =	vor.u32 $0x180, v2;
	[tilespmem:s25+$0x60] =	vst v9;
	v12 =	vld.idx.msk [tilespmem:v12+s11+$0x0], $0xffff  }
0x14e: {  	v7 =	vor.u32 $0x180, v7;
	[tilespmem:s25+$0xFFFFFFD0] =	vst v11;
	v10 =	vld.idx.msk [tilespmem:v14+s11+$0x0], $0xffff  }
0x14f: {  	v6 =	vor.u32 $0x180, v6;
	v9 =	vld.idx.msk [tilespmem:v13+s11+$0x0], $0xffff;
	[tilespmem:s25+$0xFFFFFFA0] =	vst v8  }
0x150: {  	v1 =	vor.u32 $0x180, v1;
	v5 =	vld.idx.msk [tilespmem:v5+s11+$0x0], $0xffff;
	[tilespmem:s25+$0xFFFFFF90] =	vst v15  }
0x151: {  	v3 =	vor.u32 $0x180, v3;
	v11 =	vld.idx.msk [tilespmem:v16+s11+$0x0], $0xffff;
	[tilespmem:s25+$0xFFFFFF00] =	vst v4  }
0x152: {  	v0 =	vor.u32 $0x180, v0;
	v2 =	vld.idx.msk [tilespmem:v2+s11+$0x0], $0xffff;
	[tilespmem:s25+$0xFFFFFFB0] =	vst v12  }
0x153: {  	v7 =	vld.idx.msk [tilespmem:v7+s11+$0x0], $0xffff;
	[tilespmem:s25+$0xFFFFFFE0] =	vst v10  }
0x154: {  	v4 =	vld.idx.msk [tilespmem:v6+s11+$0x0], $0xffff;
	[tilespmem:s25+$0xFFFFFFF0] =	vst v9  }
0x155: {  	v1 =	vld.idx.msk [tilespmem:v1+s11+$0x0], $0xffff;
	[tilespmem:s25+$0xFFFFFF50] =	vst v5  }
0x156: {  	v3 =	vld.idx.msk [tilespmem:v3+s11+$0x0], $0xffff;
	[tilespmem:s25+$0xFFFFFFC0] =	vst v11  }
0x157: {  	[tilespmem:s25+$0xFFFFFF20] =	vst v2;
	v0 =	vld.idx.msk [tilespmem:v0+s11+$0x0], $0xffff  }
0x158: {  	[tilespmem:s25+$0xFFFFFF10] =	vst v7  }
0x159: {  	[tilespmem:s25+$0xFFFFFF30] =	vst v4  }
0x15a: {  	[tilespmem:s25+$0xFFFFFF60] =	vst v1  }
0x15b: {  	[tilespmem:s25+$0xFFFFFF70] =	vst v3  }
0x15c: {  	[tilespmem:s25+$0xFFFFFF40] =	vst v0  }
0x15d: {  	s25 =	rddreg [dreg:$0xc]  }
0x15e: {  	[hbm4b:s25+s6] =	stream.strided.scatter [tilespmem:s19], [sflag:$0x7], $0x4000, s7, s6, $0x38;
	[tilespmem:$0x1D000] =	vst v63  }
0x15f: {  	s26 =	rddreg [dreg:$0xd]  }
0x160: {  	[tilespmem:s11], [sflag:$0x3] =	stream.strided.gather [hbm4b:s26+s6], $0x4000, s7, s6, $0x38;
	[tilespmem:$0x1D000] =	vst v63  }
0x161: {  	_ =	swait.ge [sflag:s20], $0x4000  }
0x162: {  	[sflag:s20] =	ssyncset.done $0x0  }
0x163: {  	[sflag:s20] =	ssyncadd.s32 $0xFFFFC000  }
0x164: {  	_ =	swait.ge [sflag:s21], $0x4000  }
0x165: {  	[sflag:s21] =	ssyncset.done $0x0  }
0x166: {  	s26 =	simm.s32 $0x40;
	[sflag:s21] =	ssyncadd.s32 $0xFFFFC000  }
0x167: {  	v0 =	vld [tilespmem:s26+$0xFFFFFFC0]  }
0x168: {  	v1 =	vld [tilespmem:s26+$0x10]  }
0x169: {  	v3 =	vld [tilespmem:s26+$0xFFFFFFE0]  }
0x16a: {  	v2 =	vld [tilespmem:s26+$0x0];
	_ =	sdelay $0x1  }
0x16b: {  	v6 =	vld [tilespmem:s26+$0x20]  }
0x16c: {  	v7 =	vld [tilespmem:s26+$0xFFFFFFF0];
	v4 =	vshll.u32 v0, $0x2;
	v0 =	vand.u32 $0x7F, v0;
	v5 =	vshll.u32 v1, $0x2  }
0x16d: {  	v1 =	vand.u32 $0x7F, v1;
	v9 =	vshll.u32 v3, $0x2;
	v4 =	vand.u32 $0xFFFFFE00, v4  }
0x16e: {  	v8 =	vld [tilespmem:s26+$0xFFFFFFD0];
	v3 =	vand.u32 $0x7F, v3;
	v4 =	vor.u32 v0, v4;
	v0 =	vshll.u32 v2, $0x2  }
0x16f: {  	v5 =	vand.u32 $0xFFFFFE00, v5;
	v2 =	vand.u32 $0x7F, v2;
	v0 =	vand.u32 $0xFFFFFE00, v0  }
0x170: {  	v5 =	vor.u32 v1, v5;
	v0 =	vor.u32 v2, v0;
	v2 =	vand.u32 $0xFFFFFE00, v9;
	v9 =	vld [tilespmem:s26+$0x30]  }
0x171: {  	v11 =	vand.u32 $0x7F, v7;
	v2 =	vor.u32 v3, v2;
	v3 =	vshll.u32 v6, $0x2  }
0x172: {  	v1 =	vand.u32 $0x7F, v6;
	v12 =	vor.u32 $0x80, v4;
	v3 =	vand.u32 $0xFFFFFE00, v3  }
0x173: {  	v6 =	vshll.u32 v7, $0x2;
	v10 =	vld.idx.msk [tilespmem:v4+s12+$0x0], $0xffff;
	v1 =	vor.u32 v1, v3;
	v3 =	vshll.u32 v8, $0x2  }
0x174: {  	v6 =	vand.u32 $0xFFFFFE00, v6;
	v8 =	vand.u32 $0x7F, v8;
	v3 =	vand.u32 $0xFFFFFE00, v3  }
0x175: {  	v6 =	vor.u32 v11, v6;
	v17 =	vld.idx.msk [tilespmem:v5+s12+$0x0], $0xffff;
	v7 =	vor.u32 v8, v3;
	v3 =	vshll.u32 v9, $0x2  }
0x176: {  	v13 =	vld.idx.msk [tilespmem:v0+s12+$0x0], $0xffff;
	v8 =	vand.u32 $0x7F, v9;
	v3 =	vand.u32 $0xFFFFFE00, v3  }
0x177: {  	s25 =	simm.s32 $0x11100;
	v11 =	vld.idx.msk [tilespmem:v2+s12+$0x0], $0xffff;
	v3 =	vor.u32 v8, v3  }
0x178: {  	v20 =	vor.u32 $0x80, v0;
	[tilespmem:s25+$0x80] =	vst v10;
	v10 =	vld.idx.msk [tilespmem:v1+s12+$0x0], $0xffff  }
0x179: {  	v18 =	vld.idx.msk [tilespmem:v12+s12+$0x0], $0xffff;
	v12 =	vor.u32 $0x80, v5  }
0x17a: {  	v15 =	vor.u32 $0x80, v2;
	v16 =	vld.idx.msk [tilespmem:v6+s12+$0x0], $0xffff  }
0x17b: {  	s28 =	simm.s32 $0xC0;
	s29 =	simm.s32 $0x11100;
	s26 =	simm.s32 $0x0;
	v9 =	vor.u32 $0x80, v1;
	v14 =	vor.u32 $0x80, v7;
	v8 =	vor.u32 $0x80, v3;
	v19 =	vld.idx.msk [tilespmem:v7+s12+$0x0], $0xffff  }
.LBB2_8:
0x17c: {  	s26 =	sadd.s32 $0x8, s26;
	[tilespmem:s25+$0xC0] =	vst v13;
	v13 =	vld.idx.msk [tilespmem:v3+s12+$0x0], $0xffff;
	s29 =	sadd.s32 $0x200, s29  }
0x17d: {  	p0 =	slt.u32 s26, $0xF8;
	v20 =	vld.idx.msk [tilespmem:v20+s12+$0x0], $0xffff;
	[tilespmem:s25+$0xD0] =	vst v17  }
0x17e: {  	v17 =	vor.u32 $0x100, v4;
	v12 =	vld.idx.msk [tilespmem:v12+s12+$0x0], $0xffff  }
0x17f: {  	v21 =	vld [tilespmem:s28+$0x10];
	[tilespmem:s25+$0x0] =	vst v18  }
0x180: {  	v18 =	vld [tilespmem:s28+$0xFFFFFFE0];
	[tilespmem:s25+$0x90] =	vst v19;
	v19 =	vor.u32 $0x80, v6  }
0x181: {  	v14 =	vld.idx.msk [tilespmem:v14+s12+$0x0], $0xffff;
	[tilespmem:s25+$0xA0] =	vst v11  }
0x182: {  	v11 =	vld.idx.msk [tilespmem:v15+s12+$0x0], $0xffff;
	[tilespmem:s25+$0xF0] =	vst v13  }
0x183: {  	v13 =	vld.idx.msk [tilespmem:v17+s12+$0x0], $0xffff;
	[tilespmem:s25+$0x40] =	vst v20  }
0x184: {  	v15 =	vld [tilespmem:s28+$0xFFFFFFF0];
	[tilespmem:s25+$0xB0] =	vst v16  }
0x185: {  	v16 =	vld.idx.msk [tilespmem:v19+s12+$0x0], $0xffff;
	[tilespmem:s25+$0x50] =	vst v12  }
0x186: {  	v12 =	vld [tilespmem:s28+$0xFFFFFFC0];
	[tilespmem:s25+$0xE0] =	vst v10  }
0x187: {  	[tilespmem:s25+$0x10] =	vst v14;
	v8 =	vld.idx.msk [tilespmem:v8+s12+$0x0], $0xffff  }
0x188: {  	v10 =	vld [tilespmem:s28+$0x20];
	[tilespmem:s25+$0x20] =	vst v11;
	v11 =	vor.u32 $0x100, v5  }
0x189: {  	v14 =	vld [tilespmem:s28+$0x30];
	[tilespmem:s25+$0xFFFFFF80] =	vst v13;
	v13 =	vor.u32 $0x100, v7  }
0x18a: {  	v19 =	vor.u32 $0x100, v6;
	v17 =	vld [tilespmem:s28+$0xFFFFFFD0]  }
0x18b: {  	v20 =	vor.u32 $0x180, v4;
	[tilespmem:s25+$0x30] =	vst v16;
	v9 =	vld.idx.msk [tilespmem:v9+s12+$0x0], $0xffff  }
0x18c: {  	v22 =	vor.u32 $0x100, v2;
	v23 =	vor.u32 $0x180, v5;
	v5 =	vor.u32 $0x100, v1;
	v16 =	vld [tilespmem:s28+$0x0]  }
0x18d: {  	v24 =	vor.u32 $0x100, v0;
	v4 =	vshll.u32 v12, $0x2;
	v11 =	vld.idx.msk [tilespmem:v11+s12+$0x0], $0xffff;
	[tilespmem:s25+$0x70] =	vst v8;
	v8 =	vor.u32 $0x100, v3  }
0x18e: {  	v4 =	vand.u32 $0xFFFFFE00, v4;
	v25 =	vand.u32 $0x7F, v14;
	v14 =	vshll.u32 v14, $0x2;
	v13 =	vld.idx.msk [tilespmem:v13+s12+$0x0], $0xffff  }
0x18f: {  	v6 =	vor.u32 $0x180, v6;
	v12 =	vand.u32 $0x7F, v12;
	v14 =	vand.u32 $0xFFFFFE00, v14;
	v19 =	vld.idx.msk [tilespmem:v19+s12+$0x0], $0xffff  }
0x190: {  	v7 =	vor.u32 $0x180, v7;
	v4 =	vor.u32 v12, v4;
	v12 =	vshll.u32 v21, $0x2;
	v20 =	vld.idx.msk [tilespmem:v20+s12+$0x0], $0xffff  }
0x191: {  	v26 =	vshll.u32 v15, $0x2;
	v14 =	vor.u32 v25, v14;
	v27 =	vshll.u32 v16, $0x2;
	v22 =	vld.idx.msk [tilespmem:v22+s12+$0x0], $0xffff;
	[tilespmem:s25+$0x60] =	vst v9  }
0x192: {  	v21 =	vand.u32 $0x7F, v21;
	v9 =	vand.u32 $0xFFFFFE00, v26;
	v16 =	vand.u32 $0x7F, v16;
	v25 =	vld.idx.msk [tilespmem:v5+s12+$0x0], $0xffff  }
0x193: {  	v12 =	vand.u32 $0xFFFFFE00, v12;
	v26 =	vor.u32 $0x180, v2;
	v5 =	vand.u32 $0xFFFFFE00, v27;
	[tilespmem:s25+$0xFFFFFFD0] =	vst v11;
	v8 =	vld.idx.msk [tilespmem:v8+s12+$0x0], $0xffff  }
0x194: {  	v2 =	vshll.u32 v18, $0x2;
	v11 =	vor.u32 v16, v5;
	v5 =	vor.u32 v21, v12;
	[tilespmem:s25+$0xFFFFFF90] =	vst v13;
	v12 =	vld.idx.msk [tilespmem:v24+s12+$0x0], $0xffff  }
0x195: {  	v2 =	vand.u32 $0xFFFFFE00, v2;
	v13 =	vor.u32 $0x180, v3;
	v3 =	vmov v14;
	v7 =	vld.idx.msk [tilespmem:v7+s12+$0x0], $0xffff;
	[tilespmem:s25+$0xFFFFFFB0] =	vst v19  }
0x196: {  	v14 =	vand.u32 $0x7F, v18;
	v18 =	vor.u32 $0x180, v0;
	v0 =	vmovc v11;
	v19 =	vor.u32 $0x180, v1;
	[tilespmem:s25+$0xFFFFFF00] =	vst v20;
	v16 =	vld.idx.msk [tilespmem:v6+s12+$0x0], $0xffff  }
0x197: {  	v21 =	vor.u32 $0x80, v4;
	v2 =	vor.u32 v14, v2;
	v1 =	vand.u32 $0x7F, v15;
	[tilespmem:s25+$0xFFFFFFA0] =	vst v22;
	v11 =	vld.idx.msk [tilespmem:v23+s12+$0x0], $0xffff  }
0x198: {  	v6 =	vor.u32 v1, v9;
	v1 =	vshll.u32 v10, $0x2;
	v9 =	vld.idx.msk [tilespmem:v26+s12+$0x0], $0xffff;
	[tilespmem:s25+$0xFFFFFFE0] =	vst v25  }
0x199: {  	v10 =	vand.u32 $0x7F, v10;
	v1 =	vand.u32 $0xFFFFFE00, v1;
	v15 =	vld.idx.msk [tilespmem:v4+s12+$0x0], $0xffff;
	[tilespmem:s25+$0xFFFFFFF0] =	vst v8  }
0x19a: {  	v1 =	vor.u32 v10, v1;
	[tilespmem:s25+$0xFFFFFFC0] =	vst v12;
	v22 =	vld.idx.msk [tilespmem:v13+s12+$0x0], $0xffff  }
0x19b: {  	v8 =	vshll.u32 v17, $0x2;
	v12 =	vor.u32 $0x80, v5;
	v13 =	vld.idx.msk [tilespmem:v0+s12+$0x0], $0xffff;
	[tilespmem:s25+$0xFFFFFF10] =	vst v7  }
0x19c: {  	v10 =	vand.u32 $0xFFFFFE00, v8;
	v8 =	vor.u32 $0x80, v3;
	v7 =	vand.u32 $0x7F, v17;
	[tilespmem:s25+$0xFFFFFF30] =	vst v16;
	v16 =	vld.idx.msk [tilespmem:v18+s12+$0x0], $0xffff  }
0x19d: {  	v7 =	vor.u32 v7, v10;
	[tilespmem:s25+$0xFFFFFF50] =	vst v11;
	v23 =	vld.idx.msk [tilespmem:v19+s12+$0x0], $0xffff  }
0x19e: {  	v14 =	vor.u32 $0x80, v7;
	v11 =	vld.idx.msk [tilespmem:v2+s12+$0x0], $0xffff  }
.Ltmp3:
0x19f: {  	[tilespmem:s29+$0x80] =	vst v15;
	v15 =	vor.u32 $0x80, v2;
	v17 =	vld.idx.msk [tilespmem:v5+s12+$0x0], $0xffff;
	(pc) =	sbr.rel @p0 .LBB2_8-.Ltmp3, $4  }
0x1a0: {  	v20 =	vor.u32 $0x80, v0;
	v10 =	vld.idx.msk [tilespmem:v1+s12+$0x0], $0xffff;
	[tilespmem:s25+$0xFFFFFF70] =	vst v22  }
0x1a1: {  	v18 =	vld.idx.msk [tilespmem:v21+s12+$0x0], $0xffff;
	[tilespmem:s25+$0xFFFFFF20] =	vst v9  }
0x1a2: {  	v19 =	vld.idx.msk [tilespmem:v7+s12+$0x0], $0xffff;
	[tilespmem:s25+$0xFFFFFF40] =	vst v16  }
0x1a3: {  	s28 =	sadd.s32 $0x80, s28;
	v9 =	vor.u32 $0x80, v1;
	v16 =	vld.idx.msk [tilespmem:v6+s12+$0x0], $0xffff;
	[tilespmem:s25+$0xFFFFFF60] =	vst v23;
	s25 =	smov.u32 s29  }
0x1a4: {  	_ =	sdelay $0x2  }
0x1a5: {  	[tilespmem:s25+$0xC0] =	vst v13  }
0x1a6: {  	v13 =	vld.idx.msk [tilespmem:v3+s12+$0x0], $0xffff;
	[tilespmem:s25+$0xD0] =	vst v17  }
0x1a7: {  	[tilespmem:s25+$0xA0] =	vst v11;
	v17 =	vld.idx.msk [tilespmem:v20+s12+$0x0], $0xffff;
	v20 =	vor.u32 $0x100, v4  }
0x1a8: {  	[tilespmem:s25+$0x0] =	vst v18  }
0x1a9: {  	v12 =	vld.idx.msk [tilespmem:v12+s12+$0x0], $0xffff;
	v18 =	vor.u32 $0x80, v6;
	[tilespmem:s25+$0x90] =	vst v19  }
0x1aa: {  	[tilespmem:s25+$0xE0] =	vst v10;
	v11 =	vld.idx.msk [tilespmem:v14+s12+$0x0], $0xffff  }
0x1ab: {  	[tilespmem:s25+$0xF0] =	vst v13;
	v13 =	vld.idx.msk [tilespmem:v15+s12+$0x0], $0xffff  }
0x1ac: {  	v14 =	vor.u32 $0x100, v5;
	[tilespmem:s25+$0x40] =	vst v17;
	v17 =	vld.idx.msk [tilespmem:v20+s12+$0x0], $0xffff  }
0x1ad: {  	v10 =	vor.u32 $0x100, v2;
	[tilespmem:s25+$0xB0] =	vst v16;
	v8 =	vld.idx.msk [tilespmem:v8+s12+$0x0], $0xffff  }
0x1ae: {  	v16 =	vor.u32 $0x100, v7;
	[tilespmem:s25+$0x50] =	vst v12;
	v15 =	vld.idx.msk [tilespmem:v18+s12+$0x0], $0xffff  }
0x1af: {  	v4 =	vor.u32 $0x180, v4;
	[tilespmem:s25+$0x10] =	vst v11  }
0x1b0: {  	v9 =	vld.idx.msk [tilespmem:v9+s12+$0x0], $0xffff;
	v12 =	vor.u32 $0x100, v6;
	[tilespmem:s25+$0x20] =	vst v13  }
0x1b1: {  	v11 =	vld.idx.msk [tilespmem:v14+s12+$0x0], $0xffff;
	v14 =	vor.u32 $0x100, v1;
	[tilespmem:s25+$0xFFFFFF80] =	vst v17  }
0x1b2: {  	v13 =	vor.u32 $0x100, v3;
	[tilespmem:s25+$0x70] =	vst v8;
	v8 =	vld.idx.msk [tilespmem:v10+s12+$0x0], $0xffff  }
0x1b3: {  	v5 =	vor.u32 $0x180, v5;
	[tilespmem:s25+$0x30] =	vst v15;
	v15 =	vld.idx.msk [tilespmem:v16+s12+$0x0], $0xffff  }
0x1b4: {  	v16 =	vor.u32 $0x100, v0;
	v4 =	vld.idx.msk [tilespmem:v4+s12+$0x0], $0xffff  }
0x1b5: {  	v2 =	vor.u32 $0x180, v2;
	[tilespmem:s25+$0x60] =	vst v9;
	v12 =	vld.idx.msk [tilespmem:v12+s12+$0x0], $0xffff  }
0x1b6: {  	v7 =	vor.u32 $0x180, v7;
	[tilespmem:s25+$0xFFFFFFD0] =	vst v11;
	v10 =	vld.idx.msk [tilespmem:v14+s12+$0x0], $0xffff  }
0x1b7: {  	v6 =	vor.u32 $0x180, v6;
	v9 =	vld.idx.msk [tilespmem:v13+s12+$0x0], $0xffff;
	[tilespmem:s25+$0xFFFFFFA0] =	vst v8  }
0x1b8: {  	v1 =	vor.u32 $0x180, v1;
	v5 =	vld.idx.msk [tilespmem:v5+s12+$0x0], $0xffff;
	[tilespmem:s25+$0xFFFFFF90] =	vst v15  }
0x1b9: {  	v3 =	vor.u32 $0x180, v3;
	v11 =	vld.idx.msk [tilespmem:v16+s12+$0x0], $0xffff;
	[tilespmem:s25+$0xFFFFFF00] =	vst v4  }
0x1ba: {  	v0 =	vor.u32 $0x180, v0;
	v2 =	vld.idx.msk [tilespmem:v2+s12+$0x0], $0xffff;
	[tilespmem:s25+$0xFFFFFFB0] =	vst v12  }
0x1bb: {  	v7 =	vld.idx.msk [tilespmem:v7+s12+$0x0], $0xffff;
	[tilespmem:s25+$0xFFFFFFE0] =	vst v10  }
0x1bc: {  	v4 =	vld.idx.msk [tilespmem:v6+s12+$0x0], $0xffff;
	[tilespmem:s25+$0xFFFFFFF0] =	vst v9  }
0x1bd: {  	v1 =	vld.idx.msk [tilespmem:v1+s12+$0x0], $0xffff;
	[tilespmem:s25+$0xFFFFFF50] =	vst v5  }
0x1be: {  	v3 =	vld.idx.msk [tilespmem:v3+s12+$0x0], $0xffff;
	[tilespmem:s25+$0xFFFFFFC0] =	vst v11  }
0x1bf: {  	[tilespmem:s25+$0xFFFFFF20] =	vst v2;
	v0 =	vld.idx.msk [tilespmem:v0+s12+$0x0], $0xffff  }
0x1c0: {  	[tilespmem:s25+$0xFFFFFF10] =	vst v7  }
0x1c1: {  	[tilespmem:s25+$0xFFFFFF30] =	vst v4  }
0x1c2: {  	[tilespmem:s25+$0xFFFFFF60] =	vst v1  }
0x1c3: {  	[tilespmem:s25+$0xFFFFFF70] =	vst v3  }
0x1c4: {  	[tilespmem:s25+$0xFFFFFF40] =	vst v0  }
0x1c5: {  	s25 =	rddreg [dreg:$0x17]  }
0x1c6: {  	[hbm4b:s25+s6] =	stream.strided.scatter [tilespmem:s15], [sflag:$0x5], $0x4000, s7, s6, $0x38;
	[tilespmem:$0x1D000] =	vst v63  }
0x1c7: {  	s26 =	rddreg [dreg:$0xe]  }
0x1c8: {  	[tilespmem:s12], [sflag:$0x4] =	stream.strided.gather [hbm4b:s26+s6], $0x4000, s7, s6, $0x38;
	[tilespmem:$0x1D000] =	vst v63  }
0x1c9: {  	_ =	swait.ge [sflag:s14], $0x4000  }
0x1ca: {  	[sflag:s14] =	ssyncset.done $0x0  }
0x1cb: {  	[sflag:s14] =	ssyncadd.s32 $0xFFFFC000  }
0x1cc: {  	_ =	swait.ge [sflag:s22], $0x4000  }
0x1cd: {  	[sflag:s22] =	ssyncset.done $0x0  }
0x1ce: {  	s26 =	simm.s32 $0x40;
	[sflag:s22] =	ssyncadd.s32 $0xFFFFC000  }
0x1cf: {  	v0 =	vld [tilespmem:s26+$0xFFFFFFC0]  }
0x1d0: {  	v1 =	vld [tilespmem:s26+$0x10]  }
0x1d1: {  	v3 =	vld [tilespmem:s26+$0xFFFFFFE0]  }
0x1d2: {  	v2 =	vld [tilespmem:s26+$0x0];
	_ =	sdelay $0x1  }
0x1d3: {  	v6 =	vld [tilespmem:s26+$0x20]  }
0x1d4: {  	v7 =	vld [tilespmem:s26+$0xFFFFFFF0];
	v4 =	vshll.u32 v0, $0x2;
	v0 =	vand.u32 $0x7F, v0;
	v5 =	vshll.u32 v1, $0x2  }
0x1d5: {  	v1 =	vand.u32 $0x7F, v1;
	v9 =	vshll.u32 v3, $0x2;
	v4 =	vand.u32 $0xFFFFFE00, v4  }
0x1d6: {  	v8 =	vld [tilespmem:s26+$0xFFFFFFD0];
	v3 =	vand.u32 $0x7F, v3;
	v4 =	vor.u32 v0, v4;
	v0 =	vshll.u32 v2, $0x2  }
0x1d7: {  	v5 =	vand.u32 $0xFFFFFE00, v5;
	v2 =	vand.u32 $0x7F, v2;
	v0 =	vand.u32 $0xFFFFFE00, v0  }
0x1d8: {  	v5 =	vor.u32 v1, v5;
	v0 =	vor.u32 v2, v0;
	v2 =	vand.u32 $0xFFFFFE00, v9;
	v9 =	vld [tilespmem:s26+$0x30]  }
0x1d9: {  	v11 =	vand.u32 $0x7F, v7;
	v2 =	vor.u32 v3, v2;
	v3 =	vshll.u32 v6, $0x2  }
0x1da: {  	v1 =	vand.u32 $0x7F, v6;
	v12 =	vor.u32 $0x80, v4;
	v3 =	vand.u32 $0xFFFFFE00, v3  }
0x1db: {  	v6 =	vshll.u32 v7, $0x2;
	v10 =	vld.idx.msk [tilespmem:v4+s9+$0x0], $0xffff;
	v1 =	vor.u32 v1, v3;
	v3 =	vshll.u32 v8, $0x2  }
0x1dc: {  	v6 =	vand.u32 $0xFFFFFE00, v6;
	v8 =	vand.u32 $0x7F, v8;
	v3 =	vand.u32 $0xFFFFFE00, v3  }
0x1dd: {  	v6 =	vor.u32 v11, v6;
	v17 =	vld.idx.msk [tilespmem:v5+s9+$0x0], $0xffff;
	v7 =	vor.u32 v8, v3;
	v3 =	vshll.u32 v9, $0x2  }
0x1de: {  	v13 =	vld.idx.msk [tilespmem:v0+s9+$0x0], $0xffff;
	v8 =	vand.u32 $0x7F, v9;
	v3 =	vand.u32 $0xFFFFFE00, v3  }
0x1df: {  	s25 =	simm.s32 $0x15100;
	v11 =	vld.idx.msk [tilespmem:v2+s9+$0x0], $0xffff;
	v3 =	vor.u32 v8, v3  }
0x1e0: {  	v20 =	vor.u32 $0x80, v0;
	[tilespmem:s25+$0x80] =	vst v10;
	v10 =	vld.idx.msk [tilespmem:v1+s9+$0x0], $0xffff  }
0x1e1: {  	v18 =	vld.idx.msk [tilespmem:v12+s9+$0x0], $0xffff;
	v12 =	vor.u32 $0x80, v5  }
0x1e2: {  	v15 =	vor.u32 $0x80, v2;
	v16 =	vld.idx.msk [tilespmem:v6+s9+$0x0], $0xffff  }
0x1e3: {  	s28 =	simm.s32 $0xC0;
	s29 =	simm.s32 $0x15100;
	s26 =	simm.s32 $0x0;
	v9 =	vor.u32 $0x80, v1;
	v14 =	vor.u32 $0x80, v7;
	v8 =	vor.u32 $0x80, v3;
	v19 =	vld.idx.msk [tilespmem:v7+s9+$0x0], $0xffff  }
.LBB2_10:
0x1e4: {  	s26 =	sadd.s32 $0x8, s26;
	[tilespmem:s25+$0xC0] =	vst v13;
	v13 =	vld.idx.msk [tilespmem:v3+s9+$0x0], $0xffff;
	s29 =	sadd.s32 $0x200, s29  }
0x1e5: {  	p0 =	slt.u32 s26, $0xF8;
	v20 =	vld.idx.msk [tilespmem:v20+s9+$0x0], $0xffff;
	[tilespmem:s25+$0xD0] =	vst v17  }
0x1e6: {  	v17 =	vor.u32 $0x100, v4;
	v12 =	vld.idx.msk [tilespmem:v12+s9+$0x0], $0xffff  }
0x1e7: {  	v21 =	vld [tilespmem:s28+$0x10];
	[tilespmem:s25+$0x0] =	vst v18  }
0x1e8: {  	v18 =	vld [tilespmem:s28+$0xFFFFFFE0];
	[tilespmem:s25+$0x90] =	vst v19;
	v19 =	vor.u32 $0x80, v6  }
0x1e9: {  	v14 =	vld.idx.msk [tilespmem:v14+s9+$0x0], $0xffff;
	[tilespmem:s25+$0xA0] =	vst v11  }
0x1ea: {  	v11 =	vld.idx.msk [tilespmem:v15+s9+$0x0], $0xffff;
	[tilespmem:s25+$0xF0] =	vst v13  }
0x1eb: {  	v13 =	vld.idx.msk [tilespmem:v17+s9+$0x0], $0xffff;
	[tilespmem:s25+$0x40] =	vst v20  }
0x1ec: {  	v15 =	vld [tilespmem:s28+$0xFFFFFFF0];
	[tilespmem:s25+$0xB0] =	vst v16  }
0x1ed: {  	v16 =	vld.idx.msk [tilespmem:v19+s9+$0x0], $0xffff;
	[tilespmem:s25+$0x50] =	vst v12  }
0x1ee: {  	v12 =	vld [tilespmem:s28+$0xFFFFFFC0];
	[tilespmem:s25+$0xE0] =	vst v10  }
0x1ef: {  	[tilespmem:s25+$0x10] =	vst v14;
	v8 =	vld.idx.msk [tilespmem:v8+s9+$0x0], $0xffff  }
0x1f0: {  	v10 =	vld [tilespmem:s28+$0x20];
	[tilespmem:s25+$0x20] =	vst v11;
	v11 =	vor.u32 $0x100, v5  }
0x1f1: {  	v14 =	vld [tilespmem:s28+$0x30];
	[tilespmem:s25+$0xFFFFFF80] =	vst v13;
	v13 =	vor.u32 $0x100, v7  }
0x1f2: {  	v19 =	vor.u32 $0x100, v6;
	v17 =	vld [tilespmem:s28+$0xFFFFFFD0]  }
0x1f3: {  	v20 =	vor.u32 $0x180, v4;
	[tilespmem:s25+$0x30] =	vst v16;
	v9 =	vld.idx.msk [tilespmem:v9+s9+$0x0], $0xffff  }
0x1f4: {  	v22 =	vor.u32 $0x100, v2;
	v23 =	vor.u32 $0x180, v5;
	v5 =	vor.u32 $0x100, v1;
	v16 =	vld [tilespmem:s28+$0x0]  }
0x1f5: {  	v24 =	vor.u32 $0x100, v0;
	v4 =	vshll.u32 v12, $0x2;
	v11 =	vld.idx.msk [tilespmem:v11+s9+$0x0], $0xffff;
	[tilespmem:s25+$0x70] =	vst v8;
	v8 =	vor.u32 $0x100, v3  }
0x1f6: {  	v4 =	vand.u32 $0xFFFFFE00, v4;
	v25 =	vand.u32 $0x7F, v14;
	v14 =	vshll.u32 v14, $0x2;
	v13 =	vld.idx.msk [tilespmem:v13+s9+$0x0], $0xffff  }
0x1f7: {  	v6 =	vor.u32 $0x180, v6;
	v12 =	vand.u32 $0x7F, v12;
	v14 =	vand.u32 $0xFFFFFE00, v14;
	v19 =	vld.idx.msk [tilespmem:v19+s9+$0x0], $0xffff  }
0x1f8: {  	v7 =	vor.u32 $0x180, v7;
	v4 =	vor.u32 v12, v4;
	v12 =	vshll.u32 v21, $0x2;
	v20 =	vld.idx.msk [tilespmem:v20+s9+$0x0], $0xffff  }
0x1f9: {  	v26 =	vshll.u32 v15, $0x2;
	v14 =	vor.u32 v25, v14;
	v27 =	vshll.u32 v16, $0x2;
	v22 =	vld.idx.msk [tilespmem:v22+s9+$0x0], $0xffff;
	[tilespmem:s25+$0x60] =	vst v9  }
0x1fa: {  	v21 =	vand.u32 $0x7F, v21;
	v9 =	vand.u32 $0xFFFFFE00, v26;
	v16 =	vand.u32 $0x7F, v16;
	v25 =	vld.idx.msk [tilespmem:v5+s9+$0x0], $0xffff  }
0x1fb: {  	v12 =	vand.u32 $0xFFFFFE00, v12;
	v26 =	vor.u32 $0x180, v2;
	v5 =	vand.u32 $0xFFFFFE00, v27;
	[tilespmem:s25+$0xFFFFFFD0] =	vst v11;
	v8 =	vld.idx.msk [tilespmem:v8+s9+$0x0], $0xffff  }
0x1fc: {  	v2 =	vshll.u32 v18, $0x2;
	v11 =	vor.u32 v16, v5;
	v5 =	vor.u32 v21, v12;
	[tilespmem:s25+$0xFFFFFF90] =	vst v13;
	v12 =	vld.idx.msk [tilespmem:v24+s9+$0x0], $0xffff  }
0x1fd: {  	v2 =	vand.u32 $0xFFFFFE00, v2;
	v13 =	vor.u32 $0x180, v3;
	v3 =	vmov v14;
	v7 =	vld.idx.msk [tilespmem:v7+s9+$0x0], $0xffff;
	[tilespmem:s25+$0xFFFFFFB0] =	vst v19  }
0x1fe: {  	v14 =	vand.u32 $0x7F, v18;
	v18 =	vor.u32 $0x180, v0;
	v0 =	vmovc v11;
	v19 =	vor.u32 $0x180, v1;
	[tilespmem:s25+$0xFFFFFF00] =	vst v20;
	v16 =	vld.idx.msk [tilespmem:v6+s9+$0x0], $0xffff  }
0x1ff: {  	v21 =	vor.u32 $0x80, v4;
	v2 =	vor.u32 v14, v2;
	v1 =	vand.u32 $0x7F, v15;
	[tilespmem:s25+$0xFFFFFFA0] =	vst v22;
	v11 =	vld.idx.msk [tilespmem:v23+s9+$0x0], $0xffff  }
0x200: {  	v6 =	vor.u32 v1, v9;
	v1 =	vshll.u32 v10, $0x2;
	v9 =	vld.idx.msk [tilespmem:v26+s9+$0x0], $0xffff;
	[tilespmem:s25+$0xFFFFFFE0] =	vst v25  }
0x201: {  	v10 =	vand.u32 $0x7F, v10;
	v1 =	vand.u32 $0xFFFFFE00, v1;
	v15 =	vld.idx.msk [tilespmem:v4+s9+$0x0], $0xffff;
	[tilespmem:s25+$0xFFFFFFF0] =	vst v8  }
0x202: {  	v1 =	vor.u32 v10, v1;
	[tilespmem:s25+$0xFFFFFFC0] =	vst v12;
	v22 =	vld.idx.msk [tilespmem:v13+s9+$0x0], $0xffff  }
0x203: {  	v8 =	vshll.u32 v17, $0x2;
	v12 =	vor.u32 $0x80, v5;
	v13 =	vld.idx.msk [tilespmem:v0+s9+$0x0], $0xffff;
	[tilespmem:s25+$0xFFFFFF10] =	vst v7  }
0x204: {  	v10 =	vand.u32 $0xFFFFFE00, v8;
	v8 =	vor.u32 $0x80, v3;
	v7 =	vand.u32 $0x7F, v17;
	[tilespmem:s25+$0xFFFFFF30] =	vst v16;
	v16 =	vld.idx.msk [tilespmem:v18+s9+$0x0], $0xffff  }
0x205: {  	v7 =	vor.u32 v7, v10;
	[tilespmem:s25+$0xFFFFFF50] =	vst v11;
	v23 =	vld.idx.msk [tilespmem:v19+s9+$0x0], $0xffff  }
0x206: {  	v14 =	vor.u32 $0x80, v7;
	v11 =	vld.idx.msk [tilespmem:v2+s9+$0x0], $0xffff  }
.Ltmp4:
0x207: {  	[tilespmem:s29+$0x80] =	vst v15;
	v15 =	vor.u32 $0x80, v2;
	v17 =	vld.idx.msk [tilespmem:v5+s9+$0x0], $0xffff;
	(pc) =	sbr.rel @p0 .LBB2_10-.Ltmp4, $4  }
0x208: {  	v20 =	vor.u32 $0x80, v0;
	v10 =	vld.idx.msk [tilespmem:v1+s9+$0x0], $0xffff;
	[tilespmem:s25+$0xFFFFFF70] =	vst v22  }
0x209: {  	v18 =	vld.idx.msk [tilespmem:v21+s9+$0x0], $0xffff;
	[tilespmem:s25+$0xFFFFFF20] =	vst v9  }
0x20a: {  	v19 =	vld.idx.msk [tilespmem:v7+s9+$0x0], $0xffff;
	[tilespmem:s25+$0xFFFFFF40] =	vst v16  }
0x20b: {  	s28 =	sadd.s32 $0x80, s28;
	v9 =	vor.u32 $0x80, v1;
	v16 =	vld.idx.msk [tilespmem:v6+s9+$0x0], $0xffff;
	[tilespmem:s25+$0xFFFFFF60] =	vst v23;
	s25 =	smov.u32 s29  }
0x20c: {  	_ =	sdelay $0x2  }
0x20d: {  	[tilespmem:s25+$0xC0] =	vst v13  }
0x20e: {  	v13 =	vld.idx.msk [tilespmem:v3+s9+$0x0], $0xffff;
	[tilespmem:s25+$0xD0] =	vst v17  }
0x20f: {  	[tilespmem:s25+$0xA0] =	vst v11;
	v17 =	vld.idx.msk [tilespmem:v20+s9+$0x0], $0xffff;
	v20 =	vor.u32 $0x100, v4  }
0x210: {  	[tilespmem:s25+$0x0] =	vst v18  }
0x211: {  	v12 =	vld.idx.msk [tilespmem:v12+s9+$0x0], $0xffff;
	v18 =	vor.u32 $0x80, v6;
	[tilespmem:s25+$0x90] =	vst v19  }
0x212: {  	[tilespmem:s25+$0xE0] =	vst v10;
	v11 =	vld.idx.msk [tilespmem:v14+s9+$0x0], $0xffff  }
0x213: {  	[tilespmem:s25+$0xF0] =	vst v13;
	v13 =	vld.idx.msk [tilespmem:v15+s9+$0x0], $0xffff  }
0x214: {  	v14 =	vor.u32 $0x100, v5;
	[tilespmem:s25+$0x40] =	vst v17;
	v17 =	vld.idx.msk [tilespmem:v20+s9+$0x0], $0xffff  }
0x215: {  	v10 =	vor.u32 $0x100, v2;
	[tilespmem:s25+$0xB0] =	vst v16;
	v8 =	vld.idx.msk [tilespmem:v8+s9+$0x0], $0xffff  }
0x216: {  	v16 =	vor.u32 $0x100, v7;
	[tilespmem:s25+$0x50] =	vst v12;
	v15 =	vld.idx.msk [tilespmem:v18+s9+$0x0], $0xffff  }
0x217: {  	v4 =	vor.u32 $0x180, v4;
	[tilespmem:s25+$0x10] =	vst v11  }
0x218: {  	v9 =	vld.idx.msk [tilespmem:v9+s9+$0x0], $0xffff;
	v12 =	vor.u32 $0x100, v6;
	[tilespmem:s25+$0x20] =	vst v13  }
0x219: {  	v11 =	vld.idx.msk [tilespmem:v14+s9+$0x0], $0xffff;
	v14 =	vor.u32 $0x100, v1;
	[tilespmem:s25+$0xFFFFFF80] =	vst v17  }
0x21a: {  	v13 =	vor.u32 $0x100, v3;
	[tilespmem:s25+$0x70] =	vst v8;
	v8 =	vld.idx.msk [tilespmem:v10+s9+$0x0], $0xffff  }
0x21b: {  	v5 =	vor.u32 $0x180, v5;
	[tilespmem:s25+$0x30] =	vst v15;
	v15 =	vld.idx.msk [tilespmem:v16+s9+$0x0], $0xffff  }
0x21c: {  	v16 =	vor.u32 $0x100, v0;
	v4 =	vld.idx.msk [tilespmem:v4+s9+$0x0], $0xffff  }
0x21d: {  	v2 =	vor.u32 $0x180, v2;
	[tilespmem:s25+$0x60] =	vst v9;
	v12 =	vld.idx.msk [tilespmem:v12+s9+$0x0], $0xffff  }
0x21e: {  	v7 =	vor.u32 $0x180, v7;
	[tilespmem:s25+$0xFFFFFFD0] =	vst v11;
	v10 =	vld.idx.msk [tilespmem:v14+s9+$0x0], $0xffff  }
0x21f: {  	v6 =	vor.u32 $0x180, v6;
	v9 =	vld.idx.msk [tilespmem:v13+s9+$0x0], $0xffff;
	[tilespmem:s25+$0xFFFFFFA0] =	vst v8  }
0x220: {  	v1 =	vor.u32 $0x180, v1;
	v5 =	vld.idx.msk [tilespmem:v5+s9+$0x0], $0xffff;
	[tilespmem:s25+$0xFFFFFF90] =	vst v15  }
0x221: {  	v3 =	vor.u32 $0x180, v3;
	v11 =	vld.idx.msk [tilespmem:v16+s9+$0x0], $0xffff;
	[tilespmem:s25+$0xFFFFFF00] =	vst v4  }
0x222: {  	v0 =	vor.u32 $0x180, v0;
	v2 =	vld.idx.msk [tilespmem:v2+s9+$0x0], $0xffff;
	[tilespmem:s25+$0xFFFFFFB0] =	vst v12  }
0x223: {  	v7 =	vld.idx.msk [tilespmem:v7+s9+$0x0], $0xffff;
	[tilespmem:s25+$0xFFFFFFE0] =	vst v10  }
0x224: {  	v4 =	vld.idx.msk [tilespmem:v6+s9+$0x0], $0xffff;
	[tilespmem:s25+$0xFFFFFFF0] =	vst v9  }
0x225: {  	v1 =	vld.idx.msk [tilespmem:v1+s9+$0x0], $0xffff;
	[tilespmem:s25+$0xFFFFFF50] =	vst v5  }
0x226: {  	v3 =	vld.idx.msk [tilespmem:v3+s9+$0x0], $0xffff;
	[tilespmem:s25+$0xFFFFFFC0] =	vst v11  }
0x227: {  	[tilespmem:s25+$0xFFFFFF20] =	vst v2;
	v0 =	vld.idx.msk [tilespmem:v0+s9+$0x0], $0xffff  }
0x228: {  	[tilespmem:s25+$0xFFFFFF10] =	vst v7  }
0x229: {  	[tilespmem:s25+$0xFFFFFF30] =	vst v4  }
0x22a: {  	[tilespmem:s25+$0xFFFFFF60] =	vst v1  }
0x22b: {  	[tilespmem:s25+$0xFFFFFF70] =	vst v3  }
0x22c: {  	[tilespmem:s25+$0xFFFFFF40] =	vst v0  }
0x22d: {  	s25 =	rddreg [dreg:$0x19]  }
0x22e: {  	[hbm4b:s25+s6] =	stream.strided.scatter [tilespmem:s17], [sflag:$0x6], $0x4000, s7, s6, $0x38;
	[tilespmem:$0x1D000] =	vst v63  }
0x22f: {  	s26 =	rddreg [dreg:$0xf]  }
0x230: {  	[tilespmem:s9], [sflag:$0x1] =	stream.strided.gather [hbm4b:s26+s6], $0x4000, s7, s6, $0x38;
	[tilespmem:$0x1D000] =	vst v63  }
0x231: {  	_ =	swait.ge [sflag:s16], $0x4000  }
0x232: {  	[sflag:s16] =	ssyncset.done $0x0  }
0x233: {  	[sflag:s16] =	ssyncadd.s32 $0xFFFFC000  }
0x234: {  	_ =	swait.ge [sflag:s23], $0x4000  }
0x235: {  	[sflag:s23] =	ssyncset.done $0x0  }
0x236: {  	s26 =	simm.s32 $0x40;
	[sflag:s23] =	ssyncadd.s32 $0xFFFFC000  }
0x237: {  	v0 =	vld [tilespmem:s26+$0xFFFFFFC0]  }
0x238: {  	v1 =	vld [tilespmem:s26+$0x10]  }
0x239: {  	v3 =	vld [tilespmem:s26+$0xFFFFFFE0]  }
0x23a: {  	v2 =	vld [tilespmem:s26+$0x0];
	_ =	sdelay $0x1  }
0x23b: {  	v6 =	vld [tilespmem:s26+$0x20]  }
0x23c: {  	v7 =	vld [tilespmem:s26+$0xFFFFFFF0];
	v4 =	vshll.u32 v0, $0x2;
	v0 =	vand.u32 $0x7F, v0;
	v5 =	vshll.u32 v1, $0x2  }
0x23d: {  	v1 =	vand.u32 $0x7F, v1;
	v9 =	vshll.u32 v3, $0x2;
	v4 =	vand.u32 $0xFFFFFE00, v4  }
0x23e: {  	v8 =	vld [tilespmem:s26+$0xFFFFFFD0];
	v3 =	vand.u32 $0x7F, v3;
	v4 =	vor.u32 v0, v4;
	v0 =	vshll.u32 v2, $0x2  }
0x23f: {  	v5 =	vand.u32 $0xFFFFFE00, v5;
	v2 =	vand.u32 $0x7F, v2;
	v0 =	vand.u32 $0xFFFFFE00, v0  }
0x240: {  	v5 =	vor.u32 v1, v5;
	v0 =	vor.u32 v2, v0;
	v2 =	vand.u32 $0xFFFFFE00, v9;
	v9 =	vld [tilespmem:s26+$0x30]  }
0x241: {  	v11 =	vand.u32 $0x7F, v7;
	v2 =	vor.u32 v3, v2;
	v3 =	vshll.u32 v6, $0x2  }
0x242: {  	v1 =	vand.u32 $0x7F, v6;
	v12 =	vor.u32 $0x80, v4;
	v3 =	vand.u32 $0xFFFFFE00, v3  }
0x243: {  	v6 =	vshll.u32 v7, $0x2;
	v10 =	vld.idx.msk [tilespmem:v4+s10+$0x0], $0xffff;
	v1 =	vor.u32 v1, v3;
	v3 =	vshll.u32 v8, $0x2  }
0x244: {  	v6 =	vand.u32 $0xFFFFFE00, v6;
	v8 =	vand.u32 $0x7F, v8;
	v3 =	vand.u32 $0xFFFFFE00, v3  }
0x245: {  	v6 =	vor.u32 v11, v6;
	v17 =	vld.idx.msk [tilespmem:v5+s10+$0x0], $0xffff;
	v7 =	vor.u32 v8, v3;
	v3 =	vshll.u32 v9, $0x2  }
0x246: {  	v13 =	vld.idx.msk [tilespmem:v0+s10+$0x0], $0xffff;
	v8 =	vand.u32 $0x7F, v9;
	v3 =	vand.u32 $0xFFFFFE00, v3  }
0x247: {  	s25 =	simm.s32 $0x19100;
	v11 =	vld.idx.msk [tilespmem:v2+s10+$0x0], $0xffff;
	v3 =	vor.u32 v8, v3  }
0x248: {  	v20 =	vor.u32 $0x80, v0;
	[tilespmem:s25+$0x80] =	vst v10;
	v10 =	vld.idx.msk [tilespmem:v1+s10+$0x0], $0xffff  }
0x249: {  	v18 =	vld.idx.msk [tilespmem:v12+s10+$0x0], $0xffff;
	v12 =	vor.u32 $0x80, v5  }
0x24a: {  	v15 =	vor.u32 $0x80, v2;
	v16 =	vld.idx.msk [tilespmem:v6+s10+$0x0], $0xffff  }
0x24b: {  	s28 =	simm.s32 $0xC0;
	s29 =	simm.s32 $0x19100;
	s26 =	simm.s32 $0x0;
	v9 =	vor.u32 $0x80, v1;
	v14 =	vor.u32 $0x80, v7;
	v8 =	vor.u32 $0x80, v3;
	v19 =	vld.idx.msk [tilespmem:v7+s10+$0x0], $0xffff  }
.LBB2_12:
0x24c: {  	s26 =	sadd.s32 $0x8, s26;
	[tilespmem:s25+$0xC0] =	vst v13;
	v13 =	vld.idx.msk [tilespmem:v3+s10+$0x0], $0xffff;
	s29 =	sadd.s32 $0x200, s29  }
0x24d: {  	p0 =	slt.u32 s26, $0xF8;
	v20 =	vld.idx.msk [tilespmem:v20+s10+$0x0], $0xffff;
	[tilespmem:s25+$0xD0] =	vst v17  }
0x24e: {  	v17 =	vor.u32 $0x100, v4;
	v12 =	vld.idx.msk [tilespmem:v12+s10+$0x0], $0xffff  }
0x24f: {  	v21 =	vld [tilespmem:s28+$0x10];
	[tilespmem:s25+$0x0] =	vst v18  }
0x250: {  	v18 =	vld [tilespmem:s28+$0xFFFFFFE0];
	[tilespmem:s25+$0x90] =	vst v19;
	v19 =	vor.u32 $0x80, v6  }
0x251: {  	v14 =	vld.idx.msk [tilespmem:v14+s10+$0x0], $0xffff;
	[tilespmem:s25+$0xA0] =	vst v11  }
0x252: {  	v11 =	vld.idx.msk [tilespmem:v15+s10+$0x0], $0xffff;
	[tilespmem:s25+$0xF0] =	vst v13  }
0x253: {  	v13 =	vld.idx.msk [tilespmem:v17+s10+$0x0], $0xffff;
	[tilespmem:s25+$0x40] =	vst v20  }
0x254: {  	v15 =	vld [tilespmem:s28+$0xFFFFFFF0];
	[tilespmem:s25+$0xB0] =	vst v16  }
0x255: {  	v16 =	vld.idx.msk [tilespmem:v19+s10+$0x0], $0xffff;
	[tilespmem:s25+$0x50] =	vst v12  }
0x256: {  	v12 =	vld [tilespmem:s28+$0xFFFFFFC0];
	[tilespmem:s25+$0xE0] =	vst v10  }
0x257: {  	[tilespmem:s25+$0x10] =	vst v14;
	v8 =	vld.idx.msk [tilespmem:v8+s10+$0x0], $0xffff  }
0x258: {  	v10 =	vld [tilespmem:s28+$0x20];
	[tilespmem:s25+$0x20] =	vst v11;
	v11 =	vor.u32 $0x100, v5  }
0x259: {  	v14 =	vld [tilespmem:s28+$0x30];
	[tilespmem:s25+$0xFFFFFF80] =	vst v13;
	v13 =	vor.u32 $0x100, v7  }
0x25a: {  	v19 =	vor.u32 $0x100, v6;
	v17 =	vld [tilespmem:s28+$0xFFFFFFD0]  }
0x25b: {  	v20 =	vor.u32 $0x180, v4;
	[tilespmem:s25+$0x30] =	vst v16;
	v9 =	vld.idx.msk [tilespmem:v9+s10+$0x0], $0xffff  }
0x25c: {  	v22 =	vor.u32 $0x100, v2;
	v23 =	vor.u32 $0x180, v5;
	v5 =	vor.u32 $0x100, v1;
	v16 =	vld [tilespmem:s28+$0x0]  }
0x25d: {  	v24 =	vor.u32 $0x100, v0;
	v4 =	vshll.u32 v12, $0x2;
	v11 =	vld.idx.msk [tilespmem:v11+s10+$0x0], $0xffff;
	[tilespmem:s25+$0x70] =	vst v8;
	v8 =	vor.u32 $0x100, v3  }
0x25e: {  	v4 =	vand.u32 $0xFFFFFE00, v4;
	v25 =	vand.u32 $0x7F, v14;
	v14 =	vshll.u32 v14, $0x2;
	v13 =	vld.idx.msk [tilespmem:v13+s10+$0x0], $0xffff  }
0x25f: {  	v6 =	vor.u32 $0x180, v6;
	v12 =	vand.u32 $0x7F, v12;
	v14 =	vand.u32 $0xFFFFFE00, v14;
	v19 =	vld.idx.msk [tilespmem:v19+s10+$0x0], $0xffff  }
0x260: {  	v7 =	vor.u32 $0x180, v7;
	v4 =	vor.u32 v12, v4;
	v12 =	vshll.u32 v21, $0x2;
	v20 =	vld.idx.msk [tilespmem:v20+s10+$0x0], $0xffff  }
0x261: {  	v26 =	vshll.u32 v15, $0x2;
	v14 =	vor.u32 v25, v14;
	v27 =	vshll.u32 v16, $0x2;
	v22 =	vld.idx.msk [tilespmem:v22+s10+$0x0], $0xffff;
	[tilespmem:s25+$0x60] =	vst v9  }
0x262: {  	v21 =	vand.u32 $0x7F, v21;
	v9 =	vand.u32 $0xFFFFFE00, v26;
	v16 =	vand.u32 $0x7F, v16;
	v25 =	vld.idx.msk [tilespmem:v5+s10+$0x0], $0xffff  }
0x263: {  	v12 =	vand.u32 $0xFFFFFE00, v12;
	v26 =	vor.u32 $0x180, v2;
	v5 =	vand.u32 $0xFFFFFE00, v27;
	[tilespmem:s25+$0xFFFFFFD0] =	vst v11;
	v8 =	vld.idx.msk [tilespmem:v8+s10+$0x0], $0xffff  }
0x264: {  	v2 =	vshll.u32 v18, $0x2;
	v11 =	vor.u32 v16, v5;
	v5 =	vor.u32 v21, v12;
	[tilespmem:s25+$0xFFFFFF90] =	vst v13;
	v12 =	vld.idx.msk [tilespmem:v24+s10+$0x0], $0xffff  }
0x265: {  	v2 =	vand.u32 $0xFFFFFE00, v2;
	v13 =	vor.u32 $0x180, v3;
	v3 =	vmov v14;
	v7 =	vld.idx.msk [tilespmem:v7+s10+$0x0], $0xffff;
	[tilespmem:s25+$0xFFFFFFB0] =	vst v19  }
0x266: {  	v14 =	vand.u32 $0x7F, v18;
	v18 =	vor.u32 $0x180, v0;
	v0 =	vmovc v11;
	v19 =	vor.u32 $0x180, v1;
	[tilespmem:s25+$0xFFFFFF00] =	vst v20;
	v16 =	vld.idx.msk [tilespmem:v6+s10+$0x0], $0xffff  }
0x267: {  	v21 =	vor.u32 $0x80, v4;
	v2 =	vor.u32 v14, v2;
	v1 =	vand.u32 $0x7F, v15;
	[tilespmem:s25+$0xFFFFFFA0] =	vst v22;
	v11 =	vld.idx.msk [tilespmem:v23+s10+$0x0], $0xffff  }
0x268: {  	v6 =	vor.u32 v1, v9;
	v1 =	vshll.u32 v10, $0x2;
	v9 =	vld.idx.msk [tilespmem:v26+s10+$0x0], $0xffff;
	[tilespmem:s25+$0xFFFFFFE0] =	vst v25  }
0x269: {  	v10 =	vand.u32 $0x7F, v10;
	v1 =	vand.u32 $0xFFFFFE00, v1;
	v15 =	vld.idx.msk [tilespmem:v4+s10+$0x0], $0xffff;
	[tilespmem:s25+$0xFFFFFFF0] =	vst v8  }
0x26a: {  	v1 =	vor.u32 v10, v1;
	[tilespmem:s25+$0xFFFFFFC0] =	vst v12;
	v22 =	vld.idx.msk [tilespmem:v13+s10+$0x0], $0xffff  }
0x26b: {  	v8 =	vshll.u32 v17, $0x2;
	v12 =	vor.u32 $0x80, v5;
	v13 =	vld.idx.msk [tilespmem:v0+s10+$0x0], $0xffff;
	[tilespmem:s25+$0xFFFFFF10] =	vst v7  }
0x26c: {  	v10 =	vand.u32 $0xFFFFFE00, v8;
	v8 =	vor.u32 $0x80, v3;
	v7 =	vand.u32 $0x7F, v17;
	[tilespmem:s25+$0xFFFFFF30] =	vst v16;
	v16 =	vld.idx.msk [tilespmem:v18+s10+$0x0], $0xffff  }
0x26d: {  	v7 =	vor.u32 v7, v10;
	[tilespmem:s25+$0xFFFFFF50] =	vst v11;
	v23 =	vld.idx.msk [tilespmem:v19+s10+$0x0], $0xffff  }
0x26e: {  	v14 =	vor.u32 $0x80, v7;
	v11 =	vld.idx.msk [tilespmem:v2+s10+$0x0], $0xffff  }
.Ltmp5:
0x26f: {  	[tilespmem:s29+$0x80] =	vst v15;
	v15 =	vor.u32 $0x80, v2;
	v17 =	vld.idx.msk [tilespmem:v5+s10+$0x0], $0xffff;
	(pc) =	sbr.rel @p0 .LBB2_12-.Ltmp5, $4  }
0x270: {  	v20 =	vor.u32 $0x80, v0;
	v10 =	vld.idx.msk [tilespmem:v1+s10+$0x0], $0xffff;
	[tilespmem:s25+$0xFFFFFF70] =	vst v22  }
0x271: {  	v18 =	vld.idx.msk [tilespmem:v21+s10+$0x0], $0xffff;
	[tilespmem:s25+$0xFFFFFF20] =	vst v9  }
0x272: {  	v19 =	vld.idx.msk [tilespmem:v7+s10+$0x0], $0xffff;
	[tilespmem:s25+$0xFFFFFF40] =	vst v16  }
0x273: {  	s28 =	sadd.s32 $0x80, s28;
	v9 =	vor.u32 $0x80, v1;
	v16 =	vld.idx.msk [tilespmem:v6+s10+$0x0], $0xffff;
	[tilespmem:s25+$0xFFFFFF60] =	vst v23;
	s25 =	smov.u32 s29  }
0x274: {  	_ =	sdelay $0x2  }
0x275: {  	[tilespmem:s25+$0xC0] =	vst v13  }
0x276: {  	v13 =	vld.idx.msk [tilespmem:v3+s10+$0x0], $0xffff;
	[tilespmem:s25+$0xD0] =	vst v17  }
0x277: {  	[tilespmem:s25+$0xA0] =	vst v11;
	v17 =	vld.idx.msk [tilespmem:v20+s10+$0x0], $0xffff;
	v20 =	vor.u32 $0x100, v4  }
0x278: {  	[tilespmem:s25+$0x0] =	vst v18  }
0x279: {  	v12 =	vld.idx.msk [tilespmem:v12+s10+$0x0], $0xffff;
	v18 =	vor.u32 $0x80, v6;
	[tilespmem:s25+$0x90] =	vst v19  }
0x27a: {  	[tilespmem:s25+$0xE0] =	vst v10;
	v11 =	vld.idx.msk [tilespmem:v14+s10+$0x0], $0xffff  }
0x27b: {  	[tilespmem:s25+$0xF0] =	vst v13;
	v13 =	vld.idx.msk [tilespmem:v15+s10+$0x0], $0xffff  }
0x27c: {  	v14 =	vor.u32 $0x100, v5;
	[tilespmem:s25+$0x40] =	vst v17;
	v17 =	vld.idx.msk [tilespmem:v20+s10+$0x0], $0xffff  }
0x27d: {  	v10 =	vor.u32 $0x100, v2;
	[tilespmem:s25+$0xB0] =	vst v16;
	v8 =	vld.idx.msk [tilespmem:v8+s10+$0x0], $0xffff  }
0x27e: {  	v16 =	vor.u32 $0x100, v7;
	[tilespmem:s25+$0x50] =	vst v12;
	v15 =	vld.idx.msk [tilespmem:v18+s10+$0x0], $0xffff  }
0x27f: {  	v4 =	vor.u32 $0x180, v4;
	[tilespmem:s25+$0x10] =	vst v11  }
0x280: {  	v9 =	vld.idx.msk [tilespmem:v9+s10+$0x0], $0xffff;
	v12 =	vor.u32 $0x100, v6;
	[tilespmem:s25+$0x20] =	vst v13  }
0x281: {  	v11 =	vld.idx.msk [tilespmem:v14+s10+$0x0], $0xffff;
	v14 =	vor.u32 $0x100, v1;
	[tilespmem:s25+$0xFFFFFF80] =	vst v17  }
0x282: {  	v13 =	vor.u32 $0x100, v3;
	[tilespmem:s25+$0x70] =	vst v8;
	v8 =	vld.idx.msk [tilespmem:v10+s10+$0x0], $0xffff  }
0x283: {  	v5 =	vor.u32 $0x180, v5;
	[tilespmem:s25+$0x30] =	vst v15;
	v15 =	vld.idx.msk [tilespmem:v16+s10+$0x0], $0xffff  }
0x284: {  	v16 =	vor.u32 $0x100, v0;
	v4 =	vld.idx.msk [tilespmem:v4+s10+$0x0], $0xffff  }
0x285: {  	v2 =	vor.u32 $0x180, v2;
	[tilespmem:s25+$0x60] =	vst v9;
	v12 =	vld.idx.msk [tilespmem:v12+s10+$0x0], $0xffff  }
0x286: {  	v7 =	vor.u32 $0x180, v7;
	[tilespmem:s25+$0xFFFFFFD0] =	vst v11;
	v10 =	vld.idx.msk [tilespmem:v14+s10+$0x0], $0xffff  }
0x287: {  	v6 =	vor.u32 $0x180, v6;
	v9 =	vld.idx.msk [tilespmem:v13+s10+$0x0], $0xffff;
	[tilespmem:s25+$0xFFFFFFA0] =	vst v8  }
0x288: {  	v1 =	vor.u32 $0x180, v1;
	v5 =	vld.idx.msk [tilespmem:v5+s10+$0x0], $0xffff;
	[tilespmem:s25+$0xFFFFFF90] =	vst v15  }
0x289: {  	v3 =	vor.u32 $0x180, v3;
	v11 =	vld.idx.msk [tilespmem:v16+s10+$0x0], $0xffff;
	[tilespmem:s25+$0xFFFFFF00] =	vst v4  }
0x28a: {  	v0 =	vor.u32 $0x180, v0;
	v2 =	vld.idx.msk [tilespmem:v2+s10+$0x0], $0xffff;
	[tilespmem:s25+$0xFFFFFFB0] =	vst v12  }
0x28b: {  	v7 =	vld.idx.msk [tilespmem:v7+s10+$0x0], $0xffff;
	[tilespmem:s25+$0xFFFFFFE0] =	vst v10  }
0x28c: {  	v4 =	vld.idx.msk [tilespmem:v6+s10+$0x0], $0xffff;
	[tilespmem:s25+$0xFFFFFFF0] =	vst v9  }
0x28d: {  	v1 =	vld.idx.msk [tilespmem:v1+s10+$0x0], $0xffff;
	[tilespmem:s25+$0xFFFFFF50] =	vst v5  }
0x28e: {  	v3 =	vld.idx.msk [tilespmem:v3+s10+$0x0], $0xffff;
	[tilespmem:s25+$0xFFFFFFC0] =	vst v11  }
0x28f: {  	[tilespmem:s25+$0xFFFFFF20] =	vst v2;
	v0 =	vld.idx.msk [tilespmem:v0+s10+$0x0], $0xffff  }
0x290: {  	[tilespmem:s25+$0xFFFFFF10] =	vst v7  }
0x291: {  	[tilespmem:s25+$0xFFFFFF30] =	vst v4  }
0x292: {  	[tilespmem:s25+$0xFFFFFF60] =	vst v1  }
0x293: {  	[tilespmem:s25+$0xFFFFFF70] =	vst v3  }
0x294: {  	[tilespmem:s25+$0xFFFFFF40] =	vst v0  }
0x295: {  	s25 =	rddreg [dreg:$0x1a]  }
0x296: {  	[hbm4b:s25+s6] =	stream.strided.scatter [tilespmem:s19], [sflag:$0x7], $0x4000, s7, s6, $0x38;
	[tilespmem:$0x1D000] =	vst v63  }
0x297: {  	s26 =	rddreg [dreg:$0x10]  }
0x298: {  	[tilespmem:s10], [sflag:$0x2] =	stream.strided.gather [hbm4b:s26+s6], $0x4000, s7, s6, $0x38;
	[tilespmem:$0x1D000] =	vst v63  }
0x299: {  	_ =	swait.ge [sflag:s18], $0x4000  }
0x29a: {  	[sflag:s18] =	ssyncset.done $0x0  }
0x29b: {  	[sflag:s18] =	ssyncadd.s32 $0xFFFFC000  }
0x29c: {  	_ =	swait.ge [sflag:s21], $0x4000  }
0x29d: {  	[sflag:s21] =	ssyncset.done $0x0  }
0x29e: {  	s26 =	simm.s32 $0x40;
	[sflag:s21] =	ssyncadd.s32 $0xFFFFC000  }
0x29f: {  	v0 =	vld [tilespmem:s26+$0xFFFFFFC0]  }
0x2a0: {  	v1 =	vld [tilespmem:s26+$0x10]  }
0x2a1: {  	v3 =	vld [tilespmem:s26+$0xFFFFFFE0]  }
0x2a2: {  	v2 =	vld [tilespmem:s26+$0x0];
	_ =	sdelay $0x1  }
0x2a3: {  	v6 =	vld [tilespmem:s26+$0x20]  }
0x2a4: {  	v7 =	vld [tilespmem:s26+$0xFFFFFFF0];
	v4 =	vshll.u32 v0, $0x2;
	v0 =	vand.u32 $0x7F, v0;
	v5 =	vshll.u32 v1, $0x2  }
0x2a5: {  	v1 =	vand.u32 $0x7F, v1;
	v9 =	vshll.u32 v3, $0x2;
	v4 =	vand.u32 $0xFFFFFE00, v4  }
0x2a6: {  	v8 =	vld [tilespmem:s26+$0xFFFFFFD0];
	v3 =	vand.u32 $0x7F, v3;
	v4 =	vor.u32 v0, v4;
	v0 =	vshll.u32 v2, $0x2  }
0x2a7: {  	v5 =	vand.u32 $0xFFFFFE00, v5;
	v2 =	vand.u32 $0x7F, v2;
	v0 =	vand.u32 $0xFFFFFE00, v0  }
0x2a8: {  	v5 =	vor.u32 v1, v5;
	v0 =	vor.u32 v2, v0;
	v2 =	vand.u32 $0xFFFFFE00, v9;
	v9 =	vld [tilespmem:s26+$0x30]  }
0x2a9: {  	v11 =	vand.u32 $0x7F, v7;
	v2 =	vor.u32 v3, v2;
	v3 =	vshll.u32 v6, $0x2  }
0x2aa: {  	v1 =	vand.u32 $0x7F, v6;
	v12 =	vor.u32 $0x80, v4;
	v3 =	vand.u32 $0xFFFFFE00, v3  }
0x2ab: {  	v6 =	vshll.u32 v7, $0x2;
	v10 =	vld.idx.msk [tilespmem:v4+s11+$0x0], $0xffff;
	v1 =	vor.u32 v1, v3;
	v3 =	vshll.u32 v8, $0x2  }
0x2ac: {  	v6 =	vand.u32 $0xFFFFFE00, v6;
	v8 =	vand.u32 $0x7F, v8;
	v3 =	vand.u32 $0xFFFFFE00, v3  }
0x2ad: {  	v6 =	vor.u32 v11, v6;
	v17 =	vld.idx.msk [tilespmem:v5+s11+$0x0], $0xffff;
	v7 =	vor.u32 v8, v3;
	v3 =	vshll.u32 v9, $0x2  }
0x2ae: {  	v13 =	vld.idx.msk [tilespmem:v0+s11+$0x0], $0xffff;
	v8 =	vand.u32 $0x7F, v9;
	v3 =	vand.u32 $0xFFFFFE00, v3  }
0x2af: {  	s25 =	simm.s32 $0x11100;
	v11 =	vld.idx.msk [tilespmem:v2+s11+$0x0], $0xffff;
	v3 =	vor.u32 v8, v3  }
0x2b0: {  	v20 =	vor.u32 $0x80, v0;
	[tilespmem:s25+$0x80] =	vst v10;
	v10 =	vld.idx.msk [tilespmem:v1+s11+$0x0], $0xffff  }
0x2b1: {  	v18 =	vld.idx.msk [tilespmem:v12+s11+$0x0], $0xffff;
	v12 =	vor.u32 $0x80, v5  }
0x2b2: {  	v15 =	vor.u32 $0x80, v2;
	v16 =	vld.idx.msk [tilespmem:v6+s11+$0x0], $0xffff  }
0x2b3: {  	s28 =	simm.s32 $0xC0;
	s29 =	simm.s32 $0x11100;
	s26 =	simm.s32 $0x0;
	v9 =	vor.u32 $0x80, v1;
	v14 =	vor.u32 $0x80, v7;
	v8 =	vor.u32 $0x80, v3;
	v19 =	vld.idx.msk [tilespmem:v7+s11+$0x0], $0xffff  }
.LBB2_14:
0x2b4: {  	s26 =	sadd.s32 $0x8, s26;
	[tilespmem:s25+$0xC0] =	vst v13;
	v13 =	vld.idx.msk [tilespmem:v3+s11+$0x0], $0xffff;
	s29 =	sadd.s32 $0x200, s29  }
0x2b5: {  	p0 =	slt.u32 s26, $0xF8;
	v20 =	vld.idx.msk [tilespmem:v20+s11+$0x0], $0xffff;
	[tilespmem:s25+$0xD0] =	vst v17  }
0x2b6: {  	v17 =	vor.u32 $0x100, v4;
	v12 =	vld.idx.msk [tilespmem:v12+s11+$0x0], $0xffff  }
0x2b7: {  	v21 =	vld [tilespmem:s28+$0x10];
	[tilespmem:s25+$0x0] =	vst v18  }
0x2b8: {  	v18 =	vld [tilespmem:s28+$0xFFFFFFE0];
	[tilespmem:s25+$0x90] =	vst v19;
	v19 =	vor.u32 $0x80, v6  }
0x2b9: {  	v14 =	vld.idx.msk [tilespmem:v14+s11+$0x0], $0xffff;
	[tilespmem:s25+$0xA0] =	vst v11  }
0x2ba: {  	v11 =	vld.idx.msk [tilespmem:v15+s11+$0x0], $0xffff;
	[tilespmem:s25+$0xF0] =	vst v13  }
0x2bb: {  	v13 =	vld.idx.msk [tilespmem:v17+s11+$0x0], $0xffff;
	[tilespmem:s25+$0x40] =	vst v20  }
0x2bc: {  	v15 =	vld [tilespmem:s28+$0xFFFFFFF0];
	[tilespmem:s25+$0xB0] =	vst v16  }
0x2bd: {  	v16 =	vld.idx.msk [tilespmem:v19+s11+$0x0], $0xffff;
	[tilespmem:s25+$0x50] =	vst v12  }
0x2be: {  	v12 =	vld [tilespmem:s28+$0xFFFFFFC0];
	[tilespmem:s25+$0xE0] =	vst v10  }
0x2bf: {  	[tilespmem:s25+$0x10] =	vst v14;
	v8 =	vld.idx.msk [tilespmem:v8+s11+$0x0], $0xffff  }
0x2c0: {  	v10 =	vld [tilespmem:s28+$0x20];
	[tilespmem:s25+$0x20] =	vst v11;
	v11 =	vor.u32 $0x100, v5  }
0x2c1: {  	v14 =	vld [tilespmem:s28+$0x30];
	[tilespmem:s25+$0xFFFFFF80] =	vst v13;
	v13 =	vor.u32 $0x100, v7  }
0x2c2: {  	v19 =	vor.u32 $0x100, v6;
	v17 =	vld [tilespmem:s28+$0xFFFFFFD0]  }
0x2c3: {  	v20 =	vor.u32 $0x180, v4;
	[tilespmem:s25+$0x30] =	vst v16;
	v9 =	vld.idx.msk [tilespmem:v9+s11+$0x0], $0xffff  }
0x2c4: {  	v22 =	vor.u32 $0x100, v2;
	v23 =	vor.u32 $0x180, v5;
	v5 =	vor.u32 $0x100, v1;
	v16 =	vld [tilespmem:s28+$0x0]  }
0x2c5: {  	v24 =	vor.u32 $0x100, v0;
	v4 =	vshll.u32 v12, $0x2;
	v11 =	vld.idx.msk [tilespmem:v11+s11+$0x0], $0xffff;
	[tilespmem:s25+$0x70] =	vst v8;
	v8 =	vor.u32 $0x100, v3  }
0x2c6: {  	v4 =	vand.u32 $0xFFFFFE00, v4;
	v25 =	vand.u32 $0x7F, v14;
	v14 =	vshll.u32 v14, $0x2;
	v13 =	vld.idx.msk [tilespmem:v13+s11+$0x0], $0xffff  }
0x2c7: {  	v6 =	vor.u32 $0x180, v6;
	v12 =	vand.u32 $0x7F, v12;
	v14 =	vand.u32 $0xFFFFFE00, v14;
	v19 =	vld.idx.msk [tilespmem:v19+s11+$0x0], $0xffff  }
0x2c8: {  	v7 =	vor.u32 $0x180, v7;
	v4 =	vor.u32 v12, v4;
	v12 =	vshll.u32 v21, $0x2;
	v20 =	vld.idx.msk [tilespmem:v20+s11+$0x0], $0xffff  }
0x2c9: {  	v26 =	vshll.u32 v15, $0x2;
	v14 =	vor.u32 v25, v14;
	v27 =	vshll.u32 v16, $0x2;
	v22 =	vld.idx.msk [tilespmem:v22+s11+$0x0], $0xffff;
	[tilespmem:s25+$0x60] =	vst v9  }
0x2ca: {  	v21 =	vand.u32 $0x7F, v21;
	v9 =	vand.u32 $0xFFFFFE00, v26;
	v16 =	vand.u32 $0x7F, v16;
	v25 =	vld.idx.msk [tilespmem:v5+s11+$0x0], $0xffff  }
0x2cb: {  	v12 =	vand.u32 $0xFFFFFE00, v12;
	v26 =	vor.u32 $0x180, v2;
	v5 =	vand.u32 $0xFFFFFE00, v27;
	[tilespmem:s25+$0xFFFFFFD0] =	vst v11;
	v8 =	vld.idx.msk [tilespmem:v8+s11+$0x0], $0xffff  }
0x2cc: {  	v2 =	vshll.u32 v18, $0x2;
	v11 =	vor.u32 v16, v5;
	v5 =	vor.u32 v21, v12;
	[tilespmem:s25+$0xFFFFFF90] =	vst v13;
	v12 =	vld.idx.msk [tilespmem:v24+s11+$0x0], $0xffff  }
0x2cd: {  	v2 =	vand.u32 $0xFFFFFE00, v2;
	v13 =	vor.u32 $0x180, v3;
	v3 =	vmov v14;
	v7 =	vld.idx.msk [tilespmem:v7+s11+$0x0], $0xffff;
	[tilespmem:s25+$0xFFFFFFB0] =	vst v19  }
0x2ce: {  	v14 =	vand.u32 $0x7F, v18;
	v18 =	vor.u32 $0x180, v0;
	v0 =	vmovc v11;
	v19 =	vor.u32 $0x180, v1;
	[tilespmem:s25+$0xFFFFFF00] =	vst v20;
	v16 =	vld.idx.msk [tilespmem:v6+s11+$0x0], $0xffff  }
0x2cf: {  	v21 =	vor.u32 $0x80, v4;
	v2 =	vor.u32 v14, v2;
	v1 =	vand.u32 $0x7F, v15;
	[tilespmem:s25+$0xFFFFFFA0] =	vst v22;
	v11 =	vld.idx.msk [tilespmem:v23+s11+$0x0], $0xffff  }
0x2d0: {  	v6 =	vor.u32 v1, v9;
	v1 =	vshll.u32 v10, $0x2;
	v9 =	vld.idx.msk [tilespmem:v26+s11+$0x0], $0xffff;
	[tilespmem:s25+$0xFFFFFFE0] =	vst v25  }
0x2d1: {  	v10 =	vand.u32 $0x7F, v10;
	v1 =	vand.u32 $0xFFFFFE00, v1;
	v15 =	vld.idx.msk [tilespmem:v4+s11+$0x0], $0xffff;
	[tilespmem:s25+$0xFFFFFFF0] =	vst v8  }
0x2d2: {  	v1 =	vor.u32 v10, v1;
	[tilespmem:s25+$0xFFFFFFC0] =	vst v12;
	v22 =	vld.idx.msk [tilespmem:v13+s11+$0x0], $0xffff  }
0x2d3: {  	v8 =	vshll.u32 v17, $0x2;
	v12 =	vor.u32 $0x80, v5;
	v13 =	vld.idx.msk [tilespmem:v0+s11+$0x0], $0xffff;
	[tilespmem:s25+$0xFFFFFF10] =	vst v7  }
0x2d4: {  	v10 =	vand.u32 $0xFFFFFE00, v8;
	v8 =	vor.u32 $0x80, v3;
	v7 =	vand.u32 $0x7F, v17;
	[tilespmem:s25+$0xFFFFFF30] =	vst v16;
	v16 =	vld.idx.msk [tilespmem:v18+s11+$0x0], $0xffff  }
0x2d5: {  	v7 =	vor.u32 v7, v10;
	[tilespmem:s25+$0xFFFFFF50] =	vst v11;
	v23 =	vld.idx.msk [tilespmem:v19+s11+$0x0], $0xffff  }
0x2d6: {  	v14 =	vor.u32 $0x80, v7;
	v11 =	vld.idx.msk [tilespmem:v2+s11+$0x0], $0xffff  }
.Ltmp6:
0x2d7: {  	[tilespmem:s29+$0x80] =	vst v15;
	v15 =	vor.u32 $0x80, v2;
	v17 =	vld.idx.msk [tilespmem:v5+s11+$0x0], $0xffff;
	(pc) =	sbr.rel @p0 .LBB2_14-.Ltmp6, $4  }
0x2d8: {  	v20 =	vor.u32 $0x80, v0;
	v10 =	vld.idx.msk [tilespmem:v1+s11+$0x0], $0xffff;
	[tilespmem:s25+$0xFFFFFF70] =	vst v22  }
0x2d9: {  	v18 =	vld.idx.msk [tilespmem:v21+s11+$0x0], $0xffff;
	[tilespmem:s25+$0xFFFFFF20] =	vst v9  }
0x2da: {  	v19 =	vld.idx.msk [tilespmem:v7+s11+$0x0], $0xffff;
	[tilespmem:s25+$0xFFFFFF40] =	vst v16  }
0x2db: {  	s28 =	sadd.s32 $0x80, s28;
	v9 =	vor.u32 $0x80, v1;
	v16 =	vld.idx.msk [tilespmem:v6+s11+$0x0], $0xffff;
	[tilespmem:s25+$0xFFFFFF60] =	vst v23;
	s25 =	smov.u32 s29  }
0x2dc: {  	_ =	sdelay $0x2  }
0x2dd: {  	[tilespmem:s25+$0xC0] =	vst v13  }
0x2de: {  	v13 =	vld.idx.msk [tilespmem:v3+s11+$0x0], $0xffff;
	[tilespmem:s25+$0xD0] =	vst v17  }
0x2df: {  	[tilespmem:s25+$0xA0] =	vst v11;
	v17 =	vld.idx.msk [tilespmem:v20+s11+$0x0], $0xffff;
	v20 =	vor.u32 $0x100, v4  }
0x2e0: {  	[tilespmem:s25+$0x0] =	vst v18  }
0x2e1: {  	v12 =	vld.idx.msk [tilespmem:v12+s11+$0x0], $0xffff;
	v18 =	vor.u32 $0x80, v6;
	[tilespmem:s25+$0x90] =	vst v19  }
0x2e2: {  	[tilespmem:s25+$0xE0] =	vst v10;
	v11 =	vld.idx.msk [tilespmem:v14+s11+$0x0], $0xffff  }
0x2e3: {  	[tilespmem:s25+$0xF0] =	vst v13;
	v13 =	vld.idx.msk [tilespmem:v15+s11+$0x0], $0xffff  }
0x2e4: {  	v14 =	vor.u32 $0x100, v5;
	[tilespmem:s25+$0x40] =	vst v17;
	v17 =	vld.idx.msk [tilespmem:v20+s11+$0x0], $0xffff  }
0x2e5: {  	v10 =	vor.u32 $0x100, v2;
	[tilespmem:s25+$0xB0] =	vst v16;
	v8 =	vld.idx.msk [tilespmem:v8+s11+$0x0], $0xffff  }
0x2e6: {  	v16 =	vor.u32 $0x100, v7;
	[tilespmem:s25+$0x50] =	vst v12;
	v15 =	vld.idx.msk [tilespmem:v18+s11+$0x0], $0xffff  }
0x2e7: {  	v4 =	vor.u32 $0x180, v4;
	[tilespmem:s25+$0x10] =	vst v11  }
0x2e8: {  	v9 =	vld.idx.msk [tilespmem:v9+s11+$0x0], $0xffff;
	v12 =	vor.u32 $0x100, v6;
	[tilespmem:s25+$0x20] =	vst v13  }
0x2e9: {  	v11 =	vld.idx.msk [tilespmem:v14+s11+$0x0], $0xffff;
	v14 =	vor.u32 $0x100, v1;
	[tilespmem:s25+$0xFFFFFF80] =	vst v17  }
0x2ea: {  	v13 =	vor.u32 $0x100, v3;
	[tilespmem:s25+$0x70] =	vst v8;
	v8 =	vld.idx.msk [tilespmem:v10+s11+$0x0], $0xffff  }
0x2eb: {  	v5 =	vor.u32 $0x180, v5;
	[tilespmem:s25+$0x30] =	vst v15;
	v15 =	vld.idx.msk [tilespmem:v16+s11+$0x0], $0xffff  }
0x2ec: {  	v16 =	vor.u32 $0x100, v0;
	v4 =	vld.idx.msk [tilespmem:v4+s11+$0x0], $0xffff  }
0x2ed: {  	v2 =	vor.u32 $0x180, v2;
	[tilespmem:s25+$0x60] =	vst v9;
	v12 =	vld.idx.msk [tilespmem:v12+s11+$0x0], $0xffff  }
0x2ee: {  	v7 =	vor.u32 $0x180, v7;
	[tilespmem:s25+$0xFFFFFFD0] =	vst v11;
	v10 =	vld.idx.msk [tilespmem:v14+s11+$0x0], $0xffff  }
0x2ef: {  	v6 =	vor.u32 $0x180, v6;
	v9 =	vld.idx.msk [tilespmem:v13+s11+$0x0], $0xffff;
	[tilespmem:s25+$0xFFFFFFA0] =	vst v8  }
0x2f0: {  	v1 =	vor.u32 $0x180, v1;
	v5 =	vld.idx.msk [tilespmem:v5+s11+$0x0], $0xffff;
	[tilespmem:s25+$0xFFFFFF90] =	vst v15  }
0x2f1: {  	v3 =	vor.u32 $0x180, v3;
	v11 =	vld.idx.msk [tilespmem:v16+s11+$0x0], $0xffff;
	[tilespmem:s25+$0xFFFFFF00] =	vst v4  }
0x2f2: {  	v0 =	vor.u32 $0x180, v0;
	v2 =	vld.idx.msk [tilespmem:v2+s11+$0x0], $0xffff;
	[tilespmem:s25+$0xFFFFFFB0] =	vst v12  }
0x2f3: {  	v7 =	vld.idx.msk [tilespmem:v7+s11+$0x0], $0xffff;
	[tilespmem:s25+$0xFFFFFFE0] =	vst v10  }
0x2f4: {  	v4 =	vld.idx.msk [tilespmem:v6+s11+$0x0], $0xffff;
	[tilespmem:s25+$0xFFFFFFF0] =	vst v9  }
0x2f5: {  	v1 =	vld.idx.msk [tilespmem:v1+s11+$0x0], $0xffff;
	[tilespmem:s25+$0xFFFFFF50] =	vst v5  }
0x2f6: {  	v3 =	vld.idx.msk [tilespmem:v3+s11+$0x0], $0xffff;
	[tilespmem:s25+$0xFFFFFFC0] =	vst v11  }
0x2f7: {  	[tilespmem:s25+$0xFFFFFF20] =	vst v2;
	v0 =	vld.idx.msk [tilespmem:v0+s11+$0x0], $0xffff  }
0x2f8: {  	[tilespmem:s25+$0xFFFFFF10] =	vst v7  }
0x2f9: {  	[tilespmem:s25+$0xFFFFFF30] =	vst v4  }
0x2fa: {  	[tilespmem:s25+$0xFFFFFF60] =	vst v1  }
0x2fb: {  	[tilespmem:s25+$0xFFFFFF70] =	vst v3  }
0x2fc: {  	[tilespmem:s25+$0xFFFFFF40] =	vst v0  }
0x2fd: {  	s25 =	rddreg [dreg:$0x1b]  }
0x2fe: {  	[hbm4b:s25+s6] =	stream.strided.scatter [tilespmem:s15], [sflag:$0x5], $0x4000, s7, s6, $0x38;
	[tilespmem:$0x1D000] =	vst v63  }
0x2ff: {  	s26 =	rddreg [dreg:$0x11]  }
0x300: {  	[tilespmem:s11], [sflag:$0x3] =	stream.strided.gather [hbm4b:s26+s6], $0x4000, s7, s6, $0x38;
	[tilespmem:$0x1D000] =	vst v63  }
0x301: {  	_ =	swait.ge [sflag:s20], $0x4000  }
0x302: {  	[sflag:s20] =	ssyncset.done $0x0  }
0x303: {  	[sflag:s20] =	ssyncadd.s32 $0xFFFFC000  }
0x304: {  	_ =	swait.ge [sflag:s22], $0x4000  }
0x305: {  	[sflag:s22] =	ssyncset.done $0x0  }
0x306: {  	s26 =	simm.s32 $0x40;
	[sflag:s22] =	ssyncadd.s32 $0xFFFFC000  }
0x307: {  	v0 =	vld [tilespmem:s26+$0xFFFFFFC0]  }
0x308: {  	v1 =	vld [tilespmem:s26+$0x10]  }
0x309: {  	v3 =	vld [tilespmem:s26+$0xFFFFFFE0]  }
0x30a: {  	v2 =	vld [tilespmem:s26+$0x0];
	_ =	sdelay $0x1  }
0x30b: {  	v6 =	vld [tilespmem:s26+$0x20]  }
0x30c: {  	v7 =	vld [tilespmem:s26+$0xFFFFFFF0];
	v4 =	vshll.u32 v0, $0x2;
	v0 =	vand.u32 $0x7F, v0;
	v5 =	vshll.u32 v1, $0x2  }
0x30d: {  	v1 =	vand.u32 $0x7F, v1;
	v9 =	vshll.u32 v3, $0x2;
	v4 =	vand.u32 $0xFFFFFE00, v4  }
0x30e: {  	v8 =	vld [tilespmem:s26+$0xFFFFFFD0];
	v3 =	vand.u32 $0x7F, v3;
	v4 =	vor.u32 v0, v4;
	v0 =	vshll.u32 v2, $0x2  }
0x30f: {  	v5 =	vand.u32 $0xFFFFFE00, v5;
	v2 =	vand.u32 $0x7F, v2;
	v0 =	vand.u32 $0xFFFFFE00, v0  }
0x310: {  	v5 =	vor.u32 v1, v5;
	v0 =	vor.u32 v2, v0;
	v2 =	vand.u32 $0xFFFFFE00, v9;
	v9 =	vld [tilespmem:s26+$0x30]  }
0x311: {  	v11 =	vand.u32 $0x7F, v7;
	v2 =	vor.u32 v3, v2;
	v3 =	vshll.u32 v6, $0x2  }
0x312: {  	v1 =	vand.u32 $0x7F, v6;
	v12 =	vor.u32 $0x80, v4;
	v3 =	vand.u32 $0xFFFFFE00, v3  }
0x313: {  	v6 =	vshll.u32 v7, $0x2;
	v10 =	vld.idx.msk [tilespmem:v4+s12+$0x0], $0xffff;
	v1 =	vor.u32 v1, v3;
	v3 =	vshll.u32 v8, $0x2  }
0x314: {  	v6 =	vand.u32 $0xFFFFFE00, v6;
	v8 =	vand.u32 $0x7F, v8;
	v3 =	vand.u32 $0xFFFFFE00, v3  }
0x315: {  	v6 =	vor.u32 v11, v6;
	v17 =	vld.idx.msk [tilespmem:v5+s12+$0x0], $0xffff;
	v7 =	vor.u32 v8, v3;
	v3 =	vshll.u32 v9, $0x2  }
0x316: {  	v13 =	vld.idx.msk [tilespmem:v0+s12+$0x0], $0xffff;
	v8 =	vand.u32 $0x7F, v9;
	v3 =	vand.u32 $0xFFFFFE00, v3  }
0x317: {  	s25 =	simm.s32 $0x15100;
	v11 =	vld.idx.msk [tilespmem:v2+s12+$0x0], $0xffff;
	v3 =	vor.u32 v8, v3  }
0x318: {  	v20 =	vor.u32 $0x80, v0;
	[tilespmem:s25+$0x80] =	vst v10;
	v10 =	vld.idx.msk [tilespmem:v1+s12+$0x0], $0xffff  }
0x319: {  	v18 =	vld.idx.msk [tilespmem:v12+s12+$0x0], $0xffff;
	v12 =	vor.u32 $0x80, v5  }
0x31a: {  	v15 =	vor.u32 $0x80, v2;
	v16 =	vld.idx.msk [tilespmem:v6+s12+$0x0], $0xffff  }
0x31b: {  	s28 =	simm.s32 $0xC0;
	s29 =	simm.s32 $0x15100;
	s26 =	simm.s32 $0x0;
	v9 =	vor.u32 $0x80, v1;
	v14 =	vor.u32 $0x80, v7;
	v8 =	vor.u32 $0x80, v3;
	v19 =	vld.idx.msk [tilespmem:v7+s12+$0x0], $0xffff  }
.LBB2_16:
0x31c: {  	s26 =	sadd.s32 $0x8, s26;
	[tilespmem:s25+$0xC0] =	vst v13;
	v13 =	vld.idx.msk [tilespmem:v3+s12+$0x0], $0xffff;
	s29 =	sadd.s32 $0x200, s29  }
0x31d: {  	p0 =	slt.u32 s26, $0xF8;
	v20 =	vld.idx.msk [tilespmem:v20+s12+$0x0], $0xffff;
	[tilespmem:s25+$0xD0] =	vst v17  }
0x31e: {  	v17 =	vor.u32 $0x100, v4;
	v12 =	vld.idx.msk [tilespmem:v12+s12+$0x0], $0xffff  }
0x31f: {  	v21 =	vld [tilespmem:s28+$0x10];
	[tilespmem:s25+$0x0] =	vst v18  }
0x320: {  	v18 =	vld [tilespmem:s28+$0xFFFFFFE0];
	[tilespmem:s25+$0x90] =	vst v19;
	v19 =	vor.u32 $0x80, v6  }
0x321: {  	v14 =	vld.idx.msk [tilespmem:v14+s12+$0x0], $0xffff;
	[tilespmem:s25+$0xA0] =	vst v11  }
0x322: {  	v11 =	vld.idx.msk [tilespmem:v15+s12+$0x0], $0xffff;
	[tilespmem:s25+$0xF0] =	vst v13  }
0x323: {  	v13 =	vld.idx.msk [tilespmem:v17+s12+$0x0], $0xffff;
	[tilespmem:s25+$0x40] =	vst v20  }
0x324: {  	v15 =	vld [tilespmem:s28+$0xFFFFFFF0];
	[tilespmem:s25+$0xB0] =	vst v16  }
0x325: {  	v16 =	vld.idx.msk [tilespmem:v19+s12+$0x0], $0xffff;
	[tilespmem:s25+$0x50] =	vst v12  }
0x326: {  	v12 =	vld [tilespmem:s28+$0xFFFFFFC0];
	[tilespmem:s25+$0xE0] =	vst v10  }
0x327: {  	[tilespmem:s25+$0x10] =	vst v14;
	v8 =	vld.idx.msk [tilespmem:v8+s12+$0x0], $0xffff  }
0x328: {  	v10 =	vld [tilespmem:s28+$0x20];
	[tilespmem:s25+$0x20] =	vst v11;
	v11 =	vor.u32 $0x100, v5  }
0x329: {  	v14 =	vld [tilespmem:s28+$0x30];
	[tilespmem:s25+$0xFFFFFF80] =	vst v13;
	v13 =	vor.u32 $0x100, v7  }
0x32a: {  	v19 =	vor.u32 $0x100, v6;
	v17 =	vld [tilespmem:s28+$0xFFFFFFD0]  }
0x32b: {  	v20 =	vor.u32 $0x180, v4;
	[tilespmem:s25+$0x30] =	vst v16;
	v9 =	vld.idx.msk [tilespmem:v9+s12+$0x0], $0xffff  }
0x32c: {  	v22 =	vor.u32 $0x100, v2;
	v23 =	vor.u32 $0x180, v5;
	v5 =	vor.u32 $0x100, v1;
	v16 =	vld [tilespmem:s28+$0x0]  }
0x32d: {  	v24 =	vor.u32 $0x100, v0;
	v4 =	vshll.u32 v12, $0x2;
	v11 =	vld.idx.msk [tilespmem:v11+s12+$0x0], $0xffff;
	[tilespmem:s25+$0x70] =	vst v8;
	v8 =	vor.u32 $0x100, v3  }
0x32e: {  	v4 =	vand.u32 $0xFFFFFE00, v4;
	v25 =	vand.u32 $0x7F, v14;
	v14 =	vshll.u32 v14, $0x2;
	v13 =	vld.idx.msk [tilespmem:v13+s12+$0x0], $0xffff  }
0x32f: {  	v6 =	vor.u32 $0x180, v6;
	v12 =	vand.u32 $0x7F, v12;
	v14 =	vand.u32 $0xFFFFFE00, v14;
	v19 =	vld.idx.msk [tilespmem:v19+s12+$0x0], $0xffff  }
0x330: {  	v7 =	vor.u32 $0x180, v7;
	v4 =	vor.u32 v12, v4;
	v12 =	vshll.u32 v21, $0x2;
	v20 =	vld.idx.msk [tilespmem:v20+s12+$0x0], $0xffff  }
0x331: {  	v26 =	vshll.u32 v15, $0x2;
	v14 =	vor.u32 v25, v14;
	v27 =	vshll.u32 v16, $0x2;
	v22 =	vld.idx.msk [tilespmem:v22+s12+$0x0], $0xffff;
	[tilespmem:s25+$0x60] =	vst v9  }
0x332: {  	v21 =	vand.u32 $0x7F, v21;
	v9 =	vand.u32 $0xFFFFFE00, v26;
	v16 =	vand.u32 $0x7F, v16;
	v25 =	vld.idx.msk [tilespmem:v5+s12+$0x0], $0xffff  }
0x333: {  	v12 =	vand.u32 $0xFFFFFE00, v12;
	v26 =	vor.u32 $0x180, v2;
	v5 =	vand.u32 $0xFFFFFE00, v27;
	[tilespmem:s25+$0xFFFFFFD0] =	vst v11;
	v8 =	vld.idx.msk [tilespmem:v8+s12+$0x0], $0xffff  }
0x334: {  	v2 =	vshll.u32 v18, $0x2;
	v11 =	vor.u32 v16, v5;
	v5 =	vor.u32 v21, v12;
	[tilespmem:s25+$0xFFFFFF90] =	vst v13;
	v12 =	vld.idx.msk [tilespmem:v24+s12+$0x0], $0xffff  }
0x335: {  	v2 =	vand.u32 $0xFFFFFE00, v2;
	v13 =	vor.u32 $0x180, v3;
	v3 =	vmov v14;
	v7 =	vld.idx.msk [tilespmem:v7+s12+$0x0], $0xffff;
	[tilespmem:s25+$0xFFFFFFB0] =	vst v19  }
0x336: {  	v14 =	vand.u32 $0x7F, v18;
	v18 =	vor.u32 $0x180, v0;
	v0 =	vmovc v11;
	v19 =	vor.u32 $0x180, v1;
	[tilespmem:s25+$0xFFFFFF00] =	vst v20;
	v16 =	vld.idx.msk [tilespmem:v6+s12+$0x0], $0xffff  }
0x337: {  	v21 =	vor.u32 $0x80, v4;
	v2 =	vor.u32 v14, v2;
	v1 =	vand.u32 $0x7F, v15;
	[tilespmem:s25+$0xFFFFFFA0] =	vst v22;
	v11 =	vld.idx.msk [tilespmem:v23+s12+$0x0], $0xffff  }
0x338: {  	v6 =	vor.u32 v1, v9;
	v1 =	vshll.u32 v10, $0x2;
	v9 =	vld.idx.msk [tilespmem:v26+s12+$0x0], $0xffff;
	[tilespmem:s25+$0xFFFFFFE0] =	vst v25  }
0x339: {  	v10 =	vand.u32 $0x7F, v10;
	v1 =	vand.u32 $0xFFFFFE00, v1;
	v15 =	vld.idx.msk [tilespmem:v4+s12+$0x0], $0xffff;
	[tilespmem:s25+$0xFFFFFFF0] =	vst v8  }
0x33a: {  	v1 =	vor.u32 v10, v1;
	[tilespmem:s25+$0xFFFFFFC0] =	vst v12;
	v22 =	vld.idx.msk [tilespmem:v13+s12+$0x0], $0xffff  }
0x33b: {  	v8 =	vshll.u32 v17, $0x2;
	v12 =	vor.u32 $0x80, v5;
	v13 =	vld.idx.msk [tilespmem:v0+s12+$0x0], $0xffff;
	[tilespmem:s25+$0xFFFFFF10] =	vst v7  }
0x33c: {  	v10 =	vand.u32 $0xFFFFFE00, v8;
	v8 =	vor.u32 $0x80, v3;
	v7 =	vand.u32 $0x7F, v17;
	[tilespmem:s25+$0xFFFFFF30] =	vst v16;
	v16 =	vld.idx.msk [tilespmem:v18+s12+$0x0], $0xffff  }
0x33d: {  	v7 =	vor.u32 v7, v10;
	[tilespmem:s25+$0xFFFFFF50] =	vst v11;
	v23 =	vld.idx.msk [tilespmem:v19+s12+$0x0], $0xffff  }
0x33e: {  	v14 =	vor.u32 $0x80, v7;
	v11 =	vld.idx.msk [tilespmem:v2+s12+$0x0], $0xffff  }
.Ltmp7:
0x33f: {  	[tilespmem:s29+$0x80] =	vst v15;
	v15 =	vor.u32 $0x80, v2;
	v17 =	vld.idx.msk [tilespmem:v5+s12+$0x0], $0xffff;
	(pc) =	sbr.rel @p0 .LBB2_16-.Ltmp7, $4  }
0x340: {  	v20 =	vor.u32 $0x80, v0;
	v10 =	vld.idx.msk [tilespmem:v1+s12+$0x0], $0xffff;
	[tilespmem:s25+$0xFFFFFF70] =	vst v22  }
0x341: {  	v18 =	vld.idx.msk [tilespmem:v21+s12+$0x0], $0xffff;
	[tilespmem:s25+$0xFFFFFF20] =	vst v9  }
0x342: {  	v19 =	vld.idx.msk [tilespmem:v7+s12+$0x0], $0xffff;
	[tilespmem:s25+$0xFFFFFF40] =	vst v16  }
0x343: {  	s28 =	sadd.s32 $0x80, s28;
	v9 =	vor.u32 $0x80, v1;
	v16 =	vld.idx.msk [tilespmem:v6+s12+$0x0], $0xffff;
	[tilespmem:s25+$0xFFFFFF60] =	vst v23;
	s25 =	smov.u32 s29  }
0x344: {  	_ =	sdelay $0x2  }
0x345: {  	[tilespmem:s25+$0xC0] =	vst v13  }
0x346: {  	v13 =	vld.idx.msk [tilespmem:v3+s12+$0x0], $0xffff;
	[tilespmem:s25+$0xD0] =	vst v17  }
0x347: {  	[tilespmem:s25+$0xA0] =	vst v11;
	v17 =	vld.idx.msk [tilespmem:v20+s12+$0x0], $0xffff;
	v20 =	vor.u32 $0x100, v4  }
0x348: {  	[tilespmem:s25+$0x0] =	vst v18  }
0x349: {  	v12 =	vld.idx.msk [tilespmem:v12+s12+$0x0], $0xffff;
	v18 =	vor.u32 $0x80, v6;
	[tilespmem:s25+$0x90] =	vst v19  }
0x34a: {  	[tilespmem:s25+$0xE0] =	vst v10;
	v11 =	vld.idx.msk [tilespmem:v14+s12+$0x0], $0xffff  }
0x34b: {  	[tilespmem:s25+$0xF0] =	vst v13;
	v13 =	vld.idx.msk [tilespmem:v15+s12+$0x0], $0xffff  }
0x34c: {  	v14 =	vor.u32 $0x100, v5;
	[tilespmem:s25+$0x40] =	vst v17;
	v17 =	vld.idx.msk [tilespmem:v20+s12+$0x0], $0xffff  }
0x34d: {  	v10 =	vor.u32 $0x100, v2;
	[tilespmem:s25+$0xB0] =	vst v16;
	v8 =	vld.idx.msk [tilespmem:v8+s12+$0x0], $0xffff  }
0x34e: {  	v16 =	vor.u32 $0x100, v7;
	[tilespmem:s25+$0x50] =	vst v12;
	v15 =	vld.idx.msk [tilespmem:v18+s12+$0x0], $0xffff  }
0x34f: {  	v4 =	vor.u32 $0x180, v4;
	[tilespmem:s25+$0x10] =	vst v11  }
0x350: {  	v9 =	vld.idx.msk [tilespmem:v9+s12+$0x0], $0xffff;
	v12 =	vor.u32 $0x100, v6;
	[tilespmem:s25+$0x20] =	vst v13  }
0x351: {  	v11 =	vld.idx.msk [tilespmem:v14+s12+$0x0], $0xffff;
	v14 =	vor.u32 $0x100, v1;
	[tilespmem:s25+$0xFFFFFF80] =	vst v17  }
0x352: {  	v13 =	vor.u32 $0x100, v3;
	[tilespmem:s25+$0x70] =	vst v8;
	v8 =	vld.idx.msk [tilespmem:v10+s12+$0x0], $0xffff  }
0x353: {  	v5 =	vor.u32 $0x180, v5;
	[tilespmem:s25+$0x30] =	vst v15;
	v15 =	vld.idx.msk [tilespmem:v16+s12+$0x0], $0xffff  }
0x354: {  	v16 =	vor.u32 $0x100, v0;
	v4 =	vld.idx.msk [tilespmem:v4+s12+$0x0], $0xffff  }
0x355: {  	v2 =	vor.u32 $0x180, v2;
	[tilespmem:s25+$0x60] =	vst v9;
	v12 =	vld.idx.msk [tilespmem:v12+s12+$0x0], $0xffff  }
0x356: {  	v7 =	vor.u32 $0x180, v7;
	[tilespmem:s25+$0xFFFFFFD0] =	vst v11;
	v10 =	vld.idx.msk [tilespmem:v14+s12+$0x0], $0xffff  }
0x357: {  	v6 =	vor.u32 $0x180, v6;
	v9 =	vld.idx.msk [tilespmem:v13+s12+$0x0], $0xffff;
	[tilespmem:s25+$0xFFFFFFA0] =	vst v8  }
0x358: {  	v1 =	vor.u32 $0x180, v1;
	v5 =	vld.idx.msk [tilespmem:v5+s12+$0x0], $0xffff;
	[tilespmem:s25+$0xFFFFFF90] =	vst v15  }
0x359: {  	v3 =	vor.u32 $0x180, v3;
	v11 =	vld.idx.msk [tilespmem:v16+s12+$0x0], $0xffff;
	[tilespmem:s25+$0xFFFFFF00] =	vst v4  }
0x35a: {  	v0 =	vor.u32 $0x180, v0;
	v2 =	vld.idx.msk [tilespmem:v2+s12+$0x0], $0xffff;
	[tilespmem:s25+$0xFFFFFFB0] =	vst v12  }
0x35b: {  	v7 =	vld.idx.msk [tilespmem:v7+s12+$0x0], $0xffff;
	[tilespmem:s25+$0xFFFFFFE0] =	vst v10  }
0x35c: {  	v4 =	vld.idx.msk [tilespmem:v6+s12+$0x0], $0xffff;
	[tilespmem:s25+$0xFFFFFFF0] =	vst v9  }
0x35d: {  	v1 =	vld.idx.msk [tilespmem:v1+s12+$0x0], $0xffff;
	[tilespmem:s25+$0xFFFFFF50] =	vst v5  }
0x35e: {  	v3 =	vld.idx.msk [tilespmem:v3+s12+$0x0], $0xffff;
	[tilespmem:s25+$0xFFFFFFC0] =	vst v11  }
0x35f: {  	[tilespmem:s25+$0xFFFFFF20] =	vst v2;
	v0 =	vld.idx.msk [tilespmem:v0+s12+$0x0], $0xffff  }
0x360: {  	[tilespmem:s25+$0xFFFFFF10] =	vst v7  }
0x361: {  	[tilespmem:s25+$0xFFFFFF30] =	vst v4  }
0x362: {  	[tilespmem:s25+$0xFFFFFF60] =	vst v1  }
0x363: {  	[tilespmem:s25+$0xFFFFFF70] =	vst v3  }
0x364: {  	[tilespmem:s25+$0xFFFFFF40] =	vst v0  }
0x365: {  	[hbm4b:s30+s6] =	stream.strided.scatter [tilespmem:s17], [sflag:$0x6], $0x4000, s7, s6, $0x38;
	[tilespmem:$0x1D000] =	vst v63  }
0x366: {  	s25 =	rddreg [dreg:$0x12]  }
0x367: {  	[tilespmem:s12], [sflag:$0x4] =	stream.strided.gather [hbm4b:s25+s6], $0x4000, s7, s6, $0x38;
	[tilespmem:$0x1D000] =	vst v63  }
0x368: {  	_ =	swait.ge [sflag:s14], $0x4000  }
0x369: {  	[sflag:s14] =	ssyncset.done $0x0  }
0x36a: {  	[sflag:s14] =	ssyncadd.s32 $0xFFFFC000  }
0x36b: {  	_ =	swait.ge [sflag:s23], $0x4000  }
0x36c: {  	[sflag:s23] =	ssyncset.done $0x0  }
0x36d: {  	s26 =	simm.s32 $0x40;
	[sflag:s23] =	ssyncadd.s32 $0xFFFFC000  }
0x36e: {  	v0 =	vld [tilespmem:s26+$0xFFFFFFC0]  }
0x36f: {  	v1 =	vld [tilespmem:s26+$0x10]  }
0x370: {  	v3 =	vld [tilespmem:s26+$0xFFFFFFE0]  }
0x371: {  	v2 =	vld [tilespmem:s26+$0x0];
	_ =	sdelay $0x1  }
0x372: {  	v6 =	vld [tilespmem:s26+$0x20]  }
0x373: {  	v7 =	vld [tilespmem:s26+$0xFFFFFFF0];
	v4 =	vshll.u32 v0, $0x2;
	v0 =	vand.u32 $0x7F, v0;
	v5 =	vshll.u32 v1, $0x2  }
0x374: {  	v1 =	vand.u32 $0x7F, v1;
	v9 =	vshll.u32 v3, $0x2;
	v4 =	vand.u32 $0xFFFFFE00, v4  }
0x375: {  	v8 =	vld [tilespmem:s26+$0xFFFFFFD0];
	v3 =	vand.u32 $0x7F, v3;
	v4 =	vor.u32 v0, v4;
	v0 =	vshll.u32 v2, $0x2  }
0x376: {  	v5 =	vand.u32 $0xFFFFFE00, v5;
	v2 =	vand.u32 $0x7F, v2;
	v0 =	vand.u32 $0xFFFFFE00, v0  }
0x377: {  	v5 =	vor.u32 v1, v5;
	v0 =	vor.u32 v2, v0;
	v2 =	vand.u32 $0xFFFFFE00, v9;
	v9 =	vld [tilespmem:s26+$0x30]  }
0x378: {  	v11 =	vand.u32 $0x7F, v7;
	v2 =	vor.u32 v3, v2;
	v3 =	vshll.u32 v6, $0x2  }
0x379: {  	v1 =	vand.u32 $0x7F, v6;
	v12 =	vor.u32 $0x80, v4;
	v3 =	vand.u32 $0xFFFFFE00, v3  }
0x37a: {  	v6 =	vshll.u32 v7, $0x2;
	v10 =	vld.idx.msk [tilespmem:v4+s9+$0x0], $0xffff;
	v1 =	vor.u32 v1, v3;
	v3 =	vshll.u32 v8, $0x2  }
0x37b: {  	v6 =	vand.u32 $0xFFFFFE00, v6;
	v8 =	vand.u32 $0x7F, v8;
	v3 =	vand.u32 $0xFFFFFE00, v3  }
0x37c: {  	v6 =	vor.u32 v11, v6;
	v17 =	vld.idx.msk [tilespmem:v5+s9+$0x0], $0xffff;
	v7 =	vor.u32 v8, v3;
	v3 =	vshll.u32 v9, $0x2  }
0x37d: {  	v13 =	vld.idx.msk [tilespmem:v0+s9+$0x0], $0xffff;
	v8 =	vand.u32 $0x7F, v9;
	v3 =	vand.u32 $0xFFFFFE00, v3  }
0x37e: {  	s25 =	simm.s32 $0x19100;
	v11 =	vld.idx.msk [tilespmem:v2+s9+$0x0], $0xffff;
	v3 =	vor.u32 v8, v3  }
0x37f: {  	v20 =	vor.u32 $0x80, v0;
	[tilespmem:s25+$0x80] =	vst v10;
	v10 =	vld.idx.msk [tilespmem:v1+s9+$0x0], $0xffff  }
0x380: {  	v18 =	vld.idx.msk [tilespmem:v12+s9+$0x0], $0xffff;
	v12 =	vor.u32 $0x80, v5  }
0x381: {  	v15 =	vor.u32 $0x80, v2;
	v16 =	vld.idx.msk [tilespmem:v6+s9+$0x0], $0xffff  }
0x382: {  	s28 =	simm.s32 $0xC0;
	s29 =	simm.s32 $0x19100;
	s26 =	simm.s32 $0x0;
	v9 =	vor.u32 $0x80, v1;
	v14 =	vor.u32 $0x80, v7;
	v8 =	vor.u32 $0x80, v3;
	v19 =	vld.idx.msk [tilespmem:v7+s9+$0x0], $0xffff  }
.LBB2_18:
0x383: {  	s26 =	sadd.s32 $0x8, s26;
	[tilespmem:s25+$0xC0] =	vst v13;
	v13 =	vld.idx.msk [tilespmem:v3+s9+$0x0], $0xffff;
	s29 =	sadd.s32 $0x200, s29  }
0x384: {  	p0 =	slt.u32 s26, $0xF8;
	v20 =	vld.idx.msk [tilespmem:v20+s9+$0x0], $0xffff;
	[tilespmem:s25+$0xD0] =	vst v17  }
0x385: {  	v17 =	vor.u32 $0x100, v4;
	v12 =	vld.idx.msk [tilespmem:v12+s9+$0x0], $0xffff  }
0x386: {  	v21 =	vld [tilespmem:s28+$0x10];
	[tilespmem:s25+$0x0] =	vst v18  }
0x387: {  	v18 =	vld [tilespmem:s28+$0xFFFFFFE0];
	[tilespmem:s25+$0x90] =	vst v19;
	v19 =	vor.u32 $0x80, v6  }
0x388: {  	v14 =	vld.idx.msk [tilespmem:v14+s9+$0x0], $0xffff;
	[tilespmem:s25+$0xA0] =	vst v11  }
0x389: {  	v11 =	vld.idx.msk [tilespmem:v15+s9+$0x0], $0xffff;
	[tilespmem:s25+$0xF0] =	vst v13  }
0x38a: {  	v13 =	vld.idx.msk [tilespmem:v17+s9+$0x0], $0xffff;
	[tilespmem:s25+$0x40] =	vst v20  }
0x38b: {  	v15 =	vld [tilespmem:s28+$0xFFFFFFF0];
	[tilespmem:s25+$0xB0] =	vst v16  }
0x38c: {  	v16 =	vld.idx.msk [tilespmem:v19+s9+$0x0], $0xffff;
	[tilespmem:s25+$0x50] =	vst v12  }
0x38d: {  	v12 =	vld [tilespmem:s28+$0xFFFFFFC0];
	[tilespmem:s25+$0xE0] =	vst v10  }
0x38e: {  	[tilespmem:s25+$0x10] =	vst v14;
	v8 =	vld.idx.msk [tilespmem:v8+s9+$0x0], $0xffff  }
0x38f: {  	v10 =	vld [tilespmem:s28+$0x20];
	[tilespmem:s25+$0x20] =	vst v11;
	v11 =	vor.u32 $0x100, v5  }
0x390: {  	v14 =	vld [tilespmem:s28+$0x30];
	[tilespmem:s25+$0xFFFFFF80] =	vst v13;
	v13 =	vor.u32 $0x100, v7  }
0x391: {  	v19 =	vor.u32 $0x100, v6;
	v17 =	vld [tilespmem:s28+$0xFFFFFFD0]  }
0x392: {  	v20 =	vor.u32 $0x180, v4;
	[tilespmem:s25+$0x30] =	vst v16;
	v9 =	vld.idx.msk [tilespmem:v9+s9+$0x0], $0xffff  }
0x393: {  	v22 =	vor.u32 $0x100, v2;
	v23 =	vor.u32 $0x180, v5;
	v5 =	vor.u32 $0x100, v1;
	v16 =	vld [tilespmem:s28+$0x0]  }
0x394: {  	v24 =	vor.u32 $0x100, v0;
	v4 =	vshll.u32 v12, $0x2;
	v11 =	vld.idx.msk [tilespmem:v11+s9+$0x0], $0xffff;
	[tilespmem:s25+$0x70] =	vst v8;
	v8 =	vor.u32 $0x100, v3  }
0x395: {  	v4 =	vand.u32 $0xFFFFFE00, v4;
	v25 =	vand.u32 $0x7F, v14;
	v14 =	vshll.u32 v14, $0x2;
	v13 =	vld.idx.msk [tilespmem:v13+s9+$0x0], $0xffff  }
0x396: {  	v6 =	vor.u32 $0x180, v6;
	v12 =	vand.u32 $0x7F, v12;
	v14 =	vand.u32 $0xFFFFFE00, v14;
	v19 =	vld.idx.msk [tilespmem:v19+s9+$0x0], $0xffff  }
0x397: {  	v7 =	vor.u32 $0x180, v7;
	v4 =	vor.u32 v12, v4;
	v12 =	vshll.u32 v21, $0x2;
	v20 =	vld.idx.msk [tilespmem:v20+s9+$0x0], $0xffff  }
0x398: {  	v26 =	vshll.u32 v15, $0x2;
	v14 =	vor.u32 v25, v14;
	v27 =	vshll.u32 v16, $0x2;
	v22 =	vld.idx.msk [tilespmem:v22+s9+$0x0], $0xffff;
	[tilespmem:s25+$0x60] =	vst v9  }
0x399: {  	v21 =	vand.u32 $0x7F, v21;
	v9 =	vand.u32 $0xFFFFFE00, v26;
	v16 =	vand.u32 $0x7F, v16;
	v25 =	vld.idx.msk [tilespmem:v5+s9+$0x0], $0xffff  }
0x39a: {  	v12 =	vand.u32 $0xFFFFFE00, v12;
	v26 =	vor.u32 $0x180, v2;
	v5 =	vand.u32 $0xFFFFFE00, v27;
	[tilespmem:s25+$0xFFFFFFD0] =	vst v11;
	v8 =	vld.idx.msk [tilespmem:v8+s9+$0x0], $0xffff  }
0x39b: {  	v2 =	vshll.u32 v18, $0x2;
	v11 =	vor.u32 v16, v5;
	v5 =	vor.u32 v21, v12;
	[tilespmem:s25+$0xFFFFFF90] =	vst v13;
	v12 =	vld.idx.msk [tilespmem:v24+s9+$0x0], $0xffff  }
0x39c: {  	v2 =	vand.u32 $0xFFFFFE00, v2;
	v13 =	vor.u32 $0x180, v3;
	v3 =	vmov v14;
	v7 =	vld.idx.msk [tilespmem:v7+s9+$0x0], $0xffff;
	[tilespmem:s25+$0xFFFFFFB0] =	vst v19  }
0x39d: {  	v14 =	vand.u32 $0x7F, v18;
	v18 =	vor.u32 $0x180, v0;
	v0 =	vmovc v11;
	v19 =	vor.u32 $0x180, v1;
	[tilespmem:s25+$0xFFFFFF00] =	vst v20;
	v16 =	vld.idx.msk [tilespmem:v6+s9+$0x0], $0xffff  }
0x39e: {  	v21 =	vor.u32 $0x80, v4;
	v2 =	vor.u32 v14, v2;
	v1 =	vand.u32 $0x7F, v15;
	[tilespmem:s25+$0xFFFFFFA0] =	vst v22;
	v11 =	vld.idx.msk [tilespmem:v23+s9+$0x0], $0xffff  }
0x39f: {  	v6 =	vor.u32 v1, v9;
	v1 =	vshll.u32 v10, $0x2;
	v9 =	vld.idx.msk [tilespmem:v26+s9+$0x0], $0xffff;
	[tilespmem:s25+$0xFFFFFFE0] =	vst v25  }
0x3a0: {  	v10 =	vand.u32 $0x7F, v10;
	v1 =	vand.u32 $0xFFFFFE00, v1;
	v15 =	vld.idx.msk [tilespmem:v4+s9+$0x0], $0xffff;
	[tilespmem:s25+$0xFFFFFFF0] =	vst v8  }
0x3a1: {  	v1 =	vor.u32 v10, v1;
	[tilespmem:s25+$0xFFFFFFC0] =	vst v12;
	v22 =	vld.idx.msk [tilespmem:v13+s9+$0x0], $0xffff  }
0x3a2: {  	v8 =	vshll.u32 v17, $0x2;
	v12 =	vor.u32 $0x80, v5;
	v13 =	vld.idx.msk [tilespmem:v0+s9+$0x0], $0xffff;
	[tilespmem:s25+$0xFFFFFF10] =	vst v7  }
0x3a3: {  	v10 =	vand.u32 $0xFFFFFE00, v8;
	v8 =	vor.u32 $0x80, v3;
	v7 =	vand.u32 $0x7F, v17;
	[tilespmem:s25+$0xFFFFFF30] =	vst v16;
	v16 =	vld.idx.msk [tilespmem:v18+s9+$0x0], $0xffff  }
0x3a4: {  	v7 =	vor.u32 v7, v10;
	[tilespmem:s25+$0xFFFFFF50] =	vst v11;
	v23 =	vld.idx.msk [tilespmem:v19+s9+$0x0], $0xffff  }
0x3a5: {  	v14 =	vor.u32 $0x80, v7;
	v11 =	vld.idx.msk [tilespmem:v2+s9+$0x0], $0xffff  }
.Ltmp8:
0x3a6: {  	[tilespmem:s29+$0x80] =	vst v15;
	v15 =	vor.u32 $0x80, v2;
	v17 =	vld.idx.msk [tilespmem:v5+s9+$0x0], $0xffff;
	(pc) =	sbr.rel @p0 .LBB2_18-.Ltmp8, $4  }
0x3a7: {  	v20 =	vor.u32 $0x80, v0;
	v10 =	vld.idx.msk [tilespmem:v1+s9+$0x0], $0xffff;
	[tilespmem:s25+$0xFFFFFF70] =	vst v22  }
0x3a8: {  	v18 =	vld.idx.msk [tilespmem:v21+s9+$0x0], $0xffff;
	[tilespmem:s25+$0xFFFFFF20] =	vst v9  }
0x3a9: {  	v19 =	vld.idx.msk [tilespmem:v7+s9+$0x0], $0xffff;
	[tilespmem:s25+$0xFFFFFF40] =	vst v16  }
0x3aa: {  	s28 =	sadd.s32 $0x80, s28;
	v9 =	vor.u32 $0x80, v1;
	v16 =	vld.idx.msk [tilespmem:v6+s9+$0x0], $0xffff;
	[tilespmem:s25+$0xFFFFFF60] =	vst v23;
	s25 =	smov.u32 s29  }
0x3ab: {  	_ =	sdelay $0x2  }
0x3ac: {  	[tilespmem:s25+$0xC0] =	vst v13  }
0x3ad: {  	v13 =	vld.idx.msk [tilespmem:v3+s9+$0x0], $0xffff;
	[tilespmem:s25+$0xD0] =	vst v17  }
0x3ae: {  	[tilespmem:s25+$0xA0] =	vst v11;
	v17 =	vld.idx.msk [tilespmem:v20+s9+$0x0], $0xffff;
	v20 =	vor.u32 $0x100, v4  }
0x3af: {  	[tilespmem:s25+$0x0] =	vst v18  }
0x3b0: {  	v12 =	vld.idx.msk [tilespmem:v12+s9+$0x0], $0xffff;
	v18 =	vor.u32 $0x80, v6;
	[tilespmem:s25+$0x90] =	vst v19  }
0x3b1: {  	[tilespmem:s25+$0xE0] =	vst v10;
	v11 =	vld.idx.msk [tilespmem:v14+s9+$0x0], $0xffff  }
0x3b2: {  	[tilespmem:s25+$0xF0] =	vst v13;
	v13 =	vld.idx.msk [tilespmem:v15+s9+$0x0], $0xffff  }
0x3b3: {  	v14 =	vor.u32 $0x100, v5;
	[tilespmem:s25+$0x40] =	vst v17;
	v17 =	vld.idx.msk [tilespmem:v20+s9+$0x0], $0xffff  }
0x3b4: {  	v10 =	vor.u32 $0x100, v2;
	[tilespmem:s25+$0xB0] =	vst v16;
	v8 =	vld.idx.msk [tilespmem:v8+s9+$0x0], $0xffff  }
0x3b5: {  	v16 =	vor.u32 $0x100, v7;
	[tilespmem:s25+$0x50] =	vst v12;
	v15 =	vld.idx.msk [tilespmem:v18+s9+$0x0], $0xffff  }
0x3b6: {  	v4 =	vor.u32 $0x180, v4;
	[tilespmem:s25+$0x10] =	vst v11  }
0x3b7: {  	v9 =	vld.idx.msk [tilespmem:v9+s9+$0x0], $0xffff;
	v12 =	vor.u32 $0x100, v6;
	[tilespmem:s25+$0x20] =	vst v13  }
0x3b8: {  	v11 =	vld.idx.msk [tilespmem:v14+s9+$0x0], $0xffff;
	v14 =	vor.u32 $0x100, v1;
	[tilespmem:s25+$0xFFFFFF80] =	vst v17  }
0x3b9: {  	v13 =	vor.u32 $0x100, v3;
	[tilespmem:s25+$0x70] =	vst v8;
	v8 =	vld.idx.msk [tilespmem:v10+s9+$0x0], $0xffff  }
0x3ba: {  	v5 =	vor.u32 $0x180, v5;
	[tilespmem:s25+$0x30] =	vst v15;
	v15 =	vld.idx.msk [tilespmem:v16+s9+$0x0], $0xffff  }
0x3bb: {  	v16 =	vor.u32 $0x100, v0;
	v4 =	vld.idx.msk [tilespmem:v4+s9+$0x0], $0xffff  }
0x3bc: {  	v2 =	vor.u32 $0x180, v2;
	[tilespmem:s25+$0x60] =	vst v9;
	v12 =	vld.idx.msk [tilespmem:v12+s9+$0x0], $0xffff  }
0x3bd: {  	v7 =	vor.u32 $0x180, v7;
	[tilespmem:s25+$0xFFFFFFD0] =	vst v11;
	v10 =	vld.idx.msk [tilespmem:v14+s9+$0x0], $0xffff  }
0x3be: {  	v6 =	vor.u32 $0x180, v6;
	v9 =	vld.idx.msk [tilespmem:v13+s9+$0x0], $0xffff;
	[tilespmem:s25+$0xFFFFFFA0] =	vst v8  }
0x3bf: {  	v1 =	vor.u32 $0x180, v1;
	v5 =	vld.idx.msk [tilespmem:v5+s9+$0x0], $0xffff;
	[tilespmem:s25+$0xFFFFFF90] =	vst v15  }
0x3c0: {  	v3 =	vor.u32 $0x180, v3;
	v11 =	vld.idx.msk [tilespmem:v16+s9+$0x0], $0xffff;
	[tilespmem:s25+$0xFFFFFF00] =	vst v4  }
0x3c1: {  	v0 =	vor.u32 $0x180, v0;
	v2 =	vld.idx.msk [tilespmem:v2+s9+$0x0], $0xffff;
	[tilespmem:s25+$0xFFFFFFB0] =	vst v12  }
0x3c2: {  	v7 =	vld.idx.msk [tilespmem:v7+s9+$0x0], $0xffff;
	[tilespmem:s25+$0xFFFFFFE0] =	vst v10  }
0x3c3: {  	v4 =	vld.idx.msk [tilespmem:v6+s9+$0x0], $0xffff;
	[tilespmem:s25+$0xFFFFFFF0] =	vst v9  }
0x3c4: {  	v1 =	vld.idx.msk [tilespmem:v1+s9+$0x0], $0xffff;
	[tilespmem:s25+$0xFFFFFF50] =	vst v5  }
0x3c5: {  	v3 =	vld.idx.msk [tilespmem:v3+s9+$0x0], $0xffff;
	[tilespmem:s25+$0xFFFFFFC0] =	vst v11  }
0x3c6: {  	[tilespmem:s25+$0xFFFFFF20] =	vst v2;
	v0 =	vld.idx.msk [tilespmem:v0+s9+$0x0], $0xffff  }
0x3c7: {  	[tilespmem:s25+$0xFFFFFF10] =	vst v7  }
0x3c8: {  	[tilespmem:s25+$0xFFFFFF30] =	vst v4  }
0x3c9: {  	[tilespmem:s25+$0xFFFFFF60] =	vst v1  }
0x3ca: {  	[tilespmem:s25+$0xFFFFFF70] =	vst v3  }
0x3cb: {  	[tilespmem:s25+$0xFFFFFF40] =	vst v0  }
0x3cc: {  	[hbm4b:s31+s6] =	stream.strided.scatter [tilespmem:s19], [sflag:$0x7], $0x4000, s7, s6, $0x38;
	[tilespmem:$0x1D000] =	vst v63  }
0x3cd: {  	s25 =	rddreg [dreg:$0x13]  }
0x3ce: {  	[tilespmem:s9], [sflag:$0x1] =	stream.strided.gather [hbm4b:s25+s6], $0x4000, s7, s6, $0x38;
	[tilespmem:$0x1D000] =	vst v63  }
0x3cf: {  	_ =	swait.ge [sflag:s16], $0x4000  }
0x3d0: {  	[sflag:s16] =	ssyncset.done $0x0  }
0x3d1: {  	[sflag:s16] =	ssyncadd.s32 $0xFFFFC000  }
0x3d2: {  	_ =	swait.ge [sflag:s21], $0x4000  }
0x3d3: {  	[sflag:s21] =	ssyncset.done $0x0  }
0x3d4: {  	s26 =	simm.s32 $0x40;
	[sflag:s21] =	ssyncadd.s32 $0xFFFFC000  }
0x3d5: {  	v0 =	vld [tilespmem:s26+$0xFFFFFFC0]  }
0x3d6: {  	v1 =	vld [tilespmem:s26+$0x10]  }
0x3d7: {  	v3 =	vld [tilespmem:s26+$0xFFFFFFE0]  }
0x3d8: {  	v2 =	vld [tilespmem:s26+$0x0];
	_ =	sdelay $0x1  }
0x3d9: {  	v6 =	vld [tilespmem:s26+$0x20]  }
0x3da: {  	v7 =	vld [tilespmem:s26+$0xFFFFFFF0];
	v4 =	vshll.u32 v0, $0x2;
	v0 =	vand.u32 $0x7F, v0;
	v5 =	vshll.u32 v1, $0x2  }
0x3db: {  	v1 =	vand.u32 $0x7F, v1;
	v9 =	vshll.u32 v3, $0x2;
	v4 =	vand.u32 $0xFFFFFE00, v4  }
0x3dc: {  	v8 =	vld [tilespmem:s26+$0xFFFFFFD0];
	v3 =	vand.u32 $0x7F, v3;
	v4 =	vor.u32 v0, v4;
	v0 =	vshll.u32 v2, $0x2  }
0x3dd: {  	v5 =	vand.u32 $0xFFFFFE00, v5;
	v2 =	vand.u32 $0x7F, v2;
	v0 =	vand.u32 $0xFFFFFE00, v0  }
0x3de: {  	v5 =	vor.u32 v1, v5;
	v0 =	vor.u32 v2, v0;
	v2 =	vand.u32 $0xFFFFFE00, v9;
	v9 =	vld [tilespmem:s26+$0x30]  }
0x3df: {  	v11 =	vand.u32 $0x7F, v7;
	v2 =	vor.u32 v3, v2;
	v3 =	vshll.u32 v6, $0x2  }
0x3e0: {  	v1 =	vand.u32 $0x7F, v6;
	v12 =	vor.u32 $0x80, v4;
	v3 =	vand.u32 $0xFFFFFE00, v3  }
0x3e1: {  	v6 =	vshll.u32 v7, $0x2;
	v10 =	vld.idx.msk [tilespmem:v4+s10+$0x0], $0xffff;
	v1 =	vor.u32 v1, v3;
	v3 =	vshll.u32 v8, $0x2  }
0x3e2: {  	v6 =	vand.u32 $0xFFFFFE00, v6;
	v8 =	vand.u32 $0x7F, v8;
	v3 =	vand.u32 $0xFFFFFE00, v3  }
0x3e3: {  	v6 =	vor.u32 v11, v6;
	v17 =	vld.idx.msk [tilespmem:v5+s10+$0x0], $0xffff;
	v7 =	vor.u32 v8, v3;
	v3 =	vshll.u32 v9, $0x2  }
0x3e4: {  	v13 =	vld.idx.msk [tilespmem:v0+s10+$0x0], $0xffff;
	v8 =	vand.u32 $0x7F, v9;
	v3 =	vand.u32 $0xFFFFFE00, v3  }
0x3e5: {  	s25 =	simm.s32 $0x11100;
	v11 =	vld.idx.msk [tilespmem:v2+s10+$0x0], $0xffff;
	v3 =	vor.u32 v8, v3  }
0x3e6: {  	v20 =	vor.u32 $0x80, v0;
	[tilespmem:s25+$0x80] =	vst v10;
	v10 =	vld.idx.msk [tilespmem:v1+s10+$0x0], $0xffff  }
0x3e7: {  	v18 =	vld.idx.msk [tilespmem:v12+s10+$0x0], $0xffff;
	v12 =	vor.u32 $0x80, v5  }
0x3e8: {  	v15 =	vor.u32 $0x80, v2;
	v16 =	vld.idx.msk [tilespmem:v6+s10+$0x0], $0xffff  }
0x3e9: {  	s28 =	simm.s32 $0xC0;
	s29 =	simm.s32 $0x11100;
	s26 =	simm.s32 $0x0;
	v9 =	vor.u32 $0x80, v1;
	v14 =	vor.u32 $0x80, v7;
	v8 =	vor.u32 $0x80, v3;
	v19 =	vld.idx.msk [tilespmem:v7+s10+$0x0], $0xffff  }
.LBB2_20:
0x3ea: {  	s26 =	sadd.s32 $0x8, s26;
	[tilespmem:s25+$0xC0] =	vst v13;
	v13 =	vld.idx.msk [tilespmem:v3+s10+$0x0], $0xffff;
	s29 =	sadd.s32 $0x200, s29  }
0x3eb: {  	p0 =	slt.u32 s26, $0xF8;
	v20 =	vld.idx.msk [tilespmem:v20+s10+$0x0], $0xffff;
	[tilespmem:s25+$0xD0] =	vst v17  }
0x3ec: {  	v17 =	vor.u32 $0x100, v4;
	v12 =	vld.idx.msk [tilespmem:v12+s10+$0x0], $0xffff  }
0x3ed: {  	v21 =	vld [tilespmem:s28+$0x10];
	[tilespmem:s25+$0x0] =	vst v18  }
0x3ee: {  	v18 =	vld [tilespmem:s28+$0xFFFFFFE0];
	[tilespmem:s25+$0x90] =	vst v19;
	v19 =	vor.u32 $0x80, v6  }
0x3ef: {  	v14 =	vld.idx.msk [tilespmem:v14+s10+$0x0], $0xffff;
	[tilespmem:s25+$0xA0] =	vst v11  }
0x3f0: {  	v11 =	vld.idx.msk [tilespmem:v15+s10+$0x0], $0xffff;
	[tilespmem:s25+$0xF0] =	vst v13  }
0x3f1: {  	v13 =	vld.idx.msk [tilespmem:v17+s10+$0x0], $0xffff;
	[tilespmem:s25+$0x40] =	vst v20  }
0x3f2: {  	v15 =	vld [tilespmem:s28+$0xFFFFFFF0];
	[tilespmem:s25+$0xB0] =	vst v16  }
0x3f3: {  	v16 =	vld.idx.msk [tilespmem:v19+s10+$0x0], $0xffff;
	[tilespmem:s25+$0x50] =	vst v12  }
0x3f4: {  	v12 =	vld [tilespmem:s28+$0xFFFFFFC0];
	[tilespmem:s25+$0xE0] =	vst v10  }
0x3f5: {  	[tilespmem:s25+$0x10] =	vst v14;
	v8 =	vld.idx.msk [tilespmem:v8+s10+$0x0], $0xffff  }
0x3f6: {  	v10 =	vld [tilespmem:s28+$0x20];
	[tilespmem:s25+$0x20] =	vst v11;
	v11 =	vor.u32 $0x100, v5  }
0x3f7: {  	v14 =	vld [tilespmem:s28+$0x30];
	[tilespmem:s25+$0xFFFFFF80] =	vst v13;
	v13 =	vor.u32 $0x100, v7  }
0x3f8: {  	v19 =	vor.u32 $0x100, v6;
	v17 =	vld [tilespmem:s28+$0xFFFFFFD0]  }
0x3f9: {  	v20 =	vor.u32 $0x180, v4;
	[tilespmem:s25+$0x30] =	vst v16;
	v9 =	vld.idx.msk [tilespmem:v9+s10+$0x0], $0xffff  }
0x3fa: {  	v22 =	vor.u32 $0x100, v2;
	v23 =	vor.u32 $0x180, v5;
	v5 =	vor.u32 $0x100, v1;
	v16 =	vld [tilespmem:s28+$0x0]  }
0x3fb: {  	v24 =	vor.u32 $0x100, v0;
	v4 =	vshll.u32 v12, $0x2;
	v11 =	vld.idx.msk [tilespmem:v11+s10+$0x0], $0xffff;
	[tilespmem:s25+$0x70] =	vst v8;
	v8 =	vor.u32 $0x100, v3  }
0x3fc: {  	v4 =	vand.u32 $0xFFFFFE00, v4;
	v25 =	vand.u32 $0x7F, v14;
	v14 =	vshll.u32 v14, $0x2;
	v13 =	vld.idx.msk [tilespmem:v13+s10+$0x0], $0xffff  }
0x3fd: {  	v6 =	vor.u32 $0x180, v6;
	v12 =	vand.u32 $0x7F, v12;
	v14 =	vand.u32 $0xFFFFFE00, v14;
	v19 =	vld.idx.msk [tilespmem:v19+s10+$0x0], $0xffff  }
0x3fe: {  	v7 =	vor.u32 $0x180, v7;
	v4 =	vor.u32 v12, v4;
	v12 =	vshll.u32 v21, $0x2;
	v20 =	vld.idx.msk [tilespmem:v20+s10+$0x0], $0xffff  }
0x3ff: {  	v26 =	vshll.u32 v15, $0x2;
	v14 =	vor.u32 v25, v14;
	v27 =	vshll.u32 v16, $0x2;
	v22 =	vld.idx.msk [tilespmem:v22+s10+$0x0], $0xffff;
	[tilespmem:s25+$0x60] =	vst v9  }
0x400: {  	v21 =	vand.u32 $0x7F, v21;
	v9 =	vand.u32 $0xFFFFFE00, v26;
	v16 =	vand.u32 $0x7F, v16;
	v25 =	vld.idx.msk [tilespmem:v5+s10+$0x0], $0xffff  }
0x401: {  	v12 =	vand.u32 $0xFFFFFE00, v12;
	v26 =	vor.u32 $0x180, v2;
	v5 =	vand.u32 $0xFFFFFE00, v27;
	[tilespmem:s25+$0xFFFFFFD0] =	vst v11;
	v8 =	vld.idx.msk [tilespmem:v8+s10+$0x0], $0xffff  }
0x402: {  	v2 =	vshll.u32 v18, $0x2;
	v11 =	vor.u32 v16, v5;
	v5 =	vor.u32 v21, v12;
	[tilespmem:s25+$0xFFFFFF90] =	vst v13;
	v12 =	vld.idx.msk [tilespmem:v24+s10+$0x0], $0xffff  }
0x403: {  	v2 =	vand.u32 $0xFFFFFE00, v2;
	v13 =	vor.u32 $0x180, v3;
	v3 =	vmov v14;
	v7 =	vld.idx.msk [tilespmem:v7+s10+$0x0], $0xffff;
	[tilespmem:s25+$0xFFFFFFB0] =	vst v19  }
0x404: {  	v14 =	vand.u32 $0x7F, v18;
	v18 =	vor.u32 $0x180, v0;
	v0 =	vmovc v11;
	v19 =	vor.u32 $0x180, v1;
	[tilespmem:s25+$0xFFFFFF00] =	vst v20;
	v16 =	vld.idx.msk [tilespmem:v6+s10+$0x0], $0xffff  }
0x405: {  	v21 =	vor.u32 $0x80, v4;
	v2 =	vor.u32 v14, v2;
	v1 =	vand.u32 $0x7F, v15;
	[tilespmem:s25+$0xFFFFFFA0] =	vst v22;
	v11 =	vld.idx.msk [tilespmem:v23+s10+$0x0], $0xffff  }
0x406: {  	v6 =	vor.u32 v1, v9;
	v1 =	vshll.u32 v10, $0x2;
	v9 =	vld.idx.msk [tilespmem:v26+s10+$0x0], $0xffff;
	[tilespmem:s25+$0xFFFFFFE0] =	vst v25  }
0x407: {  	v10 =	vand.u32 $0x7F, v10;
	v1 =	vand.u32 $0xFFFFFE00, v1;
	v15 =	vld.idx.msk [tilespmem:v4+s10+$0x0], $0xffff;
	[tilespmem:s25+$0xFFFFFFF0] =	vst v8  }
0x408: {  	v1 =	vor.u32 v10, v1;
	[tilespmem:s25+$0xFFFFFFC0] =	vst v12;
	v22 =	vld.idx.msk [tilespmem:v13+s10+$0x0], $0xffff  }
0x409: {  	v8 =	vshll.u32 v17, $0x2;
	v12 =	vor.u32 $0x80, v5;
	v13 =	vld.idx.msk [tilespmem:v0+s10+$0x0], $0xffff;
	[tilespmem:s25+$0xFFFFFF10] =	vst v7  }
0x40a: {  	v10 =	vand.u32 $0xFFFFFE00, v8;
	v8 =	vor.u32 $0x80, v3;
	v7 =	vand.u32 $0x7F, v17;
	[tilespmem:s25+$0xFFFFFF30] =	vst v16;
	v16 =	vld.idx.msk [tilespmem:v18+s10+$0x0], $0xffff  }
0x40b: {  	v7 =	vor.u32 v7, v10;
	[tilespmem:s25+$0xFFFFFF50] =	vst v11;
	v23 =	vld.idx.msk [tilespmem:v19+s10+$0x0], $0xffff  }
0x40c: {  	v14 =	vor.u32 $0x80, v7;
	v11 =	vld.idx.msk [tilespmem:v2+s10+$0x0], $0xffff  }
.Ltmp9:
0x40d: {  	[tilespmem:s29+$0x80] =	vst v15;
	v15 =	vor.u32 $0x80, v2;
	v17 =	vld.idx.msk [tilespmem:v5+s10+$0x0], $0xffff;
	(pc) =	sbr.rel @p0 .LBB2_20-.Ltmp9, $4  }
0x40e: {  	v20 =	vor.u32 $0x80, v0;
	v10 =	vld.idx.msk [tilespmem:v1+s10+$0x0], $0xffff;
	[tilespmem:s25+$0xFFFFFF70] =	vst v22  }
0x40f: {  	v18 =	vld.idx.msk [tilespmem:v21+s10+$0x0], $0xffff;
	[tilespmem:s25+$0xFFFFFF20] =	vst v9  }
0x410: {  	v19 =	vld.idx.msk [tilespmem:v7+s10+$0x0], $0xffff;
	[tilespmem:s25+$0xFFFFFF40] =	vst v16  }
0x411: {  	s28 =	sadd.s32 $0x80, s28;
	v9 =	vor.u32 $0x80, v1;
	v16 =	vld.idx.msk [tilespmem:v6+s10+$0x0], $0xffff;
	[tilespmem:s25+$0xFFFFFF60] =	vst v23;
	s25 =	smov.u32 s29  }
0x412: {  	_ =	sdelay $0x2  }
0x413: {  	[tilespmem:s25+$0xC0] =	vst v13  }
0x414: {  	v13 =	vld.idx.msk [tilespmem:v3+s10+$0x0], $0xffff;
	[tilespmem:s25+$0xD0] =	vst v17  }
0x415: {  	[tilespmem:s25+$0xA0] =	vst v11;
	v17 =	vld.idx.msk [tilespmem:v20+s10+$0x0], $0xffff;
	v20 =	vor.u32 $0x100, v4  }
0x416: {  	[tilespmem:s25+$0x0] =	vst v18  }
0x417: {  	v12 =	vld.idx.msk [tilespmem:v12+s10+$0x0], $0xffff;
	v18 =	vor.u32 $0x80, v6;
	[tilespmem:s25+$0x90] =	vst v19  }
0x418: {  	[tilespmem:s25+$0xE0] =	vst v10;
	v11 =	vld.idx.msk [tilespmem:v14+s10+$0x0], $0xffff  }
0x419: {  	[tilespmem:s25+$0xF0] =	vst v13;
	v13 =	vld.idx.msk [tilespmem:v15+s10+$0x0], $0xffff  }
0x41a: {  	v14 =	vor.u32 $0x100, v5;
	[tilespmem:s25+$0x40] =	vst v17;
	v17 =	vld.idx.msk [tilespmem:v20+s10+$0x0], $0xffff  }
0x41b: {  	v10 =	vor.u32 $0x100, v2;
	[tilespmem:s25+$0xB0] =	vst v16;
	v8 =	vld.idx.msk [tilespmem:v8+s10+$0x0], $0xffff  }
0x41c: {  	v16 =	vor.u32 $0x100, v7;
	[tilespmem:s25+$0x50] =	vst v12;
	v15 =	vld.idx.msk [tilespmem:v18+s10+$0x0], $0xffff  }
0x41d: {  	v4 =	vor.u32 $0x180, v4;
	[tilespmem:s25+$0x10] =	vst v11  }
0x41e: {  	v9 =	vld.idx.msk [tilespmem:v9+s10+$0x0], $0xffff;
	v12 =	vor.u32 $0x100, v6;
	[tilespmem:s25+$0x20] =	vst v13  }
0x41f: {  	v11 =	vld.idx.msk [tilespmem:v14+s10+$0x0], $0xffff;
	v14 =	vor.u32 $0x100, v1;
	[tilespmem:s25+$0xFFFFFF80] =	vst v17  }
0x420: {  	v13 =	vor.u32 $0x100, v3;
	[tilespmem:s25+$0x70] =	vst v8;
	v8 =	vld.idx.msk [tilespmem:v10+s10+$0x0], $0xffff  }
0x421: {  	v5 =	vor.u32 $0x180, v5;
	[tilespmem:s25+$0x30] =	vst v15;
	v15 =	vld.idx.msk [tilespmem:v16+s10+$0x0], $0xffff  }
0x422: {  	v16 =	vor.u32 $0x100, v0;
	v4 =	vld.idx.msk [tilespmem:v4+s10+$0x0], $0xffff  }
0x423: {  	v2 =	vor.u32 $0x180, v2;
	[tilespmem:s25+$0x60] =	vst v9;
	v12 =	vld.idx.msk [tilespmem:v12+s10+$0x0], $0xffff  }
0x424: {  	v7 =	vor.u32 $0x180, v7;
	[tilespmem:s25+$0xFFFFFFD0] =	vst v11;
	v10 =	vld.idx.msk [tilespmem:v14+s10+$0x0], $0xffff  }
0x425: {  	v6 =	vor.u32 $0x180, v6;
	v9 =	vld.idx.msk [tilespmem:v13+s10+$0x0], $0xffff;
	[tilespmem:s25+$0xFFFFFFA0] =	vst v8  }
0x426: {  	v1 =	vor.u32 $0x180, v1;
	v5 =	vld.idx.msk [tilespmem:v5+s10+$0x0], $0xffff;
	[tilespmem:s25+$0xFFFFFF90] =	vst v15  }
0x427: {  	v3 =	vor.u32 $0x180, v3;
	v11 =	vld.idx.msk [tilespmem:v16+s10+$0x0], $0xffff;
	[tilespmem:s25+$0xFFFFFF00] =	vst v4  }
0x428: {  	v0 =	vor.u32 $0x180, v0;
	v2 =	vld.idx.msk [tilespmem:v2+s10+$0x0], $0xffff;
	[tilespmem:s25+$0xFFFFFFB0] =	vst v12  }
0x429: {  	v7 =	vld.idx.msk [tilespmem:v7+s10+$0x0], $0xffff;
	[tilespmem:s25+$0xFFFFFFE0] =	vst v10  }
0x42a: {  	v4 =	vld.idx.msk [tilespmem:v6+s10+$0x0], $0xffff;
	[tilespmem:s25+$0xFFFFFFF0] =	vst v9  }
0x42b: {  	v1 =	vld.idx.msk [tilespmem:v1+s10+$0x0], $0xffff;
	[tilespmem:s25+$0xFFFFFF50] =	vst v5  }
0x42c: {  	v3 =	vld.idx.msk [tilespmem:v3+s10+$0x0], $0xffff;
	[tilespmem:s25+$0xFFFFFFC0] =	vst v11  }
0x42d: {  	[tilespmem:s25+$0xFFFFFF20] =	vst v2;
	v0 =	vld.idx.msk [tilespmem:v0+s10+$0x0], $0xffff  }
0x42e: {  	[tilespmem:s25+$0xFFFFFF10] =	vst v7  }
0x42f: {  	[tilespmem:s25+$0xFFFFFF30] =	vst v4  }
0x430: {  	[tilespmem:s25+$0xFFFFFF60] =	vst v1  }
0x431: {  	[tilespmem:s25+$0xFFFFFF70] =	vst v3  }
0x432: {  	[tilespmem:s25+$0xFFFFFF40] =	vst v0  }
0x433: {  	[hbm4b:s0+s6] =	stream.strided.scatter [tilespmem:s15], [sflag:$0x5], $0x4000, s7, s6, $0x38;
	[tilespmem:$0x1D000] =	vst v63  }
0x434: {  	s25 =	rddreg [dreg:$0x14]  }
0x435: {  	[tilespmem:s10], [sflag:$0x2] =	stream.strided.gather [hbm4b:s25+s6], $0x4000, s7, s6, $0x38;
	[tilespmem:$0x1D000] =	vst v63  }
0x436: {  	_ =	swait.ge [sflag:s18], $0x4000  }
0x437: {  	[sflag:s18] =	ssyncset.done $0x0  }
0x438: {  	[sflag:s18] =	ssyncadd.s32 $0xFFFFC000  }
0x439: {  	_ =	swait.ge [sflag:s22], $0x4000  }
0x43a: {  	[sflag:s22] =	ssyncset.done $0x0  }
0x43b: {  	s26 =	simm.s32 $0x40;
	[sflag:s22] =	ssyncadd.s32 $0xFFFFC000  }
0x43c: {  	v0 =	vld [tilespmem:s26+$0xFFFFFFC0]  }
0x43d: {  	v1 =	vld [tilespmem:s26+$0x10]  }
0x43e: {  	v3 =	vld [tilespmem:s26+$0xFFFFFFE0]  }
0x43f: {  	v2 =	vld [tilespmem:s26+$0x0];
	_ =	sdelay $0x1  }
0x440: {  	v6 =	vld [tilespmem:s26+$0x20]  }
0x441: {  	v7 =	vld [tilespmem:s26+$0xFFFFFFF0];
	v4 =	vshll.u32 v0, $0x2;
	v0 =	vand.u32 $0x7F, v0;
	v5 =	vshll.u32 v1, $0x2  }
0x442: {  	v1 =	vand.u32 $0x7F, v1;
	v9 =	vshll.u32 v3, $0x2;
	v4 =	vand.u32 $0xFFFFFE00, v4  }
0x443: {  	v8 =	vld [tilespmem:s26+$0xFFFFFFD0];
	v3 =	vand.u32 $0x7F, v3;
	v4 =	vor.u32 v0, v4;
	v0 =	vshll.u32 v2, $0x2  }
0x444: {  	v5 =	vand.u32 $0xFFFFFE00, v5;
	v2 =	vand.u32 $0x7F, v2;
	v0 =	vand.u32 $0xFFFFFE00, v0  }
0x445: {  	v5 =	vor.u32 v1, v5;
	v0 =	vor.u32 v2, v0;
	v2 =	vand.u32 $0xFFFFFE00, v9;
	v9 =	vld [tilespmem:s26+$0x30]  }
0x446: {  	v11 =	vand.u32 $0x7F, v7;
	v2 =	vor.u32 v3, v2;
	v3 =	vshll.u32 v6, $0x2  }
0x447: {  	v1 =	vand.u32 $0x7F, v6;
	v12 =	vor.u32 $0x80, v4;
	v3 =	vand.u32 $0xFFFFFE00, v3  }
0x448: {  	v6 =	vshll.u32 v7, $0x2;
	v10 =	vld.idx.msk [tilespmem:v4+s11+$0x0], $0xffff;
	v1 =	vor.u32 v1, v3;
	v3 =	vshll.u32 v8, $0x2  }
0x449: {  	v6 =	vand.u32 $0xFFFFFE00, v6;
	v8 =	vand.u32 $0x7F, v8;
	v3 =	vand.u32 $0xFFFFFE00, v3  }
0x44a: {  	v6 =	vor.u32 v11, v6;
	v17 =	vld.idx.msk [tilespmem:v5+s11+$0x0], $0xffff;
	v7 =	vor.u32 v8, v3;
	v3 =	vshll.u32 v9, $0x2  }
0x44b: {  	v13 =	vld.idx.msk [tilespmem:v0+s11+$0x0], $0xffff;
	v8 =	vand.u32 $0x7F, v9;
	v3 =	vand.u32 $0xFFFFFE00, v3  }
0x44c: {  	s25 =	simm.s32 $0x15100;
	v11 =	vld.idx.msk [tilespmem:v2+s11+$0x0], $0xffff;
	v3 =	vor.u32 v8, v3  }
0x44d: {  	v20 =	vor.u32 $0x80, v0;
	[tilespmem:s25+$0x80] =	vst v10;
	v10 =	vld.idx.msk [tilespmem:v1+s11+$0x0], $0xffff  }
0x44e: {  	v18 =	vld.idx.msk [tilespmem:v12+s11+$0x0], $0xffff;
	v12 =	vor.u32 $0x80, v5  }
0x44f: {  	v15 =	vor.u32 $0x80, v2;
	v16 =	vld.idx.msk [tilespmem:v6+s11+$0x0], $0xffff  }
0x450: {  	s28 =	simm.s32 $0xC0;
	s29 =	simm.s32 $0x15100;
	s26 =	simm.s32 $0x0;
	v9 =	vor.u32 $0x80, v1;
	v14 =	vor.u32 $0x80, v7;
	v8 =	vor.u32 $0x80, v3;
	v19 =	vld.idx.msk [tilespmem:v7+s11+$0x0], $0xffff  }
.LBB2_22:
0x451: {  	s26 =	sadd.s32 $0x8, s26;
	[tilespmem:s25+$0xC0] =	vst v13;
	v13 =	vld.idx.msk [tilespmem:v3+s11+$0x0], $0xffff;
	s29 =	sadd.s32 $0x200, s29  }
0x452: {  	p0 =	slt.u32 s26, $0xF8;
	v20 =	vld.idx.msk [tilespmem:v20+s11+$0x0], $0xffff;
	[tilespmem:s25+$0xD0] =	vst v17  }
0x453: {  	v17 =	vor.u32 $0x100, v4;
	v12 =	vld.idx.msk [tilespmem:v12+s11+$0x0], $0xffff  }
0x454: {  	v21 =	vld [tilespmem:s28+$0x10];
	[tilespmem:s25+$0x0] =	vst v18  }
0x455: {  	v18 =	vld [tilespmem:s28+$0xFFFFFFE0];
	[tilespmem:s25+$0x90] =	vst v19;
	v19 =	vor.u32 $0x80, v6  }
0x456: {  	v14 =	vld.idx.msk [tilespmem:v14+s11+$0x0], $0xffff;
	[tilespmem:s25+$0xA0] =	vst v11  }
0x457: {  	v11 =	vld.idx.msk [tilespmem:v15+s11+$0x0], $0xffff;
	[tilespmem:s25+$0xF0] =	vst v13  }
0x458: {  	v13 =	vld.idx.msk [tilespmem:v17+s11+$0x0], $0xffff;
	[tilespmem:s25+$0x40] =	vst v20  }
0x459: {  	v15 =	vld [tilespmem:s28+$0xFFFFFFF0];
	[tilespmem:s25+$0xB0] =	vst v16  }
0x45a: {  	v16 =	vld.idx.msk [tilespmem:v19+s11+$0x0], $0xffff;
	[tilespmem:s25+$0x50] =	vst v12  }
0x45b: {  	v12 =	vld [tilespmem:s28+$0xFFFFFFC0];
	[tilespmem:s25+$0xE0] =	vst v10  }
0x45c: {  	[tilespmem:s25+$0x10] =	vst v14;
	v8 =	vld.idx.msk [tilespmem:v8+s11+$0x0], $0xffff  }
0x45d: {  	v10 =	vld [tilespmem:s28+$0x20];
	[tilespmem:s25+$0x20] =	vst v11;
	v11 =	vor.u32 $0x100, v5  }
0x45e: {  	v14 =	vld [tilespmem:s28+$0x30];
	[tilespmem:s25+$0xFFFFFF80] =	vst v13;
	v13 =	vor.u32 $0x100, v7  }
0x45f: {  	v19 =	vor.u32 $0x100, v6;
	v17 =	vld [tilespmem:s28+$0xFFFFFFD0]  }
0x460: {  	v20 =	vor.u32 $0x180, v4;
	[tilespmem:s25+$0x30] =	vst v16;
	v9 =	vld.idx.msk [tilespmem:v9+s11+$0x0], $0xffff  }
0x461: {  	v22 =	vor.u32 $0x100, v2;
	v23 =	vor.u32 $0x180, v5;
	v5 =	vor.u32 $0x100, v1;
	v16 =	vld [tilespmem:s28+$0x0]  }
0x462: {  	v24 =	vor.u32 $0x100, v0;
	v4 =	vshll.u32 v12, $0x2;
	v11 =	vld.idx.msk [tilespmem:v11+s11+$0x0], $0xffff;
	[tilespmem:s25+$0x70] =	vst v8;
	v8 =	vor.u32 $0x100, v3  }
0x463: {  	v4 =	vand.u32 $0xFFFFFE00, v4;
	v25 =	vand.u32 $0x7F, v14;
	v14 =	vshll.u32 v14, $0x2;
	v13 =	vld.idx.msk [tilespmem:v13+s11+$0x0], $0xffff  }
0x464: {  	v6 =	vor.u32 $0x180, v6;
	v12 =	vand.u32 $0x7F, v12;
	v14 =	vand.u32 $0xFFFFFE00, v14;
	v19 =	vld.idx.msk [tilespmem:v19+s11+$0x0], $0xffff  }
0x465: {  	v7 =	vor.u32 $0x180, v7;
	v4 =	vor.u32 v12, v4;
	v12 =	vshll.u32 v21, $0x2;
	v20 =	vld.idx.msk [tilespmem:v20+s11+$0x0], $0xffff  }
0x466: {  	v26 =	vshll.u32 v15, $0x2;
	v14 =	vor.u32 v25, v14;
	v27 =	vshll.u32 v16, $0x2;
	v22 =	vld.idx.msk [tilespmem:v22+s11+$0x0], $0xffff;
	[tilespmem:s25+$0x60] =	vst v9  }
0x467: {  	v21 =	vand.u32 $0x7F, v21;
	v9 =	vand.u32 $0xFFFFFE00, v26;
	v16 =	vand.u32 $0x7F, v16;
	v25 =	vld.idx.msk [tilespmem:v5+s11+$0x0], $0xffff  }
0x468: {  	v12 =	vand.u32 $0xFFFFFE00, v12;
	v26 =	vor.u32 $0x180, v2;
	v5 =	vand.u32 $0xFFFFFE00, v27;
	[tilespmem:s25+$0xFFFFFFD0] =	vst v11;
	v8 =	vld.idx.msk [tilespmem:v8+s11+$0x0], $0xffff  }
0x469: {  	v2 =	vshll.u32 v18, $0x2;
	v11 =	vor.u32 v16, v5;
	v5 =	vor.u32 v21, v12;
	[tilespmem:s25+$0xFFFFFF90] =	vst v13;
	v12 =	vld.idx.msk [tilespmem:v24+s11+$0x0], $0xffff  }
0x46a: {  	v2 =	vand.u32 $0xFFFFFE00, v2;
	v13 =	vor.u32 $0x180, v3;
	v3 =	vmov v14;
	v7 =	vld.idx.msk [tilespmem:v7+s11+$0x0], $0xffff;
	[tilespmem:s25+$0xFFFFFFB0] =	vst v19  }
0x46b: {  	v14 =	vand.u32 $0x7F, v18;
	v18 =	vor.u32 $0x180, v0;
	v0 =	vmovc v11;
	v19 =	vor.u32 $0x180, v1;
	[tilespmem:s25+$0xFFFFFF00] =	vst v20;
	v16 =	vld.idx.msk [tilespmem:v6+s11+$0x0], $0xffff  }
0x46c: {  	v21 =	vor.u32 $0x80, v4;
	v2 =	vor.u32 v14, v2;
	v1 =	vand.u32 $0x7F, v15;
	[tilespmem:s25+$0xFFFFFFA0] =	vst v22;
	v11 =	vld.idx.msk [tilespmem:v23+s11+$0x0], $0xffff  }
0x46d: {  	v6 =	vor.u32 v1, v9;
	v1 =	vshll.u32 v10, $0x2;
	v9 =	vld.idx.msk [tilespmem:v26+s11+$0x0], $0xffff;
	[tilespmem:s25+$0xFFFFFFE0] =	vst v25  }
0x46e: {  	v10 =	vand.u32 $0x7F, v10;
	v1 =	vand.u32 $0xFFFFFE00, v1;
	v15 =	vld.idx.msk [tilespmem:v4+s11+$0x0], $0xffff;
	[tilespmem:s25+$0xFFFFFFF0] =	vst v8  }
0x46f: {  	v1 =	vor.u32 v10, v1;
	[tilespmem:s25+$0xFFFFFFC0] =	vst v12;
	v22 =	vld.idx.msk [tilespmem:v13+s11+$0x0], $0xffff  }
0x470: {  	v8 =	vshll.u32 v17, $0x2;
	v12 =	vor.u32 $0x80, v5;
	v13 =	vld.idx.msk [tilespmem:v0+s11+$0x0], $0xffff;
	[tilespmem:s25+$0xFFFFFF10] =	vst v7  }
0x471: {  	v10 =	vand.u32 $0xFFFFFE00, v8;
	v8 =	vor.u32 $0x80, v3;
	v7 =	vand.u32 $0x7F, v17;
	[tilespmem:s25+$0xFFFFFF30] =	vst v16;
	v16 =	vld.idx.msk [tilespmem:v18+s11+$0x0], $0xffff  }
0x472: {  	v7 =	vor.u32 v7, v10;
	[tilespmem:s25+$0xFFFFFF50] =	vst v11;
	v23 =	vld.idx.msk [tilespmem:v19+s11+$0x0], $0xffff  }
0x473: {  	v14 =	vor.u32 $0x80, v7;
	v11 =	vld.idx.msk [tilespmem:v2+s11+$0x0], $0xffff  }
.Ltmp10:
0x474: {  	[tilespmem:s29+$0x80] =	vst v15;
	v15 =	vor.u32 $0x80, v2;
	v17 =	vld.idx.msk [tilespmem:v5+s11+$0x0], $0xffff;
	(pc) =	sbr.rel @p0 .LBB2_22-.Ltmp10, $4  }
0x475: {  	v20 =	vor.u32 $0x80, v0;
	v10 =	vld.idx.msk [tilespmem:v1+s11+$0x0], $0xffff;
	[tilespmem:s25+$0xFFFFFF70] =	vst v22  }
0x476: {  	v18 =	vld.idx.msk [tilespmem:v21+s11+$0x0], $0xffff;
	[tilespmem:s25+$0xFFFFFF20] =	vst v9  }
0x477: {  	v19 =	vld.idx.msk [tilespmem:v7+s11+$0x0], $0xffff;
	[tilespmem:s25+$0xFFFFFF40] =	vst v16  }
0x478: {  	s28 =	sadd.s32 $0x80, s28;
	v9 =	vor.u32 $0x80, v1;
	v16 =	vld.idx.msk [tilespmem:v6+s11+$0x0], $0xffff;
	[tilespmem:s25+$0xFFFFFF60] =	vst v23;
	s25 =	smov.u32 s29  }
0x479: {  	_ =	sdelay $0x2  }
0x47a: {  	[tilespmem:s25+$0xC0] =	vst v13  }
0x47b: {  	v13 =	vld.idx.msk [tilespmem:v3+s11+$0x0], $0xffff;
	[tilespmem:s25+$0xD0] =	vst v17  }
0x47c: {  	[tilespmem:s25+$0xA0] =	vst v11;
	v17 =	vld.idx.msk [tilespmem:v20+s11+$0x0], $0xffff;
	v20 =	vor.u32 $0x100, v4  }
0x47d: {  	[tilespmem:s25+$0x0] =	vst v18  }
0x47e: {  	v12 =	vld.idx.msk [tilespmem:v12+s11+$0x0], $0xffff;
	v18 =	vor.u32 $0x80, v6;
	[tilespmem:s25+$0x90] =	vst v19  }
0x47f: {  	[tilespmem:s25+$0xE0] =	vst v10;
	v11 =	vld.idx.msk [tilespmem:v14+s11+$0x0], $0xffff  }
0x480: {  	[tilespmem:s25+$0xF0] =	vst v13;
	v13 =	vld.idx.msk [tilespmem:v15+s11+$0x0], $0xffff  }
0x481: {  	v14 =	vor.u32 $0x100, v5;
	[tilespmem:s25+$0x40] =	vst v17;
	v17 =	vld.idx.msk [tilespmem:v20+s11+$0x0], $0xffff  }
0x482: {  	v10 =	vor.u32 $0x100, v2;
	[tilespmem:s25+$0xB0] =	vst v16;
	v8 =	vld.idx.msk [tilespmem:v8+s11+$0x0], $0xffff  }
0x483: {  	v16 =	vor.u32 $0x100, v7;
	[tilespmem:s25+$0x50] =	vst v12;
	v15 =	vld.idx.msk [tilespmem:v18+s11+$0x0], $0xffff  }
0x484: {  	v4 =	vor.u32 $0x180, v4;
	[tilespmem:s25+$0x10] =	vst v11  }
0x485: {  	v9 =	vld.idx.msk [tilespmem:v9+s11+$0x0], $0xffff;
	v12 =	vor.u32 $0x100, v6;
	[tilespmem:s25+$0x20] =	vst v13  }
0x486: {  	v11 =	vld.idx.msk [tilespmem:v14+s11+$0x0], $0xffff;
	v14 =	vor.u32 $0x100, v1;
	[tilespmem:s25+$0xFFFFFF80] =	vst v17  }
0x487: {  	v13 =	vor.u32 $0x100, v3;
	[tilespmem:s25+$0x70] =	vst v8;
	v8 =	vld.idx.msk [tilespmem:v10+s11+$0x0], $0xffff  }
0x488: {  	v5 =	vor.u32 $0x180, v5;
	[tilespmem:s25+$0x30] =	vst v15;
	v15 =	vld.idx.msk [tilespmem:v16+s11+$0x0], $0xffff  }
0x489: {  	v16 =	vor.u32 $0x100, v0;
	v4 =	vld.idx.msk [tilespmem:v4+s11+$0x0], $0xffff  }
0x48a: {  	v2 =	vor.u32 $0x180, v2;
	[tilespmem:s25+$0x60] =	vst v9;
	v12 =	vld.idx.msk [tilespmem:v12+s11+$0x0], $0xffff  }
0x48b: {  	v7 =	vor.u32 $0x180, v7;
	[tilespmem:s25+$0xFFFFFFD0] =	vst v11;
	v10 =	vld.idx.msk [tilespmem:v14+s11+$0x0], $0xffff  }
0x48c: {  	v6 =	vor.u32 $0x180, v6;
	v9 =	vld.idx.msk [tilespmem:v13+s11+$0x0], $0xffff;
	[tilespmem:s25+$0xFFFFFFA0] =	vst v8  }
0x48d: {  	v1 =	vor.u32 $0x180, v1;
	v5 =	vld.idx.msk [tilespmem:v5+s11+$0x0], $0xffff;
	[tilespmem:s25+$0xFFFFFF90] =	vst v15  }
0x48e: {  	v3 =	vor.u32 $0x180, v3;
	v11 =	vld.idx.msk [tilespmem:v16+s11+$0x0], $0xffff;
	[tilespmem:s25+$0xFFFFFF00] =	vst v4  }
0x48f: {  	v0 =	vor.u32 $0x180, v0;
	v2 =	vld.idx.msk [tilespmem:v2+s11+$0x0], $0xffff;
	[tilespmem:s25+$0xFFFFFFB0] =	vst v12  }
0x490: {  	v7 =	vld.idx.msk [tilespmem:v7+s11+$0x0], $0xffff;
	[tilespmem:s25+$0xFFFFFFE0] =	vst v10  }
0x491: {  	v4 =	vld.idx.msk [tilespmem:v6+s11+$0x0], $0xffff;
	[tilespmem:s25+$0xFFFFFFF0] =	vst v9  }
0x492: {  	v1 =	vld.idx.msk [tilespmem:v1+s11+$0x0], $0xffff;
	[tilespmem:s25+$0xFFFFFF50] =	vst v5  }
0x493: {  	v3 =	vld.idx.msk [tilespmem:v3+s11+$0x0], $0xffff;
	[tilespmem:s25+$0xFFFFFFC0] =	vst v11  }
0x494: {  	[tilespmem:s25+$0xFFFFFF20] =	vst v2;
	v0 =	vld.idx.msk [tilespmem:v0+s11+$0x0], $0xffff  }
0x495: {  	[tilespmem:s25+$0xFFFFFF10] =	vst v7  }
0x496: {  	[tilespmem:s25+$0xFFFFFF30] =	vst v4  }
0x497: {  	[tilespmem:s25+$0xFFFFFF60] =	vst v1  }
0x498: {  	[tilespmem:s25+$0xFFFFFF70] =	vst v3  }
0x499: {  	[tilespmem:s25+$0xFFFFFF40] =	vst v0  }
0x49a: {  	[hbm4b:s2+s6] =	stream.strided.scatter [tilespmem:s17], [sflag:$0x6], $0x4000, s7, s6, $0x38;
	[tilespmem:$0x1D000] =	vst v63  }
0x49b: {  	s25 =	rddreg [dreg:$0x15]  }
0x49c: {  	[tilespmem:s11], [sflag:$0x3] =	stream.strided.gather [hbm4b:s25+s6], $0x4000, s7, s6, $0x38;
	[tilespmem:$0x1D000] =	vst v63  }
0x49d: {  	_ =	swait.ge [sflag:s20], $0x4000  }
0x49e: {  	[sflag:s20] =	ssyncset.done $0x0  }
0x49f: {  	[sflag:s20] =	ssyncadd.s32 $0xFFFFC000  }
0x4a0: {  	_ =	swait.ge [sflag:s23], $0x4000  }
0x4a1: {  	[sflag:s23] =	ssyncset.done $0x0  }
0x4a2: {  	s26 =	simm.s32 $0x40;
	[sflag:s23] =	ssyncadd.s32 $0xFFFFC000  }
0x4a3: {  	v0 =	vld [tilespmem:s26+$0xFFFFFFC0]  }
0x4a4: {  	v1 =	vld [tilespmem:s26+$0x10]  }
0x4a5: {  	v3 =	vld [tilespmem:s26+$0xFFFFFFE0]  }
0x4a6: {  	v2 =	vld [tilespmem:s26+$0x0];
	_ =	sdelay $0x1  }
0x4a7: {  	v6 =	vld [tilespmem:s26+$0x20]  }
0x4a8: {  	v7 =	vld [tilespmem:s26+$0xFFFFFFF0];
	v4 =	vshll.u32 v0, $0x2;
	v0 =	vand.u32 $0x7F, v0;
	v5 =	vshll.u32 v1, $0x2  }
0x4a9: {  	v1 =	vand.u32 $0x7F, v1;
	v9 =	vshll.u32 v3, $0x2;
	v4 =	vand.u32 $0xFFFFFE00, v4  }
0x4aa: {  	v8 =	vld [tilespmem:s26+$0xFFFFFFD0];
	v3 =	vand.u32 $0x7F, v3;
	v4 =	vor.u32 v0, v4;
	v0 =	vshll.u32 v2, $0x2  }
0x4ab: {  	v5 =	vand.u32 $0xFFFFFE00, v5;
	v2 =	vand.u32 $0x7F, v2;
	v0 =	vand.u32 $0xFFFFFE00, v0  }
0x4ac: {  	v5 =	vor.u32 v1, v5;
	v0 =	vor.u32 v2, v0;
	v2 =	vand.u32 $0xFFFFFE00, v9;
	v9 =	vld [tilespmem:s26+$0x30]  }
0x4ad: {  	v11 =	vand.u32 $0x7F, v7;
	v2 =	vor.u32 v3, v2;
	v3 =	vshll.u32 v6, $0x2  }
0x4ae: {  	v1 =	vand.u32 $0x7F, v6;
	v12 =	vor.u32 $0x80, v4;
	v3 =	vand.u32 $0xFFFFFE00, v3  }
0x4af: {  	v6 =	vshll.u32 v7, $0x2;
	v10 =	vld.idx.msk [tilespmem:v4+s12+$0x0], $0xffff;
	v1 =	vor.u32 v1, v3;
	v3 =	vshll.u32 v8, $0x2  }
0x4b0: {  	v6 =	vand.u32 $0xFFFFFE00, v6;
	v8 =	vand.u32 $0x7F, v8;
	v3 =	vand.u32 $0xFFFFFE00, v3  }
0x4b1: {  	v6 =	vor.u32 v11, v6;
	v17 =	vld.idx.msk [tilespmem:v5+s12+$0x0], $0xffff;
	v7 =	vor.u32 v8, v3;
	v3 =	vshll.u32 v9, $0x2  }
0x4b2: {  	v13 =	vld.idx.msk [tilespmem:v0+s12+$0x0], $0xffff;
	v8 =	vand.u32 $0x7F, v9;
	v3 =	vand.u32 $0xFFFFFE00, v3  }
0x4b3: {  	s25 =	simm.s32 $0x19100;
	v11 =	vld.idx.msk [tilespmem:v2+s12+$0x0], $0xffff;
	v3 =	vor.u32 v8, v3  }
0x4b4: {  	v20 =	vor.u32 $0x80, v0;
	[tilespmem:s25+$0x80] =	vst v10;
	v10 =	vld.idx.msk [tilespmem:v1+s12+$0x0], $0xffff  }
0x4b5: {  	v18 =	vld.idx.msk [tilespmem:v12+s12+$0x0], $0xffff;
	v12 =	vor.u32 $0x80, v5  }
0x4b6: {  	v15 =	vor.u32 $0x80, v2;
	v16 =	vld.idx.msk [tilespmem:v6+s12+$0x0], $0xffff  }
0x4b7: {  	s28 =	simm.s32 $0xC0;
	s29 =	simm.s32 $0x19100;
	s26 =	simm.s32 $0x0;
	v9 =	vor.u32 $0x80, v1;
	v14 =	vor.u32 $0x80, v7;
	v8 =	vor.u32 $0x80, v3;
	v19 =	vld.idx.msk [tilespmem:v7+s12+$0x0], $0xffff  }
.LBB2_24:
0x4b8: {  	s26 =	sadd.s32 $0x8, s26;
	[tilespmem:s25+$0xC0] =	vst v13;
	v13 =	vld.idx.msk [tilespmem:v3+s12+$0x0], $0xffff;
	s29 =	sadd.s32 $0x200, s29  }
0x4b9: {  	p0 =	slt.u32 s26, $0xF8;
	v20 =	vld.idx.msk [tilespmem:v20+s12+$0x0], $0xffff;
	[tilespmem:s25+$0xD0] =	vst v17  }
0x4ba: {  	v17 =	vor.u32 $0x100, v4;
	v12 =	vld.idx.msk [tilespmem:v12+s12+$0x0], $0xffff  }
0x4bb: {  	v21 =	vld [tilespmem:s28+$0x10];
	[tilespmem:s25+$0x0] =	vst v18  }
0x4bc: {  	v18 =	vld [tilespmem:s28+$0xFFFFFFE0];
	[tilespmem:s25+$0x90] =	vst v19;
	v19 =	vor.u32 $0x80, v6  }
0x4bd: {  	v14 =	vld.idx.msk [tilespmem:v14+s12+$0x0], $0xffff;
	[tilespmem:s25+$0xA0] =	vst v11  }
0x4be: {  	v11 =	vld.idx.msk [tilespmem:v15+s12+$0x0], $0xffff;
	[tilespmem:s25+$0xF0] =	vst v13  }
0x4bf: {  	v13 =	vld.idx.msk [tilespmem:v17+s12+$0x0], $0xffff;
	[tilespmem:s25+$0x40] =	vst v20  }
0x4c0: {  	v15 =	vld [tilespmem:s28+$0xFFFFFFF0];
	[tilespmem:s25+$0xB0] =	vst v16  }
0x4c1: {  	v16 =	vld.idx.msk [tilespmem:v19+s12+$0x0], $0xffff;
	[tilespmem:s25+$0x50] =	vst v12  }
0x4c2: {  	v12 =	vld [tilespmem:s28+$0xFFFFFFC0];
	[tilespmem:s25+$0xE0] =	vst v10  }
0x4c3: {  	[tilespmem:s25+$0x10] =	vst v14;
	v8 =	vld.idx.msk [tilespmem:v8+s12+$0x0], $0xffff  }
0x4c4: {  	v10 =	vld [tilespmem:s28+$0x20];
	[tilespmem:s25+$0x20] =	vst v11;
	v11 =	vor.u32 $0x100, v5  }
0x4c5: {  	v14 =	vld [tilespmem:s28+$0x30];
	[tilespmem:s25+$0xFFFFFF80] =	vst v13;
	v13 =	vor.u32 $0x100, v7  }
0x4c6: {  	v19 =	vor.u32 $0x100, v6;
	v17 =	vld [tilespmem:s28+$0xFFFFFFD0]  }
0x4c7: {  	v20 =	vor.u32 $0x180, v4;
	[tilespmem:s25+$0x30] =	vst v16;
	v9 =	vld.idx.msk [tilespmem:v9+s12+$0x0], $0xffff  }
0x4c8: {  	v22 =	vor.u32 $0x100, v2;
	v23 =	vor.u32 $0x180, v5;
	v5 =	vor.u32 $0x100, v1;
	v16 =	vld [tilespmem:s28+$0x0]  }
0x4c9: {  	v24 =	vor.u32 $0x100, v0;
	v4 =	vshll.u32 v12, $0x2;
	v11 =	vld.idx.msk [tilespmem:v11+s12+$0x0], $0xffff;
	[tilespmem:s25+$0x70] =	vst v8;
	v8 =	vor.u32 $0x100, v3  }
0x4ca: {  	v4 =	vand.u32 $0xFFFFFE00, v4;
	v25 =	vand.u32 $0x7F, v14;
	v14 =	vshll.u32 v14, $0x2;
	v13 =	vld.idx.msk [tilespmem:v13+s12+$0x0], $0xffff  }
0x4cb: {  	v6 =	vor.u32 $0x180, v6;
	v12 =	vand.u32 $0x7F, v12;
	v14 =	vand.u32 $0xFFFFFE00, v14;
	v19 =	vld.idx.msk [tilespmem:v19+s12+$0x0], $0xffff  }
0x4cc: {  	v7 =	vor.u32 $0x180, v7;
	v4 =	vor.u32 v12, v4;
	v12 =	vshll.u32 v21, $0x2;
	v20 =	vld.idx.msk [tilespmem:v20+s12+$0x0], $0xffff  }
0x4cd: {  	v26 =	vshll.u32 v15, $0x2;
	v14 =	vor.u32 v25, v14;
	v27 =	vshll.u32 v16, $0x2;
	v22 =	vld.idx.msk [tilespmem:v22+s12+$0x0], $0xffff;
	[tilespmem:s25+$0x60] =	vst v9  }
0x4ce: {  	v21 =	vand.u32 $0x7F, v21;
	v9 =	vand.u32 $0xFFFFFE00, v26;
	v16 =	vand.u32 $0x7F, v16;
	v25 =	vld.idx.msk [tilespmem:v5+s12+$0x0], $0xffff  }
0x4cf: {  	v12 =	vand.u32 $0xFFFFFE00, v12;
	v26 =	vor.u32 $0x180, v2;
	v5 =	vand.u32 $0xFFFFFE00, v27;
	[tilespmem:s25+$0xFFFFFFD0] =	vst v11;
	v8 =	vld.idx.msk [tilespmem:v8+s12+$0x0], $0xffff  }
0x4d0: {  	v2 =	vshll.u32 v18, $0x2;
	v11 =	vor.u32 v16, v5;
	v5 =	vor.u32 v21, v12;
	[tilespmem:s25+$0xFFFFFF90] =	vst v13;
	v12 =	vld.idx.msk [tilespmem:v24+s12+$0x0], $0xffff  }
0x4d1: {  	v2 =	vand.u32 $0xFFFFFE00, v2;
	v13 =	vor.u32 $0x180, v3;
	v3 =	vmov v14;
	v7 =	vld.idx.msk [tilespmem:v7+s12+$0x0], $0xffff;
	[tilespmem:s25+$0xFFFFFFB0] =	vst v19  }
0x4d2: {  	v14 =	vand.u32 $0x7F, v18;
	v18 =	vor.u32 $0x180, v0;
	v0 =	vmovc v11;
	v19 =	vor.u32 $0x180, v1;
	[tilespmem:s25+$0xFFFFFF00] =	vst v20;
	v16 =	vld.idx.msk [tilespmem:v6+s12+$0x0], $0xffff  }
0x4d3: {  	v21 =	vor.u32 $0x80, v4;
	v2 =	vor.u32 v14, v2;
	v1 =	vand.u32 $0x7F, v15;
	[tilespmem:s25+$0xFFFFFFA0] =	vst v22;
	v11 =	vld.idx.msk [tilespmem:v23+s12+$0x0], $0xffff  }
0x4d4: {  	v6 =	vor.u32 v1, v9;
	v1 =	vshll.u32 v10, $0x2;
	v9 =	vld.idx.msk [tilespmem:v26+s12+$0x0], $0xffff;
	[tilespmem:s25+$0xFFFFFFE0] =	vst v25  }
0x4d5: {  	v10 =	vand.u32 $0x7F, v10;
	v1 =	vand.u32 $0xFFFFFE00, v1;
	v15 =	vld.idx.msk [tilespmem:v4+s12+$0x0], $0xffff;
	[tilespmem:s25+$0xFFFFFFF0] =	vst v8  }
0x4d6: {  	v1 =	vor.u32 v10, v1;
	[tilespmem:s25+$0xFFFFFFC0] =	vst v12;
	v22 =	vld.idx.msk [tilespmem:v13+s12+$0x0], $0xffff  }
0x4d7: {  	v8 =	vshll.u32 v17, $0x2;
	v12 =	vor.u32 $0x80, v5;
	v13 =	vld.idx.msk [tilespmem:v0+s12+$0x0], $0xffff;
	[tilespmem:s25+$0xFFFFFF10] =	vst v7  }
0x4d8: {  	v10 =	vand.u32 $0xFFFFFE00, v8;
	v8 =	vor.u32 $0x80, v3;
	v7 =	vand.u32 $0x7F, v17;
	[tilespmem:s25+$0xFFFFFF30] =	vst v16;
	v16 =	vld.idx.msk [tilespmem:v18+s12+$0x0], $0xffff  }
0x4d9: {  	v7 =	vor.u32 v7, v10;
	[tilespmem:s25+$0xFFFFFF50] =	vst v11;
	v23 =	vld.idx.msk [tilespmem:v19+s12+$0x0], $0xffff  }
0x4da: {  	v14 =	vor.u32 $0x80, v7;
	v11 =	vld.idx.msk [tilespmem:v2+s12+$0x0], $0xffff  }
.Ltmp11:
0x4db: {  	[tilespmem:s29+$0x80] =	vst v15;
	v15 =	vor.u32 $0x80, v2;
	v17 =	vld.idx.msk [tilespmem:v5+s12+$0x0], $0xffff;
	(pc) =	sbr.rel @p0 .LBB2_24-.Ltmp11, $4  }
0x4dc: {  	v20 =	vor.u32 $0x80, v0;
	v10 =	vld.idx.msk [tilespmem:v1+s12+$0x0], $0xffff;
	[tilespmem:s25+$0xFFFFFF70] =	vst v22  }
0x4dd: {  	v18 =	vld.idx.msk [tilespmem:v21+s12+$0x0], $0xffff;
	[tilespmem:s25+$0xFFFFFF20] =	vst v9  }
0x4de: {  	v19 =	vld.idx.msk [tilespmem:v7+s12+$0x0], $0xffff;
	[tilespmem:s25+$0xFFFFFF40] =	vst v16  }
0x4df: {  	s28 =	sadd.s32 $0x80, s28;
	v9 =	vor.u32 $0x80, v1;
	v16 =	vld.idx.msk [tilespmem:v6+s12+$0x0], $0xffff;
	[tilespmem:s25+$0xFFFFFF60] =	vst v23;
	s25 =	smov.u32 s29  }
0x4e0: {  	_ =	sdelay $0x2  }
0x4e1: {  	[tilespmem:s25+$0xC0] =	vst v13  }
0x4e2: {  	v13 =	vld.idx.msk [tilespmem:v3+s12+$0x0], $0xffff;
	[tilespmem:s25+$0xD0] =	vst v17  }
0x4e3: {  	[tilespmem:s25+$0xA0] =	vst v11;
	v17 =	vld.idx.msk [tilespmem:v20+s12+$0x0], $0xffff;
	v20 =	vor.u32 $0x100, v4  }
0x4e4: {  	[tilespmem:s25+$0x0] =	vst v18  }
0x4e5: {  	v12 =	vld.idx.msk [tilespmem:v12+s12+$0x0], $0xffff;
	v18 =	vor.u32 $0x80, v6;
	[tilespmem:s25+$0x90] =	vst v19  }
0x4e6: {  	[tilespmem:s25+$0xE0] =	vst v10;
	v11 =	vld.idx.msk [tilespmem:v14+s12+$0x0], $0xffff  }
0x4e7: {  	[tilespmem:s25+$0xF0] =	vst v13;
	v13 =	vld.idx.msk [tilespmem:v15+s12+$0x0], $0xffff  }
0x4e8: {  	v14 =	vor.u32 $0x100, v5;
	[tilespmem:s25+$0x40] =	vst v17;
	v17 =	vld.idx.msk [tilespmem:v20+s12+$0x0], $0xffff  }
0x4e9: {  	v10 =	vor.u32 $0x100, v2;
	[tilespmem:s25+$0xB0] =	vst v16;
	v8 =	vld.idx.msk [tilespmem:v8+s12+$0x0], $0xffff  }
0x4ea: {  	v16 =	vor.u32 $0x100, v7;
	[tilespmem:s25+$0x50] =	vst v12;
	v15 =	vld.idx.msk [tilespmem:v18+s12+$0x0], $0xffff  }
0x4eb: {  	v4 =	vor.u32 $0x180, v4;
	[tilespmem:s25+$0x10] =	vst v11  }
0x4ec: {  	v9 =	vld.idx.msk [tilespmem:v9+s12+$0x0], $0xffff;
	v12 =	vor.u32 $0x100, v6;
	[tilespmem:s25+$0x20] =	vst v13  }
0x4ed: {  	v11 =	vld.idx.msk [tilespmem:v14+s12+$0x0], $0xffff;
	v14 =	vor.u32 $0x100, v1;
	[tilespmem:s25+$0xFFFFFF80] =	vst v17  }
0x4ee: {  	v13 =	vor.u32 $0x100, v3;
	[tilespmem:s25+$0x70] =	vst v8;
	v8 =	vld.idx.msk [tilespmem:v10+s12+$0x0], $0xffff  }
0x4ef: {  	v5 =	vor.u32 $0x180, v5;
	[tilespmem:s25+$0x30] =	vst v15;
	v15 =	vld.idx.msk [tilespmem:v16+s12+$0x0], $0xffff  }
0x4f0: {  	v16 =	vor.u32 $0x100, v0;
	v4 =	vld.idx.msk [tilespmem:v4+s12+$0x0], $0xffff  }
0x4f1: {  	v2 =	vor.u32 $0x180, v2;
	[tilespmem:s25+$0x60] =	vst v9;
	v12 =	vld.idx.msk [tilespmem:v12+s12+$0x0], $0xffff  }
0x4f2: {  	v7 =	vor.u32 $0x180, v7;
	[tilespmem:s25+$0xFFFFFFD0] =	vst v11;
	v10 =	vld.idx.msk [tilespmem:v14+s12+$0x0], $0xffff  }
0x4f3: {  	v6 =	vor.u32 $0x180, v6;
	v9 =	vld.idx.msk [tilespmem:v13+s12+$0x0], $0xffff;
	[tilespmem:s25+$0xFFFFFFA0] =	vst v8  }
0x4f4: {  	v1 =	vor.u32 $0x180, v1;
	v5 =	vld.idx.msk [tilespmem:v5+s12+$0x0], $0xffff;
	[tilespmem:s25+$0xFFFFFF90] =	vst v15  }
0x4f5: {  	v3 =	vor.u32 $0x180, v3;
	v11 =	vld.idx.msk [tilespmem:v16+s12+$0x0], $0xffff;
	[tilespmem:s25+$0xFFFFFF00] =	vst v4  }
0x4f6: {  	v0 =	vor.u32 $0x180, v0;
	v2 =	vld.idx.msk [tilespmem:v2+s12+$0x0], $0xffff;
	[tilespmem:s25+$0xFFFFFFB0] =	vst v12  }
0x4f7: {  	v7 =	vld.idx.msk [tilespmem:v7+s12+$0x0], $0xffff;
	[tilespmem:s25+$0xFFFFFFE0] =	vst v10  }
0x4f8: {  	v4 =	vld.idx.msk [tilespmem:v6+s12+$0x0], $0xffff;
	[tilespmem:s25+$0xFFFFFFF0] =	vst v9  }
0x4f9: {  	v1 =	vld.idx.msk [tilespmem:v1+s12+$0x0], $0xffff;
	[tilespmem:s25+$0xFFFFFF50] =	vst v5  }
0x4fa: {  	v3 =	vld.idx.msk [tilespmem:v3+s12+$0x0], $0xffff;
	[tilespmem:s25+$0xFFFFFFC0] =	vst v11  }
0x4fb: {  	[tilespmem:s25+$0xFFFFFF20] =	vst v2;
	v0 =	vld.idx.msk [tilespmem:v0+s12+$0x0], $0xffff  }
0x4fc: {  	[tilespmem:s25+$0xFFFFFF10] =	vst v7  }
0x4fd: {  	[tilespmem:s25+$0xFFFFFF30] =	vst v4  }
0x4fe: {  	[tilespmem:s25+$0xFFFFFF60] =	vst v1  }
0x4ff: {  	[tilespmem:s25+$0xFFFFFF70] =	vst v3  }
0x500: {  	[tilespmem:s25+$0xFFFFFF40] =	vst v0  }
0x501: {  	[hbm4b:s1+s6] =	stream.strided.scatter [tilespmem:s19], [sflag:$0x7], $0x4000, s7, s6, $0x38;
	[tilespmem:$0x1D000] =	vst v63  }
0x502: {  	s25 =	rddreg [dreg:$0x16]  }
0x503: {  	[tilespmem:s12], [sflag:$0x4] =	stream.strided.gather [hbm4b:s25+s6], $0x4000, s7, s6, $0x38;
	[tilespmem:$0x1D000] =	vst v63  }
0x504: {  	_ =	swait.ge [sflag:s14], $0x4000  }
0x505: {  	[sflag:s14] =	ssyncset.done $0x0  }
0x506: {  	[sflag:s14] =	ssyncadd.s32 $0xFFFFC000  }
0x507: {  	_ =	swait.ge [sflag:s21], $0x4000  }
0x508: {  	[sflag:s21] =	ssyncset.done $0x0  }
0x509: {  	s26 =	simm.s32 $0x40;
	[sflag:s21] =	ssyncadd.s32 $0xFFFFC000  }
0x50a: {  	v0 =	vld [tilespmem:s26+$0xFFFFFFC0]  }
0x50b: {  	v1 =	vld [tilespmem:s26+$0x10]  }
0x50c: {  	v3 =	vld [tilespmem:s26+$0xFFFFFFE0]  }
0x50d: {  	v2 =	vld [tilespmem:s26+$0x0];
	_ =	sdelay $0x1  }
0x50e: {  	v6 =	vld [tilespmem:s26+$0x20]  }
0x50f: {  	v7 =	vld [tilespmem:s26+$0xFFFFFFF0];
	v4 =	vshll.u32 v0, $0x2;
	v0 =	vand.u32 $0x7F, v0;
	v5 =	vshll.u32 v1, $0x2  }
0x510: {  	v1 =	vand.u32 $0x7F, v1;
	v9 =	vshll.u32 v3, $0x2;
	v4 =	vand.u32 $0xFFFFFE00, v4  }
0x511: {  	v8 =	vld [tilespmem:s26+$0xFFFFFFD0];
	v3 =	vand.u32 $0x7F, v3;
	v4 =	vor.u32 v0, v4;
	v0 =	vshll.u32 v2, $0x2  }
0x512: {  	v5 =	vand.u32 $0xFFFFFE00, v5;
	v2 =	vand.u32 $0x7F, v2;
	v0 =	vand.u32 $0xFFFFFE00, v0  }
0x513: {  	v5 =	vor.u32 v1, v5;
	v0 =	vor.u32 v2, v0;
	v2 =	vand.u32 $0xFFFFFE00, v9;
	v9 =	vld [tilespmem:s26+$0x30]  }
0x514: {  	v11 =	vand.u32 $0x7F, v7;
	v2 =	vor.u32 v3, v2;
	v3 =	vshll.u32 v6, $0x2  }
0x515: {  	v1 =	vand.u32 $0x7F, v6;
	v12 =	vor.u32 $0x80, v4;
	v3 =	vand.u32 $0xFFFFFE00, v3  }
0x516: {  	v6 =	vshll.u32 v7, $0x2;
	v10 =	vld.idx.msk [tilespmem:v4+s9+$0x0], $0xffff;
	v1 =	vor.u32 v1, v3;
	v3 =	vshll.u32 v8, $0x2  }
0x517: {  	v6 =	vand.u32 $0xFFFFFE00, v6;
	v8 =	vand.u32 $0x7F, v8;
	v3 =	vand.u32 $0xFFFFFE00, v3  }
0x518: {  	v6 =	vor.u32 v11, v6;
	v17 =	vld.idx.msk [tilespmem:v5+s9+$0x0], $0xffff;
	v7 =	vor.u32 v8, v3;
	v3 =	vshll.u32 v9, $0x2  }
0x519: {  	v13 =	vld.idx.msk [tilespmem:v0+s9+$0x0], $0xffff;
	v8 =	vand.u32 $0x7F, v9;
	v3 =	vand.u32 $0xFFFFFE00, v3  }
0x51a: {  	s25 =	simm.s32 $0x11100;
	v11 =	vld.idx.msk [tilespmem:v2+s9+$0x0], $0xffff;
	v3 =	vor.u32 v8, v3  }
0x51b: {  	v20 =	vor.u32 $0x80, v0;
	[tilespmem:s25+$0x80] =	vst v10;
	v10 =	vld.idx.msk [tilespmem:v1+s9+$0x0], $0xffff  }
0x51c: {  	v18 =	vld.idx.msk [tilespmem:v12+s9+$0x0], $0xffff;
	v12 =	vor.u32 $0x80, v5  }
0x51d: {  	v15 =	vor.u32 $0x80, v2;
	v16 =	vld.idx.msk [tilespmem:v6+s9+$0x0], $0xffff  }
0x51e: {  	s28 =	simm.s32 $0xC0;
	s29 =	simm.s32 $0x11100;
	s26 =	simm.s32 $0x0;
	v9 =	vor.u32 $0x80, v1;
	v14 =	vor.u32 $0x80, v7;
	v8 =	vor.u32 $0x80, v3;
	v19 =	vld.idx.msk [tilespmem:v7+s9+$0x0], $0xffff  }
.LBB2_26:
0x51f: {  	s26 =	sadd.s32 $0x8, s26;
	[tilespmem:s25+$0xC0] =	vst v13;
	v13 =	vld.idx.msk [tilespmem:v3+s9+$0x0], $0xffff;
	s29 =	sadd.s32 $0x200, s29  }
0x520: {  	p0 =	slt.u32 s26, $0xF8;
	v20 =	vld.idx.msk [tilespmem:v20+s9+$0x0], $0xffff;
	[tilespmem:s25+$0xD0] =	vst v17  }
0x521: {  	v17 =	vor.u32 $0x100, v4;
	v12 =	vld.idx.msk [tilespmem:v12+s9+$0x0], $0xffff  }
0x522: {  	v21 =	vld [tilespmem:s28+$0x10];
	[tilespmem:s25+$0x0] =	vst v18  }
0x523: {  	v18 =	vld [tilespmem:s28+$0xFFFFFFE0];
	[tilespmem:s25+$0x90] =	vst v19;
	v19 =	vor.u32 $0x80, v6  }
0x524: {  	v14 =	vld.idx.msk [tilespmem:v14+s9+$0x0], $0xffff;
	[tilespmem:s25+$0xA0] =	vst v11  }
0x525: {  	v11 =	vld.idx.msk [tilespmem:v15+s9+$0x0], $0xffff;
	[tilespmem:s25+$0xF0] =	vst v13  }
0x526: {  	v13 =	vld.idx.msk [tilespmem:v17+s9+$0x0], $0xffff;
	[tilespmem:s25+$0x40] =	vst v20  }
0x527: {  	v15 =	vld [tilespmem:s28+$0xFFFFFFF0];
	[tilespmem:s25+$0xB0] =	vst v16  }
0x528: {  	v16 =	vld.idx.msk [tilespmem:v19+s9+$0x0], $0xffff;
	[tilespmem:s25+$0x50] =	vst v12  }
0x529: {  	v12 =	vld [tilespmem:s28+$0xFFFFFFC0];
	[tilespmem:s25+$0xE0] =	vst v10  }
0x52a: {  	[tilespmem:s25+$0x10] =	vst v14;
	v8 =	vld.idx.msk [tilespmem:v8+s9+$0x0], $0xffff  }
0x52b: {  	v10 =	vld [tilespmem:s28+$0x20];
	[tilespmem:s25+$0x20] =	vst v11;
	v11 =	vor.u32 $0x100, v5  }
0x52c: {  	v14 =	vld [tilespmem:s28+$0x30];
	[tilespmem:s25+$0xFFFFFF80] =	vst v13;
	v13 =	vor.u32 $0x100, v7  }
0x52d: {  	v19 =	vor.u32 $0x100, v6;
	v17 =	vld [tilespmem:s28+$0xFFFFFFD0]  }
0x52e: {  	v20 =	vor.u32 $0x180, v4;
	[tilespmem:s25+$0x30] =	vst v16;
	v9 =	vld.idx.msk [tilespmem:v9+s9+$0x0], $0xffff  }
0x52f: {  	v22 =	vor.u32 $0x100, v2;
	v23 =	vor.u32 $0x180, v5;
	v5 =	vor.u32 $0x100, v1;
	v16 =	vld [tilespmem:s28+$0x0]  }
0x530: {  	v24 =	vor.u32 $0x100, v0;
	v4 =	vshll.u32 v12, $0x2;
	v11 =	vld.idx.msk [tilespmem:v11+s9+$0x0], $0xffff;
	[tilespmem:s25+$0x70] =	vst v8;
	v8 =	vor.u32 $0x100, v3  }
0x531: {  	v4 =	vand.u32 $0xFFFFFE00, v4;
	v25 =	vand.u32 $0x7F, v14;
	v14 =	vshll.u32 v14, $0x2;
	v13 =	vld.idx.msk [tilespmem:v13+s9+$0x0], $0xffff  }
0x532: {  	v6 =	vor.u32 $0x180, v6;
	v12 =	vand.u32 $0x7F, v12;
	v14 =	vand.u32 $0xFFFFFE00, v14;
	v19 =	vld.idx.msk [tilespmem:v19+s9+$0x0], $0xffff  }
0x533: {  	v7 =	vor.u32 $0x180, v7;
	v4 =	vor.u32 v12, v4;
	v12 =	vshll.u32 v21, $0x2;
	v20 =	vld.idx.msk [tilespmem:v20+s9+$0x0], $0xffff  }
0x534: {  	v26 =	vshll.u32 v15, $0x2;
	v14 =	vor.u32 v25, v14;
	v27 =	vshll.u32 v16, $0x2;
	v22 =	vld.idx.msk [tilespmem:v22+s9+$0x0], $0xffff;
	[tilespmem:s25+$0x60] =	vst v9  }
0x535: {  	v21 =	vand.u32 $0x7F, v21;
	v9 =	vand.u32 $0xFFFFFE00, v26;
	v16 =	vand.u32 $0x7F, v16;
	v25 =	vld.idx.msk [tilespmem:v5+s9+$0x0], $0xffff  }
0x536: {  	v12 =	vand.u32 $0xFFFFFE00, v12;
	v26 =	vor.u32 $0x180, v2;
	v5 =	vand.u32 $0xFFFFFE00, v27;
	[tilespmem:s25+$0xFFFFFFD0] =	vst v11;
	v8 =	vld.idx.msk [tilespmem:v8+s9+$0x0], $0xffff  }
0x537: {  	v2 =	vshll.u32 v18, $0x2;
	v11 =	vor.u32 v16, v5;
	v5 =	vor.u32 v21, v12;
	[tilespmem:s25+$0xFFFFFF90] =	vst v13;
	v12 =	vld.idx.msk [tilespmem:v24+s9+$0x0], $0xffff  }
0x538: {  	v2 =	vand.u32 $0xFFFFFE00, v2;
	v13 =	vor.u32 $0x180, v3;
	v3 =	vmov v14;
	v7 =	vld.idx.msk [tilespmem:v7+s9+$0x0], $0xffff;
	[tilespmem:s25+$0xFFFFFFB0] =	vst v19  }
0x539: {  	v14 =	vand.u32 $0x7F, v18;
	v18 =	vor.u32 $0x180, v0;
	v0 =	vmovc v11;
	v19 =	vor.u32 $0x180, v1;
	[tilespmem:s25+$0xFFFFFF00] =	vst v20;
	v16 =	vld.idx.msk [tilespmem:v6+s9+$0x0], $0xffff  }
0x53a: {  	v21 =	vor.u32 $0x80, v4;
	v2 =	vor.u32 v14, v2;
	v1 =	vand.u32 $0x7F, v15;
	[tilespmem:s25+$0xFFFFFFA0] =	vst v22;
	v11 =	vld.idx.msk [tilespmem:v23+s9+$0x0], $0xffff  }
0x53b: {  	v6 =	vor.u32 v1, v9;
	v1 =	vshll.u32 v10, $0x2;
	v9 =	vld.idx.msk [tilespmem:v26+s9+$0x0], $0xffff;
	[tilespmem:s25+$0xFFFFFFE0] =	vst v25  }
0x53c: {  	v10 =	vand.u32 $0x7F, v10;
	v1 =	vand.u32 $0xFFFFFE00, v1;
	v15 =	vld.idx.msk [tilespmem:v4+s9+$0x0], $0xffff;
	[tilespmem:s25+$0xFFFFFFF0] =	vst v8  }
0x53d: {  	v1 =	vor.u32 v10, v1;
	[tilespmem:s25+$0xFFFFFFC0] =	vst v12;
	v22 =	vld.idx.msk [tilespmem:v13+s9+$0x0], $0xffff  }
0x53e: {  	v8 =	vshll.u32 v17, $0x2;
	v12 =	vor.u32 $0x80, v5;
	v13 =	vld.idx.msk [tilespmem:v0+s9+$0x0], $0xffff;
	[tilespmem:s25+$0xFFFFFF10] =	vst v7  }
0x53f: {  	v10 =	vand.u32 $0xFFFFFE00, v8;
	v8 =	vor.u32 $0x80, v3;
	v7 =	vand.u32 $0x7F, v17;
	[tilespmem:s25+$0xFFFFFF30] =	vst v16;
	v16 =	vld.idx.msk [tilespmem:v18+s9+$0x0], $0xffff  }
0x540: {  	v7 =	vor.u32 v7, v10;
	[tilespmem:s25+$0xFFFFFF50] =	vst v11;
	v23 =	vld.idx.msk [tilespmem:v19+s9+$0x0], $0xffff  }
0x541: {  	v14 =	vor.u32 $0x80, v7;
	v11 =	vld.idx.msk [tilespmem:v2+s9+$0x0], $0xffff  }
.Ltmp12:
0x542: {  	[tilespmem:s29+$0x80] =	vst v15;
	v15 =	vor.u32 $0x80, v2;
	v17 =	vld.idx.msk [tilespmem:v5+s9+$0x0], $0xffff;
	(pc) =	sbr.rel @p0 .LBB2_26-.Ltmp12, $4  }
0x543: {  	v20 =	vor.u32 $0x80, v0;
	v10 =	vld.idx.msk [tilespmem:v1+s9+$0x0], $0xffff;
	[tilespmem:s25+$0xFFFFFF70] =	vst v22  }
0x544: {  	v18 =	vld.idx.msk [tilespmem:v21+s9+$0x0], $0xffff;
	[tilespmem:s25+$0xFFFFFF20] =	vst v9  }
0x545: {  	v19 =	vld.idx.msk [tilespmem:v7+s9+$0x0], $0xffff;
	[tilespmem:s25+$0xFFFFFF40] =	vst v16  }
0x546: {  	s28 =	sadd.s32 $0x80, s28;
	v9 =	vor.u32 $0x80, v1;
	v16 =	vld.idx.msk [tilespmem:v6+s9+$0x0], $0xffff;
	[tilespmem:s25+$0xFFFFFF60] =	vst v23;
	s25 =	smov.u32 s29  }
0x547: {  	_ =	sdelay $0x2  }
0x548: {  	[tilespmem:s25+$0xC0] =	vst v13  }
0x549: {  	v13 =	vld.idx.msk [tilespmem:v3+s9+$0x0], $0xffff;
	[tilespmem:s25+$0xD0] =	vst v17  }
0x54a: {  	[tilespmem:s25+$0xA0] =	vst v11;
	v17 =	vld.idx.msk [tilespmem:v20+s9+$0x0], $0xffff;
	v20 =	vor.u32 $0x100, v4  }
0x54b: {  	[tilespmem:s25+$0x0] =	vst v18  }
0x54c: {  	v12 =	vld.idx.msk [tilespmem:v12+s9+$0x0], $0xffff;
	v18 =	vor.u32 $0x80, v6;
	[tilespmem:s25+$0x90] =	vst v19  }
0x54d: {  	[tilespmem:s25+$0xE0] =	vst v10;
	v11 =	vld.idx.msk [tilespmem:v14+s9+$0x0], $0xffff  }
0x54e: {  	[tilespmem:s25+$0xF0] =	vst v13;
	v13 =	vld.idx.msk [tilespmem:v15+s9+$0x0], $0xffff  }
0x54f: {  	v14 =	vor.u32 $0x100, v5;
	[tilespmem:s25+$0x40] =	vst v17;
	v17 =	vld.idx.msk [tilespmem:v20+s9+$0x0], $0xffff  }
0x550: {  	v10 =	vor.u32 $0x100, v2;
	[tilespmem:s25+$0xB0] =	vst v16;
	v8 =	vld.idx.msk [tilespmem:v8+s9+$0x0], $0xffff  }
0x551: {  	v16 =	vor.u32 $0x100, v7;
	[tilespmem:s25+$0x50] =	vst v12;
	v15 =	vld.idx.msk [tilespmem:v18+s9+$0x0], $0xffff  }
0x552: {  	v4 =	vor.u32 $0x180, v4;
	[tilespmem:s25+$0x10] =	vst v11  }
0x553: {  	v9 =	vld.idx.msk [tilespmem:v9+s9+$0x0], $0xffff;
	v12 =	vor.u32 $0x100, v6;
	[tilespmem:s25+$0x20] =	vst v13  }
0x554: {  	v11 =	vld.idx.msk [tilespmem:v14+s9+$0x0], $0xffff;
	v14 =	vor.u32 $0x100, v1;
	[tilespmem:s25+$0xFFFFFF80] =	vst v17  }
0x555: {  	v13 =	vor.u32 $0x100, v3;
	[tilespmem:s25+$0x70] =	vst v8;
	v8 =	vld.idx.msk [tilespmem:v10+s9+$0x0], $0xffff  }
0x556: {  	v5 =	vor.u32 $0x180, v5;
	[tilespmem:s25+$0x30] =	vst v15;
	v15 =	vld.idx.msk [tilespmem:v16+s9+$0x0], $0xffff  }
0x557: {  	v16 =	vor.u32 $0x100, v0;
	v4 =	vld.idx.msk [tilespmem:v4+s9+$0x0], $0xffff  }
0x558: {  	v2 =	vor.u32 $0x180, v2;
	[tilespmem:s25+$0x60] =	vst v9;
	v12 =	vld.idx.msk [tilespmem:v12+s9+$0x0], $0xffff  }
0x559: {  	v7 =	vor.u32 $0x180, v7;
	[tilespmem:s25+$0xFFFFFFD0] =	vst v11;
	v10 =	vld.idx.msk [tilespmem:v14+s9+$0x0], $0xffff  }
0x55a: {  	v6 =	vor.u32 $0x180, v6;
	v9 =	vld.idx.msk [tilespmem:v13+s9+$0x0], $0xffff;
	[tilespmem:s25+$0xFFFFFFA0] =	vst v8  }
0x55b: {  	v1 =	vor.u32 $0x180, v1;
	v5 =	vld.idx.msk [tilespmem:v5+s9+$0x0], $0xffff;
	[tilespmem:s25+$0xFFFFFF90] =	vst v15  }
0x55c: {  	v3 =	vor.u32 $0x180, v3;
	v11 =	vld.idx.msk [tilespmem:v16+s9+$0x0], $0xffff;
	[tilespmem:s25+$0xFFFFFF00] =	vst v4  }
0x55d: {  	v0 =	vor.u32 $0x180, v0;
	v2 =	vld.idx.msk [tilespmem:v2+s9+$0x0], $0xffff;
	[tilespmem:s25+$0xFFFFFFB0] =	vst v12  }
0x55e: {  	v7 =	vld.idx.msk [tilespmem:v7+s9+$0x0], $0xffff;
	[tilespmem:s25+$0xFFFFFFE0] =	vst v10  }
0x55f: {  	v4 =	vld.idx.msk [tilespmem:v6+s9+$0x0], $0xffff;
	[tilespmem:s25+$0xFFFFFFF0] =	vst v9  }
0x560: {  	v1 =	vld.idx.msk [tilespmem:v1+s9+$0x0], $0xffff;
	[tilespmem:s25+$0xFFFFFF50] =	vst v5  }
0x561: {  	v3 =	vld.idx.msk [tilespmem:v3+s9+$0x0], $0xffff;
	[tilespmem:s25+$0xFFFFFFC0] =	vst v11  }
0x562: {  	[tilespmem:s25+$0xFFFFFF20] =	vst v2;
	v0 =	vld.idx.msk [tilespmem:v0+s9+$0x0], $0xffff  }
0x563: {  	[tilespmem:s25+$0xFFFFFF10] =	vst v7  }
0x564: {  	[tilespmem:s25+$0xFFFFFF30] =	vst v4  }
0x565: {  	[tilespmem:s25+$0xFFFFFF60] =	vst v1  }
0x566: {  	[tilespmem:s25+$0xFFFFFF70] =	vst v3  }
0x567: {  	[tilespmem:s25+$0xFFFFFF40] =	vst v0  }
0x568: {  	[hbm4b:s3+s6] =	stream.strided.scatter [tilespmem:s15], [sflag:$0x5], $0x4000, s7, s6, $0x38;
	[tilespmem:$0x1D000] =	vst v63  }
0x569: {  	_ =	swait.ge [sflag:s16], $0x4000  }
0x56a: {  	[sflag:s16] =	ssyncset.done $0x0  }
0x56b: {  	[sflag:s16] =	ssyncadd.s32 $0xFFFFC000  }
0x56c: {  	_ =	swait.ge [sflag:s22], $0x4000  }
0x56d: {  	[sflag:s22] =	ssyncset.done $0x0  }
0x56e: {  	s26 =	simm.s32 $0x40;
	[sflag:s22] =	ssyncadd.s32 $0xFFFFC000  }
0x56f: {  	v0 =	vld [tilespmem:s26+$0xFFFFFFC0]  }
0x570: {  	v1 =	vld [tilespmem:s26+$0x10]  }
0x571: {  	v3 =	vld [tilespmem:s26+$0xFFFFFFE0]  }
0x572: {  	v2 =	vld [tilespmem:s26+$0x0];
	_ =	sdelay $0x1  }
0x573: {  	v6 =	vld [tilespmem:s26+$0x20]  }
0x574: {  	v7 =	vld [tilespmem:s26+$0xFFFFFFF0];
	v4 =	vshll.u32 v0, $0x2;
	v0 =	vand.u32 $0x7F, v0;
	v5 =	vshll.u32 v1, $0x2  }
0x575: {  	v1 =	vand.u32 $0x7F, v1;
	v9 =	vshll.u32 v3, $0x2;
	v4 =	vand.u32 $0xFFFFFE00, v4  }
0x576: {  	v8 =	vld [tilespmem:s26+$0xFFFFFFD0];
	v3 =	vand.u32 $0x7F, v3;
	v4 =	vor.u32 v0, v4;
	v0 =	vshll.u32 v2, $0x2  }
0x577: {  	v5 =	vand.u32 $0xFFFFFE00, v5;
	v2 =	vand.u32 $0x7F, v2;
	v0 =	vand.u32 $0xFFFFFE00, v0  }
0x578: {  	v5 =	vor.u32 v1, v5;
	v0 =	vor.u32 v2, v0;
	v2 =	vand.u32 $0xFFFFFE00, v9;
	v9 =	vld [tilespmem:s26+$0x30]  }
0x579: {  	v11 =	vand.u32 $0x7F, v7;
	v2 =	vor.u32 v3, v2;
	v3 =	vshll.u32 v6, $0x2  }
0x57a: {  	v1 =	vand.u32 $0x7F, v6;
	v12 =	vor.u32 $0x80, v4;
	v3 =	vand.u32 $0xFFFFFE00, v3  }
0x57b: {  	v6 =	vshll.u32 v7, $0x2;
	v10 =	vld.idx.msk [tilespmem:v4+s10+$0x0], $0xffff;
	v1 =	vor.u32 v1, v3;
	v3 =	vshll.u32 v8, $0x2  }
0x57c: {  	v6 =	vand.u32 $0xFFFFFE00, v6;
	v8 =	vand.u32 $0x7F, v8;
	v3 =	vand.u32 $0xFFFFFE00, v3  }
0x57d: {  	v6 =	vor.u32 v11, v6;
	v17 =	vld.idx.msk [tilespmem:v5+s10+$0x0], $0xffff;
	v7 =	vor.u32 v8, v3;
	v3 =	vshll.u32 v9, $0x2  }
0x57e: {  	v13 =	vld.idx.msk [tilespmem:v0+s10+$0x0], $0xffff;
	v8 =	vand.u32 $0x7F, v9;
	v3 =	vand.u32 $0xFFFFFE00, v3  }
0x57f: {  	s25 =	simm.s32 $0x15100;
	v11 =	vld.idx.msk [tilespmem:v2+s10+$0x0], $0xffff;
	v3 =	vor.u32 v8, v3  }
0x580: {  	v20 =	vor.u32 $0x80, v0;
	[tilespmem:s25+$0x80] =	vst v10;
	v10 =	vld.idx.msk [tilespmem:v1+s10+$0x0], $0xffff  }
0x581: {  	v18 =	vld.idx.msk [tilespmem:v12+s10+$0x0], $0xffff;
	v12 =	vor.u32 $0x80, v5  }
0x582: {  	v15 =	vor.u32 $0x80, v2;
	v16 =	vld.idx.msk [tilespmem:v6+s10+$0x0], $0xffff  }
0x583: {  	s28 =	simm.s32 $0xC0;
	s29 =	simm.s32 $0x15100;
	s26 =	simm.s32 $0x0;
	v9 =	vor.u32 $0x80, v1;
	v14 =	vor.u32 $0x80, v7;
	v8 =	vor.u32 $0x80, v3;
	v19 =	vld.idx.msk [tilespmem:v7+s10+$0x0], $0xffff  }
.LBB2_28:
0x584: {  	s26 =	sadd.s32 $0x8, s26;
	[tilespmem:s25+$0xC0] =	vst v13;
	v13 =	vld.idx.msk [tilespmem:v3+s10+$0x0], $0xffff;
	s29 =	sadd.s32 $0x200, s29  }
0x585: {  	p0 =	slt.u32 s26, $0xF8;
	v20 =	vld.idx.msk [tilespmem:v20+s10+$0x0], $0xffff;
	[tilespmem:s25+$0xD0] =	vst v17  }
0x586: {  	v17 =	vor.u32 $0x100, v4;
	v12 =	vld.idx.msk [tilespmem:v12+s10+$0x0], $0xffff  }
0x587: {  	v21 =	vld [tilespmem:s28+$0x10];
	[tilespmem:s25+$0x0] =	vst v18  }
0x588: {  	v18 =	vld [tilespmem:s28+$0xFFFFFFE0];
	[tilespmem:s25+$0x90] =	vst v19;
	v19 =	vor.u32 $0x80, v6  }
0x589: {  	v14 =	vld.idx.msk [tilespmem:v14+s10+$0x0], $0xffff;
	[tilespmem:s25+$0xA0] =	vst v11  }
0x58a: {  	v11 =	vld.idx.msk [tilespmem:v15+s10+$0x0], $0xffff;
	[tilespmem:s25+$0xF0] =	vst v13  }
0x58b: {  	v13 =	vld.idx.msk [tilespmem:v17+s10+$0x0], $0xffff;
	[tilespmem:s25+$0x40] =	vst v20  }
0x58c: {  	v15 =	vld [tilespmem:s28+$0xFFFFFFF0];
	[tilespmem:s25+$0xB0] =	vst v16  }
0x58d: {  	v16 =	vld.idx.msk [tilespmem:v19+s10+$0x0], $0xffff;
	[tilespmem:s25+$0x50] =	vst v12  }
0x58e: {  	v12 =	vld [tilespmem:s28+$0xFFFFFFC0];
	[tilespmem:s25+$0xE0] =	vst v10  }
0x58f: {  	[tilespmem:s25+$0x10] =	vst v14;
	v8 =	vld.idx.msk [tilespmem:v8+s10+$0x0], $0xffff  }
0x590: {  	v10 =	vld [tilespmem:s28+$0x20];
	[tilespmem:s25+$0x20] =	vst v11;
	v11 =	vor.u32 $0x100, v5  }
0x591: {  	v14 =	vld [tilespmem:s28+$0x30];
	[tilespmem:s25+$0xFFFFFF80] =	vst v13;
	v13 =	vor.u32 $0x100, v7  }
0x592: {  	v19 =	vor.u32 $0x100, v6;
	v17 =	vld [tilespmem:s28+$0xFFFFFFD0]  }
0x593: {  	v20 =	vor.u32 $0x180, v4;
	[tilespmem:s25+$0x30] =	vst v16;
	v9 =	vld.idx.msk [tilespmem:v9+s10+$0x0], $0xffff  }
0x594: {  	v22 =	vor.u32 $0x100, v2;
	v23 =	vor.u32 $0x180, v5;
	v5 =	vor.u32 $0x100, v1;
	v16 =	vld [tilespmem:s28+$0x0]  }
0x595: {  	v24 =	vor.u32 $0x100, v0;
	v4 =	vshll.u32 v12, $0x2;
	v11 =	vld.idx.msk [tilespmem:v11+s10+$0x0], $0xffff;
	[tilespmem:s25+$0x70] =	vst v8;
	v8 =	vor.u32 $0x100, v3  }
0x596: {  	v4 =	vand.u32 $0xFFFFFE00, v4;
	v25 =	vand.u32 $0x7F, v14;
	v14 =	vshll.u32 v14, $0x2;
	v13 =	vld.idx.msk [tilespmem:v13+s10+$0x0], $0xffff  }
0x597: {  	v6 =	vor.u32 $0x180, v6;
	v12 =	vand.u32 $0x7F, v12;
	v14 =	vand.u32 $0xFFFFFE00, v14;
	v19 =	vld.idx.msk [tilespmem:v19+s10+$0x0], $0xffff  }
0x598: {  	v7 =	vor.u32 $0x180, v7;
	v4 =	vor.u32 v12, v4;
	v12 =	vshll.u32 v21, $0x2;
	v20 =	vld.idx.msk [tilespmem:v20+s10+$0x0], $0xffff  }
0x599: {  	v26 =	vshll.u32 v15, $0x2;
	v14 =	vor.u32 v25, v14;
	v27 =	vshll.u32 v16, $0x2;
	v22 =	vld.idx.msk [tilespmem:v22+s10+$0x0], $0xffff;
	[tilespmem:s25+$0x60] =	vst v9  }
0x59a: {  	v21 =	vand.u32 $0x7F, v21;
	v9 =	vand.u32 $0xFFFFFE00, v26;
	v16 =	vand.u32 $0x7F, v16;
	v25 =	vld.idx.msk [tilespmem:v5+s10+$0x0], $0xffff  }
0x59b: {  	v12 =	vand.u32 $0xFFFFFE00, v12;
	v26 =	vor.u32 $0x180, v2;
	v5 =	vand.u32 $0xFFFFFE00, v27;
	[tilespmem:s25+$0xFFFFFFD0] =	vst v11;
	v8 =	vld.idx.msk [tilespmem:v8+s10+$0x0], $0xffff  }
0x59c: {  	v2 =	vshll.u32 v18, $0x2;
	v11 =	vor.u32 v16, v5;
	v5 =	vor.u32 v21, v12;
	[tilespmem:s25+$0xFFFFFF90] =	vst v13;
	v12 =	vld.idx.msk [tilespmem:v24+s10+$0x0], $0xffff  }
0x59d: {  	v2 =	vand.u32 $0xFFFFFE00, v2;
	v13 =	vor.u32 $0x180, v3;
	v3 =	vmov v14;
	v7 =	vld.idx.msk [tilespmem:v7+s10+$0x0], $0xffff;
	[tilespmem:s25+$0xFFFFFFB0] =	vst v19  }
0x59e: {  	v14 =	vand.u32 $0x7F, v18;
	v18 =	vor.u32 $0x180, v0;
	v0 =	vmovc v11;
	v19 =	vor.u32 $0x180, v1;
	[tilespmem:s25+$0xFFFFFF00] =	vst v20;
	v16 =	vld.idx.msk [tilespmem:v6+s10+$0x0], $0xffff  }
0x59f: {  	v21 =	vor.u32 $0x80, v4;
	v2 =	vor.u32 v14, v2;
	v1 =	vand.u32 $0x7F, v15;
	[tilespmem:s25+$0xFFFFFFA0] =	vst v22;
	v11 =	vld.idx.msk [tilespmem:v23+s10+$0x0], $0xffff  }
0x5a0: {  	v6 =	vor.u32 v1, v9;
	v1 =	vshll.u32 v10, $0x2;
	v9 =	vld.idx.msk [tilespmem:v26+s10+$0x0], $0xffff;
	[tilespmem:s25+$0xFFFFFFE0] =	vst v25  }
0x5a1: {  	v10 =	vand.u32 $0x7F, v10;
	v1 =	vand.u32 $0xFFFFFE00, v1;
	v15 =	vld.idx.msk [tilespmem:v4+s10+$0x0], $0xffff;
	[tilespmem:s25+$0xFFFFFFF0] =	vst v8  }
0x5a2: {  	v1 =	vor.u32 v10, v1;
	[tilespmem:s25+$0xFFFFFFC0] =	vst v12;
	v22 =	vld.idx.msk [tilespmem:v13+s10+$0x0], $0xffff  }
0x5a3: {  	v8 =	vshll.u32 v17, $0x2;
	v12 =	vor.u32 $0x80, v5;
	v13 =	vld.idx.msk [tilespmem:v0+s10+$0x0], $0xffff;
	[tilespmem:s25+$0xFFFFFF10] =	vst v7  }
0x5a4: {  	v10 =	vand.u32 $0xFFFFFE00, v8;
	v8 =	vor.u32 $0x80, v3;
	v7 =	vand.u32 $0x7F, v17;
	[tilespmem:s25+$0xFFFFFF30] =	vst v16;
	v16 =	vld.idx.msk [tilespmem:v18+s10+$0x0], $0xffff  }
0x5a5: {  	v7 =	vor.u32 v7, v10;
	[tilespmem:s25+$0xFFFFFF50] =	vst v11;
	v23 =	vld.idx.msk [tilespmem:v19+s10+$0x0], $0xffff  }
0x5a6: {  	v14 =	vor.u32 $0x80, v7;
	v11 =	vld.idx.msk [tilespmem:v2+s10+$0x0], $0xffff  }
.Ltmp13:
0x5a7: {  	[tilespmem:s29+$0x80] =	vst v15;
	v15 =	vor.u32 $0x80, v2;
	v17 =	vld.idx.msk [tilespmem:v5+s10+$0x0], $0xffff;
	(pc) =	sbr.rel @p0 .LBB2_28-.Ltmp13, $4  }
0x5a8: {  	v20 =	vor.u32 $0x80, v0;
	v10 =	vld.idx.msk [tilespmem:v1+s10+$0x0], $0xffff;
	[tilespmem:s25+$0xFFFFFF70] =	vst v22  }
0x5a9: {  	v18 =	vld.idx.msk [tilespmem:v21+s10+$0x0], $0xffff;
	[tilespmem:s25+$0xFFFFFF20] =	vst v9  }
0x5aa: {  	v19 =	vld.idx.msk [tilespmem:v7+s10+$0x0], $0xffff;
	[tilespmem:s25+$0xFFFFFF40] =	vst v16  }
0x5ab: {  	s28 =	sadd.s32 $0x80, s28;
	v9 =	vor.u32 $0x80, v1;
	v16 =	vld.idx.msk [tilespmem:v6+s10+$0x0], $0xffff;
	[tilespmem:s25+$0xFFFFFF60] =	vst v23;
	s25 =	smov.u32 s29  }
0x5ac: {  	_ =	sdelay $0x2  }
0x5ad: {  	[tilespmem:s25+$0xC0] =	vst v13  }
0x5ae: {  	v13 =	vld.idx.msk [tilespmem:v3+s10+$0x0], $0xffff;
	[tilespmem:s25+$0xD0] =	vst v17  }
0x5af: {  	[tilespmem:s25+$0xA0] =	vst v11;
	v17 =	vld.idx.msk [tilespmem:v20+s10+$0x0], $0xffff;
	v20 =	vor.u32 $0x100, v4  }
0x5b0: {  	[tilespmem:s25+$0x0] =	vst v18  }
0x5b1: {  	v12 =	vld.idx.msk [tilespmem:v12+s10+$0x0], $0xffff;
	v18 =	vor.u32 $0x80, v6;
	[tilespmem:s25+$0x90] =	vst v19  }
0x5b2: {  	[tilespmem:s25+$0xE0] =	vst v10;
	v11 =	vld.idx.msk [tilespmem:v14+s10+$0x0], $0xffff  }
0x5b3: {  	[tilespmem:s25+$0xF0] =	vst v13;
	v13 =	vld.idx.msk [tilespmem:v15+s10+$0x0], $0xffff  }
0x5b4: {  	v14 =	vor.u32 $0x100, v5;
	[tilespmem:s25+$0x40] =	vst v17;
	v17 =	vld.idx.msk [tilespmem:v20+s10+$0x0], $0xffff  }
0x5b5: {  	v10 =	vor.u32 $0x100, v2;
	[tilespmem:s25+$0xB0] =	vst v16;
	v8 =	vld.idx.msk [tilespmem:v8+s10+$0x0], $0xffff  }
0x5b6: {  	v16 =	vor.u32 $0x100, v7;
	[tilespmem:s25+$0x50] =	vst v12;
	v15 =	vld.idx.msk [tilespmem:v18+s10+$0x0], $0xffff  }
0x5b7: {  	v4 =	vor.u32 $0x180, v4;
	[tilespmem:s25+$0x10] =	vst v11  }
0x5b8: {  	v9 =	vld.idx.msk [tilespmem:v9+s10+$0x0], $0xffff;
	v12 =	vor.u32 $0x100, v6;
	[tilespmem:s25+$0x20] =	vst v13  }
0x5b9: {  	v11 =	vld.idx.msk [tilespmem:v14+s10+$0x0], $0xffff;
	v14 =	vor.u32 $0x100, v1;
	[tilespmem:s25+$0xFFFFFF80] =	vst v17  }
0x5ba: {  	v13 =	vor.u32 $0x100, v3;
	[tilespmem:s25+$0x70] =	vst v8;
	v8 =	vld.idx.msk [tilespmem:v10+s10+$0x0], $0xffff  }
0x5bb: {  	v5 =	vor.u32 $0x180, v5;
	[tilespmem:s25+$0x30] =	vst v15;
	v15 =	vld.idx.msk [tilespmem:v16+s10+$0x0], $0xffff  }
0x5bc: {  	v16 =	vor.u32 $0x100, v0;
	v4 =	vld.idx.msk [tilespmem:v4+s10+$0x0], $0xffff  }
0x5bd: {  	v2 =	vor.u32 $0x180, v2;
	[tilespmem:s25+$0x60] =	vst v9;
	v12 =	vld.idx.msk [tilespmem:v12+s10+$0x0], $0xffff  }
0x5be: {  	v7 =	vor.u32 $0x180, v7;
	[tilespmem:s25+$0xFFFFFFD0] =	vst v11;
	v10 =	vld.idx.msk [tilespmem:v14+s10+$0x0], $0xffff  }
0x5bf: {  	v6 =	vor.u32 $0x180, v6;
	v9 =	vld.idx.msk [tilespmem:v13+s10+$0x0], $0xffff;
	[tilespmem:s25+$0xFFFFFFA0] =	vst v8  }
0x5c0: {  	v1 =	vor.u32 $0x180, v1;
	v5 =	vld.idx.msk [tilespmem:v5+s10+$0x0], $0xffff;
	[tilespmem:s25+$0xFFFFFF90] =	vst v15  }
0x5c1: {  	v3 =	vor.u32 $0x180, v3;
	v11 =	vld.idx.msk [tilespmem:v16+s10+$0x0], $0xffff;
	[tilespmem:s25+$0xFFFFFF00] =	vst v4  }
0x5c2: {  	v0 =	vor.u32 $0x180, v0;
	v2 =	vld.idx.msk [tilespmem:v2+s10+$0x0], $0xffff;
	[tilespmem:s25+$0xFFFFFFB0] =	vst v12  }
0x5c3: {  	v7 =	vld.idx.msk [tilespmem:v7+s10+$0x0], $0xffff;
	[tilespmem:s25+$0xFFFFFFE0] =	vst v10  }
0x5c4: {  	v4 =	vld.idx.msk [tilespmem:v6+s10+$0x0], $0xffff;
	[tilespmem:s25+$0xFFFFFFF0] =	vst v9  }
0x5c5: {  	v1 =	vld.idx.msk [tilespmem:v1+s10+$0x0], $0xffff;
	[tilespmem:s25+$0xFFFFFF50] =	vst v5  }
0x5c6: {  	v3 =	vld.idx.msk [tilespmem:v3+s10+$0x0], $0xffff;
	[tilespmem:s25+$0xFFFFFFC0] =	vst v11  }
0x5c7: {  	[tilespmem:s25+$0xFFFFFF20] =	vst v2;
	v0 =	vld.idx.msk [tilespmem:v0+s10+$0x0], $0xffff  }
0x5c8: {  	[tilespmem:s25+$0xFFFFFF10] =	vst v7  }
0x5c9: {  	[tilespmem:s25+$0xFFFFFF30] =	vst v4  }
0x5ca: {  	[tilespmem:s25+$0xFFFFFF60] =	vst v1  }
0x5cb: {  	[tilespmem:s25+$0xFFFFFF70] =	vst v3  }
0x5cc: {  	[tilespmem:s25+$0xFFFFFF40] =	vst v0  }
0x5cd: {  	[hbm4b:s4+s6] =	stream.strided.scatter [tilespmem:s17], [sflag:$0x6], $0x4000, s7, s6, $0x38;
	[tilespmem:$0x1D000] =	vst v63  }
0x5ce: {  	_ =	swait.ge [sflag:s18], $0x4000  }
0x5cf: {  	[sflag:s18] =	ssyncset.done $0x0  }
0x5d0: {  	[sflag:s18] =	ssyncadd.s32 $0xFFFFC000  }
0x5d1: {  	_ =	swait.ge [sflag:s23], $0x4000  }
0x5d2: {  	[sflag:s23] =	ssyncset.done $0x0  }
0x5d3: {  	s26 =	simm.s32 $0x40;
	[sflag:s23] =	ssyncadd.s32 $0xFFFFC000  }
0x5d4: {  	v0 =	vld [tilespmem:s26+$0xFFFFFFC0]  }
0x5d5: {  	v1 =	vld [tilespmem:s26+$0x10]  }
0x5d6: {  	v3 =	vld [tilespmem:s26+$0xFFFFFFE0]  }
0x5d7: {  	v2 =	vld [tilespmem:s26+$0x0];
	_ =	sdelay $0x1  }
0x5d8: {  	v6 =	vld [tilespmem:s26+$0x20]  }
0x5d9: {  	v7 =	vld [tilespmem:s26+$0xFFFFFFF0];
	v4 =	vshll.u32 v0, $0x2;
	v0 =	vand.u32 $0x7F, v0;
	v5 =	vshll.u32 v1, $0x2  }
0x5da: {  	v1 =	vand.u32 $0x7F, v1;
	v9 =	vshll.u32 v3, $0x2;
	v4 =	vand.u32 $0xFFFFFE00, v4  }
0x5db: {  	v8 =	vld [tilespmem:s26+$0xFFFFFFD0];
	v3 =	vand.u32 $0x7F, v3;
	v4 =	vor.u32 v0, v4;
	v0 =	vshll.u32 v2, $0x2  }
0x5dc: {  	v5 =	vand.u32 $0xFFFFFE00, v5;
	v2 =	vand.u32 $0x7F, v2;
	v0 =	vand.u32 $0xFFFFFE00, v0  }
0x5dd: {  	v5 =	vor.u32 v1, v5;
	v0 =	vor.u32 v2, v0;
	v2 =	vand.u32 $0xFFFFFE00, v9;
	v9 =	vld [tilespmem:s26+$0x30]  }
0x5de: {  	v11 =	vand.u32 $0x7F, v7;
	v2 =	vor.u32 v3, v2;
	v3 =	vshll.u32 v6, $0x2  }
0x5df: {  	v1 =	vand.u32 $0x7F, v6;
	v12 =	vor.u32 $0x80, v4;
	v3 =	vand.u32 $0xFFFFFE00, v3  }
0x5e0: {  	v6 =	vshll.u32 v7, $0x2;
	v10 =	vld.idx.msk [tilespmem:v4+s11+$0x0], $0xffff;
	v1 =	vor.u32 v1, v3;
	v3 =	vshll.u32 v8, $0x2  }
0x5e1: {  	v6 =	vand.u32 $0xFFFFFE00, v6;
	v8 =	vand.u32 $0x7F, v8;
	v3 =	vand.u32 $0xFFFFFE00, v3  }
0x5e2: {  	v6 =	vor.u32 v11, v6;
	v17 =	vld.idx.msk [tilespmem:v5+s11+$0x0], $0xffff;
	v7 =	vor.u32 v8, v3;
	v3 =	vshll.u32 v9, $0x2  }
0x5e3: {  	v13 =	vld.idx.msk [tilespmem:v0+s11+$0x0], $0xffff;
	v8 =	vand.u32 $0x7F, v9;
	v3 =	vand.u32 $0xFFFFFE00, v3  }
0x5e4: {  	s25 =	simm.s32 $0x19100;
	v11 =	vld.idx.msk [tilespmem:v2+s11+$0x0], $0xffff;
	v3 =	vor.u32 v8, v3  }
0x5e5: {  	v20 =	vor.u32 $0x80, v0;
	[tilespmem:s25+$0x80] =	vst v10;
	v10 =	vld.idx.msk [tilespmem:v1+s11+$0x0], $0xffff  }
0x5e6: {  	v18 =	vld.idx.msk [tilespmem:v12+s11+$0x0], $0xffff;
	v12 =	vor.u32 $0x80, v5  }
0x5e7: {  	v15 =	vor.u32 $0x80, v2;
	v16 =	vld.idx.msk [tilespmem:v6+s11+$0x0], $0xffff  }
0x5e8: {  	s28 =	simm.s32 $0xC0;
	s29 =	simm.s32 $0x19100;
	s26 =	simm.s32 $0x0;
	v9 =	vor.u32 $0x80, v1;
	v14 =	vor.u32 $0x80, v7;
	v8 =	vor.u32 $0x80, v3;
	v19 =	vld.idx.msk [tilespmem:v7+s11+$0x0], $0xffff  }
.LBB2_30:
0x5e9: {  	s26 =	sadd.s32 $0x8, s26;
	[tilespmem:s25+$0xC0] =	vst v13;
	v13 =	vld.idx.msk [tilespmem:v3+s11+$0x0], $0xffff;
	s29 =	sadd.s32 $0x200, s29  }
0x5ea: {  	p0 =	slt.u32 s26, $0xF8;
	v20 =	vld.idx.msk [tilespmem:v20+s11+$0x0], $0xffff;
	[tilespmem:s25+$0xD0] =	vst v17  }
0x5eb: {  	v17 =	vor.u32 $0x100, v4;
	v12 =	vld.idx.msk [tilespmem:v12+s11+$0x0], $0xffff  }
0x5ec: {  	v21 =	vld [tilespmem:s28+$0x10];
	[tilespmem:s25+$0x0] =	vst v18  }
0x5ed: {  	v18 =	vld [tilespmem:s28+$0xFFFFFFE0];
	[tilespmem:s25+$0x90] =	vst v19;
	v19 =	vor.u32 $0x80, v6  }
0x5ee: {  	v14 =	vld.idx.msk [tilespmem:v14+s11+$0x0], $0xffff;
	[tilespmem:s25+$0xA0] =	vst v11  }
0x5ef: {  	v11 =	vld.idx.msk [tilespmem:v15+s11+$0x0], $0xffff;
	[tilespmem:s25+$0xF0] =	vst v13  }
0x5f0: {  	v13 =	vld.idx.msk [tilespmem:v17+s11+$0x0], $0xffff;
	[tilespmem:s25+$0x40] =	vst v20  }
0x5f1: {  	v15 =	vld [tilespmem:s28+$0xFFFFFFF0];
	[tilespmem:s25+$0xB0] =	vst v16  }
0x5f2: {  	v16 =	vld.idx.msk [tilespmem:v19+s11+$0x0], $0xffff;
	[tilespmem:s25+$0x50] =	vst v12  }
0x5f3: {  	v12 =	vld [tilespmem:s28+$0xFFFFFFC0];
	[tilespmem:s25+$0xE0] =	vst v10  }
0x5f4: {  	[tilespmem:s25+$0x10] =	vst v14;
	v8 =	vld.idx.msk [tilespmem:v8+s11+$0x0], $0xffff  }
0x5f5: {  	v10 =	vld [tilespmem:s28+$0x20];
	[tilespmem:s25+$0x20] =	vst v11;
	v11 =	vor.u32 $0x100, v5  }
0x5f6: {  	v14 =	vld [tilespmem:s28+$0x30];
	[tilespmem:s25+$0xFFFFFF80] =	vst v13;
	v13 =	vor.u32 $0x100, v7  }
0x5f7: {  	v19 =	vor.u32 $0x100, v6;
	v17 =	vld [tilespmem:s28+$0xFFFFFFD0]  }
0x5f8: {  	v20 =	vor.u32 $0x180, v4;
	[tilespmem:s25+$0x30] =	vst v16;
	v9 =	vld.idx.msk [tilespmem:v9+s11+$0x0], $0xffff  }
0x5f9: {  	v22 =	vor.u32 $0x100, v2;
	v23 =	vor.u32 $0x180, v5;
	v5 =	vor.u32 $0x100, v1;
	v16 =	vld [tilespmem:s28+$0x0]  }
0x5fa: {  	v24 =	vor.u32 $0x100, v0;
	v4 =	vshll.u32 v12, $0x2;
	v11 =	vld.idx.msk [tilespmem:v11+s11+$0x0], $0xffff;
	[tilespmem:s25+$0x70] =	vst v8;
	v8 =	vor.u32 $0x100, v3  }
0x5fb: {  	v4 =	vand.u32 $0xFFFFFE00, v4;
	v25 =	vand.u32 $0x7F, v14;
	v14 =	vshll.u32 v14, $0x2;
	v13 =	vld.idx.msk [tilespmem:v13+s11+$0x0], $0xffff  }
0x5fc: {  	v6 =	vor.u32 $0x180, v6;
	v12 =	vand.u32 $0x7F, v12;
	v14 =	vand.u32 $0xFFFFFE00, v14;
	v19 =	vld.idx.msk [tilespmem:v19+s11+$0x0], $0xffff  }
0x5fd: {  	v7 =	vor.u32 $0x180, v7;
	v4 =	vor.u32 v12, v4;
	v12 =	vshll.u32 v21, $0x2;
	v20 =	vld.idx.msk [tilespmem:v20+s11+$0x0], $0xffff  }
0x5fe: {  	v26 =	vshll.u32 v15, $0x2;
	v14 =	vor.u32 v25, v14;
	v27 =	vshll.u32 v16, $0x2;
	v22 =	vld.idx.msk [tilespmem:v22+s11+$0x0], $0xffff;
	[tilespmem:s25+$0x60] =	vst v9  }
0x5ff: {  	v21 =	vand.u32 $0x7F, v21;
	v9 =	vand.u32 $0xFFFFFE00, v26;
	v16 =	vand.u32 $0x7F, v16;
	v25 =	vld.idx.msk [tilespmem:v5+s11+$0x0], $0xffff  }
0x600: {  	v12 =	vand.u32 $0xFFFFFE00, v12;
	v26 =	vor.u32 $0x180, v2;
	v5 =	vand.u32 $0xFFFFFE00, v27;
	[tilespmem:s25+$0xFFFFFFD0] =	vst v11;
	v8 =	vld.idx.msk [tilespmem:v8+s11+$0x0], $0xffff  }
0x601: {  	v2 =	vshll.u32 v18, $0x2;
	v11 =	vor.u32 v16, v5;
	v5 =	vor.u32 v21, v12;
	[tilespmem:s25+$0xFFFFFF90] =	vst v13;
	v12 =	vld.idx.msk [tilespmem:v24+s11+$0x0], $0xffff  }
0x602: {  	v2 =	vand.u32 $0xFFFFFE00, v2;
	v13 =	vor.u32 $0x180, v3;
	v3 =	vmov v14;
	v7 =	vld.idx.msk [tilespmem:v7+s11+$0x0], $0xffff;
	[tilespmem:s25+$0xFFFFFFB0] =	vst v19  }
0x603: {  	v14 =	vand.u32 $0x7F, v18;
	v18 =	vor.u32 $0x180, v0;
	v0 =	vmovc v11;
	v19 =	vor.u32 $0x180, v1;
	[tilespmem:s25+$0xFFFFFF00] =	vst v20;
	v16 =	vld.idx.msk [tilespmem:v6+s11+$0x0], $0xffff  }
0x604: {  	v21 =	vor.u32 $0x80, v4;
	v2 =	vor.u32 v14, v2;
	v1 =	vand.u32 $0x7F, v15;
	[tilespmem:s25+$0xFFFFFFA0] =	vst v22;
	v11 =	vld.idx.msk [tilespmem:v23+s11+$0x0], $0xffff  }
0x605: {  	v6 =	vor.u32 v1, v9;
	v1 =	vshll.u32 v10, $0x2;
	v9 =	vld.idx.msk [tilespmem:v26+s11+$0x0], $0xffff;
	[tilespmem:s25+$0xFFFFFFE0] =	vst v25  }
0x606: {  	v10 =	vand.u32 $0x7F, v10;
	v1 =	vand.u32 $0xFFFFFE00, v1;
	v15 =	vld.idx.msk [tilespmem:v4+s11+$0x0], $0xffff;
	[tilespmem:s25+$0xFFFFFFF0] =	vst v8  }
0x607: {  	v1 =	vor.u32 v10, v1;
	[tilespmem:s25+$0xFFFFFFC0] =	vst v12;
	v22 =	vld.idx.msk [tilespmem:v13+s11+$0x0], $0xffff  }
0x608: {  	v8 =	vshll.u32 v17, $0x2;
	v12 =	vor.u32 $0x80, v5;
	v13 =	vld.idx.msk [tilespmem:v0+s11+$0x0], $0xffff;
	[tilespmem:s25+$0xFFFFFF10] =	vst v7  }
0x609: {  	v10 =	vand.u32 $0xFFFFFE00, v8;
	v8 =	vor.u32 $0x80, v3;
	v7 =	vand.u32 $0x7F, v17;
	[tilespmem:s25+$0xFFFFFF30] =	vst v16;
	v16 =	vld.idx.msk [tilespmem:v18+s11+$0x0], $0xffff  }
0x60a: {  	v7 =	vor.u32 v7, v10;
	[tilespmem:s25+$0xFFFFFF50] =	vst v11;
	v23 =	vld.idx.msk [tilespmem:v19+s11+$0x0], $0xffff  }
0x60b: {  	v14 =	vor.u32 $0x80, v7;
	v11 =	vld.idx.msk [tilespmem:v2+s11+$0x0], $0xffff  }
.Ltmp14:
0x60c: {  	[tilespmem:s29+$0x80] =	vst v15;
	v15 =	vor.u32 $0x80, v2;
	v17 =	vld.idx.msk [tilespmem:v5+s11+$0x0], $0xffff;
	(pc) =	sbr.rel @p0 .LBB2_30-.Ltmp14, $4  }
0x60d: {  	v20 =	vor.u32 $0x80, v0;
	v10 =	vld.idx.msk [tilespmem:v1+s11+$0x0], $0xffff;
	[tilespmem:s25+$0xFFFFFF70] =	vst v22  }
0x60e: {  	v18 =	vld.idx.msk [tilespmem:v21+s11+$0x0], $0xffff;
	[tilespmem:s25+$0xFFFFFF20] =	vst v9  }
0x60f: {  	v19 =	vld.idx.msk [tilespmem:v7+s11+$0x0], $0xffff;
	[tilespmem:s25+$0xFFFFFF40] =	vst v16  }
0x610: {  	s28 =	sadd.s32 $0x80, s28;
	v9 =	vor.u32 $0x80, v1;
	v16 =	vld.idx.msk [tilespmem:v6+s11+$0x0], $0xffff;
	[tilespmem:s25+$0xFFFFFF60] =	vst v23;
	s25 =	smov.u32 s29  }
0x611: {  	_ =	sdelay $0x2  }
0x612: {  	[tilespmem:s25+$0xC0] =	vst v13  }
0x613: {  	v13 =	vld.idx.msk [tilespmem:v3+s11+$0x0], $0xffff;
	[tilespmem:s25+$0xD0] =	vst v17  }
0x614: {  	[tilespmem:s25+$0xA0] =	vst v11;
	v17 =	vld.idx.msk [tilespmem:v20+s11+$0x0], $0xffff;
	v20 =	vor.u32 $0x100, v4  }
0x615: {  	[tilespmem:s25+$0x0] =	vst v18  }
0x616: {  	v12 =	vld.idx.msk [tilespmem:v12+s11+$0x0], $0xffff;
	v18 =	vor.u32 $0x80, v6;
	[tilespmem:s25+$0x90] =	vst v19  }
0x617: {  	[tilespmem:s25+$0xE0] =	vst v10;
	v11 =	vld.idx.msk [tilespmem:v14+s11+$0x0], $0xffff  }
0x618: {  	[tilespmem:s25+$0xF0] =	vst v13;
	v13 =	vld.idx.msk [tilespmem:v15+s11+$0x0], $0xffff  }
0x619: {  	v14 =	vor.u32 $0x100, v5;
	[tilespmem:s25+$0x40] =	vst v17;
	v17 =	vld.idx.msk [tilespmem:v20+s11+$0x0], $0xffff  }
0x61a: {  	v10 =	vor.u32 $0x100, v2;
	[tilespmem:s25+$0xB0] =	vst v16;
	v8 =	vld.idx.msk [tilespmem:v8+s11+$0x0], $0xffff  }
0x61b: {  	v16 =	vor.u32 $0x100, v7;
	[tilespmem:s25+$0x50] =	vst v12;
	v15 =	vld.idx.msk [tilespmem:v18+s11+$0x0], $0xffff  }
0x61c: {  	v4 =	vor.u32 $0x180, v4;
	[tilespmem:s25+$0x10] =	vst v11  }
0x61d: {  	v9 =	vld.idx.msk [tilespmem:v9+s11+$0x0], $0xffff;
	v12 =	vor.u32 $0x100, v6;
	[tilespmem:s25+$0x20] =	vst v13  }
0x61e: {  	v11 =	vld.idx.msk [tilespmem:v14+s11+$0x0], $0xffff;
	v14 =	vor.u32 $0x100, v1;
	[tilespmem:s25+$0xFFFFFF80] =	vst v17  }
0x61f: {  	v13 =	vor.u32 $0x100, v3;
	[tilespmem:s25+$0x70] =	vst v8;
	v8 =	vld.idx.msk [tilespmem:v10+s11+$0x0], $0xffff  }
0x620: {  	v5 =	vor.u32 $0x180, v5;
	[tilespmem:s25+$0x30] =	vst v15;
	v15 =	vld.idx.msk [tilespmem:v16+s11+$0x0], $0xffff  }
0x621: {  	v16 =	vor.u32 $0x100, v0;
	v4 =	vld.idx.msk [tilespmem:v4+s11+$0x0], $0xffff  }
0x622: {  	v2 =	vor.u32 $0x180, v2;
	[tilespmem:s25+$0x60] =	vst v9;
	v12 =	vld.idx.msk [tilespmem:v12+s11+$0x0], $0xffff  }
0x623: {  	v7 =	vor.u32 $0x180, v7;
	[tilespmem:s25+$0xFFFFFFD0] =	vst v11;
	v10 =	vld.idx.msk [tilespmem:v14+s11+$0x0], $0xffff  }
0x624: {  	v6 =	vor.u32 $0x180, v6;
	v9 =	vld.idx.msk [tilespmem:v13+s11+$0x0], $0xffff;
	[tilespmem:s25+$0xFFFFFFA0] =	vst v8  }
0x625: {  	v1 =	vor.u32 $0x180, v1;
	v5 =	vld.idx.msk [tilespmem:v5+s11+$0x0], $0xffff;
	[tilespmem:s25+$0xFFFFFF90] =	vst v15  }
0x626: {  	v3 =	vor.u32 $0x180, v3;
	v11 =	vld.idx.msk [tilespmem:v16+s11+$0x0], $0xffff;
	[tilespmem:s25+$0xFFFFFF00] =	vst v4  }
0x627: {  	v0 =	vor.u32 $0x180, v0;
	v2 =	vld.idx.msk [tilespmem:v2+s11+$0x0], $0xffff;
	[tilespmem:s25+$0xFFFFFFB0] =	vst v12  }
0x628: {  	v7 =	vld.idx.msk [tilespmem:v7+s11+$0x0], $0xffff;
	[tilespmem:s25+$0xFFFFFFE0] =	vst v10  }
0x629: {  	v4 =	vld.idx.msk [tilespmem:v6+s11+$0x0], $0xffff;
	[tilespmem:s25+$0xFFFFFFF0] =	vst v9  }
0x62a: {  	v1 =	vld.idx.msk [tilespmem:v1+s11+$0x0], $0xffff;
	[tilespmem:s25+$0xFFFFFF50] =	vst v5  }
0x62b: {  	v3 =	vld.idx.msk [tilespmem:v3+s11+$0x0], $0xffff;
	[tilespmem:s25+$0xFFFFFFC0] =	vst v11  }
0x62c: {  	[tilespmem:s25+$0xFFFFFF20] =	vst v2;
	v0 =	vld.idx.msk [tilespmem:v0+s11+$0x0], $0xffff  }
0x62d: {  	[tilespmem:s25+$0xFFFFFF10] =	vst v7  }
0x62e: {  	[tilespmem:s25+$0xFFFFFF30] =	vst v4  }
0x62f: {  	[tilespmem:s25+$0xFFFFFF60] =	vst v1  }
0x630: {  	[tilespmem:s25+$0xFFFFFF70] =	vst v3  }
0x631: {  	[tilespmem:s25+$0xFFFFFF40] =	vst v0  }
0x632: {  	[hbm4b:s5+s6] =	stream.strided.scatter [tilespmem:s19], [sflag:$0x7], $0x4000, s7, s6, $0x38;
	[tilespmem:$0x1D000] =	vst v63  }
0x633: {  	_ =	swait.ge [sflag:s20], $0x4000  }
0x634: {  	[sflag:s20] =	ssyncset.done $0x0  }
0x635: {  	[sflag:s20] =	ssyncadd.s32 $0xFFFFC000  }
0x636: {  	_ =	swait.ge [sflag:s21], $0x4000  }
0x637: {  	[sflag:s21] =	ssyncset.done $0x0  }
0x638: {  	s26 =	simm.s32 $0x40;
	[sflag:s21] =	ssyncadd.s32 $0xFFFFC000  }
0x639: {  	v0 =	vld [tilespmem:s26+$0xFFFFFFC0]  }
0x63a: {  	v1 =	vld [tilespmem:s26+$0x10]  }
0x63b: {  	v3 =	vld [tilespmem:s26+$0xFFFFFFE0]  }
0x63c: {  	v2 =	vld [tilespmem:s26+$0x0];
	_ =	sdelay $0x1  }
0x63d: {  	v6 =	vld [tilespmem:s26+$0x20]  }
0x63e: {  	v7 =	vld [tilespmem:s26+$0xFFFFFFF0];
	v4 =	vshll.u32 v0, $0x2;
	v0 =	vand.u32 $0x7F, v0;
	v5 =	vshll.u32 v1, $0x2  }
0x63f: {  	v1 =	vand.u32 $0x7F, v1;
	v9 =	vshll.u32 v3, $0x2;
	v4 =	vand.u32 $0xFFFFFE00, v4  }
0x640: {  	v8 =	vld [tilespmem:s26+$0xFFFFFFD0];
	v3 =	vand.u32 $0x7F, v3;
	v4 =	vor.u32 v0, v4;
	v0 =	vshll.u32 v2, $0x2  }
0x641: {  	v5 =	vand.u32 $0xFFFFFE00, v5;
	v2 =	vand.u32 $0x7F, v2;
	v0 =	vand.u32 $0xFFFFFE00, v0  }
0x642: {  	v5 =	vor.u32 v1, v5;
	v0 =	vor.u32 v2, v0;
	v2 =	vand.u32 $0xFFFFFE00, v9;
	v9 =	vld [tilespmem:s26+$0x30]  }
0x643: {  	v11 =	vand.u32 $0x7F, v7;
	v2 =	vor.u32 v3, v2;
	v3 =	vshll.u32 v6, $0x2  }
0x644: {  	v1 =	vand.u32 $0x7F, v6;
	v12 =	vor.u32 $0x80, v4;
	v3 =	vand.u32 $0xFFFFFE00, v3  }
0x645: {  	v6 =	vshll.u32 v7, $0x2;
	v10 =	vld.idx.msk [tilespmem:v4+s12+$0x0], $0xffff;
	v1 =	vor.u32 v1, v3;
	v3 =	vshll.u32 v8, $0x2  }
0x646: {  	v6 =	vand.u32 $0xFFFFFE00, v6;
	v8 =	vand.u32 $0x7F, v8;
	v3 =	vand.u32 $0xFFFFFE00, v3  }
0x647: {  	v6 =	vor.u32 v11, v6;
	v17 =	vld.idx.msk [tilespmem:v5+s12+$0x0], $0xffff;
	v7 =	vor.u32 v8, v3;
	v3 =	vshll.u32 v9, $0x2  }
0x648: {  	v13 =	vld.idx.msk [tilespmem:v0+s12+$0x0], $0xffff;
	v8 =	vand.u32 $0x7F, v9;
	v3 =	vand.u32 $0xFFFFFE00, v3  }
0x649: {  	s25 =	simm.s32 $0x11100;
	v11 =	vld.idx.msk [tilespmem:v2+s12+$0x0], $0xffff;
	v3 =	vor.u32 v8, v3  }
0x64a: {  	v20 =	vor.u32 $0x80, v0;
	[tilespmem:s25+$0x80] =	vst v10;
	v10 =	vld.idx.msk [tilespmem:v1+s12+$0x0], $0xffff  }
0x64b: {  	v18 =	vld.idx.msk [tilespmem:v12+s12+$0x0], $0xffff;
	v12 =	vor.u32 $0x80, v5  }
0x64c: {  	v15 =	vor.u32 $0x80, v2;
	v16 =	vld.idx.msk [tilespmem:v6+s12+$0x0], $0xffff  }
0x64d: {  	s28 =	simm.s32 $0xC0;
	s29 =	simm.s32 $0x11100;
	s26 =	simm.s32 $0x0;
	v9 =	vor.u32 $0x80, v1;
	v14 =	vor.u32 $0x80, v7;
	v8 =	vor.u32 $0x80, v3;
	v19 =	vld.idx.msk [tilespmem:v7+s12+$0x0], $0xffff  }
.LBB2_32:
0x64e: {  	s26 =	sadd.s32 $0x8, s26;
	[tilespmem:s25+$0xC0] =	vst v13;
	v13 =	vld.idx.msk [tilespmem:v3+s12+$0x0], $0xffff;
	s29 =	sadd.s32 $0x200, s29  }
0x64f: {  	p0 =	slt.u32 s26, $0xF8;
	v20 =	vld.idx.msk [tilespmem:v20+s12+$0x0], $0xffff;
	[tilespmem:s25+$0xD0] =	vst v17  }
0x650: {  	v17 =	vor.u32 $0x100, v4;
	v12 =	vld.idx.msk [tilespmem:v12+s12+$0x0], $0xffff  }
0x651: {  	v21 =	vld [tilespmem:s28+$0x10];
	[tilespmem:s25+$0x0] =	vst v18  }
0x652: {  	v18 =	vld [tilespmem:s28+$0xFFFFFFE0];
	[tilespmem:s25+$0x90] =	vst v19;
	v19 =	vor.u32 $0x80, v6  }
0x653: {  	v14 =	vld.idx.msk [tilespmem:v14+s12+$0x0], $0xffff;
	[tilespmem:s25+$0xA0] =	vst v11  }
0x654: {  	v11 =	vld.idx.msk [tilespmem:v15+s12+$0x0], $0xffff;
	[tilespmem:s25+$0xF0] =	vst v13  }
0x655: {  	v13 =	vld.idx.msk [tilespmem:v17+s12+$0x0], $0xffff;
	[tilespmem:s25+$0x40] =	vst v20  }
0x656: {  	v15 =	vld [tilespmem:s28+$0xFFFFFFF0];
	[tilespmem:s25+$0xB0] =	vst v16  }
0x657: {  	v16 =	vld.idx.msk [tilespmem:v19+s12+$0x0], $0xffff;
	[tilespmem:s25+$0x50] =	vst v12  }
0x658: {  	v12 =	vld [tilespmem:s28+$0xFFFFFFC0];
	[tilespmem:s25+$0xE0] =	vst v10  }
0x659: {  	[tilespmem:s25+$0x10] =	vst v14;
	v8 =	vld.idx.msk [tilespmem:v8+s12+$0x0], $0xffff  }
0x65a: {  	v10 =	vld [tilespmem:s28+$0x20];
	[tilespmem:s25+$0x20] =	vst v11;
	v11 =	vor.u32 $0x100, v5  }
0x65b: {  	v14 =	vld [tilespmem:s28+$0x30];
	[tilespmem:s25+$0xFFFFFF80] =	vst v13;
	v13 =	vor.u32 $0x100, v7  }
0x65c: {  	v19 =	vor.u32 $0x100, v6;
	v17 =	vld [tilespmem:s28+$0xFFFFFFD0]  }
0x65d: {  	v20 =	vor.u32 $0x180, v4;
	[tilespmem:s25+$0x30] =	vst v16;
	v9 =	vld.idx.msk [tilespmem:v9+s12+$0x0], $0xffff  }
0x65e: {  	v22 =	vor.u32 $0x100, v2;
	v23 =	vor.u32 $0x180, v5;
	v5 =	vor.u32 $0x100, v1;
	v16 =	vld [tilespmem:s28+$0x0]  }
0x65f: {  	v24 =	vor.u32 $0x100, v0;
	v4 =	vshll.u32 v12, $0x2;
	v11 =	vld.idx.msk [tilespmem:v11+s12+$0x0], $0xffff;
	[tilespmem:s25+$0x70] =	vst v8;
	v8 =	vor.u32 $0x100, v3  }
0x660: {  	v4 =	vand.u32 $0xFFFFFE00, v4;
	v25 =	vand.u32 $0x7F, v14;
	v14 =	vshll.u32 v14, $0x2;
	v13 =	vld.idx.msk [tilespmem:v13+s12+$0x0], $0xffff  }
0x661: {  	v6 =	vor.u32 $0x180, v6;
	v12 =	vand.u32 $0x7F, v12;
	v14 =	vand.u32 $0xFFFFFE00, v14;
	v19 =	vld.idx.msk [tilespmem:v19+s12+$0x0], $0xffff  }
0x662: {  	v7 =	vor.u32 $0x180, v7;
	v4 =	vor.u32 v12, v4;
	v12 =	vshll.u32 v21, $0x2;
	v20 =	vld.idx.msk [tilespmem:v20+s12+$0x0], $0xffff  }
0x663: {  	v26 =	vshll.u32 v15, $0x2;
	v14 =	vor.u32 v25, v14;
	v27 =	vshll.u32 v16, $0x2;
	v22 =	vld.idx.msk [tilespmem:v22+s12+$0x0], $0xffff;
	[tilespmem:s25+$0x60] =	vst v9  }
0x664: {  	v21 =	vand.u32 $0x7F, v21;
	v9 =	vand.u32 $0xFFFFFE00, v26;
	v16 =	vand.u32 $0x7F, v16;
	v25 =	vld.idx.msk [tilespmem:v5+s12+$0x0], $0xffff  }
0x665: {  	v12 =	vand.u32 $0xFFFFFE00, v12;
	v26 =	vor.u32 $0x180, v2;
	v5 =	vand.u32 $0xFFFFFE00, v27;
	[tilespmem:s25+$0xFFFFFFD0] =	vst v11;
	v8 =	vld.idx.msk [tilespmem:v8+s12+$0x0], $0xffff  }
0x666: {  	v2 =	vshll.u32 v18, $0x2;
	v11 =	vor.u32 v16, v5;
	v5 =	vor.u32 v21, v12;
	[tilespmem:s25+$0xFFFFFF90] =	vst v13;
	v12 =	vld.idx.msk [tilespmem:v24+s12+$0x0], $0xffff  }
0x667: {  	v2 =	vand.u32 $0xFFFFFE00, v2;
	v13 =	vor.u32 $0x180, v3;
	v3 =	vmov v14;
	v7 =	vld.idx.msk [tilespmem:v7+s12+$0x0], $0xffff;
	[tilespmem:s25+$0xFFFFFFB0] =	vst v19  }
0x668: {  	v14 =	vand.u32 $0x7F, v18;
	v18 =	vor.u32 $0x180, v0;
	v0 =	vmovc v11;
	v19 =	vor.u32 $0x180, v1;
	[tilespmem:s25+$0xFFFFFF00] =	vst v20;
	v16 =	vld.idx.msk [tilespmem:v6+s12+$0x0], $0xffff  }
0x669: {  	v21 =	vor.u32 $0x80, v4;
	v2 =	vor.u32 v14, v2;
	v1 =	vand.u32 $0x7F, v15;
	[tilespmem:s25+$0xFFFFFFA0] =	vst v22;
	v11 =	vld.idx.msk [tilespmem:v23+s12+$0x0], $0xffff  }
0x66a: {  	v6 =	vor.u32 v1, v9;
	v1 =	vshll.u32 v10, $0x2;
	v9 =	vld.idx.msk [tilespmem:v26+s12+$0x0], $0xffff;
	[tilespmem:s25+$0xFFFFFFE0] =	vst v25  }
0x66b: {  	v10 =	vand.u32 $0x7F, v10;
	v1 =	vand.u32 $0xFFFFFE00, v1;
	v15 =	vld.idx.msk [tilespmem:v4+s12+$0x0], $0xffff;
	[tilespmem:s25+$0xFFFFFFF0] =	vst v8  }
0x66c: {  	v1 =	vor.u32 v10, v1;
	[tilespmem:s25+$0xFFFFFFC0] =	vst v12;
	v22 =	vld.idx.msk [tilespmem:v13+s12+$0x0], $0xffff  }
0x66d: {  	v8 =	vshll.u32 v17, $0x2;
	v12 =	vor.u32 $0x80, v5;
	v13 =	vld.idx.msk [tilespmem:v0+s12+$0x0], $0xffff;
	[tilespmem:s25+$0xFFFFFF10] =	vst v7  }
0x66e: {  	v10 =	vand.u32 $0xFFFFFE00, v8;
	v8 =	vor.u32 $0x80, v3;
	v7 =	vand.u32 $0x7F, v17;
	[tilespmem:s25+$0xFFFFFF30] =	vst v16;
	v16 =	vld.idx.msk [tilespmem:v18+s12+$0x0], $0xffff  }
0x66f: {  	v7 =	vor.u32 v7, v10;
	[tilespmem:s25+$0xFFFFFF50] =	vst v11;
	v23 =	vld.idx.msk [tilespmem:v19+s12+$0x0], $0xffff  }
0x670: {  	v14 =	vor.u32 $0x80, v7;
	v11 =	vld.idx.msk [tilespmem:v2+s12+$0x0], $0xffff  }
.Ltmp15:
0x671: {  	[tilespmem:s29+$0x80] =	vst v15;
	v15 =	vor.u32 $0x80, v2;
	v17 =	vld.idx.msk [tilespmem:v5+s12+$0x0], $0xffff;
	(pc) =	sbr.rel @p0 .LBB2_32-.Ltmp15, $4  }
0x672: {  	v20 =	vor.u32 $0x80, v0;
	v10 =	vld.idx.msk [tilespmem:v1+s12+$0x0], $0xffff;
	[tilespmem:s25+$0xFFFFFF70] =	vst v22  }
0x673: {  	v18 =	vld.idx.msk [tilespmem:v21+s12+$0x0], $0xffff;
	[tilespmem:s25+$0xFFFFFF20] =	vst v9  }
0x674: {  	v19 =	vld.idx.msk [tilespmem:v7+s12+$0x0], $0xffff;
	[tilespmem:s25+$0xFFFFFF40] =	vst v16  }
0x675: {  	s28 =	sadd.s32 $0x80, s28;
	v9 =	vor.u32 $0x80, v1;
	v16 =	vld.idx.msk [tilespmem:v6+s12+$0x0], $0xffff;
	[tilespmem:s25+$0xFFFFFF60] =	vst v23;
	s25 =	smov.u32 s29  }
0x676: {  	_ =	sdelay $0x1  }
0x677: {  	[tilespmem:s25+$0xC0] =	vst v13  }
0x678: {  	[tilespmem:s25+$0xD0] =	vst v17  }
0x679: {  	v34 =	vld.idx.msk [tilespmem:v3+s12+$0x0], $0xffff;
	[tilespmem:s25+$0xA0] =	vst v11  }
0x67a: {  	v36 =	vor.u32 $0x80, v6;
	v35 =	vld.idx.msk [tilespmem:v20+s12+$0x0], $0xffff;
	[tilespmem:s25+$0xE0] =	vst v10  }
0x67b: {  	v37 =	vor.u32 $0x100, v4;
	v12 =	vld.idx.msk [tilespmem:v12+s12+$0x0], $0xffff;
	[tilespmem:s25+$0x0] =	vst v18  }
0x67c: {  	v39 =	vld.idx.msk [tilespmem:v15+s12+$0x0], $0xffff;
	[tilespmem:s25+$0x90] =	vst v19  }
0x67d: {  	v40 =	vor.u32 $0x100, v5;
	v9 =	vld.idx.msk [tilespmem:v9+s12+$0x0], $0xffff;
	[tilespmem:s25+$0xB0] =	vst v16  }
0x67e: {  	v46 =	vor.u32 $0x100, v2;
	v38 =	vld.idx.msk [tilespmem:v14+s12+$0x0], $0xffff;
	[tilespmem:s25+$0xF0] =	vst v34  }
0x67f: {  	v51 =	vor.u32 $0x100, v0;
	v41 =	vld.idx.msk [tilespmem:v36+s12+$0x0], $0xffff;
	[tilespmem:s25+$0x40] =	vst v35  }
0x680: {  	v49 =	vor.u32 $0x100, v1;
	v43 =	vld.idx.msk [tilespmem:v37+s12+$0x0], $0xffff;
	[tilespmem:s25+$0x50] =	vst v12  }
0x681: {  	v42 =	vor.u32 $0x100, v7;
	v8 =	vld.idx.msk [tilespmem:v8+s12+$0x0], $0xffff;
	[tilespmem:s25+$0x20] =	vst v39  }
0x682: {  	v44 =	vor.u32 $0x100, v6;
	v47 =	vld.idx.msk [tilespmem:v40+s12+$0x0], $0xffff;
	[tilespmem:s25+$0x60] =	vst v9  }
0x683: {  	v45 =	vor.u32 $0x180, v4;
	v54 =	vld.idx.msk [tilespmem:v46+s12+$0x0], $0xffff;
	[tilespmem:s25+$0x10] =	vst v38  }
0x684: {  	v48 =	vor.u32 $0x100, v3;
	v60 =	vld.idx.msk [tilespmem:v51+s12+$0x0], $0xffff;
	[tilespmem:s25+$0x30] =	vst v41  }
0x685: {  	v55 =	vor.u32 $0x180, v5;
	v57 =	vld.idx.msk [tilespmem:v49+s12+$0x0], $0xffff;
	[tilespmem:s25+$0xFFFFFF80] =	vst v43  }
0x686: {  	v59 =	vor.u32 $0x180, v2;
	v50 =	vld.idx.msk [tilespmem:v42+s12+$0x0], $0xffff;
	[tilespmem:s25+$0x70] =	vst v8  }
0x687: {  	v61 =	vor.u32 $0x180, v0;
	v12 =	vld.idx.msk [tilespmem:v44+s12+$0x0], $0xffff;
	[tilespmem:s25+$0xFFFFFFD0] =	vst v47  }
0x688: {  	v63 =	vor.u32 $0x180, v1;
	v4 =	vld.idx.msk [tilespmem:v45+s12+$0x0], $0xffff;
	[tilespmem:s25+$0xFFFFFFA0] =	vst v54  }
0x689: {  	v52 =	vor.u32 $0x180, v7;
	v56 =	vld.idx.msk [tilespmem:v48+s12+$0x0], $0xffff;
	[tilespmem:s25+$0xFFFFFFC0] =	vst v60  }
0x68a: {  	v53 =	vor.u32 $0x180, v6;
	v5 =	vld.idx.msk [tilespmem:v55+s12+$0x0], $0xffff;
	[tilespmem:s25+$0xFFFFFFE0] =	vst v57  }
0x68b: {  	v58 =	vor.u32 $0x180, v3;
	v2 =	vld.idx.msk [tilespmem:v59+s12+$0x0], $0xffff;
	[tilespmem:s25+$0xFFFFFF90] =	vst v50  }
0x68c: {  	v0 =	vld.idx.msk [tilespmem:v61+s12+$0x0], $0xffff;
	[tilespmem:s25+$0xFFFFFFB0] =	vst v12  }
0x68d: {  	v1 =	vld.idx.msk [tilespmem:v63+s12+$0x0], $0xffff;
	[tilespmem:s25+$0xFFFFFF00] =	vst v4  }
0x68e: {  	v7 =	vld.idx.msk [tilespmem:v52+s12+$0x0], $0xffff;
	[tilespmem:s25+$0xFFFFFFF0] =	vst v56  }
0x68f: {  	v62 =	vld.idx.msk [tilespmem:v53+s12+$0x0], $0xffff;
	[tilespmem:s25+$0xFFFFFF50] =	vst v5  }
0x690: {  	v3 =	vld.idx.msk [tilespmem:v58+s12+$0x0], $0xffff;
	[tilespmem:s25+$0xFFFFFF20] =	vst v2  }
0x691: {  	[tilespmem:s25+$0xFFFFFF40] =	vst v0  }
0x692: {  	[tilespmem:s25+$0xFFFFFF60] =	vst v1  }
0x693: {  	[tilespmem:s25+$0xFFFFFF10] =	vst v7  }
0x694: {  	[tilespmem:s25+$0xFFFFFF30] =	vst v62  }
0x695: {  	[tilespmem:s25+$0xFFFFFF70] =	vst v3  }
0x696: {  	[hbm4b:s8+s6] =	stream.strided.scatter [tilespmem:s15], [sflag:$0x5], $0x4000, s7, s6, $0x38;
	[tilespmem:$0x1D000] =	vst v63  }
0x697: {  	_ =	swait.ge [sflag:s22], $0x4000  }
0x698: {  	[sflag:s22] =	ssyncset.done $0x0  }
0x699: {  	[sflag:s22] =	ssyncadd.s32 $0xFFFFC000  }
0x69a: {  	_ =	swait.ge [sflag:s23], $0x4000  }
0x69b: {  	[sflag:s23] =	ssyncset.done $0x0  }
0x69c: {  	[sflag:s23] =	ssyncadd.s32 $0xFFFFC000  }
0x69d: {  	_ =	swait.ge [sflag:s21], $0x4000  }
0x69e: {  	s24 =	sadd.s32 $0x1, s24;
	s29 =	rddreg [dreg:$0x18]  }
0x69f: {  	p0 =	sne.s32 s24, s29  }
.Ltmp16:
0x6a0: {  	_ = 	snop;
	(pc) =	sbr.rel @p0 .LBB2_1-.Ltmp16, $3  }
0x6a1: {  	_ =	sdelay $0x1  }
0x6a2: {  	[sflag:s21] =	ssyncset.done $0x0  }
0x6a3: {  	[sflag:s21] =	ssyncadd.s32 $0xFFFFC000  }
0x6a4: {  	_ =	sfence.sel $0x180000  }
0x6a5: {  	[bflag:$0x0] =	sbarrier.arrive $0xFFFF  }
0x6a6: {  	_ =	strace $0x90000047  }
0x6a7: {  	s0 =	stileid.u32;
	[bflag:$0x2] =	sbarrier.arrive $0xFFFF  }
0x6a8: {  	p0 =	sne.s32 s0, $0x0;
	s0 =	rddreg [dreg:$0x3]  }
0x6a9: {  	s0 =	sadd.s32 @!p0 $0x100000, s0  }
0x6aa: {  	[sflag:s0] =	ssyncadd.tile.s32 @!p0 $0x1;
	_ =	shalt  }
.Lfunc_end2:
_tile_overlayer_lowered:
.L_overlay_start_2:
0x6ab: {  	(tag) =	ssettag $0x2  }
0x6ac: {  	s0 =	rddreg [dreg:$0x0];
	s2 =	stileid.u32  }
0x6ad: {  	s1 =	rddreg [dreg:$0x1];
	p0 =	sne.s32 s2, $0x0  }
0x6ae: {  	s3 =	rddreg [dreg:$0x2];
	[bflag:$0x3] =	sbarrier.arrive $0xFFFF;
	s2 =	simm.s32 @!p0 $0x1C09  }
0x6af: {  	[timem:s3], [sflag:s2] =	dma.local @!p0 [hbm:s0], s1  }
0x6b0: {  	s0 =	simm.s32 @!p0 $0x9  }
0x6b1: {  	_ =	swait.ge @!p0 [sflag:s0], s1  }
0x6b2: {  	s1 =	ssub.s32 @!p0 $0x0, s1;
	[sflag:s0] =	ssyncset.done @!p0 $0x0  }
0x6b3: {  	[sflag:s0] =	ssyncadd.s32 @!p0 s1  }
0x6b4: {  	[bflag:$0x3] =	sbarrier.arrive $0xFFFF  }
0x6b5: {  	_ =	shalt  }

</sc_bundles>
